<compile_context>
chip_gen: v7x
topology: tpu7x:2x2x1
jax: 0.10.2.dev20260603
libtpu: 0.0.44.dev20260713+nightly
codegen_flags: <defaults>
</compile_context>

<pallas_src>
import functools

import jax
import jax.numpy as jnp
from jax import lax
from jax.experimental import pallas as pl
from jax.experimental.pallas import tpu as pltpu
from jax.experimental.pallas import tpu_sc as plsc

N = 10000
NPAD = 10240
E = 320000
D = 128

NC = 2
NS = 16
NW = NC * NS
CHUNK = 128
NCHUNKS = 80
EPAD = NW * NCHUNKS * CHUNK
RPS = NPAD // NS
NBUF = 4

_mesh = plsc.VectorSubcoreMesh(core_axis_name="c", subcore_axis_name="s")

import dataclasses
_cp = pltpu.CompilerParams()
if "needs_layout_passes" in pltpu.CompilerParams.__dataclass_fields__:
    _cp = dataclasses.replace(_cp, needs_layout_passes=False)


@functools.partial(
    pl.kernel,
    out_type=jax.ShapeDtypeStruct((NC, NPAD, 16), jnp.float32),
    mesh=_mesh,
    scratch_types=[
        pltpu.VMEM((NCHUNKS, CHUNK), jnp.int32),
        pltpu.VMEM((NPAD,), jnp.float32),
        pltpu.VMEM((RPS,), jnp.float32),
        pltpu.VMEM((RPS,), jnp.float32),
        pltpu.VMEM((RPS, 16), jnp.float32),
        pltpu.VMEM_SHARED((NS, NPAD), jnp.float32),
    ],
    compiler_params=_cp,
)
def _deg_kernel(dstp_hbm, out_hbm, didx, hist, accv, tbuf, loc, stage):
    core = lax.axis_index("c")
    sub = lax.axis_index("s")
    wid = sub * NC + core

    pltpu.sync_copy(dstp_hbm.at[pl.ds(wid * NCHUNKS, NCHUNKS)], didx)

    zero = jnp.zeros((16,), jnp.float32)

    @pl.loop(0, NPAD // 16)
    def _(i):
        hist[pl.ds(i * 16, 16)] = zero

    ones16 = jnp.full((16,), 1.0, jnp.float32)

    @pl.loop(0, NCHUNKS)
    def _(j):
        for c in range(CHUNK // 16):
            idx = didx[j, pl.ds(c * 16, 16)]
            plsc.addupdate_scatter(hist, [idx], ones16)

    pltpu.sync_copy(hist, stage.at[sub])
    plsc.subcore_barrier()

    @pl.loop(0, RPS // 16)
    def _(i):
        accv[pl.ds(i * 16, 16)] = zero

    for t in range(NS):
        pltpu.sync_copy(stage.at[t, pl.ds(sub * RPS, RPS)], tbuf)

        @pl.loop(0, RPS // 16)
        def _(i):
            accv[pl.ds(i * 16, 16)] = accv[pl.ds(i * 16, 16)] + tbuf[pl.ds(i * 16, 16)]

    @pl.loop(0, RPS // 16)
    def _(g):
        v = accv[pl.ds(g * 16, 16)]
        for r in range(16):
            loc[g * 16 + r, pl.ds(0, 16)] = jnp.broadcast_to(v[r], (16,))

    pltpu.sync_copy(loc, out_hbm.at[core, pl.ds(sub * RPS, RPS)])


def _make_agg():
  @functools.partial(
      pl.kernel,
      out_type=jax.ShapeDtypeStruct((NC, NPAD, D), jnp.float32),
      mesh=_mesh,
      scratch_types=[
          pltpu.VMEM((NCHUNKS, CHUNK), jnp.int32),
          pltpu.VMEM((2, CHUNK), jnp.int32),
          pltpu.VMEM((2, CHUNK, D), jnp.float32),
          pltpu.VMEM_SHARED((NPAD, D), jnp.float32),
          pltpu.SemaphoreType.DMA,
          pltpu.SemaphoreType.DMA,
          pltpu.SemaphoreType.DMA,
          pltpu.SemaphoreType.DMA,
      ],
  )
  def _agg_kernel(srcp_hbm, dstp_hbm, xs_hbm, out_hbm, sidx, didx, rows, acc,
                  g0, g1, d0, d1):
      core = lax.axis_index("c")
      sub = lax.axis_index("s")
      wid = sub * NC + core
      gsem = [g0, g1]
      dsem = [d0, d1]

      pltpu.sync_copy(srcp_hbm.at[pl.ds(wid * NCHUNKS, NCHUNKS)], sidx)

      zero = jnp.zeros((16,), jnp.float32)

      @pl.loop(0, CHUNK)
      def _(r):
          for c in range(D // 16):
              rows[0, r, pl.ds(c * 16, 16)] = zero

      for k in range(RPS // CHUNK):
          pltpu.sync_copy(rows.at[0], acc.at[pl.ds(sub * RPS + k * CHUNK, CHUNK)])
      plsc.subcore_barrier()

      for b in range(2):
          pltpu.async_copy(xs_hbm.at[sidx.at[b]], rows.at[b], gsem[b])
          pltpu.async_copy(dstp_hbm.at[wid * NCHUNKS + b], didx.at[b], dsem[b])

      @pl.loop(0, NCHUNKS - 2, step=2)
      def _(j):
          for b in range(2):
              pltpu.make_async_copy(xs_hbm.at[sidx.at[b]], rows.at[b], gsem[b]).wait()
              pltpu.make_async_copy(dstp_hbm.at[0], didx.at[b], dsem[b]).wait()
              pltpu.sync_copy(rows.at[b], acc.at[didx.at[b]], add=True)
              pltpu.async_copy(xs_hbm.at[sidx.at[j + 2 + b]], rows.at[b], gsem[b])
              pltpu.async_copy(dstp_hbm.at[wid * NCHUNKS + j + 2 + b], didx.at[b],
                               dsem[b])

      for b in range(2):
          pltpu.make_async_copy(xs_hbm.at[sidx.at[b]], rows.at[b], gsem[b]).wait()
          pltpu.make_async_copy(dstp_hbm.at[0], didx.at[b], dsem[b]).wait()
          pltpu.sync_copy(rows.at[b], acc.at[didx.at[b]], add=True)

      plsc.subcore_barrier()
      for k in range(RPS // CHUNK):
          r0 = sub * RPS + k * CHUNK
          pltpu.sync_copy(acc.at[pl.ds(r0, CHUNK)], out_hbm.at[core, pl.ds(r0, CHUNK)])

  return _agg_kernel


_agg1 = _make_agg()
_agg2 = _make_agg()


BLK = 1024
DEGW = 16


def _dinv_of(degp_ref):
    deg = degp_ref[0, :, 0:1] + degp_ref[1, :, 0:1] + 1.0
    return lax.rsqrt(deg)


def _tc1_body(x_ref, w_ref, degp_ref, xs_ref):
    dinv = _dinv_of(degp_ref)
    xw = jnp.dot(x_ref[...], w_ref[...], preferred_element_type=jnp.float32)
    xs_ref[...] = xw * dinv


def _tc2_body(p_ref, xs1_ref, degp_ref, b_ref, w_ref, xs2_ref):
    dinv = _dinv_of(degp_ref)
    s = p_ref[0] + p_ref[1] + xs1_ref[...]
    h = jnp.maximum(dinv * s + b_ref[...], 0.0)
    hw = jnp.dot(h, w_ref[...], preferred_element_type=jnp.float32)
    xs2_ref[...] = hw * dinv


def _tc3_body(p_ref, xs2_ref, degp_ref, b_ref, out_ref):
    dinv = _dinv_of(degp_ref)
    s = p_ref[0] + p_ref[1] + xs2_ref[...]
    out_ref[...] = dinv * s + b_ref[...]


_row_spec = pl.BlockSpec((BLK, D), lambda i: (i, 0))
_p_spec = pl.BlockSpec((NC, BLK, D), lambda i: (0, i, 0))
_degp_spec = pl.BlockSpec((NC, BLK, DEGW), lambda i: (0, i, 0))
_w_spec = pl.BlockSpec((D, D), lambda i: (0, 0))
_b_spec = pl.BlockSpec((1, D), lambda i: (0, 0))

_tc1 = pl.pallas_call(
    _tc1_body,
    grid=(NPAD // BLK,),
    in_specs=[_row_spec, _w_spec, _degp_spec],
    out_specs=_row_spec,
    out_shape=jax.ShapeDtypeStruct((NPAD, D), jnp.float32),
)

_tc2 = pl.pallas_call(
    _tc2_body,
    grid=(NPAD // BLK,),
    in_specs=[_p_spec, _row_spec, _degp_spec, _b_spec, _w_spec],
    out_specs=_row_spec,
    out_shape=jax.ShapeDtypeStruct((NPAD, D), jnp.float32),
)

_tc3 = pl.pallas_call(
    _tc3_body,
    grid=(NPAD // BLK,),
    in_specs=[_p_spec, _row_spec, _degp_spec, _b_spec],
    out_specs=_row_spec,
    out_shape=jax.ShapeDtypeStruct((NPAD, D), jnp.float32),
)


def kernel(x, edge_index, W1, b1, W2, b2):
    src = edge_index[0].astype(jnp.int32)
    dst = edge_index[1].astype(jnp.int32)
    pad = EPAD - E
    srcp = jnp.concatenate([src, jnp.zeros((pad,), jnp.int32)])
    srcp = srcp.reshape(NW * NCHUNKS, CHUNK)
    dstp = jnp.concatenate([dst, jnp.full((pad,), NPAD - 1, jnp.int32)])
    dstp = dstp.reshape(NW * NCHUNKS, CHUNK)
    b1r = b1.reshape(1, D)
    b2r = b2.reshape(1, D)
    xp = jnp.pad(x, ((0, NPAD - N), (0, 0)))

    degp = _deg_kernel(dstp)
    xs1 = _tc1(xp, W1, degp)
    p1 = _agg1(srcp, dstp, xs1)
    xs2 = _tc2(p1, xs1, degp, b1r, W2)
    p2 = _agg2(srcp, dstp, xs2)
    return _tc3(p2, xs2, degp, b2r)[:N]

# --- scband reference (transcript-rebuilt; emitter-appended) ---
"""Pipeline reference for scband-gcn-60902636257285 (READ-ONLY COPY).

The authoritative reference and input builder live on the scoring server;
editing this copy changes nothing except your own understanding.
"""

import jax, jax.numpy as jnp
import numpy as np

N_NODES = 10000
N_EDGES = 320000
D_IN = 128
D_HID = 128
D_OUT = 128


def setup_inputs(seed: int = 0) -> dict:
    key = jax.random.key(seed)
    k1, k2, k3, k4, k5, k6 = jax.random.split(key, 6)
    x = jax.random.normal(k1, (N_NODES, D_IN), dtype=jnp.float32)
    edge_index = jax.random.randint(k2, (2, N_EDGES), 0, N_NODES, dtype=jnp.int64)
    s1 = 1.0 / np.sqrt(D_IN)
    s2 = 1.0 / np.sqrt(D_HID)
    W1 = jax.random.uniform(k3, (D_IN, D_HID), minval=-s1, maxval=s1, dtype=jnp.float32)
    b1 = jax.random.uniform(k4, (D_HID,), minval=-s1, maxval=s1, dtype=jnp.float32)
    W2 = jax.random.uniform(k5, (D_HID, D_OUT), minval=-s2, maxval=s2, dtype=jnp.float32)
    b2 = jax.random.uniform(k6, (D_OUT,), minval=-s2, maxval=s2, dtype=jnp.float32)
    return {"x": x, "edge_index": edge_index, "W1": W1, "b1": b1, "W2": W2, "b2": b2}


def _gcn_conv(x, edge_index, W, b):
    # GCNConv with self-loops and symmetric normalization (torch_geometric default)
    N = x.shape[0]
    loop = jnp.arange(N, dtype=edge_index.dtype)
    src = jnp.concatenate([edge_index[0], loop])
    dst = jnp.concatenate([edge_index[1], loop])
    deg = jnp.zeros((N,), dtype=x.dtype).at[dst].add(1.0)
    dinv = jnp.where(deg > 0, jax.lax.rsqrt(jnp.maximum(deg, 1e-12)), 0.0)
    norm = dinv[src] * dinv[dst]
    xw = x @ W
    msg = jnp.take(xw, src, axis=0) * norm[:, None]
    out = jax.ops.segment_sum(msg, dst, num_segments=N)
    return out + b


def reference(x, edge_index, W1, b1, W2, b2):
    # dropout_p=0.0 -> dropout is identity
    h = _gcn_conv(x, edge_index, W1, b1)
    h = jax.nn.relu(h)
    out = _gcn_conv(h, edge_index, W2, b2)
    return out

if __name__ == "__main__":
    import jax
    _d = setup_inputs()
    print(jax.jit(kernel)(*tuple(_d.values())))

</pallas_src>

<mosaic_0001>
#map = affine_map<(d0, d1) -> (0, 0)>
#map1 = affine_map<(d0, d1) -> (0, 0, 0)>
module attributes {stable_mosaic.version = 14 : i64} {
  func.func @_deg_kernel(%arg0: i32, %arg1: i32, %arg2: memref<2560x128xi32, #tpu.memory_space<hbm>>, %arg3: memref<2x10240x16xf32, #tpu.memory_space<hbm>>, %arg4: memref<80x128xi32, #tpu.memory_space<vmem>>, %arg5: memref<10240xf32, #tpu.memory_space<vmem>>, %arg6: memref<640xf32, #tpu.memory_space<vmem>>, %arg7: memref<640xf32, #tpu.memory_space<vmem>>, %arg8: memref<640x16xf32, #tpu.memory_space<vmem>>, %arg9: memref<16x10240xf32, #tpu.memory_space<vmem_shared>>) attributes {dimension_semantics = [#tpu.dimension_semantics<core_parallel>, #tpu.dimension_semantics<subcore_parallel>], iteration_bounds = array<i64: 2, 16>, scalar_prefetch = 0 : i64, scratch_operands = 6 : i64, tpu.core_type = #tpu.core_type<sc_vector_subcore>, window_params = [{transform_indices = #map}, {transform_indices = #map1}]} {
    %mul3A = arith.constant 2 : i32
    %mul3A_0 = arith.muli %arg1, %mul3A : i32
    %add3A = arith.addi %mul3A_0, %arg0 : i32
    %mul3A_1 = arith.constant 80 : i32
    %mul3A_2 = arith.muli %add3A, %mul3A_1 : i32
    "tpu.region"() ({
      %run_scoped3A_154 = tpu.sem_alloc : memref<!tpu.dma_semaphore, #tpu.memory_space<semaphore_mem>>
      %dma_start3A = arith.constant 0 : i32
      %dma_start3A_155 = tpu.memref_slice %arg2[%mul3A_2, %dma_start3A] : memref<2560x128xi32, #tpu.memory_space<hbm>> -> memref<80x128xi32, #tpu.memory_space<hbm>>
      %dma_start3A_156 = arith.constant 0 : i32
      %dma_start3A_157 = tpu.memref_slice %arg2[%mul3A_2, %dma_start3A_156] : memref<2560x128xi32, #tpu.memory_space<hbm>> -> memref<80x128xi32, #tpu.memory_space<hbm>>
      tpu.enqueue_dma source(%dma_start3A_157 : memref<80x128xi32, #tpu.memory_space<hbm>>) target(%arg4 : memref<80x128xi32, #tpu.memory_space<vmem>>) target_semaphore(%run_scoped3A_154 : memref<!tpu.dma_semaphore, #tpu.memory_space<semaphore_mem>>)
      %dma_wait3A = arith.constant 0 : i32
      %dma_wait3A_158 = tpu.memref_slice %arg2[%mul3A_2, %dma_wait3A] : memref<2560x128xi32, #tpu.memory_space<hbm>> -> memref<80x128xi32, #tpu.memory_space<hbm>>
      %dma_wait3A_159 = arith.constant 0 : i32
      %dma_wait3A_160 = tpu.memref_slice %arg2[%mul3A_2, %dma_wait3A_159] : memref<2560x128xi32, #tpu.memory_space<hbm>> -> memref<80x128xi32, #tpu.memory_space<hbm>>
      tpu.wait_dma2 semaphore(%run_scoped3A_154 : memref<!tpu.dma_semaphore, #tpu.memory_space<semaphore_mem>>) src(%dma_wait3A_160 : memref<80x128xi32, #tpu.memory_space<hbm>>) dst(%arg4 : memref<80x128xi32, #tpu.memory_space<vmem>>)
      tpu.yield
    }) : () -> ()
    %broadcast_in_dim3A = arith.constant 0.000000e+00 : f32
    %broadcast_in_dim3A_3 = vector.broadcast %broadcast_in_dim3A : f32 to vector<16xf32>
    %scan3A = arith.constant 0 : i32
    %scan3A_4 = arith.constant 640 : i32
    %scan3A_5 = arith.addi %scan3A, %scan3A_4 : i32
    %scan3A_6 = arith.constant 1 : i32
    scf.for %scan3A_154 = %scan3A to %scan3A_5 step %scan3A_6  : i32 {
      %mul3A_155 = arith.constant 1 : i32
      %mul3A_156 = arith.muli %scan3A_154, %mul3A_155 : i32
      %add3A_157 = arith.constant 0 : i32
      %add3A_158 = arith.addi %add3A_157, %mul3A_156 : i32
      %mul3A_159 = arith.constant 16 : i32
      %mul3A_160 = arith.muli %add3A_158, %mul3A_159 : i32
      %swap3A = arith.index_cast %mul3A_160 : i32 to index
      %swap3A_161 = tpu.vector_load %arg5[%swap3A] {strides = array<i32>} : memref<10240xf32, #tpu.memory_space<vmem>>, vector<16xf32>,
      tpu.vector_store %arg5[%swap3A], %broadcast_in_dim3A_3 {strides = array<i32>} : memref<10240xf32, #tpu.memory_space<vmem>>, vector<16xf32>,
    }
    %scan3A_7 = arith.constant 640 : i32
    %broadcast_in_dim3A_8 = arith.constant 1.000000e+00 : f32
    %broadcast_in_dim3A_9 = vector.broadcast %broadcast_in_dim3A_8 : f32 to vector<16xf32>
    %scan3A_10 = arith.constant 0 : i32
    %scan3A_11 = arith.constant 80 : i32
    %scan3A_12 = arith.addi %scan3A_10, %scan3A_11 : i32
    %scan3A_13 = arith.constant 1 : i32
    scf.for %scan3A_154 = %scan3A_10 to %scan3A_12 step %scan3A_13  : i32 {
      %mul3A_155 = arith.constant 1 : i32
      %mul3A_156 = arith.muli %scan3A_154, %mul3A_155 : i32
      %add3A_157 = arith.constant 0 : i32
      %add3A_158 = arith.addi %add3A_157, %mul3A_156 : i32
      %get3A = arith.index_cast %add3A_158 : i32 to index
      %get3A_159 = arith.constant 0 : index
      %get3A_160 = tpu.vector_load %arg4[%get3A, %get3A_159] {strides = array<i32>} : memref<80x128xi32, #tpu.memory_space<vmem>>, vector<16xi32>,
      tpu.vector_store_idx %arg5[%get3A_160], %broadcast_in_dim3A_9 {add = true} : memref<10240xf32, #tpu.memory_space<vmem>>[vector<16xi32>], vector<16xf32>,
      %get3A_161 = arith.index_cast %add3A_158 : i32 to index
      %get3A_162 = arith.constant 16 : index
      %get3A_163 = tpu.vector_load %arg4[%get3A_161, %get3A_162] {strides = array<i32>} : memref<80x128xi32, #tpu.memory_space<vmem>>, vector<16xi32>,
      tpu.vector_store_idx %arg5[%get3A_163], %broadcast_in_dim3A_9 {add = true} : memref<10240xf32, #tpu.memory_space<vmem>>[vector<16xi32>], vector<16xf32>,
      %get3A_164 = arith.index_cast %add3A_158 : i32 to index
      %get3A_165 = arith.constant 32 : index
      %get3A_166 = tpu.vector_load %arg4[%get3A_164, %get3A_165] {strides = array<i32>} : memref<80x128xi32, #tpu.memory_space<vmem>>, vector<16xi32>,
      tpu.vector_store_idx %arg5[%get3A_166], %broadcast_in_dim3A_9 {add = true} : memref<10240xf32, #tpu.memory_space<vmem>>[vector<16xi32>], vector<16xf32>,
      %get3A_167 = arith.index_cast %add3A_158 : i32 to index
      %get3A_168 = arith.constant 48 : index
      %get3A_169 = tpu.vector_load %arg4[%get3A_167, %get3A_168] {strides = array<i32>} : memref<80x128xi32, #tpu.memory_space<vmem>>, vector<16xi32>,
      tpu.vector_store_idx %arg5[%get3A_169], %broadcast_in_dim3A_9 {add = true} : memref<10240xf32, #tpu.memory_space<vmem>>[vector<16xi32>], vector<16xf32>,
      %get3A_170 = arith.index_cast %add3A_158 : i32 to index
      %get3A_171 = arith.constant 64 : index
      %get3A_172 = tpu.vector_load %arg4[%get3A_170, %get3A_171] {strides = array<i32>} : memref<80x128xi32, #tpu.memory_space<vmem>>, vector<16xi32>,
      tpu.vector_store_idx %arg5[%get3A_172], %broadcast_in_dim3A_9 {add = true} : memref<10240xf32, #tpu.memory_space<vmem>>[vector<16xi32>], vector<16xf32>,
      %get3A_173 = arith.index_cast %add3A_158 : i32 to index
      %get3A_174 = arith.constant 80 : index
      %get3A_175 = tpu.vector_load %arg4[%get3A_173, %get3A_174] {strides = array<i32>} : memref<80x128xi32, #tpu.memory_space<vmem>>, vector<16xi32>,
      tpu.vector_store_idx %arg5[%get3A_175], %broadcast_in_dim3A_9 {add = true} : memref<10240xf32, #tpu.memory_space<vmem>>[vector<16xi32>], vector<16xf32>,
      %get3A_176 = arith.index_cast %add3A_158 : i32 to index
      %get3A_177 = arith.constant 96 : index
      %get3A_178 = tpu.vector_load %arg4[%get3A_176, %get3A_177] {strides = array<i32>} : memref<80x128xi32, #tpu.memory_space<vmem>>, vector<16xi32>,
      tpu.vector_store_idx %arg5[%get3A_178], %broadcast_in_dim3A_9 {add = true} : memref<10240xf32, #tpu.memory_space<vmem>>[vector<16xi32>], vector<16xf32>,
      %get3A_179 = arith.index_cast %add3A_158 : i32 to index
      %get3A_180 = arith.constant 112 : index
      %get3A_181 = tpu.vector_load %arg4[%get3A_179, %get3A_180] {strides = array<i32>} : memref<80x128xi32, #tpu.memory_space<vmem>>, vector<16xi32>,
      tpu.vector_store_idx %arg5[%get3A_181], %broadcast_in_dim3A_9 {add = true} : memref<10240xf32, #tpu.memory_space<vmem>>[vector<16xi32>], vector<16xf32>,
    }
    %scan3A_14 = arith.constant 80 : i32
    "tpu.region"() ({
      %run_scoped3A_154 = tpu.sem_alloc : memref<!tpu.dma_semaphore, #tpu.memory_space<semaphore_mem>>
      %dma_start3A = arith.constant 0 : i32
      %dma_start3A_155 = tpu.memref_slice %arg9[%arg1, %dma_start3A] : memref<16x10240xf32, #tpu.memory_space<vmem_shared>> -> memref<1x10240xf32, #tpu.memory_space<vmem_shared>>
      %dma_start3A_156 = tpu.memref_squeeze %dma_start3A_155 : memref<1x10240xf32, #tpu.memory_space<vmem_shared>> -> memref<10240xf32, #tpu.memory_space<vmem_shared>>
      %dma_start3A_157 = arith.constant 0 : i32
      %dma_start3A_158 = tpu.memref_slice %arg9[%arg1, %dma_start3A_157] : memref<16x10240xf32, #tpu.memory_space<vmem_shared>> -> memref<1x10240xf32, #tpu.memory_space<vmem_shared>>
      %dma_start3A_159 = tpu.memref_squeeze %dma_start3A_158 : memref<1x10240xf32, #tpu.memory_space<vmem_shared>> -> memref<10240xf32, #tpu.memory_space<vmem_shared>>
      tpu.enqueue_dma source(%arg5 : memref<10240xf32, #tpu.memory_space<vmem>>) target(%dma_start3A_159 : memref<10240xf32, #tpu.memory_space<vmem_shared>>) target_semaphore(%run_scoped3A_154 : memref<!tpu.dma_semaphore, #tpu.memory_space<semaphore_mem>>)
      %dma_wait3A = arith.constant 0 : i32
      %dma_wait3A_160 = tpu.memref_slice %arg9[%arg1, %dma_wait3A] : memref<16x10240xf32, #tpu.memory_space<vmem_shared>> -> memref<1x10240xf32, #tpu.memory_space<vmem_shared>>
      %dma_wait3A_161 = tpu.memref_squeeze %dma_wait3A_160 : memref<1x10240xf32, #tpu.memory_space<vmem_shared>> -> memref<10240xf32, #tpu.memory_space<vmem_shared>>
      %dma_wait3A_162 = arith.constant 0 : i32
      %dma_wait3A_163 = tpu.memref_slice %arg9[%arg1, %dma_wait3A_162] : memref<16x10240xf32, #tpu.memory_space<vmem_shared>> -> memref<1x10240xf32, #tpu.memory_space<vmem_shared>>
      %dma_wait3A_164 = tpu.memref_squeeze %dma_wait3A_163 : memref<1x10240xf32, #tpu.memory_space<vmem_shared>> -> memref<10240xf32, #tpu.memory_space<vmem_shared>>
      tpu.wait_dma2 semaphore(%run_scoped3A_154 : memref<!tpu.dma_semaphore, #tpu.memory_space<semaphore_mem>>) src(%arg5 : memref<10240xf32, #tpu.memory_space<vmem>>) dst(%dma_wait3A_164 : memref<10240xf32, #tpu.memory_space<vmem_shared>>)
      tpu.yield
    }) : () -> ()
    %barrier3A = arith.constant 0 : index
    tpu.barrier barrier_id(%barrier3A)
    %scan3A_15 = arith.constant 0 : i32
    %scan3A_16 = arith.constant 40 : i32
    %scan3A_17 = arith.addi %scan3A_15, %scan3A_16 : i32
    %scan3A_18 = arith.constant 1 : i32
    scf.for %scan3A_154 = %scan3A_15 to %scan3A_17 step %scan3A_18  : i32 {
      %mul3A_155 = arith.constant 1 : i32
      %mul3A_156 = arith.muli %scan3A_154, %mul3A_155 : i32
      %add3A_157 = arith.constant 0 : i32
      %add3A_158 = arith.addi %add3A_157, %mul3A_156 : i32
      %mul3A_159 = arith.constant 16 : i32
      %mul3A_160 = arith.muli %add3A_158, %mul3A_159 : i32
      %swap3A = arith.index_cast %mul3A_160 : i32 to index
      %swap3A_161 = tpu.vector_load %arg6[%swap3A] {strides = array<i32>} : memref<640xf32, #tpu.memory_space<vmem>>, vector<16xf32>,
      tpu.vector_store %arg6[%swap3A], %broadcast_in_dim3A_3 {strides = array<i32>} : memref<640xf32, #tpu.memory_space<vmem>>, vector<16xf32>,
    }
    %scan3A_19 = arith.constant 40 : i32
    %mul3A_20 = arith.constant 640 : i32
    %mul3A_21 = arith.muli %arg1, %mul3A_20 : i32
    %run_scoped3A = arith.constant 0 : i32
    "tpu.region"() ({
      %run_scoped3A_154 = tpu.sem_alloc : memref<!tpu.dma_semaphore, #tpu.memory_space<semaphore_mem>>
      %dma_start3A = tpu.memref_slice %arg9[%run_scoped3A, %mul3A_21] : memref<16x10240xf32, #tpu.memory_space<vmem_shared>> -> memref<1x640xf32, #tpu.memory_space<vmem_shared>>
      %dma_start3A_155 = tpu.memref_squeeze %dma_start3A : memref<1x640xf32, #tpu.memory_space<vmem_shared>> -> memref<640xf32, #tpu.memory_space<vmem_shared>>
      %dma_start3A_156 = tpu.memref_slice %arg9[%run_scoped3A, %mul3A_21] : memref<16x10240xf32, #tpu.memory_space<vmem_shared>> -> memref<1x640xf32, #tpu.memory_space<vmem_shared>>
      %dma_start3A_157 = tpu.memref_squeeze %dma_start3A_156 : memref<1x640xf32, #tpu.memory_space<vmem_shared>> -> memref<640xf32, #tpu.memory_space<vmem_shared>>
      tpu.enqueue_dma source(%dma_start3A_157 : memref<640xf32, #tpu.memory_space<vmem_shared>>) target(%arg7 : memref<640xf32, #tpu.memory_space<vmem>>) target_semaphore(%run_scoped3A_154 : memref<!tpu.dma_semaphore, #tpu.memory_space<semaphore_mem>>)
      %dma_wait3A = tpu.memref_slice %arg9[%run_scoped3A, %mul3A_21] : memref<16x10240xf32, #tpu.memory_space<vmem_shared>> -> memref<1x640xf32, #tpu.memory_space<vmem_shared>>
      %dma_wait3A_158 = tpu.memref_squeeze %dma_wait3A : memref<1x640xf32, #tpu.memory_space<vmem_shared>> -> memref<640xf32, #tpu.memory_space<vmem_shared>>
      %dma_wait3A_159 = tpu.memref_slice %arg9[%run_scoped3A, %mul3A_21] : memref<16x10240xf32, #tpu.memory_space<vmem_shared>> -> memref<1x640xf32, #tpu.memory_space<vmem_shared>>
      %dma_wait3A_160 = tpu.memref_squeeze %dma_wait3A_159 : memref<1x640xf32, #tpu.memory_space<vmem_shared>> -> memref<640xf32, #tpu.memory_space<vmem_shared>>
      tpu.wait_dma2 semaphore(%run_scoped3A_154 : memref<!tpu.dma_semaphore, #tpu.memory_space<semaphore_mem>>) src(%dma_wait3A_160 : memref<640xf32, #tpu.memory_space<vmem_shared>>) dst(%arg7 : memref<640xf32, #tpu.memory_space<vmem>>)
      tpu.yield
    }) : () -> ()
    %scan3A_22 = arith.constant 0 : i32
    %scan3A_23 = arith.constant 40 : i32
    %scan3A_24 = arith.addi %scan3A_22, %scan3A_23 : i32
    %scan3A_25 = arith.constant 1 : i32
    scf.for %scan3A_154 = %scan3A_22 to %scan3A_24 step %scan3A_25  : i32 {
      %mul3A_155 = arith.constant 1 : i32
      %mul3A_156 = arith.muli %scan3A_154, %mul3A_155 : i32
      %add3A_157 = arith.constant 0 : i32
      %add3A_158 = arith.addi %add3A_157, %mul3A_156 : i32
      %mul3A_159 = arith.constant 16 : i32
      %mul3A_160 = arith.muli %add3A_158, %mul3A_159 : i32
      %get3A = arith.index_cast %mul3A_160 : i32 to index
      %get3A_161 = tpu.vector_load %arg6[%get3A] {strides = array<i32>} : memref<640xf32, #tpu.memory_space<vmem>>, vector<16xf32>,
      %mul3A_162 = arith.constant 16 : i32
      %mul3A_163 = arith.muli %add3A_158, %mul3A_162 : i32
      %get3A_164 = arith.index_cast %mul3A_163 : i32 to index
      %get3A_165 = tpu.vector_load %arg7[%get3A_164] {strides = array<i32>} : memref<640xf32, #tpu.memory_space<vmem>>, vector<16xf32>,
      %add3A_166 = arith.addf %get3A_161, %get3A_165 : vector<16xf32>
      %mul3A_167 = arith.constant 16 : i32
      %mul3A_168 = arith.muli %add3A_158, %mul3A_167 : i32
      %swap3A = arith.index_cast %mul3A_168 : i32 to index
      %swap3A_169 = tpu.vector_load %arg6[%swap3A] {strides = array<i32>} : memref<640xf32, #tpu.memory_space<vmem>>, vector<16xf32>,
      tpu.vector_store %arg6[%swap3A], %add3A_166 {strides = array<i32>} : memref<640xf32, #tpu.memory_space<vmem>>, vector<16xf32>,
    }
    %scan3A_26 = arith.constant 40 : i32
    %mul3A_27 = arith.constant 640 : i32
    %mul3A_28 = arith.muli %arg1, %mul3A_27 : i32
    %run_scoped3A_29 = arith.constant 1 : i32
    "tpu.region"() ({
      %run_scoped3A_154 = tpu.sem_alloc : memref<!tpu.dma_semaphore, #tpu.memory_space<semaphore_mem>>
      %dma_start3A = tpu.memref_slice %arg9[%run_scoped3A_29, %mul3A_28] : memref<16x10240xf32, #tpu.memory_space<vmem_shared>> -> memref<1x640xf32, #tpu.memory_space<vmem_shared>>
      %dma_start3A_155 = tpu.memref_squeeze %dma_start3A : memref<1x640xf32, #tpu.memory_space<vmem_shared>> -> memref<640xf32, #tpu.memory_space<vmem_shared>>
      %dma_start3A_156 = tpu.memref_slice %arg9[%run_scoped3A_29, %mul3A_28] : memref<16x10240xf32, #tpu.memory_space<vmem_shared>> -> memref<1x640xf32, #tpu.memory_space<vmem_shared>>
      %dma_start3A_157 = tpu.memref_squeeze %dma_start3A_156 : memref<1x640xf32, #tpu.memory_space<vmem_shared>> -> memref<640xf32, #tpu.memory_space<vmem_shared>>
      tpu.enqueue_dma source(%dma_start3A_157 : memref<640xf32, #tpu.memory_space<vmem_shared>>) target(%arg7 : memref<640xf32, #tpu.memory_space<vmem>>) target_semaphore(%run_scoped3A_154 : memref<!tpu.dma_semaphore, #tpu.memory_space<semaphore_mem>>)
      %dma_wait3A = tpu.memref_slice %arg9[%run_scoped3A_29, %mul3A_28] : memref<16x10240xf32, #tpu.memory_space<vmem_shared>> -> memref<1x640xf32, #tpu.memory_space<vmem_shared>>
      %dma_wait3A_158 = tpu.memref_squeeze %dma_wait3A : memref<1x640xf32, #tpu.memory_space<vmem_shared>> -> memref<640xf32, #tpu.memory_space<vmem_shared>>
      %dma_wait3A_159 = tpu.memref_slice %arg9[%run_scoped3A_29, %mul3A_28] : memref<16x10240xf32, #tpu.memory_space<vmem_shared>> -> memref<1x640xf32, #tpu.memory_space<vmem_shared>>
      %dma_wait3A_160 = tpu.memref_squeeze %dma_wait3A_159 : memref<1x640xf32, #tpu.memory_space<vmem_shared>> -> memref<640xf32, #tpu.memory_space<vmem_shared>>
      tpu.wait_dma2 semaphore(%run_scoped3A_154 : memref<!tpu.dma_semaphore, #tpu.memory_space<semaphore_mem>>) src(%dma_wait3A_160 : memref<640xf32, #tpu.memory_space<vmem_shared>>) dst(%arg7 : memref<640xf32, #tpu.memory_space<vmem>>)
      tpu.yield
    }) : () -> ()
    %scan3A_30 = arith.constant 0 : i32
    %scan3A_31 = arith.constant 40 : i32
    %scan3A_32 = arith.addi %scan3A_30, %scan3A_31 : i32
    %scan3A_33 = arith.constant 1 : i32
    scf.for %scan3A_154 = %scan3A_30 to %scan3A_32 step %scan3A_33  : i32 {
      %mul3A_155 = arith.constant 1 : i32
      %mul3A_156 = arith.muli %scan3A_154, %mul3A_155 : i32
      %add3A_157 = arith.constant 0 : i32
      %add3A_158 = arith.addi %add3A_157, %mul3A_156 : i32
      %mul3A_159 = arith.constant 16 : i32
      %mul3A_160 = arith.muli %add3A_158, %mul3A_159 : i32
      %get3A = arith.index_cast %mul3A_160 : i32 to index
      %get3A_161 = tpu.vector_load %arg6[%get3A] {strides = array<i32>} : memref<640xf32, #tpu.memory_space<vmem>>, vector<16xf32>,
      %mul3A_162 = arith.constant 16 : i32
      %mul3A_163 = arith.muli %add3A_158, %mul3A_162 : i32
      %get3A_164 = arith.index_cast %mul3A_163 : i32 to index
      %get3A_165 = tpu.vector_load %arg7[%get3A_164] {strides = array<i32>} : memref<640xf32, #tpu.memory_space<vmem>>, vector<16xf32>,
      %add3A_166 = arith.addf %get3A_161, %get3A_165 : vector<16xf32>
      %mul3A_167 = arith.constant 16 : i32
      %mul3A_168 = arith.muli %add3A_158, %mul3A_167 : i32
      %swap3A = arith.index_cast %mul3A_168 : i32 to index
      %swap3A_169 = tpu.vector_load %arg6[%swap3A] {strides = array<i32>} : memref<640xf32, #tpu.memory_space<vmem>>, vector<16xf32>,
      tpu.vector_store %arg6[%swap3A], %add3A_166 {strides = array<i32>} : memref<640xf32, #tpu.memory_space<vmem>>, vector<16xf32>,
    }
    %scan3A_34 = arith.constant 40 : i32
    %mul3A_35 = arith.constant 640 : i32
    %mul3A_36 = arith.muli %arg1, %mul3A_35 : i32
    %run_scoped3A_37 = arith.constant 2 : i32
    "tpu.region"() ({
      %run_scoped3A_154 = tpu.sem_alloc : memref<!tpu.dma_semaphore, #tpu.memory_space<semaphore_mem>>
      %dma_start3A = tpu.memref_slice %arg9[%run_scoped3A_37, %mul3A_36] : memref<16x10240xf32, #tpu.memory_space<vmem_shared>> -> memref<1x640xf32, #tpu.memory_space<vmem_shared>>
      %dma_start3A_155 = tpu.memref_squeeze %dma_start3A : memref<1x640xf32, #tpu.memory_space<vmem_shared>> -> memref<640xf32, #tpu.memory_space<vmem_shared>>
      %dma_start3A_156 = tpu.memref_slice %arg9[%run_scoped3A_37, %mul3A_36] : memref<16x10240xf32, #tpu.memory_space<vmem_shared>> -> memref<1x640xf32, #tpu.memory_space<vmem_shared>>
      %dma_start3A_157 = tpu.memref_squeeze %dma_start3A_156 : memref<1x640xf32, #tpu.memory_space<vmem_shared>> -> memref<640xf32, #tpu.memory_space<vmem_shared>>
      tpu.enqueue_dma source(%dma_start3A_157 : memref<640xf32, #tpu.memory_space<vmem_shared>>) target(%arg7 : memref<640xf32, #tpu.memory_space<vmem>>) target_semaphore(%run_scoped3A_154 : memref<!tpu.dma_semaphore, #tpu.memory_space<semaphore_mem>>)
      %dma_wait3A = tpu.memref_slice %arg9[%run_scoped3A_37, %mul3A_36] : memref<16x10240xf32, #tpu.memory_space<vmem_shared>> -> memref<1x640xf32, #tpu.memory_space<vmem_shared>>
      %dma_wait3A_158 = tpu.memref_squeeze %dma_wait3A : memref<1x640xf32, #tpu.memory_space<vmem_shared>> -> memref<640xf32, #tpu.memory_space<vmem_shared>>
      %dma_wait3A_159 = tpu.memref_slice %arg9[%run_scoped3A_37, %mul3A_36] : memref<16x10240xf32, #tpu.memory_space<vmem_shared>> -> memref<1x640xf32, #tpu.memory_space<vmem_shared>>
      %dma_wait3A_160 = tpu.memref_squeeze %dma_wait3A_159 : memref<1x640xf32, #tpu.memory_space<vmem_shared>> -> memref<640xf32, #tpu.memory_space<vmem_shared>>
      tpu.wait_dma2 semaphore(%run_scoped3A_154 : memref<!tpu.dma_semaphore, #tpu.memory_space<semaphore_mem>>) src(%dma_wait3A_160 : memref<640xf32, #tpu.memory_space<vmem_shared>>) dst(%arg7 : memref<640xf32, #tpu.memory_space<vmem>>)
      tpu.yield
    }) : () -> ()
    %scan3A_38 = arith.constant 0 : i32
    %scan3A_39 = arith.constant 40 : i32
    %scan3A_40 = arith.addi %scan3A_38, %scan3A_39 : i32
    %scan3A_41 = arith.constant 1 : i32
    scf.for %scan3A_154 = %scan3A_38 to %scan3A_40 step %scan3A_41  : i32 {
      %mul3A_155 = arith.constant 1 : i32
      %mul3A_156 = arith.muli %scan3A_154, %mul3A_155 : i32
      %add3A_157 = arith.constant 0 : i32
      %add3A_158 = arith.addi %add3A_157, %mul3A_156 : i32
      %mul3A_159 = arith.constant 16 : i32
      %mul3A_160 = arith.muli %add3A_158, %mul3A_159 : i32
      %get3A = arith.index_cast %mul3A_160 : i32 to index
      %get3A_161 = tpu.vector_load %arg6[%get3A] {strides = array<i32>} : memref<640xf32, #tpu.memory_space<vmem>>, vector<16xf32>,
      %mul3A_162 = arith.constant 16 : i32
      %mul3A_163 = arith.muli %add3A_158, %mul3A_162 : i32
      %get3A_164 = arith.index_cast %mul3A_163 : i32 to index
      %get3A_165 = tpu.vector_load %arg7[%get3A_164] {strides = array<i32>} : memref<640xf32, #tpu.memory_space<vmem>>, vector<16xf32>,
      %add3A_166 = arith.addf %get3A_161, %get3A_165 : vector<16xf32>
      %mul3A_167 = arith.constant 16 : i32
      %mul3A_168 = arith.muli %add3A_158, %mul3A_167 : i32
      %swap3A = arith.index_cast %mul3A_168 : i32 to index
      %swap3A_169 = tpu.vector_load %arg6[%swap3A] {strides = array<i32>} : memref<640xf32, #tpu.memory_space<vmem>>, vector<16xf32>,
      tpu.vector_store %arg6[%swap3A], %add3A_166 {strides = array<i32>} : memref<640xf32, #tpu.memory_space<vmem>>, vector<16xf32>,
    }
    %scan3A_42 = arith.constant 40 : i32
    %mul3A_43 = arith.constant 640 : i32
    %mul3A_44 = arith.muli %arg1, %mul3A_43 : i32
    %run_scoped3A_45 = arith.constant 3 : i32
    "tpu.region"() ({
      %run_scoped3A_154 = tpu.sem_alloc : memref<!tpu.dma_semaphore, #tpu.memory_space<semaphore_mem>>
      %dma_start3A = tpu.memref_slice %arg9[%run_scoped3A_45, %mul3A_44] : memref<16x10240xf32, #tpu.memory_space<vmem_shared>> -> memref<1x640xf32, #tpu.memory_space<vmem_shared>>
      %dma_start3A_155 = tpu.memref_squeeze %dma_start3A : memref<1x640xf32, #tpu.memory_space<vmem_shared>> -> memref<640xf32, #tpu.memory_space<vmem_shared>>
      %dma_start3A_156 = tpu.memref_slice %arg9[%run_scoped3A_45, %mul3A_44] : memref<16x10240xf32, #tpu.memory_space<vmem_shared>> -> memref<1x640xf32, #tpu.memory_space<vmem_shared>>
      %dma_start3A_157 = tpu.memref_squeeze %dma_start3A_156 : memref<1x640xf32, #tpu.memory_space<vmem_shared>> -> memref<640xf32, #tpu.memory_space<vmem_shared>>
      tpu.enqueue_dma source(%dma_start3A_157 : memref<640xf32, #tpu.memory_space<vmem_shared>>) target(%arg7 : memref<640xf32, #tpu.memory_space<vmem>>) target_semaphore(%run_scoped3A_154 : memref<!tpu.dma_semaphore, #tpu.memory_space<semaphore_mem>>)
      %dma_wait3A = tpu.memref_slice %arg9[%run_scoped3A_45, %mul3A_44] : memref<16x10240xf32, #tpu.memory_space<vmem_shared>> -> memref<1x640xf32, #tpu.memory_space<vmem_shared>>
      %dma_wait3A_158 = tpu.memref_squeeze %dma_wait3A : memref<1x640xf32, #tpu.memory_space<vmem_shared>> -> memref<640xf32, #tpu.memory_space<vmem_shared>>
      %dma_wait3A_159 = tpu.memref_slice %arg9[%run_scoped3A_45, %mul3A_44] : memref<16x10240xf32, #tpu.memory_space<vmem_shared>> -> memref<1x640xf32, #tpu.memory_space<vmem_shared>>
      %dma_wait3A_160 = tpu.memref_squeeze %dma_wait3A_159 : memref<1x640xf32, #tpu.memory_space<vmem_shared>> -> memref<640xf32, #tpu.memory_space<vmem_shared>>
      tpu.wait_dma2 semaphore(%run_scoped3A_154 : memref<!tpu.dma_semaphore, #tpu.memory_space<semaphore_mem>>) src(%dma_wait3A_160 : memref<640xf32, #tpu.memory_space<vmem_shared>>) dst(%arg7 : memref<640xf32, #tpu.memory_space<vmem>>)
      tpu.yield
    }) : () -> ()
    %scan3A_46 = arith.constant 0 : i32
    %scan3A_47 = arith.constant 40 : i32
    %scan3A_48 = arith.addi %scan3A_46, %scan3A_47 : i32
    %scan3A_49 = arith.constant 1 : i32
    scf.for %scan3A_154 = %scan3A_46 to %scan3A_48 step %scan3A_49  : i32 {
      %mul3A_155 = arith.constant 1 : i32
      %mul3A_156 = arith.muli %scan3A_154, %mul3A_155 : i32
      %add3A_157 = arith.constant 0 : i32
      %add3A_158 = arith.addi %add3A_157, %mul3A_156 : i32
      %mul3A_159 = arith.constant 16 : i32
      %mul3A_160 = arith.muli %add3A_158, %mul3A_159 : i32
      %get3A = arith.index_cast %mul3A_160 : i32 to index
      %get3A_161 = tpu.vector_load %arg6[%get3A] {strides = array<i32>} : memref<640xf32, #tpu.memory_space<vmem>>, vector<16xf32>,
      %mul3A_162 = arith.constant 16 : i32
      %mul3A_163 = arith.muli %add3A_158, %mul3A_162 : i32
      %get3A_164 = arith.index_cast %mul3A_163 : i32 to index
      %get3A_165 = tpu.vector_load %arg7[%get3A_164] {strides = array<i32>} : memref<640xf32, #tpu.memory_space<vmem>>, vector<16xf32>,
      %add3A_166 = arith.addf %get3A_161, %get3A_165 : vector<16xf32>
      %mul3A_167 = arith.constant 16 : i32
      %mul3A_168 = arith.muli %add3A_158, %mul3A_167 : i32
      %swap3A = arith.index_cast %mul3A_168 : i32 to index
      %swap3A_169 = tpu.vector_load %arg6[%swap3A] {strides = array<i32>} : memref<640xf32, #tpu.memory_space<vmem>>, vector<16xf32>,
      tpu.vector_store %arg6[%swap3A], %add3A_166 {strides = array<i32>} : memref<640xf32, #tpu.memory_space<vmem>>, vector<16xf32>,
    }
    %scan3A_50 = arith.constant 40 : i32
    %mul3A_51 = arith.constant 640 : i32
    %mul3A_52 = arith.muli %arg1, %mul3A_51 : i32
    %run_scoped3A_53 = arith.constant 4 : i32
    "tpu.region"() ({
      %run_scoped3A_154 = tpu.sem_alloc : memref<!tpu.dma_semaphore, #tpu.memory_space<semaphore_mem>>
      %dma_start3A = tpu.memref_slice %arg9[%run_scoped3A_53, %mul3A_52] : memref<16x10240xf32, #tpu.memory_space<vmem_shared>> -> memref<1x640xf32, #tpu.memory_space<vmem_shared>>
      %dma_start3A_155 = tpu.memref_squeeze %dma_start3A : memref<1x640xf32, #tpu.memory_space<vmem_shared>> -> memref<640xf32, #tpu.memory_space<vmem_shared>>
      %dma_start3A_156 = tpu.memref_slice %arg9[%run_scoped3A_53, %mul3A_52] : memref<16x10240xf32, #tpu.memory_space<vmem_shared>> -> memref<1x640xf32, #tpu.memory_space<vmem_shared>>
      %dma_start3A_157 = tpu.memref_squeeze %dma_start3A_156 : memref<1x640xf32, #tpu.memory_space<vmem_shared>> -> memref<640xf32, #tpu.memory_space<vmem_shared>>
      tpu.enqueue_dma source(%dma_start3A_157 : memref<640xf32, #tpu.memory_space<vmem_shared>>) target(%arg7 : memref<640xf32, #tpu.memory_space<vmem>>) target_semaphore(%run_scoped3A_154 : memref<!tpu.dma_semaphore, #tpu.memory_space<semaphore_mem>>)
      %dma_wait3A = tpu.memref_slice %arg9[%run_scoped3A_53, %mul3A_52] : memref<16x10240xf32, #tpu.memory_space<vmem_shared>> -> memref<1x640xf32, #tpu.memory_space<vmem_shared>>
      %dma_wait3A_158 = tpu.memref_squeeze %dma_wait3A : memref<1x640xf32, #tpu.memory_space<vmem_shared>> -> memref<640xf32, #tpu.memory_space<vmem_shared>>
      %dma_wait3A_159 = tpu.memref_slice %arg9[%run_scoped3A_53, %mul3A_52] : memref<16x10240xf32, #tpu.memory_space<vmem_shared>> -> memref<1x640xf32, #tpu.memory_space<vmem_shared>>
      %dma_wait3A_160 = tpu.memref_squeeze %dma_wait3A_159 : memref<1x640xf32, #tpu.memory_space<vmem_shared>> -> memref<640xf32, #tpu.memory_space<vmem_shared>>
      tpu.wait_dma2 semaphore(%run_scoped3A_154 : memref<!tpu.dma_semaphore, #tpu.memory_space<semaphore_mem>>) src(%dma_wait3A_160 : memref<640xf32, #tpu.memory_space<vmem_shared>>) dst(%arg7 : memref<640xf32, #tpu.memory_space<vmem>>)
      tpu.yield
    }) : () -> ()
    %scan3A_54 = arith.constant 0 : i32
    %scan3A_55 = arith.constant 40 : i32
    %scan3A_56 = arith.addi %scan3A_54, %scan3A_55 : i32
    %scan3A_57 = arith.constant 1 : i32
    scf.for %scan3A_154 = %scan3A_54 to %scan3A_56 step %scan3A_57  : i32 {
      %mul3A_155 = arith.constant 1 : i32
      %mul3A_156 = arith.muli %scan3A_154, %mul3A_155 : i32
      %add3A_157 = arith.constant 0 : i32
      %add3A_158 = arith.addi %add3A_157, %mul3A_156 : i32
      %mul3A_159 = arith.constant 16 : i32
      %mul3A_160 = arith.muli %add3A_158, %mul3A_159 : i32
      %get3A = arith.index_cast %mul3A_160 : i32 to index
      %get3A_161 = tpu.vector_load %arg6[%get3A] {strides = array<i32>} : memref<640xf32, #tpu.memory_space<vmem>>, vector<16xf32>,
      %mul3A_162 = arith.constant 16 : i32
      %mul3A_163 = arith.muli %add3A_158, %mul3A_162 : i32
      %get3A_164 = arith.index_cast %mul3A_163 : i32 to index
      %get3A_165 = tpu.vector_load %arg7[%get3A_164] {strides = array<i32>} : memref<640xf32, #tpu.memory_space<vmem>>, vector<16xf32>,
      %add3A_166 = arith.addf %get3A_161, %get3A_165 : vector<16xf32>
      %mul3A_167 = arith.constant 16 : i32
      %mul3A_168 = arith.muli %add3A_158, %mul3A_167 : i32
      %swap3A = arith.index_cast %mul3A_168 : i32 to index
      %swap3A_169 = tpu.vector_load %arg6[%swap3A] {strides = array<i32>} : memref<640xf32, #tpu.memory_space<vmem>>, vector<16xf32>,
      tpu.vector_store %arg6[%swap3A], %add3A_166 {strides = array<i32>} : memref<640xf32, #tpu.memory_space<vmem>>, vector<16xf32>,
    }
    %scan3A_58 = arith.constant 40 : i32
    %mul3A_59 = arith.constant 640 : i32
    %mul3A_60 = arith.muli %arg1, %mul3A_59 : i32
    %run_scoped3A_61 = arith.constant 5 : i32
    "tpu.region"() ({
      %run_scoped3A_154 = tpu.sem_alloc : memref<!tpu.dma_semaphore, #tpu.memory_space<semaphore_mem>>
      %dma_start3A = tpu.memref_slice %arg9[%run_scoped3A_61, %mul3A_60] : memref<16x10240xf32, #tpu.memory_space<vmem_shared>> -> memref<1x640xf32, #tpu.memory_space<vmem_shared>>
      %dma_start3A_155 = tpu.memref_squeeze %dma_start3A : memref<1x640xf32, #tpu.memory_space<vmem_shared>> -> memref<640xf32, #tpu.memory_space<vmem_shared>>
      %dma_start3A_156 = tpu.memref_slice %arg9[%run_scoped3A_61, %mul3A_60] : memref<16x10240xf32, #tpu.memory_space<vmem_shared>> -> memref<1x640xf32, #tpu.memory_space<vmem_shared>>
      %dma_start3A_157 = tpu.memref_squeeze %dma_start3A_156 : memref<1x640xf32, #tpu.memory_space<vmem_shared>> -> memref<640xf32, #tpu.memory_space<vmem_shared>>
      tpu.enqueue_dma source(%dma_start3A_157 : memref<640xf32, #tpu.memory_space<vmem_shared>>) target(%arg7 : memref<640xf32, #tpu.memory_space<vmem>>) target_semaphore(%run_scoped3A_154 : memref<!tpu.dma_semaphore, #tpu.memory_space<semaphore_mem>>)
      %dma_wait3A = tpu.memref_slice %arg9[%run_scoped3A_61, %mul3A_60] : memref<16x10240xf32, #tpu.memory_space<vmem_shared>> -> memref<1x640xf32, #tpu.memory_space<vmem_shared>>
      %dma_wait3A_158 = tpu.memref_squeeze %dma_wait3A : memref<1x640xf32, #tpu.memory_space<vmem_shared>> -> memref<640xf32, #tpu.memory_space<vmem_shared>>
      %dma_wait3A_159 = tpu.memref_slice %arg9[%run_scoped3A_61, %mul3A_60] : memref<16x10240xf32, #tpu.memory_space<vmem_shared>> -> memref<1x640xf32, #tpu.memory_space<vmem_shared>>
      %dma_wait3A_160 = tpu.memref_squeeze %dma_wait3A_159 : memref<1x640xf32, #tpu.memory_space<vmem_shared>> -> memref<640xf32, #tpu.memory_space<vmem_shared>>
      tpu.wait_dma2 semaphore(%run_scoped3A_154 : memref<!tpu.dma_semaphore, #tpu.memory_space<semaphore_mem>>) src(%dma_wait3A_160 : memref<640xf32, #tpu.memory_space<vmem_shared>>) dst(%arg7 : memref<640xf32, #tpu.memory_space<vmem>>)
      tpu.yield
    }) : () -> ()
    %scan3A_62 = arith.constant 0 : i32
    %scan3A_63 = arith.constant 40 : i32
    %scan3A_64 = arith.addi %scan3A_62, %scan3A_63 : i32
    %scan3A_65 = arith.constant 1 : i32
    scf.for %scan3A_154 = %scan3A_62 to %scan3A_64 step %scan3A_65  : i32 {
      %mul3A_155 = arith.constant 1 : i32
      %mul3A_156 = arith.muli %scan3A_154, %mul3A_155 : i32
      %add3A_157 = arith.constant 0 : i32
      %add3A_158 = arith.addi %add3A_157, %mul3A_156 : i32
      %mul3A_159 = arith.constant 16 : i32
      %mul3A_160 = arith.muli %add3A_158, %mul3A_159 : i32
      %get3A = arith.index_cast %mul3A_160 : i32 to index
      %get3A_161 = tpu.vector_load %arg6[%get3A] {strides = array<i32>} : memref<640xf32, #tpu.memory_space<vmem>>, vector<16xf32>,
      %mul3A_162 = arith.constant 16 : i32
      %mul3A_163 = arith.muli %add3A_158, %mul3A_162 : i32
      %get3A_164 = arith.index_cast %mul3A_163 : i32 to index
      %get3A_165 = tpu.vector_load %arg7[%get3A_164] {strides = array<i32>} : memref<640xf32, #tpu.memory_space<vmem>>, vector<16xf32>,
      %add3A_166 = arith.addf %get3A_161, %get3A_165 : vector<16xf32>
      %mul3A_167 = arith.constant 16 : i32
      %mul3A_168 = arith.muli %add3A_158, %mul3A_167 : i32
      %swap3A = arith.index_cast %mul3A_168 : i32 to index
      %swap3A_169 = tpu.vector_load %arg6[%swap3A] {strides = array<i32>} : memref<640xf32, #tpu.memory_space<vmem>>, vector<16xf32>,
      tpu.vector_store %arg6[%swap3A], %add3A_166 {strides = array<i32>} : memref<640xf32, #tpu.memory_space<vmem>>, vector<16xf32>,
    }
    %scan3A_66 = arith.constant 40 : i32
    %mul3A_67 = arith.constant 640 : i32
    %mul3A_68 = arith.muli %arg1, %mul3A_67 : i32
    %run_scoped3A_69 = arith.constant 6 : i32
    "tpu.region"() ({
      %run_scoped3A_154 = tpu.sem_alloc : memref<!tpu.dma_semaphore, #tpu.memory_space<semaphore_mem>>
      %dma_start3A = tpu.memref_slice %arg9[%run_scoped3A_69, %mul3A_68] : memref<16x10240xf32, #tpu.memory_space<vmem_shared>> -> memref<1x640xf32, #tpu.memory_space<vmem_shared>>
      %dma_start3A_155 = tpu.memref_squeeze %dma_start3A : memref<1x640xf32, #tpu.memory_space<vmem_shared>> -> memref<640xf32, #tpu.memory_space<vmem_shared>>
      %dma_start3A_156 = tpu.memref_slice %arg9[%run_scoped3A_69, %mul3A_68] : memref<16x10240xf32, #tpu.memory_space<vmem_shared>> -> memref<1x640xf32, #tpu.memory_space<vmem_shared>>
      %dma_start3A_157 = tpu.memref_squeeze %dma_start3A_156 : memref<1x640xf32, #tpu.memory_space<vmem_shared>> -> memref<640xf32, #tpu.memory_space<vmem_shared>>
      tpu.enqueue_dma source(%dma_start3A_157 : memref<640xf32, #tpu.memory_space<vmem_shared>>) target(%arg7 : memref<640xf32, #tpu.memory_space<vmem>>) target_semaphore(%run_scoped3A_154 : memref<!tpu.dma_semaphore, #tpu.memory_space<semaphore_mem>>)
      %dma_wait3A = tpu.memref_slice %arg9[%run_scoped3A_69, %mul3A_68] : memref<16x10240xf32, #tpu.memory_space<vmem_shared>> -> memref<1x640xf32, #tpu.memory_space<vmem_shared>>
      %dma_wait3A_158 = tpu.memref_squeeze %dma_wait3A : memref<1x640xf32, #tpu.memory_space<vmem_shared>> -> memref<640xf32, #tpu.memory_space<vmem_shared>>
      %dma_wait3A_159 = tpu.memref_slice %arg9[%run_scoped3A_69, %mul3A_68] : memref<16x10240xf32, #tpu.memory_space<vmem_shared>> -> memref<1x640xf32, #tpu.memory_space<vmem_shared>>
      %dma_wait3A_160 = tpu.memref_squeeze %dma_wait3A_159 : memref<1x640xf32, #tpu.memory_space<vmem_shared>> -> memref<640xf32, #tpu.memory_space<vmem_shared>>
      tpu.wait_dma2 semaphore(%run_scoped3A_154 : memref<!tpu.dma_semaphore, #tpu.memory_space<semaphore_mem>>) src(%dma_wait3A_160 : memref<640xf32, #tpu.memory_space<vmem_shared>>) dst(%arg7 : memref<640xf32, #tpu.memory_space<vmem>>)
      tpu.yield
    }) : () -> ()
    %scan3A_70 = arith.constant 0 : i32
    %scan3A_71 = arith.constant 40 : i32
    %scan3A_72 = arith.addi %scan3A_70, %scan3A_71 : i32
    %scan3A_73 = arith.constant 1 : i32
    scf.for %scan3A_154 = %scan3A_70 to %scan3A_72 step %scan3A_73  : i32 {
      %mul3A_155 = arith.constant 1 : i32
      %mul3A_156 = arith.muli %scan3A_154, %mul3A_155 : i32
      %add3A_157 = arith.constant 0 : i32
      %add3A_158 = arith.addi %add3A_157, %mul3A_156 : i32
      %mul3A_159 = arith.constant 16 : i32
      %mul3A_160 = arith.muli %add3A_158, %mul3A_159 : i32
      %get3A = arith.index_cast %mul3A_160 : i32 to index
      %get3A_161 = tpu.vector_load %arg6[%get3A] {strides = array<i32>} : memref<640xf32, #tpu.memory_space<vmem>>, vector<16xf32>,
      %mul3A_162 = arith.constant 16 : i32
      %mul3A_163 = arith.muli %add3A_158, %mul3A_162 : i32
      %get3A_164 = arith.index_cast %mul3A_163 : i32 to index
      %get3A_165 = tpu.vector_load %arg7[%get3A_164] {strides = array<i32>} : memref<640xf32, #tpu.memory_space<vmem>>, vector<16xf32>,
      %add3A_166 = arith.addf %get3A_161, %get3A_165 : vector<16xf32>
      %mul3A_167 = arith.constant 16 : i32
      %mul3A_168 = arith.muli %add3A_158, %mul3A_167 : i32
      %swap3A = arith.index_cast %mul3A_168 : i32 to index
      %swap3A_169 = tpu.vector_load %arg6[%swap3A] {strides = array<i32>} : memref<640xf32, #tpu.memory_space<vmem>>, vector<16xf32>,
      tpu.vector_store %arg6[%swap3A], %add3A_166 {strides = array<i32>} : memref<640xf32, #tpu.memory_space<vmem>>, vector<16xf32>,
    }
    %scan3A_74 = arith.constant 40 : i32
    %mul3A_75 = arith.constant 640 : i32
    %mul3A_76 = arith.muli %arg1, %mul3A_75 : i32
    %run_scoped3A_77 = arith.constant 7 : i32
    "tpu.region"() ({
      %run_scoped3A_154 = tpu.sem_alloc : memref<!tpu.dma_semaphore, #tpu.memory_space<semaphore_mem>>
      %dma_start3A = tpu.memref_slice %arg9[%run_scoped3A_77, %mul3A_76] : memref<16x10240xf32, #tpu.memory_space<vmem_shared>> -> memref<1x640xf32, #tpu.memory_space<vmem_shared>>
      %dma_start3A_155 = tpu.memref_squeeze %dma_start3A : memref<1x640xf32, #tpu.memory_space<vmem_shared>> -> memref<640xf32, #tpu.memory_space<vmem_shared>>
      %dma_start3A_156 = tpu.memref_slice %arg9[%run_scoped3A_77, %mul3A_76] : memref<16x10240xf32, #tpu.memory_space<vmem_shared>> -> memref<1x640xf32, #tpu.memory_space<vmem_shared>>
      %dma_start3A_157 = tpu.memref_squeeze %dma_start3A_156 : memref<1x640xf32, #tpu.memory_space<vmem_shared>> -> memref<640xf32, #tpu.memory_space<vmem_shared>>
      tpu.enqueue_dma source(%dma_start3A_157 : memref<640xf32, #tpu.memory_space<vmem_shared>>) target(%arg7 : memref<640xf32, #tpu.memory_space<vmem>>) target_semaphore(%run_scoped3A_154 : memref<!tpu.dma_semaphore, #tpu.memory_space<semaphore_mem>>)
      %dma_wait3A = tpu.memref_slice %arg9[%run_scoped3A_77, %mul3A_76] : memref<16x10240xf32, #tpu.memory_space<vmem_shared>> -> memref<1x640xf32, #tpu.memory_space<vmem_shared>>
      %dma_wait3A_158 = tpu.memref_squeeze %dma_wait3A : memref<1x640xf32, #tpu.memory_space<vmem_shared>> -> memref<640xf32, #tpu.memory_space<vmem_shared>>
      %dma_wait3A_159 = tpu.memref_slice %arg9[%run_scoped3A_77, %mul3A_76] : memref<16x10240xf32, #tpu.memory_space<vmem_shared>> -> memref<1x640xf32, #tpu.memory_space<vmem_shared>>
      %dma_wait3A_160 = tpu.memref_squeeze %dma_wait3A_159 : memref<1x640xf32, #tpu.memory_space<vmem_shared>> -> memref<640xf32, #tpu.memory_space<vmem_shared>>
      tpu.wait_dma2 semaphore(%run_scoped3A_154 : memref<!tpu.dma_semaphore, #tpu.memory_space<semaphore_mem>>) src(%dma_wait3A_160 : memref<640xf32, #tpu.memory_space<vmem_shared>>) dst(%arg7 : memref<640xf32, #tpu.memory_space<vmem>>)
      tpu.yield
    }) : () -> ()
    %scan3A_78 = arith.constant 0 : i32
    %scan3A_79 = arith.constant 40 : i32
    %scan3A_80 = arith.addi %scan3A_78, %scan3A_79 : i32
    %scan3A_81 = arith.constant 1 : i32
    scf.for %scan3A_154 = %scan3A_78 to %scan3A_80 step %scan3A_81  : i32 {
      %mul3A_155 = arith.constant 1 : i32
      %mul3A_156 = arith.muli %scan3A_154, %mul3A_155 : i32
      %add3A_157 = arith.constant 0 : i32
      %add3A_158 = arith.addi %add3A_157, %mul3A_156 : i32
      %mul3A_159 = arith.constant 16 : i32
      %mul3A_160 = arith.muli %add3A_158, %mul3A_159 : i32
      %get3A = arith.index_cast %mul3A_160 : i32 to index
      %get3A_161 = tpu.vector_load %arg6[%get3A] {strides = array<i32>} : memref<640xf32, #tpu.memory_space<vmem>>, vector<16xf32>,
      %mul3A_162 = arith.constant 16 : i32
      %mul3A_163 = arith.muli %add3A_158, %mul3A_162 : i32
      %get3A_164 = arith.index_cast %mul3A_163 : i32 to index
      %get3A_165 = tpu.vector_load %arg7[%get3A_164] {strides = array<i32>} : memref<640xf32, #tpu.memory_space<vmem>>, vector<16xf32>,
      %add3A_166 = arith.addf %get3A_161, %get3A_165 : vector<16xf32>
      %mul3A_167 = arith.constant 16 : i32
      %mul3A_168 = arith.muli %add3A_158, %mul3A_167 : i32
      %swap3A = arith.index_cast %mul3A_168 : i32 to index
      %swap3A_169 = tpu.vector_load %arg6[%swap3A] {strides = array<i32>} : memref<640xf32, #tpu.memory_space<vmem>>, vector<16xf32>,
      tpu.vector_store %arg6[%swap3A], %add3A_166 {strides = array<i32>} : memref<640xf32, #tpu.memory_space<vmem>>, vector<16xf32>,
    }
    %scan3A_82 = arith.constant 40 : i32
    %mul3A_83 = arith.constant 640 : i32
    %mul3A_84 = arith.muli %arg1, %mul3A_83 : i32
    %run_scoped3A_85 = arith.constant 8 : i32
    "tpu.region"() ({
      %run_scoped3A_154 = tpu.sem_alloc : memref<!tpu.dma_semaphore, #tpu.memory_space<semaphore_mem>>
      %dma_start3A = tpu.memref_slice %arg9[%run_scoped3A_85, %mul3A_84] : memref<16x10240xf32, #tpu.memory_space<vmem_shared>> -> memref<1x640xf32, #tpu.memory_space<vmem_shared>>
      %dma_start3A_155 = tpu.memref_squeeze %dma_start3A : memref<1x640xf32, #tpu.memory_space<vmem_shared>> -> memref<640xf32, #tpu.memory_space<vmem_shared>>
      %dma_start3A_156 = tpu.memref_slice %arg9[%run_scoped3A_85, %mul3A_84] : memref<16x10240xf32, #tpu.memory_space<vmem_shared>> -> memref<1x640xf32, #tpu.memory_space<vmem_shared>>
      %dma_start3A_157 = tpu.memref_squeeze %dma_start3A_156 : memref<1x640xf32, #tpu.memory_space<vmem_shared>> -> memref<640xf32, #tpu.memory_space<vmem_shared>>
      tpu.enqueue_dma source(%dma_start3A_157 : memref<640xf32, #tpu.memory_space<vmem_shared>>) target(%arg7 : memref<640xf32, #tpu.memory_space<vmem>>) target_semaphore(%run_scoped3A_154 : memref<!tpu.dma_semaphore, #tpu.memory_space<semaphore_mem>>)
      %dma_wait3A = tpu.memref_slice %arg9[%run_scoped3A_85, %mul3A_84] : memref<16x10240xf32, #tpu.memory_space<vmem_shared>> -> memref<1x640xf32, #tpu.memory_space<vmem_shared>>
      %dma_wait3A_158 = tpu.memref_squeeze %dma_wait3A : memref<1x640xf32, #tpu.memory_space<vmem_shared>> -> memref<640xf32, #tpu.memory_space<vmem_shared>>
      %dma_wait3A_159 = tpu.memref_slice %arg9[%run_scoped3A_85, %mul3A_84] : memref<16x10240xf32, #tpu.memory_space<vmem_shared>> -> memref<1x640xf32, #tpu.memory_space<vmem_shared>>
      %dma_wait3A_160 = tpu.memref_squeeze %dma_wait3A_159 : memref<1x640xf32, #tpu.memory_space<vmem_shared>> -> memref<640xf32, #tpu.memory_space<vmem_shared>>
      tpu.wait_dma2 semaphore(%run_scoped3A_154 : memref<!tpu.dma_semaphore, #tpu.memory_space<semaphore_mem>>) src(%dma_wait3A_160 : memref<640xf32, #tpu.memory_space<vmem_shared>>) dst(%arg7 : memref<640xf32, #tpu.memory_space<vmem>>)
      tpu.yield
    }) : () -> ()
    %scan3A_86 = arith.constant 0 : i32
    %scan3A_87 = arith.constant 40 : i32
    %scan3A_88 = arith.addi %scan3A_86, %scan3A_87 : i32
    %scan3A_89 = arith.constant 1 : i32
    scf.for %scan3A_154 = %scan3A_86 to %scan3A_88 step %scan3A_89  : i32 {
      %mul3A_155 = arith.constant 1 : i32
      %mul3A_156 = arith.muli %scan3A_154, %mul3A_155 : i32
      %add3A_157 = arith.constant 0 : i32
      %add3A_158 = arith.addi %add3A_157, %mul3A_156 : i32
      %mul3A_159 = arith.constant 16 : i32
      %mul3A_160 = arith.muli %add3A_158, %mul3A_159 : i32
      %get3A = arith.index_cast %mul3A_160 : i32 to index
      %get3A_161 = tpu.vector_load %arg6[%get3A] {strides = array<i32>} : memref<640xf32, #tpu.memory_space<vmem>>, vector<16xf32>,
      %mul3A_162 = arith.constant 16 : i32
      %mul3A_163 = arith.muli %add3A_158, %mul3A_162 : i32
      %get3A_164 = arith.index_cast %mul3A_163 : i32 to index
      %get3A_165 = tpu.vector_load %arg7[%get3A_164] {strides = array<i32>} : memref<640xf32, #tpu.memory_space<vmem>>, vector<16xf32>,
      %add3A_166 = arith.addf %get3A_161, %get3A_165 : vector<16xf32>
      %mul3A_167 = arith.constant 16 : i32
      %mul3A_168 = arith.muli %add3A_158, %mul3A_167 : i32
      %swap3A = arith.index_cast %mul3A_168 : i32 to index
      %swap3A_169 = tpu.vector_load %arg6[%swap3A] {strides = array<i32>} : memref<640xf32, #tpu.memory_space<vmem>>, vector<16xf32>,
      tpu.vector_store %arg6[%swap3A], %add3A_166 {strides = array<i32>} : memref<640xf32, #tpu.memory_space<vmem>>, vector<16xf32>,
    }
    %scan3A_90 = arith.constant 40 : i32
    %mul3A_91 = arith.constant 640 : i32
    %mul3A_92 = arith.muli %arg1, %mul3A_91 : i32
    %run_scoped3A_93 = arith.constant 9 : i32
    "tpu.region"() ({
      %run_scoped3A_154 = tpu.sem_alloc : memref<!tpu.dma_semaphore, #tpu.memory_space<semaphore_mem>>
      %dma_start3A = tpu.memref_slice %arg9[%run_scoped3A_93, %mul3A_92] : memref<16x10240xf32, #tpu.memory_space<vmem_shared>> -> memref<1x640xf32, #tpu.memory_space<vmem_shared>>
      %dma_start3A_155 = tpu.memref_squeeze %dma_start3A : memref<1x640xf32, #tpu.memory_space<vmem_shared>> -> memref<640xf32, #tpu.memory_space<vmem_shared>>
      %dma_start3A_156 = tpu.memref_slice %arg9[%run_scoped3A_93, %mul3A_92] : memref<16x10240xf32, #tpu.memory_space<vmem_shared>> -> memref<1x640xf32, #tpu.memory_space<vmem_shared>>
      %dma_start3A_157 = tpu.memref_squeeze %dma_start3A_156 : memref<1x640xf32, #tpu.memory_space<vmem_shared>> -> memref<640xf32, #tpu.memory_space<vmem_shared>>
      tpu.enqueue_dma source(%dma_start3A_157 : memref<640xf32, #tpu.memory_space<vmem_shared>>) target(%arg7 : memref<640xf32, #tpu.memory_space<vmem>>) target_semaphore(%run_scoped3A_154 : memref<!tpu.dma_semaphore, #tpu.memory_space<semaphore_mem>>)
      %dma_wait3A = tpu.memref_slice %arg9[%run_scoped3A_93, %mul3A_92] : memref<16x10240xf32, #tpu.memory_space<vmem_shared>> -> memref<1x640xf32, #tpu.memory_space<vmem_shared>>
      %dma_wait3A_158 = tpu.memref_squeeze %dma_wait3A : memref<1x640xf32, #tpu.memory_space<vmem_shared>> -> memref<640xf32, #tpu.memory_space<vmem_shared>>
      %dma_wait3A_159 = tpu.memref_slice %arg9[%run_scoped3A_93, %mul3A_92] : memref<16x10240xf32, #tpu.memory_space<vmem_shared>> -> memref<1x640xf32, #tpu.memory_space<vmem_shared>>
      %dma_wait3A_160 = tpu.memref_squeeze %dma_wait3A_159 : memref<1x640xf32, #tpu.memory_space<vmem_shared>> -> memref<640xf32, #tpu.memory_space<vmem_shared>>
      tpu.wait_dma2 semaphore(%run_scoped3A_154 : memref<!tpu.dma_semaphore, #tpu.memory_space<semaphore_mem>>) src(%dma_wait3A_160 : memref<640xf32, #tpu.memory_space<vmem_shared>>) dst(%arg7 : memref<640xf32, #tpu.memory_space<vmem>>)
      tpu.yield
    }) : () -> ()
    %scan3A_94 = arith.constant 0 : i32
    %scan3A_95 = arith.constant 40 : i32
    %scan3A_96 = arith.addi %scan3A_94, %scan3A_95 : i32
    %scan3A_97 = arith.constant 1 : i32
    scf.for %scan3A_154 = %scan3A_94 to %scan3A_96 step %scan3A_97  : i32 {
      %mul3A_155 = arith.constant 1 : i32
      %mul3A_156 = arith.muli %scan3A_154, %mul3A_155 : i32
      %add3A_157 = arith.constant 0 : i32
      %add3A_158 = arith.addi %add3A_157, %mul3A_156 : i32
      %mul3A_159 = arith.constant 16 : i32
      %mul3A_160 = arith.muli %add3A_158, %mul3A_159 : i32
      %get3A = arith.index_cast %mul3A_160 : i32 to index
      %get3A_161 = tpu.vector_load %arg6[%get3A] {strides = array<i32>} : memref<640xf32, #tpu.memory_space<vmem>>, vector<16xf32>,
      %mul3A_162 = arith.constant 16 : i32
      %mul3A_163 = arith.muli %add3A_158, %mul3A_162 : i32
      %get3A_164 = arith.index_cast %mul3A_163 : i32 to index
      %get3A_165 = tpu.vector_load %arg7[%get3A_164] {strides = array<i32>} : memref<640xf32, #tpu.memory_space<vmem>>, vector<16xf32>,
      %add3A_166 = arith.addf %get3A_161, %get3A_165 : vector<16xf32>
      %mul3A_167 = arith.constant 16 : i32
      %mul3A_168 = arith.muli %add3A_158, %mul3A_167 : i32
      %swap3A = arith.index_cast %mul3A_168 : i32 to index
      %swap3A_169 = tpu.vector_load %arg6[%swap3A] {strides = array<i32>} : memref<640xf32, #tpu.memory_space<vmem>>, vector<16xf32>,
      tpu.vector_store %arg6[%swap3A], %add3A_166 {strides = array<i32>} : memref<640xf32, #tpu.memory_space<vmem>>, vector<16xf32>,
    }
    %scan3A_98 = arith.constant 40 : i32
    %mul3A_99 = arith.constant 640 : i32
    %mul3A_100 = arith.muli %arg1, %mul3A_99 : i32
    %run_scoped3A_101 = arith.constant 10 : i32
    "tpu.region"() ({
      %run_scoped3A_154 = tpu.sem_alloc : memref<!tpu.dma_semaphore, #tpu.memory_space<semaphore_mem>>
      %dma_start3A = tpu.memref_slice %arg9[%run_scoped3A_101, %mul3A_100] : memref<16x10240xf32, #tpu.memory_space<vmem_shared>> -> memref<1x640xf32, #tpu.memory_space<vmem_shared>>
      %dma_start3A_155 = tpu.memref_squeeze %dma_start3A : memref<1x640xf32, #tpu.memory_space<vmem_shared>> -> memref<640xf32, #tpu.memory_space<vmem_shared>>
      %dma_start3A_156 = tpu.memref_slice %arg9[%run_scoped3A_101, %mul3A_100] : memref<16x10240xf32, #tpu.memory_space<vmem_shared>> -> memref<1x640xf32, #tpu.memory_space<vmem_shared>>
      %dma_start3A_157 = tpu.memref_squeeze %dma_start3A_156 : memref<1x640xf32, #tpu.memory_space<vmem_shared>> -> memref<640xf32, #tpu.memory_space<vmem_shared>>
      tpu.enqueue_dma source(%dma_start3A_157 : memref<640xf32, #tpu.memory_space<vmem_shared>>) target(%arg7 : memref<640xf32, #tpu.memory_space<vmem>>) target_semaphore(%run_scoped3A_154 : memref<!tpu.dma_semaphore, #tpu.memory_space<semaphore_mem>>)
      %dma_wait3A = tpu.memref_slice %arg9[%run_scoped3A_101, %mul3A_100] : memref<16x10240xf32, #tpu.memory_space<vmem_shared>> -> memref<1x640xf32, #tpu.memory_space<vmem_shared>>
      %dma_wait3A_158 = tpu.memref_squeeze %dma_wait3A : memref<1x640xf32, #tpu.memory_space<vmem_shared>> -> memref<640xf32, #tpu.memory_space<vmem_shared>>
      %dma_wait3A_159 = tpu.memref_slice %arg9[%run_scoped3A_101, %mul3A_100] : memref<16x10240xf32, #tpu.memory_space<vmem_shared>> -> memref<1x640xf32, #tpu.memory_space<vmem_shared>>
      %dma_wait3A_160 = tpu.memref_squeeze %dma_wait3A_159 : memref<1x640xf32, #tpu.memory_space<vmem_shared>> -> memref<640xf32, #tpu.memory_space<vmem_shared>>
      tpu.wait_dma2 semaphore(%run_scoped3A_154 : memref<!tpu.dma_semaphore, #tpu.memory_space<semaphore_mem>>) src(%dma_wait3A_160 : memref<640xf32, #tpu.memory_space<vmem_shared>>) dst(%arg7 : memref<640xf32, #tpu.memory_space<vmem>>)
      tpu.yield
    }) : () -> ()
    %scan3A_102 = arith.constant 0 : i32
    %scan3A_103 = arith.constant 40 : i32
    %scan3A_104 = arith.addi %scan3A_102, %scan3A_103 : i32
    %scan3A_105 = arith.constant 1 : i32
    scf.for %scan3A_154 = %scan3A_102 to %scan3A_104 step %scan3A_105  : i32 {
      %mul3A_155 = arith.constant 1 : i32
      %mul3A_156 = arith.muli %scan3A_154, %mul3A_155 : i32
      %add3A_157 = arith.constant 0 : i32
      %add3A_158 = arith.addi %add3A_157, %mul3A_156 : i32
      %mul3A_159 = arith.constant 16 : i32
      %mul3A_160 = arith.muli %add3A_158, %mul3A_159 : i32
      %get3A = arith.index_cast %mul3A_160 : i32 to index
      %get3A_161 = tpu.vector_load %arg6[%get3A] {strides = array<i32>} : memref<640xf32, #tpu.memory_space<vmem>>, vector<16xf32>,
      %mul3A_162 = arith.constant 16 : i32
      %mul3A_163 = arith.muli %add3A_158, %mul3A_162 : i32
      %get3A_164 = arith.index_cast %mul3A_163 : i32 to index
      %get3A_165 = tpu.vector_load %arg7[%get3A_164] {strides = array<i32>} : memref<640xf32, #tpu.memory_space<vmem>>, vector<16xf32>,
      %add3A_166 = arith.addf %get3A_161, %get3A_165 : vector<16xf32>
      %mul3A_167 = arith.constant 16 : i32
      %mul3A_168 = arith.muli %add3A_158, %mul3A_167 : i32
      %swap3A = arith.index_cast %mul3A_168 : i32 to index
      %swap3A_169 = tpu.vector_load %arg6[%swap3A] {strides = array<i32>} : memref<640xf32, #tpu.memory_space<vmem>>, vector<16xf32>,
      tpu.vector_store %arg6[%swap3A], %add3A_166 {strides = array<i32>} : memref<640xf32, #tpu.memory_space<vmem>>, vector<16xf32>,
    }
    %scan3A_106 = arith.constant 40 : i32
    %mul3A_107 = arith.constant 640 : i32
    %mul3A_108 = arith.muli %arg1, %mul3A_107 : i32
    %run_scoped3A_109 = arith.constant 11 : i32
    "tpu.region"() ({
      %run_scoped3A_154 = tpu.sem_alloc : memref<!tpu.dma_semaphore, #tpu.memory_space<semaphore_mem>>
      %dma_start3A = tpu.memref_slice %arg9[%run_scoped3A_109, %mul3A_108] : memref<16x10240xf32, #tpu.memory_space<vmem_shared>> -> memref<1x640xf32, #tpu.memory_space<vmem_shared>>
      %dma_start3A_155 = tpu.memref_squeeze %dma_start3A : memref<1x640xf32, #tpu.memory_space<vmem_shared>> -> memref<640xf32, #tpu.memory_space<vmem_shared>>
      %dma_start3A_156 = tpu.memref_slice %arg9[%run_scoped3A_109, %mul3A_108] : memref<16x10240xf32, #tpu.memory_space<vmem_shared>> -> memref<1x640xf32, #tpu.memory_space<vmem_shared>>
      %dma_start3A_157 = tpu.memref_squeeze %dma_start3A_156 : memref<1x640xf32, #tpu.memory_space<vmem_shared>> -> memref<640xf32, #tpu.memory_space<vmem_shared>>
      tpu.enqueue_dma source(%dma_start3A_157 : memref<640xf32, #tpu.memory_space<vmem_shared>>) target(%arg7 : memref<640xf32, #tpu.memory_space<vmem>>) target_semaphore(%run_scoped3A_154 : memref<!tpu.dma_semaphore, #tpu.memory_space<semaphore_mem>>)
      %dma_wait3A = tpu.memref_slice %arg9[%run_scoped3A_109, %mul3A_108] : memref<16x10240xf32, #tpu.memory_space<vmem_shared>> -> memref<1x640xf32, #tpu.memory_space<vmem_shared>>
      %dma_wait3A_158 = tpu.memref_squeeze %dma_wait3A : memref<1x640xf32, #tpu.memory_space<vmem_shared>> -> memref<640xf32, #tpu.memory_space<vmem_shared>>
      %dma_wait3A_159 = tpu.memref_slice %arg9[%run_scoped3A_109, %mul3A_108] : memref<16x10240xf32, #tpu.memory_space<vmem_shared>> -> memref<1x640xf32, #tpu.memory_space<vmem_shared>>
      %dma_wait3A_160 = tpu.memref_squeeze %dma_wait3A_159 : memref<1x640xf32, #tpu.memory_space<vmem_shared>> -> memref<640xf32, #tpu.memory_space<vmem_shared>>
      tpu.wait_dma2 semaphore(%run_scoped3A_154 : memref<!tpu.dma_semaphore, #tpu.memory_space<semaphore_mem>>) src(%dma_wait3A_160 : memref<640xf32, #tpu.memory_space<vmem_shared>>) dst(%arg7 : memref<640xf32, #tpu.memory_space<vmem>>)
      tpu.yield
    }) : () -> ()
    %scan3A_110 = arith.constant 0 : i32
    %scan3A_111 = arith.constant 40 : i32
    %scan3A_112 = arith.addi %scan3A_110, %scan3A_111 : i32
    %scan3A_113 = arith.constant 1 : i32
    scf.for %scan3A_154 = %scan3A_110 to %scan3A_112 step %scan3A_113  : i32 {
      %mul3A_155 = arith.constant 1 : i32
      %mul3A_156 = arith.muli %scan3A_154, %mul3A_155 : i32
      %add3A_157 = arith.constant 0 : i32
      %add3A_158 = arith.addi %add3A_157, %mul3A_156 : i32
      %mul3A_159 = arith.constant 16 : i32
      %mul3A_160 = arith.muli %add3A_158, %mul3A_159 : i32
      %get3A = arith.index_cast %mul3A_160 : i32 to index
      %get3A_161 = tpu.vector_load %arg6[%get3A] {strides = array<i32>} : memref<640xf32, #tpu.memory_space<vmem>>, vector<16xf32>,
      %mul3A_162 = arith.constant 16 : i32
      %mul3A_163 = arith.muli %add3A_158, %mul3A_162 : i32
      %get3A_164 = arith.index_cast %mul3A_163 : i32 to index
      %get3A_165 = tpu.vector_load %arg7[%get3A_164] {strides = array<i32>} : memref<640xf32, #tpu.memory_space<vmem>>, vector<16xf32>,
      %add3A_166 = arith.addf %get3A_161, %get3A_165 : vector<16xf32>
      %mul3A_167 = arith.constant 16 : i32
      %mul3A_168 = arith.muli %add3A_158, %mul3A_167 : i32
      %swap3A = arith.index_cast %mul3A_168 : i32 to index
      %swap3A_169 = tpu.vector_load %arg6[%swap3A] {strides = array<i32>} : memref<640xf32, #tpu.memory_space<vmem>>, vector<16xf32>,
      tpu.vector_store %arg6[%swap3A], %add3A_166 {strides = array<i32>} : memref<640xf32, #tpu.memory_space<vmem>>, vector<16xf32>,
    }
    %scan3A_114 = arith.constant 40 : i32
    %mul3A_115 = arith.constant 640 : i32
    %mul3A_116 = arith.muli %arg1, %mul3A_115 : i32
    %run_scoped3A_117 = arith.constant 12 : i32
    "tpu.region"() ({
      %run_scoped3A_154 = tpu.sem_alloc : memref<!tpu.dma_semaphore, #tpu.memory_space<semaphore_mem>>
      %dma_start3A = tpu.memref_slice %arg9[%run_scoped3A_117, %mul3A_116] : memref<16x10240xf32, #tpu.memory_space<vmem_shared>> -> memref<1x640xf32, #tpu.memory_space<vmem_shared>>
      %dma_start3A_155 = tpu.memref_squeeze %dma_start3A : memref<1x640xf32, #tpu.memory_space<vmem_shared>> -> memref<640xf32, #tpu.memory_space<vmem_shared>>
      %dma_start3A_156 = tpu.memref_slice %arg9[%run_scoped3A_117, %mul3A_116] : memref<16x10240xf32, #tpu.memory_space<vmem_shared>> -> memref<1x640xf32, #tpu.memory_space<vmem_shared>>
      %dma_start3A_157 = tpu.memref_squeeze %dma_start3A_156 : memref<1x640xf32, #tpu.memory_space<vmem_shared>> -> memref<640xf32, #tpu.memory_space<vmem_shared>>
      tpu.enqueue_dma source(%dma_start3A_157 : memref<640xf32, #tpu.memory_space<vmem_shared>>) target(%arg7 : memref<640xf32, #tpu.memory_space<vmem>>) target_semaphore(%run_scoped3A_154 : memref<!tpu.dma_semaphore, #tpu.memory_space<semaphore_mem>>)
      %dma_wait3A = tpu.memref_slice %arg9[%run_scoped3A_117, %mul3A_116] : memref<16x10240xf32, #tpu.memory_space<vmem_shared>> -> memref<1x640xf32, #tpu.memory_space<vmem_shared>>
      %dma_wait3A_158 = tpu.memref_squeeze %dma_wait3A : memref<1x640xf32, #tpu.memory_space<vmem_shared>> -> memref<640xf32, #tpu.memory_space<vmem_shared>>
      %dma_wait3A_159 = tpu.memref_slice %arg9[%run_scoped3A_117, %mul3A_116] : memref<16x10240xf32, #tpu.memory_space<vmem_shared>> -> memref<1x640xf32, #tpu.memory_space<vmem_shared>>
      %dma_wait3A_160 = tpu.memref_squeeze %dma_wait3A_159 : memref<1x640xf32, #tpu.memory_space<vmem_shared>> -> memref<640xf32, #tpu.memory_space<vmem_shared>>
      tpu.wait_dma2 semaphore(%run_scoped3A_154 : memref<!tpu.dma_semaphore, #tpu.memory_space<semaphore_mem>>) src(%dma_wait3A_160 : memref<640xf32, #tpu.memory_space<vmem_shared>>) dst(%arg7 : memref<640xf32, #tpu.memory_space<vmem>>)
      tpu.yield
    }) : () -> ()
    %scan3A_118 = arith.constant 0 : i32
    %scan3A_119 = arith.constant 40 : i32
    %scan3A_120 = arith.addi %scan3A_118, %scan3A_119 : i32
    %scan3A_121 = arith.constant 1 : i32
    scf.for %scan3A_154 = %scan3A_118 to %scan3A_120 step %scan3A_121  : i32 {
      %mul3A_155 = arith.constant 1 : i32
      %mul3A_156 = arith.muli %scan3A_154, %mul3A_155 : i32
      %add3A_157 = arith.constant 0 : i32
      %add3A_158 = arith.addi %add3A_157, %mul3A_156 : i32
      %mul3A_159 = arith.constant 16 : i32
      %mul3A_160 = arith.muli %add3A_158, %mul3A_159 : i32
      %get3A = arith.index_cast %mul3A_160 : i32 to index
      %get3A_161 = tpu.vector_load %arg6[%get3A] {strides = array<i32>} : memref<640xf32, #tpu.memory_space<vmem>>, vector<16xf32>,
      %mul3A_162 = arith.constant 16 : i32
      %mul3A_163 = arith.muli %add3A_158, %mul3A_162 : i32
      %get3A_164 = arith.index_cast %mul3A_163 : i32 to index
      %get3A_165 = tpu.vector_load %arg7[%get3A_164] {strides = array<i32>} : memref<640xf32, #tpu.memory_space<vmem>>, vector<16xf32>,
      %add3A_166 = arith.addf %get3A_161, %get3A_165 : vector<16xf32>
      %mul3A_167 = arith.constant 16 : i32
      %mul3A_168 = arith.muli %add3A_158, %mul3A_167 : i32
      %swap3A = arith.index_cast %mul3A_168 : i32 to index
      %swap3A_169 = tpu.vector_load %arg6[%swap3A] {strides = array<i32>} : memref<640xf32, #tpu.memory_space<vmem>>, vector<16xf32>,
      tpu.vector_store %arg6[%swap3A], %add3A_166 {strides = array<i32>} : memref<640xf32, #tpu.memory_space<vmem>>, vector<16xf32>,
    }
    %scan3A_122 = arith.constant 40 : i32
    %mul3A_123 = arith.constant 640 : i32
    %mul3A_124 = arith.muli %arg1, %mul3A_123 : i32
    %run_scoped3A_125 = arith.constant 13 : i32
    "tpu.region"() ({
      %run_scoped3A_154 = tpu.sem_alloc : memref<!tpu.dma_semaphore, #tpu.memory_space<semaphore_mem>>
      %dma_start3A = tpu.memref_slice %arg9[%run_scoped3A_125, %mul3A_124] : memref<16x10240xf32, #tpu.memory_space<vmem_shared>> -> memref<1x640xf32, #tpu.memory_space<vmem_shared>>
      %dma_start3A_155 = tpu.memref_squeeze %dma_start3A : memref<1x640xf32, #tpu.memory_space<vmem_shared>> -> memref<640xf32, #tpu.memory_space<vmem_shared>>
      %dma_start3A_156 = tpu.memref_slice %arg9[%run_scoped3A_125, %mul3A_124] : memref<16x10240xf32, #tpu.memory_space<vmem_shared>> -> memref<1x640xf32, #tpu.memory_space<vmem_shared>>
      %dma_start3A_157 = tpu.memref_squeeze %dma_start3A_156 : memref<1x640xf32, #tpu.memory_space<vmem_shared>> -> memref<640xf32, #tpu.memory_space<vmem_shared>>
      tpu.enqueue_dma source(%dma_start3A_157 : memref<640xf32, #tpu.memory_space<vmem_shared>>) target(%arg7 : memref<640xf32, #tpu.memory_space<vmem>>) target_semaphore(%run_scoped3A_154 : memref<!tpu.dma_semaphore, #tpu.memory_space<semaphore_mem>>)
      %dma_wait3A = tpu.memref_slice %arg9[%run_scoped3A_125, %mul3A_124] : memref<16x10240xf32, #tpu.memory_space<vmem_shared>> -> memref<1x640xf32, #tpu.memory_space<vmem_shared>>
      %dma_wait3A_158 = tpu.memref_squeeze %dma_wait3A : memref<1x640xf32, #tpu.memory_space<vmem_shared>> -> memref<640xf32, #tpu.memory_space<vmem_shared>>
      %dma_wait3A_159 = tpu.memref_slice %arg9[%run_scoped3A_125, %mul3A_124] : memref<16x10240xf32, #tpu.memory_space<vmem_shared>> -> memref<1x640xf32, #tpu.memory_space<vmem_shared>>
      %dma_wait3A_160 = tpu.memref_squeeze %dma_wait3A_159 : memref<1x640xf32, #tpu.memory_space<vmem_shared>> -> memref<640xf32, #tpu.memory_space<vmem_shared>>
      tpu.wait_dma2 semaphore(%run_scoped3A_154 : memref<!tpu.dma_semaphore, #tpu.memory_space<semaphore_mem>>) src(%dma_wait3A_160 : memref<640xf32, #tpu.memory_space<vmem_shared>>) dst(%arg7 : memref<640xf32, #tpu.memory_space<vmem>>)
      tpu.yield
    }) : () -> ()
    %scan3A_126 = arith.constant 0 : i32
    %scan3A_127 = arith.constant 40 : i32
    %scan3A_128 = arith.addi %scan3A_126, %scan3A_127 : i32
    %scan3A_129 = arith.constant 1 : i32
    scf.for %scan3A_154 = %scan3A_126 to %scan3A_128 step %scan3A_129  : i32 {
      %mul3A_155 = arith.constant 1 : i32
      %mul3A_156 = arith.muli %scan3A_154, %mul3A_155 : i32
      %add3A_157 = arith.constant 0 : i32
      %add3A_158 = arith.addi %add3A_157, %mul3A_156 : i32
      %mul3A_159 = arith.constant 16 : i32
      %mul3A_160 = arith.muli %add3A_158, %mul3A_159 : i32
      %get3A = arith.index_cast %mul3A_160 : i32 to index
      %get3A_161 = tpu.vector_load %arg6[%get3A] {strides = array<i32>} : memref<640xf32, #tpu.memory_space<vmem>>, vector<16xf32>,
      %mul3A_162 = arith.constant 16 : i32
      %mul3A_163 = arith.muli %add3A_158, %mul3A_162 : i32
      %get3A_164 = arith.index_cast %mul3A_163 : i32 to index
      %get3A_165 = tpu.vector_load %arg7[%get3A_164] {strides = array<i32>} : memref<640xf32, #tpu.memory_space<vmem>>, vector<16xf32>,
      %add3A_166 = arith.addf %get3A_161, %get3A_165 : vector<16xf32>
      %mul3A_167 = arith.constant 16 : i32
      %mul3A_168 = arith.muli %add3A_158, %mul3A_167 : i32
      %swap3A = arith.index_cast %mul3A_168 : i32 to index
      %swap3A_169 = tpu.vector_load %arg6[%swap3A] {strides = array<i32>} : memref<640xf32, #tpu.memory_space<vmem>>, vector<16xf32>,
      tpu.vector_store %arg6[%swap3A], %add3A_166 {strides = array<i32>} : memref<640xf32, #tpu.memory_space<vmem>>, vector<16xf32>,
    }
    %scan3A_130 = arith.constant 40 : i32
    %mul3A_131 = arith.constant 640 : i32
    %mul3A_132 = arith.muli %arg1, %mul3A_131 : i32
    %run_scoped3A_133 = arith.constant 14 : i32
    "tpu.region"() ({
      %run_scoped3A_154 = tpu.sem_alloc : memref<!tpu.dma_semaphore, #tpu.memory_space<semaphore_mem>>
      %dma_start3A = tpu.memref_slice %arg9[%run_scoped3A_133, %mul3A_132] : memref<16x10240xf32, #tpu.memory_space<vmem_shared>> -> memref<1x640xf32, #tpu.memory_space<vmem_shared>>
      %dma_start3A_155 = tpu.memref_squeeze %dma_start3A : memref<1x640xf32, #tpu.memory_space<vmem_shared>> -> memref<640xf32, #tpu.memory_space<vmem_shared>>
      %dma_start3A_156 = tpu.memref_slice %arg9[%run_scoped3A_133, %mul3A_132] : memref<16x10240xf32, #tpu.memory_space<vmem_shared>> -> memref<1x640xf32, #tpu.memory_space<vmem_shared>>
      %dma_start3A_157 = tpu.memref_squeeze %dma_start3A_156 : memref<1x640xf32, #tpu.memory_space<vmem_shared>> -> memref<640xf32, #tpu.memory_space<vmem_shared>>
      tpu.enqueue_dma source(%dma_start3A_157 : memref<640xf32, #tpu.memory_space<vmem_shared>>) target(%arg7 : memref<640xf32, #tpu.memory_space<vmem>>) target_semaphore(%run_scoped3A_154 : memref<!tpu.dma_semaphore, #tpu.memory_space<semaphore_mem>>)
      %dma_wait3A = tpu.memref_slice %arg9[%run_scoped3A_133, %mul3A_132] : memref<16x10240xf32, #tpu.memory_space<vmem_shared>> -> memref<1x640xf32, #tpu.memory_space<vmem_shared>>
      %dma_wait3A_158 = tpu.memref_squeeze %dma_wait3A : memref<1x640xf32, #tpu.memory_space<vmem_shared>> -> memref<640xf32, #tpu.memory_space<vmem_shared>>
      %dma_wait3A_159 = tpu.memref_slice %arg9[%run_scoped3A_133, %mul3A_132] : memref<16x10240xf32, #tpu.memory_space<vmem_shared>> -> memref<1x640xf32, #tpu.memory_space<vmem_shared>>
      %dma_wait3A_160 = tpu.memref_squeeze %dma_wait3A_159 : memref<1x640xf32, #tpu.memory_space<vmem_shared>> -> memref<640xf32, #tpu.memory_space<vmem_shared>>
      tpu.wait_dma2 semaphore(%run_scoped3A_154 : memref<!tpu.dma_semaphore, #tpu.memory_space<semaphore_mem>>) src(%dma_wait3A_160 : memref<640xf32, #tpu.memory_space<vmem_shared>>) dst(%arg7 : memref<640xf32, #tpu.memory_space<vmem>>)
      tpu.yield
    }) : () -> ()
    %scan3A_134 = arith.constant 0 : i32
    %scan3A_135 = arith.constant 40 : i32
    %scan3A_136 = arith.addi %scan3A_134, %scan3A_135 : i32
    %scan3A_137 = arith.constant 1 : i32
    scf.for %scan3A_154 = %scan3A_134 to %scan3A_136 step %scan3A_137  : i32 {
      %mul3A_155 = arith.constant 1 : i32
      %mul3A_156 = arith.muli %scan3A_154, %mul3A_155 : i32
      %add3A_157 = arith.constant 0 : i32
      %add3A_158 = arith.addi %add3A_157, %mul3A_156 : i32
      %mul3A_159 = arith.constant 16 : i32
      %mul3A_160 = arith.muli %add3A_158, %mul3A_159 : i32
      %get3A = arith.index_cast %mul3A_160 : i32 to index
      %get3A_161 = tpu.vector_load %arg6[%get3A] {strides = array<i32>} : memref<640xf32, #tpu.memory_space<vmem>>, vector<16xf32>,
      %mul3A_162 = arith.constant 16 : i32
      %mul3A_163 = arith.muli %add3A_158, %mul3A_162 : i32
      %get3A_164 = arith.index_cast %mul3A_163 : i32 to index
      %get3A_165 = tpu.vector_load %arg7[%get3A_164] {strides = array<i32>} : memref<640xf32, #tpu.memory_space<vmem>>, vector<16xf32>,
      %add3A_166 = arith.addf %get3A_161, %get3A_165 : vector<16xf32>
      %mul3A_167 = arith.constant 16 : i32
      %mul3A_168 = arith.muli %add3A_158, %mul3A_167 : i32
      %swap3A = arith.index_cast %mul3A_168 : i32 to index
      %swap3A_169 = tpu.vector_load %arg6[%swap3A] {strides = array<i32>} : memref<640xf32, #tpu.memory_space<vmem>>, vector<16xf32>,
      tpu.vector_store %arg6[%swap3A], %add3A_166 {strides = array<i32>} : memref<640xf32, #tpu.memory_space<vmem>>, vector<16xf32>,
    }
    %scan3A_138 = arith.constant 40 : i32
    %mul3A_139 = arith.constant 640 : i32
    %mul3A_140 = arith.muli %arg1, %mul3A_139 : i32
    %run_scoped3A_141 = arith.constant 15 : i32
    "tpu.region"() ({
      %run_scoped3A_154 = tpu.sem_alloc : memref<!tpu.dma_semaphore, #tpu.memory_space<semaphore_mem>>
      %dma_start3A = tpu.memref_slice %arg9[%run_scoped3A_141, %mul3A_140] : memref<16x10240xf32, #tpu.memory_space<vmem_shared>> -> memref<1x640xf32, #tpu.memory_space<vmem_shared>>
      %dma_start3A_155 = tpu.memref_squeeze %dma_start3A : memref<1x640xf32, #tpu.memory_space<vmem_shared>> -> memref<640xf32, #tpu.memory_space<vmem_shared>>
      %dma_start3A_156 = tpu.memref_slice %arg9[%run_scoped3A_141, %mul3A_140] : memref<16x10240xf32, #tpu.memory_space<vmem_shared>> -> memref<1x640xf32, #tpu.memory_space<vmem_shared>>
      %dma_start3A_157 = tpu.memref_squeeze %dma_start3A_156 : memref<1x640xf32, #tpu.memory_space<vmem_shared>> -> memref<640xf32, #tpu.memory_space<vmem_shared>>
      tpu.enqueue_dma source(%dma_start3A_157 : memref<640xf32, #tpu.memory_space<vmem_shared>>) target(%arg7 : memref<640xf32, #tpu.memory_space<vmem>>) target_semaphore(%run_scoped3A_154 : memref<!tpu.dma_semaphore, #tpu.memory_space<semaphore_mem>>)
      %dma_wait3A = tpu.memref_slice %arg9[%run_scoped3A_141, %mul3A_140] : memref<16x10240xf32, #tpu.memory_space<vmem_shared>> -> memref<1x640xf32, #tpu.memory_space<vmem_shared>>
      %dma_wait3A_158 = tpu.memref_squeeze %dma_wait3A : memref<1x640xf32, #tpu.memory_space<vmem_shared>> -> memref<640xf32, #tpu.memory_space<vmem_shared>>
      %dma_wait3A_159 = tpu.memref_slice %arg9[%run_scoped3A_141, %mul3A_140] : memref<16x10240xf32, #tpu.memory_space<vmem_shared>> -> memref<1x640xf32, #tpu.memory_space<vmem_shared>>
      %dma_wait3A_160 = tpu.memref_squeeze %dma_wait3A_159 : memref<1x640xf32, #tpu.memory_space<vmem_shared>> -> memref<640xf32, #tpu.memory_space<vmem_shared>>
      tpu.wait_dma2 semaphore(%run_scoped3A_154 : memref<!tpu.dma_semaphore, #tpu.memory_space<semaphore_mem>>) src(%dma_wait3A_160 : memref<640xf32, #tpu.memory_space<vmem_shared>>) dst(%arg7 : memref<640xf32, #tpu.memory_space<vmem>>)
      tpu.yield
    }) : () -> ()
    %scan3A_142 = arith.constant 0 : i32
    %scan3A_143 = arith.constant 40 : i32
    %scan3A_144 = arith.addi %scan3A_142, %scan3A_143 : i32
    %scan3A_145 = arith.constant 1 : i32
    scf.for %scan3A_154 = %scan3A_142 to %scan3A_144 step %scan3A_145  : i32 {
      %mul3A_155 = arith.constant 1 : i32
      %mul3A_156 = arith.muli %scan3A_154, %mul3A_155 : i32
      %add3A_157 = arith.constant 0 : i32
      %add3A_158 = arith.addi %add3A_157, %mul3A_156 : i32
      %mul3A_159 = arith.constant 16 : i32
      %mul3A_160 = arith.muli %add3A_158, %mul3A_159 : i32
      %get3A = arith.index_cast %mul3A_160 : i32 to index
      %get3A_161 = tpu.vector_load %arg6[%get3A] {strides = array<i32>} : memref<640xf32, #tpu.memory_space<vmem>>, vector<16xf32>,
      %mul3A_162 = arith.constant 16 : i32
      %mul3A_163 = arith.muli %add3A_158, %mul3A_162 : i32
      %get3A_164 = arith.index_cast %mul3A_163 : i32 to index
      %get3A_165 = tpu.vector_load %arg7[%get3A_164] {strides = array<i32>} : memref<640xf32, #tpu.memory_space<vmem>>, vector<16xf32>,
      %add3A_166 = arith.addf %get3A_161, %get3A_165 : vector<16xf32>
      %mul3A_167 = arith.constant 16 : i32
      %mul3A_168 = arith.muli %add3A_158, %mul3A_167 : i32
      %swap3A = arith.index_cast %mul3A_168 : i32 to index
      %swap3A_169 = tpu.vector_load %arg6[%swap3A] {strides = array<i32>} : memref<640xf32, #tpu.memory_space<vmem>>, vector<16xf32>,
      tpu.vector_store %arg6[%swap3A], %add3A_166 {strides = array<i32>} : memref<640xf32, #tpu.memory_space<vmem>>, vector<16xf32>,
    }
    %scan3A_146 = arith.constant 40 : i32
    %scan3A_147 = arith.constant 0 : i32
    %scan3A_148 = arith.constant 40 : i32
    %scan3A_149 = arith.addi %scan3A_147, %scan3A_148 : i32
    %scan3A_150 = arith.constant 1 : i32
    scf.for %scan3A_154 = %scan3A_147 to %scan3A_149 step %scan3A_150  : i32 {
      %mul3A_155 = arith.constant 1 : i32
      %mul3A_156 = arith.muli %scan3A_154, %mul3A_155 : i32
      %add3A_157 = arith.constant 0 : i32
      %add3A_158 = arith.addi %add3A_157, %mul3A_156 : i32
      %mul3A_159 = arith.constant 16 : i32
      %mul3A_160 = arith.muli %add3A_158, %mul3A_159 : i32
      %get3A = arith.index_cast %mul3A_160 : i32 to index
      %get3A_161 = tpu.vector_load %arg6[%get3A] {strides = array<i32>} : memref<640xf32, #tpu.memory_space<vmem>>, vector<16xf32>,
      %slice3A = vector.extract_strided_slice %get3A_161 {offsets = [0], sizes = [1], strides = [1]} : vector<16xf32> to vector<1xf32>
      %squeeze3A = vector.extract %slice3A[0] : f32 from vector<1xf32>
      %broadcast_in_dim3A_162 = vector.broadcast %squeeze3A : f32 to vector<16xf32>
      %mul3A_163 = arith.constant 16 : i32
      %mul3A_164 = arith.muli %add3A_158, %mul3A_163 : i32
      %add3A_165 = arith.constant 0 : i32
      %add3A_166 = arith.addi %mul3A_164, %add3A_165 : i32
      %swap3A = arith.index_cast %add3A_166 : i32 to index
      %swap3A_167 = arith.constant 0 : index
      %swap3A_168 = tpu.vector_load %arg8[%swap3A, %swap3A_167] {strides = array<i32>} : memref<640x16xf32, #tpu.memory_space<vmem>>, vector<16xf32>,
      tpu.vector_store %arg8[%swap3A, %swap3A_167], %broadcast_in_dim3A_162 {strides = array<i32>} : memref<640x16xf32, #tpu.memory_space<vmem>>, vector<16xf32>,
      %slice3A_169 = vector.extract_strided_slice %get3A_161 {offsets = [1], sizes = [1], strides = [1]} : vector<16xf32> to vector<1xf32>
      %squeeze3A_170 = vector.extract %slice3A_169[0] : f32 from vector<1xf32>
      %broadcast_in_dim3A_171 = vector.broadcast %squeeze3A_170 : f32 to vector<16xf32>
      %mul3A_172 = arith.constant 16 : i32
      %mul3A_173 = arith.muli %add3A_158, %mul3A_172 : i32
      %add3A_174 = arith.constant 1 : i32
      %add3A_175 = arith.addi %mul3A_173, %add3A_174 : i32
      %swap3A_176 = arith.index_cast %add3A_175 : i32 to index
      %swap3A_177 = arith.constant 0 : index
      %swap3A_178 = tpu.vector_load %arg8[%swap3A_176, %swap3A_177] {strides = array<i32>} : memref<640x16xf32, #tpu.memory_space<vmem>>, vector<16xf32>,
      tpu.vector_store %arg8[%swap3A_176, %swap3A_177], %broadcast_in_dim3A_171 {strides = array<i32>} : memref<640x16xf32, #tpu.memory_space<vmem>>, vector<16xf32>,
      %slice3A_179 = vector.extract_strided_slice %get3A_161 {offsets = [2], sizes = [1], strides = [1]} : vector<16xf32> to vector<1xf32>
      %squeeze3A_180 = vector.extract %slice3A_179[0] : f32 from vector<1xf32>
      %broadcast_in_dim3A_181 = vector.broadcast %squeeze3A_180 : f32 to vector<16xf32>
      %mul3A_182 = arith.constant 16 : i32
      %mul3A_183 = arith.muli %add3A_158, %mul3A_182 : i32
      %add3A_184 = arith.constant 2 : i32
      %add3A_185 = arith.addi %mul3A_183, %add3A_184 : i32
      %swap3A_186 = arith.index_cast %add3A_185 : i32 to index
      %swap3A_187 = arith.constant 0 : index
      %swap3A_188 = tpu.vector_load %arg8[%swap3A_186, %swap3A_187] {strides = array<i32>} : memref<640x16xf32, #tpu.memory_space<vmem>>, vector<16xf32>,
      tpu.vector_store %arg8[%swap3A_186, %swap3A_187], %broadcast_in_dim3A_181 {strides = array<i32>} : memref<640x16xf32, #tpu.memory_space<vmem>>, vector<16xf32>,
      %slice3A_189 = vector.extract_strided_slice %get3A_161 {offsets = [3], sizes = [1], strides = [1]} : vector<16xf32> to vector<1xf32>
      %squeeze3A_190 = vector.extract %slice3A_189[0] : f32 from vector<1xf32>
      %broadcast_in_dim3A_191 = vector.broadcast %squeeze3A_190 : f32 to vector<16xf32>
      %mul3A_192 = arith.constant 16 : i32
      %mul3A_193 = arith.muli %add3A_158, %mul3A_192 : i32
      %add3A_194 = arith.constant 3 : i32
      %add3A_195 = arith.addi %mul3A_193, %add3A_194 : i32
      %swap3A_196 = arith.index_cast %add3A_195 : i32 to index
      %swap3A_197 = arith.constant 0 : index
      %swap3A_198 = tpu.vector_load %arg8[%swap3A_196, %swap3A_197] {strides = array<i32>} : memref<640x16xf32, #tpu.memory_space<vmem>>, vector<16xf32>,
      tpu.vector_store %arg8[%swap3A_196, %swap3A_197], %broadcast_in_dim3A_191 {strides = array<i32>} : memref<640x16xf32, #tpu.memory_space<vmem>>, vector<16xf32>,
      %slice3A_199 = vector.extract_strided_slice %get3A_161 {offsets = [4], sizes = [1], strides = [1]} : vector<16xf32> to vector<1xf32>
      %squeeze3A_200 = vector.extract %slice3A_199[0] : f32 from vector<1xf32>
      %broadcast_in_dim3A_201 = vector.broadcast %squeeze3A_200 : f32 to vector<16xf32>
      %mul3A_202 = arith.constant 16 : i32
      %mul3A_203 = arith.muli %add3A_158, %mul3A_202 : i32
      %add3A_204 = arith.constant 4 : i32
      %add3A_205 = arith.addi %mul3A_203, %add3A_204 : i32
      %swap3A_206 = arith.index_cast %add3A_205 : i32 to index
      %swap3A_207 = arith.constant 0 : index
      %swap3A_208 = tpu.vector_load %arg8[%swap3A_206, %swap3A_207] {strides = array<i32>} : memref<640x16xf32, #tpu.memory_space<vmem>>, vector<16xf32>,
      tpu.vector_store %arg8[%swap3A_206, %swap3A_207], %broadcast_in_dim3A_201 {strides = array<i32>} : memref<640x16xf32, #tpu.memory_space<vmem>>, vector<16xf32>,
      %slice3A_209 = vector.extract_strided_slice %get3A_161 {offsets = [5], sizes = [1], strides = [1]} : vector<16xf32> to vector<1xf32>
      %squeeze3A_210 = vector.extract %slice3A_209[0] : f32 from vector<1xf32>
      %broadcast_in_dim3A_211 = vector.broadcast %squeeze3A_210 : f32 to vector<16xf32>
      %mul3A_212 = arith.constant 16 : i32
      %mul3A_213 = arith.muli %add3A_158, %mul3A_212 : i32
      %add3A_214 = arith.constant 5 : i32
      %add3A_215 = arith.addi %mul3A_213, %add3A_214 : i32
      %swap3A_216 = arith.index_cast %add3A_215 : i32 to index
      %swap3A_217 = arith.constant 0 : index
      %swap3A_218 = tpu.vector_load %arg8[%swap3A_216, %swap3A_217] {strides = array<i32>} : memref<640x16xf32, #tpu.memory_space<vmem>>, vector<16xf32>,
      tpu.vector_store %arg8[%swap3A_216, %swap3A_217], %broadcast_in_dim3A_211 {strides = array<i32>} : memref<640x16xf32, #tpu.memory_space<vmem>>, vector<16xf32>,
      %slice3A_219 = vector.extract_strided_slice %get3A_161 {offsets = [6], sizes = [1], strides = [1]} : vector<16xf32> to vector<1xf32>
      %squeeze3A_220 = vector.extract %slice3A_219[0] : f32 from vector<1xf32>
      %broadcast_in_dim3A_221 = vector.broadcast %squeeze3A_220 : f32 to vector<16xf32>
      %mul3A_222 = arith.constant 16 : i32
      %mul3A_223 = arith.muli %add3A_158, %mul3A_222 : i32
      %add3A_224 = arith.constant 6 : i32
      %add3A_225 = arith.addi %mul3A_223, %add3A_224 : i32
      %swap3A_226 = arith.index_cast %add3A_225 : i32 to index
      %swap3A_227 = arith.constant 0 : index
      %swap3A_228 = tpu.vector_load %arg8[%swap3A_226, %swap3A_227] {strides = array<i32>} : memref<640x16xf32, #tpu.memory_space<vmem>>, vector<16xf32>,
      tpu.vector_store %arg8[%swap3A_226, %swap3A_227], %broadcast_in_dim3A_221 {strides = array<i32>} : memref<640x16xf32, #tpu.memory_space<vmem>>, vector<16xf32>,
      %slice3A_229 = vector.extract_strided_slice %get3A_161 {offsets = [7], sizes = [1], strides = [1]} : vector<16xf32> to vector<1xf32>
      %squeeze3A_230 = vector.extract %slice3A_229[0] : f32 from vector<1xf32>
      %broadcast_in_dim3A_231 = vector.broadcast %squeeze3A_230 : f32 to vector<16xf32>
      %mul3A_232 = arith.constant 16 : i32
      %mul3A_233 = arith.muli %add3A_158, %mul3A_232 : i32
      %add3A_234 = arith.constant 7 : i32
      %add3A_235 = arith.addi %mul3A_233, %add3A_234 : i32
      %swap3A_236 = arith.index_cast %add3A_235 : i32 to index
      %swap3A_237 = arith.constant 0 : index
      %swap3A_238 = tpu.vector_load %arg8[%swap3A_236, %swap3A_237] {strides = array<i32>} : memref<640x16xf32, #tpu.memory_space<vmem>>, vector<16xf32>,
      tpu.vector_store %arg8[%swap3A_236, %swap3A_237], %broadcast_in_dim3A_231 {strides = array<i32>} : memref<640x16xf32, #tpu.memory_space<vmem>>, vector<16xf32>,
      %slice3A_239 = vector.extract_strided_slice %get3A_161 {offsets = [8], sizes = [1], strides = [1]} : vector<16xf32> to vector<1xf32>
      %squeeze3A_240 = vector.extract %slice3A_239[0] : f32 from vector<1xf32>
      %broadcast_in_dim3A_241 = vector.broadcast %squeeze3A_240 : f32 to vector<16xf32>
      %mul3A_242 = arith.constant 16 : i32
      %mul3A_243 = arith.muli %add3A_158, %mul3A_242 : i32
      %add3A_244 = arith.constant 8 : i32
      %add3A_245 = arith.addi %mul3A_243, %add3A_244 : i32
      %swap3A_246 = arith.index_cast %add3A_245 : i32 to index
      %swap3A_247 = arith.constant 0 : index
      %swap3A_248 = tpu.vector_load %arg8[%swap3A_246, %swap3A_247] {strides = array<i32>} : memref<640x16xf32, #tpu.memory_space<vmem>>, vector<16xf32>,
      tpu.vector_store %arg8[%swap3A_246, %swap3A_247], %broadcast_in_dim3A_241 {strides = array<i32>} : memref<640x16xf32, #tpu.memory_space<vmem>>, vector<16xf32>,
      %slice3A_249 = vector.extract_strided_slice %get3A_161 {offsets = [9], sizes = [1], strides = [1]} : vector<16xf32> to vector<1xf32>
      %squeeze3A_250 = vector.extract %slice3A_249[0] : f32 from vector<1xf32>
      %broadcast_in_dim3A_251 = vector.broadcast %squeeze3A_250 : f32 to vector<16xf32>
      %mul3A_252 = arith.constant 16 : i32
      %mul3A_253 = arith.muli %add3A_158, %mul3A_252 : i32
      %add3A_254 = arith.constant 9 : i32
      %add3A_255 = arith.addi %mul3A_253, %add3A_254 : i32
      %swap3A_256 = arith.index_cast %add3A_255 : i32 to index
      %swap3A_257 = arith.constant 0 : index
      %swap3A_258 = tpu.vector_load %arg8[%swap3A_256, %swap3A_257] {strides = array<i32>} : memref<640x16xf32, #tpu.memory_space<vmem>>, vector<16xf32>,
      tpu.vector_store %arg8[%swap3A_256, %swap3A_257], %broadcast_in_dim3A_251 {strides = array<i32>} : memref<640x16xf32, #tpu.memory_space<vmem>>, vector<16xf32>,
      %slice3A_259 = vector.extract_strided_slice %get3A_161 {offsets = [10], sizes = [1], strides = [1]} : vector<16xf32> to vector<1xf32>
      %squeeze3A_260 = vector.extract %slice3A_259[0] : f32 from vector<1xf32>
      %broadcast_in_dim3A_261 = vector.broadcast %squeeze3A_260 : f32 to vector<16xf32>
      %mul3A_262 = arith.constant 16 : i32
      %mul3A_263 = arith.muli %add3A_158, %mul3A_262 : i32
      %add3A_264 = arith.constant 10 : i32
      %add3A_265 = arith.addi %mul3A_263, %add3A_264 : i32
      %swap3A_266 = arith.index_cast %add3A_265 : i32 to index
      %swap3A_267 = arith.constant 0 : index
      %swap3A_268 = tpu.vector_load %arg8[%swap3A_266, %swap3A_267] {strides = array<i32>} : memref<640x16xf32, #tpu.memory_space<vmem>>, vector<16xf32>,
      tpu.vector_store %arg8[%swap3A_266, %swap3A_267], %broadcast_in_dim3A_261 {strides = array<i32>} : memref<640x16xf32, #tpu.memory_space<vmem>>, vector<16xf32>,
      %slice3A_269 = vector.extract_strided_slice %get3A_161 {offsets = [11], sizes = [1], strides = [1]} : vector<16xf32> to vector<1xf32>
      %squeeze3A_270 = vector.extract %slice3A_269[0] : f32 from vector<1xf32>
      %broadcast_in_dim3A_271 = vector.broadcast %squeeze3A_270 : f32 to vector<16xf32>
      %mul3A_272 = arith.constant 16 : i32
      %mul3A_273 = arith.muli %add3A_158, %mul3A_272 : i32
      %add3A_274 = arith.constant 11 : i32
      %add3A_275 = arith.addi %mul3A_273, %add3A_274 : i32
      %swap3A_276 = arith.index_cast %add3A_275 : i32 to index
      %swap3A_277 = arith.constant 0 : index
      %swap3A_278 = tpu.vector_load %arg8[%swap3A_276, %swap3A_277] {strides = array<i32>} : memref<640x16xf32, #tpu.memory_space<vmem>>, vector<16xf32>,
      tpu.vector_store %arg8[%swap3A_276, %swap3A_277], %broadcast_in_dim3A_271 {strides = array<i32>} : memref<640x16xf32, #tpu.memory_space<vmem>>, vector<16xf32>,
      %slice3A_279 = vector.extract_strided_slice %get3A_161 {offsets = [12], sizes = [1], strides = [1]} : vector<16xf32> to vector<1xf32>
      %squeeze3A_280 = vector.extract %slice3A_279[0] : f32 from vector<1xf32>
      %broadcast_in_dim3A_281 = vector.broadcast %squeeze3A_280 : f32 to vector<16xf32>
      %mul3A_282 = arith.constant 16 : i32
      %mul3A_283 = arith.muli %add3A_158, %mul3A_282 : i32
      %add3A_284 = arith.constant 12 : i32
      %add3A_285 = arith.addi %mul3A_283, %add3A_284 : i32
      %swap3A_286 = arith.index_cast %add3A_285 : i32 to index
      %swap3A_287 = arith.constant 0 : index
      %swap3A_288 = tpu.vector_load %arg8[%swap3A_286, %swap3A_287] {strides = array<i32>} : memref<640x16xf32, #tpu.memory_space<vmem>>, vector<16xf32>,
      tpu.vector_store %arg8[%swap3A_286, %swap3A_287], %broadcast_in_dim3A_281 {strides = array<i32>} : memref<640x16xf32, #tpu.memory_space<vmem>>, vector<16xf32>,
      %slice3A_289 = vector.extract_strided_slice %get3A_161 {offsets = [13], sizes = [1], strides = [1]} : vector<16xf32> to vector<1xf32>
      %squeeze3A_290 = vector.extract %slice3A_289[0] : f32 from vector<1xf32>
      %broadcast_in_dim3A_291 = vector.broadcast %squeeze3A_290 : f32 to vector<16xf32>
      %mul3A_292 = arith.constant 16 : i32
      %mul3A_293 = arith.muli %add3A_158, %mul3A_292 : i32
      %add3A_294 = arith.constant 13 : i32
      %add3A_295 = arith.addi %mul3A_293, %add3A_294 : i32
      %swap3A_296 = arith.index_cast %add3A_295 : i32 to index
      %swap3A_297 = arith.constant 0 : index
      %swap3A_298 = tpu.vector_load %arg8[%swap3A_296, %swap3A_297] {strides = array<i32>} : memref<640x16xf32, #tpu.memory_space<vmem>>, vector<16xf32>,
      tpu.vector_store %arg8[%swap3A_296, %swap3A_297], %broadcast_in_dim3A_291 {strides = array<i32>} : memref<640x16xf32, #tpu.memory_space<vmem>>, vector<16xf32>,
      %slice3A_299 = vector.extract_strided_slice %get3A_161 {offsets = [14], sizes = [1], strides = [1]} : vector<16xf32> to vector<1xf32>
      %squeeze3A_300 = vector.extract %slice3A_299[0] : f32 from vector<1xf32>
      %broadcast_in_dim3A_301 = vector.broadcast %squeeze3A_300 : f32 to vector<16xf32>
      %mul3A_302 = arith.constant 16 : i32
      %mul3A_303 = arith.muli %add3A_158, %mul3A_302 : i32
      %add3A_304 = arith.constant 14 : i32
      %add3A_305 = arith.addi %mul3A_303, %add3A_304 : i32
      %swap3A_306 = arith.index_cast %add3A_305 : i32 to index
      %swap3A_307 = arith.constant 0 : index
      %swap3A_308 = tpu.vector_load %arg8[%swap3A_306, %swap3A_307] {strides = array<i32>} : memref<640x16xf32, #tpu.memory_space<vmem>>, vector<16xf32>,
      tpu.vector_store %arg8[%swap3A_306, %swap3A_307], %broadcast_in_dim3A_301 {strides = array<i32>} : memref<640x16xf32, #tpu.memory_space<vmem>>, vector<16xf32>,
      %slice3A_309 = vector.extract_strided_slice %get3A_161 {offsets = [15], sizes = [1], strides = [1]} : vector<16xf32> to vector<1xf32>
      %squeeze3A_310 = vector.extract %slice3A_309[0] : f32 from vector<1xf32>
      %broadcast_in_dim3A_311 = vector.broadcast %squeeze3A_310 : f32 to vector<16xf32>
      %mul3A_312 = arith.constant 16 : i32
      %mul3A_313 = arith.muli %add3A_158, %mul3A_312 : i32
      %add3A_314 = arith.constant 15 : i32
      %add3A_315 = arith.addi %mul3A_313, %add3A_314 : i32
      %swap3A_316 = arith.index_cast %add3A_315 : i32 to index
      %swap3A_317 = arith.constant 0 : index
      %swap3A_318 = tpu.vector_load %arg8[%swap3A_316, %swap3A_317] {strides = array<i32>} : memref<640x16xf32, #tpu.memory_space<vmem>>, vector<16xf32>,
      tpu.vector_store %arg8[%swap3A_316, %swap3A_317], %broadcast_in_dim3A_311 {strides = array<i32>} : memref<640x16xf32, #tpu.memory_space<vmem>>, vector<16xf32>,
    }
    %scan3A_151 = arith.constant 40 : i32
    %mul3A_152 = arith.constant 640 : i32
    %mul3A_153 = arith.muli %arg1, %mul3A_152 : i32
    "tpu.region"() ({
      %run_scoped3A_154 = tpu.sem_alloc : memref<!tpu.dma_semaphore, #tpu.memory_space<semaphore_mem>>
      %dma_start3A = arith.constant 0 : i32
      %dma_start3A_155 = tpu.memref_slice %arg3[%arg0, %mul3A_153, %dma_start3A] : memref<2x10240x16xf32, #tpu.memory_space<hbm>> -> memref<1x640x16xf32, #tpu.memory_space<hbm>>
      %dma_start3A_156 = tpu.memref_squeeze %dma_start3A_155 : memref<1x640x16xf32, #tpu.memory_space<hbm>> -> memref<640x16xf32, #tpu.memory_space<hbm>>
      %dma_start3A_157 = arith.constant 0 : i32
      %dma_start3A_158 = tpu.memref_slice %arg3[%arg0, %mul3A_153, %dma_start3A_157] : memref<2x10240x16xf32, #tpu.memory_space<hbm>> -> memref<1x640x16xf32, #tpu.memory_space<hbm>>
      %dma_start3A_159 = tpu.memref_squeeze %dma_start3A_158 : memref<1x640x16xf32, #tpu.memory_space<hbm>> -> memref<640x16xf32, #tpu.memory_space<hbm>>
      tpu.enqueue_dma source(%arg8 : memref<640x16xf32, #tpu.memory_space<vmem>>) target(%dma_start3A_159 : memref<640x16xf32, #tpu.memory_space<hbm>>) target_semaphore(%run_scoped3A_154 : memref<!tpu.dma_semaphore, #tpu.memory_space<semaphore_mem>>)
      %dma_wait3A = arith.constant 0 : i32
      %dma_wait3A_160 = tpu.memref_slice %arg3[%arg0, %mul3A_153, %dma_wait3A] : memref<2x10240x16xf32, #tpu.memory_space<hbm>> -> memref<1x640x16xf32, #tpu.memory_space<hbm>>
      %dma_wait3A_161 = tpu.memref_squeeze %dma_wait3A_160 : memref<1x640x16xf32, #tpu.memory_space<hbm>> -> memref<640x16xf32, #tpu.memory_space<hbm>>
      %dma_wait3A_162 = arith.constant 0 : i32
      %dma_wait3A_163 = tpu.memref_slice %arg3[%arg0, %mul3A_153, %dma_wait3A_162] : memref<2x10240x16xf32, #tpu.memory_space<hbm>> -> memref<1x640x16xf32, #tpu.memory_space<hbm>>
      %dma_wait3A_164 = tpu.memref_squeeze %dma_wait3A_163 : memref<1x640x16xf32, #tpu.memory_space<hbm>> -> memref<640x16xf32, #tpu.memory_space<hbm>>
      tpu.wait_dma2 semaphore(%run_scoped3A_154 : memref<!tpu.dma_semaphore, #tpu.memory_space<semaphore_mem>>) src(%arg8 : memref<640x16xf32, #tpu.memory_space<vmem>>) dst(%dma_wait3A_164 : memref<640x16xf32, #tpu.memory_space<hbm>>)
      tpu.yield
    }) : () -> ()
    return
  }
}

#map = affine_map<(d0, d1) -> (0, 0)>
#map1 = affine_map<(d0, d1) -> (0, 0, 0)>
module attributes {stable_mosaic.version = 14 : i64} {
  func.func @_agg_kernel(%arg0: i32, %arg1: i32, %arg2: memref<2560x128xi32, #tpu.memory_space<hbm>>, %arg3: memref<2560x128xi32, #tpu.memory_space<hbm>>, %arg4: memref<10240x128xf32, #tpu.memory_space<hbm>>, %arg5: memref<2x10240x128xf32, #tpu.memory_space<hbm>>, %arg6: memref<80x128xi32, #tpu.memory_space<vmem>>, %arg7: memref<2x128xi32, #tpu.memory_space<vmem>>, %arg8: memref<2x128x128xf32, #tpu.memory_space<vmem>>, %arg9: memref<10240x128xf32, #tpu.memory_space<vmem_shared>>, %arg10: memref<!tpu.dma_semaphore, #tpu.memory_space<semaphore_mem>>, %arg11: memref<!tpu.dma_semaphore, #tpu.memory_space<semaphore_mem>>, %arg12: memref<!tpu.dma_semaphore, #tpu.memory_space<semaphore_mem>>, %arg13: memref<!tpu.dma_semaphore, #tpu.memory_space<semaphore_mem>>) attributes {dimension_semantics = [#tpu.dimension_semantics<core_parallel>, #tpu.dimension_semantics<subcore_parallel>], iteration_bounds = array<i64: 2, 16>, scalar_prefetch = 0 : i64, scratch_operands = 8 : i64, tpu.core_type = #tpu.core_type<sc_vector_subcore>, window_params = [{transform_indices = #map}, {transform_indices = #map}, {transform_indices = #map}, {transform_indices = #map1}]} {
    %mul3A = arith.constant 2 : i32
    %mul3A_0 = arith.muli %arg1, %mul3A : i32
    %add3A = arith.addi %mul3A_0, %arg0 : i32
    %mul3A_1 = arith.constant 80 : i32
    %mul3A_2 = arith.muli %add3A, %mul3A_1 : i32
    "tpu.region"() ({
      %run_scoped3A_170 = tpu.sem_alloc : memref<!tpu.dma_semaphore, #tpu.memory_space<semaphore_mem>>
      %dma_start3A_171 = arith.constant 0 : i32
      %dma_start3A_172 = tpu.memref_slice %arg2[%mul3A_2, %dma_start3A_171] : memref<2560x128xi32, #tpu.memory_space<hbm>> -> memref<80x128xi32, #tpu.memory_space<hbm>>
      %dma_start3A_173 = arith.constant 0 : i32
      %dma_start3A_174 = tpu.memref_slice %arg2[%mul3A_2, %dma_start3A_173] : memref<2560x128xi32, #tpu.memory_space<hbm>> -> memref<80x128xi32, #tpu.memory_space<hbm>>
      tpu.enqueue_dma source(%dma_start3A_174 : memref<80x128xi32, #tpu.memory_space<hbm>>) target(%arg6 : memref<80x128xi32, #tpu.memory_space<vmem>>) target_semaphore(%run_scoped3A_170 : memref<!tpu.dma_semaphore, #tpu.memory_space<semaphore_mem>>)
      %dma_wait3A_175 = arith.constant 0 : i32
      %dma_wait3A_176 = tpu.memref_slice %arg2[%mul3A_2, %dma_wait3A_175] : memref<2560x128xi32, #tpu.memory_space<hbm>> -> memref<80x128xi32, #tpu.memory_space<hbm>>
      %dma_wait3A_177 = arith.constant 0 : i32
      %dma_wait3A_178 = tpu.memref_slice %arg2[%mul3A_2, %dma_wait3A_177] : memref<2560x128xi32, #tpu.memory_space<hbm>> -> memref<80x128xi32, #tpu.memory_space<hbm>>
      tpu.wait_dma2 semaphore(%run_scoped3A_170 : memref<!tpu.dma_semaphore, #tpu.memory_space<semaphore_mem>>) src(%dma_wait3A_178 : memref<80x128xi32, #tpu.memory_space<hbm>>) dst(%arg6 : memref<80x128xi32, #tpu.memory_space<vmem>>)
      tpu.yield
    }) : () -> ()
    %broadcast_in_dim3A = arith.constant 0.000000e+00 : f32
    %broadcast_in_dim3A_3 = vector.broadcast %broadcast_in_dim3A : f32 to vector<16xf32>
    %scan3A = arith.constant 0 : i32
    %scan3A_4 = arith.constant 128 : i32
    %scan3A_5 = arith.addi %scan3A, %scan3A_4 : i32
    %scan3A_6 = arith.constant 1 : i32
    scf.for %scan3A_170 = %scan3A to %scan3A_5 step %scan3A_6  : i32 {
      %mul3A_171 = arith.constant 1 : i32
      %mul3A_172 = arith.muli %scan3A_170, %mul3A_171 : i32
      %add3A_173 = arith.constant 0 : i32
      %add3A_174 = arith.addi %add3A_173, %mul3A_172 : i32
      %swap3A = arith.constant 0 : i32
      %swap3A_175 = arith.index_cast %swap3A : i32 to index
      %swap3A_176 = arith.index_cast %add3A_174 : i32 to index
      %swap3A_177 = arith.constant 0 : index
      %swap3A_178 = tpu.vector_load %arg8[%swap3A_175, %swap3A_176, %swap3A_177] {strides = array<i32>} : memref<2x128x128xf32, #tpu.memory_space<vmem>>, vector<1x1x16xf32>,
      %swap3A_179 = vector.shape_cast %swap3A_178 : vector<1x1x16xf32> to vector<16xf32>
      %swap3A_180 = vector.shape_cast %broadcast_in_dim3A_3 : vector<16xf32> to vector<1x1x16xf32>
      tpu.vector_store %arg8[%swap3A_175, %swap3A_176, %swap3A_177], %swap3A_180 {strides = array<i32>} : memref<2x128x128xf32, #tpu.memory_space<vmem>>, vector<1x1x16xf32>,
      %swap3A_181 = arith.constant 0 : i32
      %swap3A_182 = arith.index_cast %swap3A_181 : i32 to index
      %swap3A_183 = arith.index_cast %add3A_174 : i32 to index
      %swap3A_184 = arith.constant 16 : index
      %swap3A_185 = tpu.vector_load %arg8[%swap3A_182, %swap3A_183, %swap3A_184] {strides = array<i32>} : memref<2x128x128xf32, #tpu.memory_space<vmem>>, vector<1x1x16xf32>,
      %swap3A_186 = vector.shape_cast %swap3A_185 : vector<1x1x16xf32> to vector<16xf32>
      %swap3A_187 = vector.shape_cast %broadcast_in_dim3A_3 : vector<16xf32> to vector<1x1x16xf32>
      tpu.vector_store %arg8[%swap3A_182, %swap3A_183, %swap3A_184], %swap3A_187 {strides = array<i32>} : memref<2x128x128xf32, #tpu.memory_space<vmem>>, vector<1x1x16xf32>,
      %swap3A_188 = arith.constant 0 : i32
      %swap3A_189 = arith.index_cast %swap3A_188 : i32 to index
      %swap3A_190 = arith.index_cast %add3A_174 : i32 to index
      %swap3A_191 = arith.constant 32 : index
      %swap3A_192 = tpu.vector_load %arg8[%swap3A_189, %swap3A_190, %swap3A_191] {strides = array<i32>} : memref<2x128x128xf32, #tpu.memory_space<vmem>>, vector<1x1x16xf32>,
      %swap3A_193 = vector.shape_cast %swap3A_192 : vector<1x1x16xf32> to vector<16xf32>
      %swap3A_194 = vector.shape_cast %broadcast_in_dim3A_3 : vector<16xf32> to vector<1x1x16xf32>
      tpu.vector_store %arg8[%swap3A_189, %swap3A_190, %swap3A_191], %swap3A_194 {strides = array<i32>} : memref<2x128x128xf32, #tpu.memory_space<vmem>>, vector<1x1x16xf32>,
      %swap3A_195 = arith.constant 0 : i32
      %swap3A_196 = arith.index_cast %swap3A_195 : i32 to index
      %swap3A_197 = arith.index_cast %add3A_174 : i32 to index
      %swap3A_198 = arith.constant 48 : index
      %swap3A_199 = tpu.vector_load %arg8[%swap3A_196, %swap3A_197, %swap3A_198] {strides = array<i32>} : memref<2x128x128xf32, #tpu.memory_space<vmem>>, vector<1x1x16xf32>,
      %swap3A_200 = vector.shape_cast %swap3A_199 : vector<1x1x16xf32> to vector<16xf32>
      %swap3A_201 = vector.shape_cast %broadcast_in_dim3A_3 : vector<16xf32> to vector<1x1x16xf32>
      tpu.vector_store %arg8[%swap3A_196, %swap3A_197, %swap3A_198], %swap3A_201 {strides = array<i32>} : memref<2x128x128xf32, #tpu.memory_space<vmem>>, vector<1x1x16xf32>,
      %swap3A_202 = arith.constant 0 : i32
      %swap3A_203 = arith.index_cast %swap3A_202 : i32 to index
      %swap3A_204 = arith.index_cast %add3A_174 : i32 to index
      %swap3A_205 = arith.constant 64 : index
      %swap3A_206 = tpu.vector_load %arg8[%swap3A_203, %swap3A_204, %swap3A_205] {strides = array<i32>} : memref<2x128x128xf32, #tpu.memory_space<vmem>>, vector<1x1x16xf32>,
      %swap3A_207 = vector.shape_cast %swap3A_206 : vector<1x1x16xf32> to vector<16xf32>
      %swap3A_208 = vector.shape_cast %broadcast_in_dim3A_3 : vector<16xf32> to vector<1x1x16xf32>
      tpu.vector_store %arg8[%swap3A_203, %swap3A_204, %swap3A_205], %swap3A_208 {strides = array<i32>} : memref<2x128x128xf32, #tpu.memory_space<vmem>>, vector<1x1x16xf32>,
      %swap3A_209 = arith.constant 0 : i32
      %swap3A_210 = arith.index_cast %swap3A_209 : i32 to index
      %swap3A_211 = arith.index_cast %add3A_174 : i32 to index
      %swap3A_212 = arith.constant 80 : index
      %swap3A_213 = tpu.vector_load %arg8[%swap3A_210, %swap3A_211, %swap3A_212] {strides = array<i32>} : memref<2x128x128xf32, #tpu.memory_space<vmem>>, vector<1x1x16xf32>,
      %swap3A_214 = vector.shape_cast %swap3A_213 : vector<1x1x16xf32> to vector<16xf32>
      %swap3A_215 = vector.shape_cast %broadcast_in_dim3A_3 : vector<16xf32> to vector<1x1x16xf32>
      tpu.vector_store %arg8[%swap3A_210, %swap3A_211, %swap3A_212], %swap3A_215 {strides = array<i32>} : memref<2x128x128xf32, #tpu.memory_space<vmem>>, vector<1x1x16xf32>,
      %swap3A_216 = arith.constant 0 : i32
      %swap3A_217 = arith.index_cast %swap3A_216 : i32 to index
      %swap3A_218 = arith.index_cast %add3A_174 : i32 to index
      %swap3A_219 = arith.constant 96 : index
      %swap3A_220 = tpu.vector_load %arg8[%swap3A_217, %swap3A_218, %swap3A_219] {strides = array<i32>} : memref<2x128x128xf32, #tpu.memory_space<vmem>>, vector<1x1x16xf32>,
      %swap3A_221 = vector.shape_cast %swap3A_220 : vector<1x1x16xf32> to vector<16xf32>
      %swap3A_222 = vector.shape_cast %broadcast_in_dim3A_3 : vector<16xf32> to vector<1x1x16xf32>
      tpu.vector_store %arg8[%swap3A_217, %swap3A_218, %swap3A_219], %swap3A_222 {strides = array<i32>} : memref<2x128x128xf32, #tpu.memory_space<vmem>>, vector<1x1x16xf32>,
      %swap3A_223 = arith.constant 0 : i32
      %swap3A_224 = arith.index_cast %swap3A_223 : i32 to index
      %swap3A_225 = arith.index_cast %add3A_174 : i32 to index
      %swap3A_226 = arith.constant 112 : index
      %swap3A_227 = tpu.vector_load %arg8[%swap3A_224, %swap3A_225, %swap3A_226] {strides = array<i32>} : memref<2x128x128xf32, #tpu.memory_space<vmem>>, vector<1x1x16xf32>,
      %swap3A_228 = vector.shape_cast %swap3A_227 : vector<1x1x16xf32> to vector<16xf32>
      %swap3A_229 = vector.shape_cast %broadcast_in_dim3A_3 : vector<16xf32> to vector<1x1x16xf32>
      tpu.vector_store %arg8[%swap3A_224, %swap3A_225, %swap3A_226], %swap3A_229 {strides = array<i32>} : memref<2x128x128xf32, #tpu.memory_space<vmem>>, vector<1x1x16xf32>,
    }
    %scan3A_7 = arith.constant 128 : i32
    %mul3A_8 = arith.constant 640 : i32
    %mul3A_9 = arith.muli %arg1, %mul3A_8 : i32
    %add3A_10 = arith.constant 0 : i32
    %add3A_11 = arith.addi %mul3A_9, %add3A_10 : i32
    %run_scoped3A = arith.constant 0 : i32
    "tpu.region"() ({
      %run_scoped3A_170 = tpu.sem_alloc : memref<!tpu.dma_semaphore, #tpu.memory_space<semaphore_mem>>
      %dma_start3A_171 = arith.constant 0 : i32
      %dma_start3A_172 = arith.constant 0 : i32
      %dma_start3A_173 = tpu.memref_slice %arg8[%run_scoped3A, %dma_start3A_171, %dma_start3A_172] : memref<2x128x128xf32, #tpu.memory_space<vmem>> -> memref<1x128x128xf32, #tpu.memory_space<vmem>>
      %dma_start3A_174 = tpu.memref_squeeze %dma_start3A_173 : memref<1x128x128xf32, #tpu.memory_space<vmem>> -> memref<128x128xf32, #tpu.memory_space<vmem>>
      %dma_start3A_175 = arith.constant 0 : i32
      %dma_start3A_176 = tpu.memref_slice %arg9[%add3A_11, %dma_start3A_175] : memref<10240x128xf32, #tpu.memory_space<vmem_shared>> -> memref<128x128xf32, #tpu.memory_space<vmem_shared>>
      %dma_start3A_177 = arith.constant 0 : i32
      %dma_start3A_178 = tpu.memref_slice %arg9[%add3A_11, %dma_start3A_177] : memref<10240x128xf32, #tpu.memory_space<vmem_shared>> -> memref<128x128xf32, #tpu.memory_space<vmem_shared>>
      %dma_start3A_179 = arith.constant 0 : i32
      %dma_start3A_180 = arith.constant 0 : i32
      %dma_start3A_181 = tpu.memref_slice %arg8[%run_scoped3A, %dma_start3A_179, %dma_start3A_180] : memref<2x128x128xf32, #tpu.memory_space<vmem>> -> memref<1x128x128xf32, #tpu.memory_space<vmem>>
      %dma_start3A_182 = tpu.memref_squeeze %dma_start3A_181 : memref<1x128x128xf32, #tpu.memory_space<vmem>> -> memref<128x128xf32, #tpu.memory_space<vmem>>
      tpu.enqueue_dma source(%dma_start3A_182 : memref<128x128xf32, #tpu.memory_space<vmem>>) target(%dma_start3A_178 : memref<128x128xf32, #tpu.memory_space<vmem_shared>>) target_semaphore(%run_scoped3A_170 : memref<!tpu.dma_semaphore, #tpu.memory_space<semaphore_mem>>)
      %dma_wait3A_183 = arith.constant 0 : i32
      %dma_wait3A_184 = arith.constant 0 : i32
      %dma_wait3A_185 = tpu.memref_slice %arg8[%run_scoped3A, %dma_wait3A_183, %dma_wait3A_184] : memref<2x128x128xf32, #tpu.memory_space<vmem>> -> memref<1x128x128xf32, #tpu.memory_space<vmem>>
      %dma_wait3A_186 = tpu.memref_squeeze %dma_wait3A_185 : memref<1x128x128xf32, #tpu.memory_space<vmem>> -> memref<128x128xf32, #tpu.memory_space<vmem>>
      %dma_wait3A_187 = arith.constant 0 : i32
      %dma_wait3A_188 = tpu.memref_slice %arg9[%add3A_11, %dma_wait3A_187] : memref<10240x128xf32, #tpu.memory_space<vmem_shared>> -> memref<128x128xf32, #tpu.memory_space<vmem_shared>>
      %dma_wait3A_189 = arith.constant 0 : i32
      %dma_wait3A_190 = tpu.memref_slice %arg9[%add3A_11, %dma_wait3A_189] : memref<10240x128xf32, #tpu.memory_space<vmem_shared>> -> memref<128x128xf32, #tpu.memory_space<vmem_shared>>
      %dma_wait3A_191 = arith.constant 0 : i32
      %dma_wait3A_192 = arith.constant 0 : i32
      %dma_wait3A_193 = tpu.memref_slice %arg8[%run_scoped3A, %dma_wait3A_191, %dma_wait3A_192] : memref<2x128x128xf32, #tpu.memory_space<vmem>> -> memref<1x128x128xf32, #tpu.memory_space<vmem>>
      %dma_wait3A_194 = tpu.memref_squeeze %dma_wait3A_193 : memref<1x128x128xf32, #tpu.memory_space<vmem>> -> memref<128x128xf32, #tpu.memory_space<vmem>>
      tpu.wait_dma2 semaphore(%run_scoped3A_170 : memref<!tpu.dma_semaphore, #tpu.memory_space<semaphore_mem>>) src(%dma_wait3A_194 : memref<128x128xf32, #tpu.memory_space<vmem>>) dst(%dma_wait3A_190 : memref<128x128xf32, #tpu.memory_space<vmem_shared>>)
      tpu.yield
    }) : () -> ()
    %mul3A_12 = arith.constant 640 : i32
    %mul3A_13 = arith.muli %arg1, %mul3A_12 : i32
    %add3A_14 = arith.constant 128 : i32
    %add3A_15 = arith.addi %mul3A_13, %add3A_14 : i32
    %run_scoped3A_16 = arith.constant 0 : i32
    "tpu.region"() ({
      %run_scoped3A_170 = tpu.sem_alloc : memref<!tpu.dma_semaphore, #tpu.memory_space<semaphore_mem>>
      %dma_start3A_171 = arith.constant 0 : i32
      %dma_start3A_172 = arith.constant 0 : i32
      %dma_start3A_173 = tpu.memref_slice %arg8[%run_scoped3A_16, %dma_start3A_171, %dma_start3A_172] : memref<2x128x128xf32, #tpu.memory_space<vmem>> -> memref<1x128x128xf32, #tpu.memory_space<vmem>>
      %dma_start3A_174 = tpu.memref_squeeze %dma_start3A_173 : memref<1x128x128xf32, #tpu.memory_space<vmem>> -> memref<128x128xf32, #tpu.memory_space<vmem>>
      %dma_start3A_175 = arith.constant 0 : i32
      %dma_start3A_176 = tpu.memref_slice %arg9[%add3A_15, %dma_start3A_175] : memref<10240x128xf32, #tpu.memory_space<vmem_shared>> -> memref<128x128xf32, #tpu.memory_space<vmem_shared>>
      %dma_start3A_177 = arith.constant 0 : i32
      %dma_start3A_178 = tpu.memref_slice %arg9[%add3A_15, %dma_start3A_177] : memref<10240x128xf32, #tpu.memory_space<vmem_shared>> -> memref<128x128xf32, #tpu.memory_space<vmem_shared>>
      %dma_start3A_179 = arith.constant 0 : i32
      %dma_start3A_180 = arith.constant 0 : i32
      %dma_start3A_181 = tpu.memref_slice %arg8[%run_scoped3A_16, %dma_start3A_179, %dma_start3A_180] : memref<2x128x128xf32, #tpu.memory_space<vmem>> -> memref<1x128x128xf32, #tpu.memory_space<vmem>>
      %dma_start3A_182 = tpu.memref_squeeze %dma_start3A_181 : memref<1x128x128xf32, #tpu.memory_space<vmem>> -> memref<128x128xf32, #tpu.memory_space<vmem>>
      tpu.enqueue_dma source(%dma_start3A_182 : memref<128x128xf32, #tpu.memory_space<vmem>>) target(%dma_start3A_178 : memref<128x128xf32, #tpu.memory_space<vmem_shared>>) target_semaphore(%run_scoped3A_170 : memref<!tpu.dma_semaphore, #tpu.memory_space<semaphore_mem>>)
      %dma_wait3A_183 = arith.constant 0 : i32
      %dma_wait3A_184 = arith.constant 0 : i32
      %dma_wait3A_185 = tpu.memref_slice %arg8[%run_scoped3A_16, %dma_wait3A_183, %dma_wait3A_184] : memref<2x128x128xf32, #tpu.memory_space<vmem>> -> memref<1x128x128xf32, #tpu.memory_space<vmem>>
      %dma_wait3A_186 = tpu.memref_squeeze %dma_wait3A_185 : memref<1x128x128xf32, #tpu.memory_space<vmem>> -> memref<128x128xf32, #tpu.memory_space<vmem>>
      %dma_wait3A_187 = arith.constant 0 : i32
      %dma_wait3A_188 = tpu.memref_slice %arg9[%add3A_15, %dma_wait3A_187] : memref<10240x128xf32, #tpu.memory_space<vmem_shared>> -> memref<128x128xf32, #tpu.memory_space<vmem_shared>>
      %dma_wait3A_189 = arith.constant 0 : i32
      %dma_wait3A_190 = tpu.memref_slice %arg9[%add3A_15, %dma_wait3A_189] : memref<10240x128xf32, #tpu.memory_space<vmem_shared>> -> memref<128x128xf32, #tpu.memory_space<vmem_shared>>
      %dma_wait3A_191 = arith.constant 0 : i32
      %dma_wait3A_192 = arith.constant 0 : i32
      %dma_wait3A_193 = tpu.memref_slice %arg8[%run_scoped3A_16, %dma_wait3A_191, %dma_wait3A_192] : memref<2x128x128xf32, #tpu.memory_space<vmem>> -> memref<1x128x128xf32, #tpu.memory_space<vmem>>
      %dma_wait3A_194 = tpu.memref_squeeze %dma_wait3A_193 : memref<1x128x128xf32, #tpu.memory_space<vmem>> -> memref<128x128xf32, #tpu.memory_space<vmem>>
      tpu.wait_dma2 semaphore(%run_scoped3A_170 : memref<!tpu.dma_semaphore, #tpu.memory_space<semaphore_mem>>) src(%dma_wait3A_194 : memref<128x128xf32, #tpu.memory_space<vmem>>) dst(%dma_wait3A_190 : memref<128x128xf32, #tpu.memory_space<vmem_shared>>)
      tpu.yield
    }) : () -> ()
    %mul3A_17 = arith.constant 640 : i32
    %mul3A_18 = arith.muli %arg1, %mul3A_17 : i32
    %add3A_19 = arith.constant 256 : i32
    %add3A_20 = arith.addi %mul3A_18, %add3A_19 : i32
    %run_scoped3A_21 = arith.constant 0 : i32
    "tpu.region"() ({
      %run_scoped3A_170 = tpu.sem_alloc : memref<!tpu.dma_semaphore, #tpu.memory_space<semaphore_mem>>
      %dma_start3A_171 = arith.constant 0 : i32
      %dma_start3A_172 = arith.constant 0 : i32
      %dma_start3A_173 = tpu.memref_slice %arg8[%run_scoped3A_21, %dma_start3A_171, %dma_start3A_172] : memref<2x128x128xf32, #tpu.memory_space<vmem>> -> memref<1x128x128xf32, #tpu.memory_space<vmem>>
      %dma_start3A_174 = tpu.memref_squeeze %dma_start3A_173 : memref<1x128x128xf32, #tpu.memory_space<vmem>> -> memref<128x128xf32, #tpu.memory_space<vmem>>
      %dma_start3A_175 = arith.constant 0 : i32
      %dma_start3A_176 = tpu.memref_slice %arg9[%add3A_20, %dma_start3A_175] : memref<10240x128xf32, #tpu.memory_space<vmem_shared>> -> memref<128x128xf32, #tpu.memory_space<vmem_shared>>
      %dma_start3A_177 = arith.constant 0 : i32
      %dma_start3A_178 = tpu.memref_slice %arg9[%add3A_20, %dma_start3A_177] : memref<10240x128xf32, #tpu.memory_space<vmem_shared>> -> memref<128x128xf32, #tpu.memory_space<vmem_shared>>
      %dma_start3A_179 = arith.constant 0 : i32
      %dma_start3A_180 = arith.constant 0 : i32
      %dma_start3A_181 = tpu.memref_slice %arg8[%run_scoped3A_21, %dma_start3A_179, %dma_start3A_180] : memref<2x128x128xf32, #tpu.memory_space<vmem>> -> memref<1x128x128xf32, #tpu.memory_space<vmem>>
      %dma_start3A_182 = tpu.memref_squeeze %dma_start3A_181 : memref<1x128x128xf32, #tpu.memory_space<vmem>> -> memref<128x128xf32, #tpu.memory_space<vmem>>
      tpu.enqueue_dma source(%dma_start3A_182 : memref<128x128xf32, #tpu.memory_space<vmem>>) target(%dma_start3A_178 : memref<128x128xf32, #tpu.memory_space<vmem_shared>>) target_semaphore(%run_scoped3A_170 : memref<!tpu.dma_semaphore, #tpu.memory_space<semaphore_mem>>)
      %dma_wait3A_183 = arith.constant 0 : i32
      %dma_wait3A_184 = arith.constant 0 : i32
      %dma_wait3A_185 = tpu.memref_slice %arg8[%run_scoped3A_21, %dma_wait3A_183, %dma_wait3A_184] : memref<2x128x128xf32, #tpu.memory_space<vmem>> -> memref<1x128x128xf32, #tpu.memory_space<vmem>>
      %dma_wait3A_186 = tpu.memref_squeeze %dma_wait3A_185 : memref<1x128x128xf32, #tpu.memory_space<vmem>> -> memref<128x128xf32, #tpu.memory_space<vmem>>
      %dma_wait3A_187 = arith.constant 0 : i32
      %dma_wait3A_188 = tpu.memref_slice %arg9[%add3A_20, %dma_wait3A_187] : memref<10240x128xf32, #tpu.memory_space<vmem_shared>> -> memref<128x128xf32, #tpu.memory_space<vmem_shared>>
      %dma_wait3A_189 = arith.constant 0 : i32
      %dma_wait3A_190 = tpu.memref_slice %arg9[%add3A_20, %dma_wait3A_189] : memref<10240x128xf32, #tpu.memory_space<vmem_shared>> -> memref<128x128xf32, #tpu.memory_space<vmem_shared>>
      %dma_wait3A_191 = arith.constant 0 : i32
      %dma_wait3A_192 = arith.constant 0 : i32
      %dma_wait3A_193 = tpu.memref_slice %arg8[%run_scoped3A_21, %dma_wait3A_191, %dma_wait3A_192] : memref<2x128x128xf32, #tpu.memory_space<vmem>> -> memref<1x128x128xf32, #tpu.memory_space<vmem>>
      %dma_wait3A_194 = tpu.memref_squeeze %dma_wait3A_193 : memref<1x128x128xf32, #tpu.memory_space<vmem>> -> memref<128x128xf32, #tpu.memory_space<vmem>>
      tpu.wait_dma2 semaphore(%run_scoped3A_170 : memref<!tpu.dma_semaphore, #tpu.memory_space<semaphore_mem>>) src(%dma_wait3A_194 : memref<128x128xf32, #tpu.memory_space<vmem>>) dst(%dma_wait3A_190 : memref<128x128xf32, #tpu.memory_space<vmem_shared>>)
      tpu.yield
    }) : () -> ()
    %mul3A_22 = arith.constant 640 : i32
    %mul3A_23 = arith.muli %arg1, %mul3A_22 : i32
    %add3A_24 = arith.constant 384 : i32
    %add3A_25 = arith.addi %mul3A_23, %add3A_24 : i32
    %run_scoped3A_26 = arith.constant 0 : i32
    "tpu.region"() ({
      %run_scoped3A_170 = tpu.sem_alloc : memref<!tpu.dma_semaphore, #tpu.memory_space<semaphore_mem>>
      %dma_start3A_171 = arith.constant 0 : i32
      %dma_start3A_172 = arith.constant 0 : i32
      %dma_start3A_173 = tpu.memref_slice %arg8[%run_scoped3A_26, %dma_start3A_171, %dma_start3A_172] : memref<2x128x128xf32, #tpu.memory_space<vmem>> -> memref<1x128x128xf32, #tpu.memory_space<vmem>>
      %dma_start3A_174 = tpu.memref_squeeze %dma_start3A_173 : memref<1x128x128xf32, #tpu.memory_space<vmem>> -> memref<128x128xf32, #tpu.memory_space<vmem>>
      %dma_start3A_175 = arith.constant 0 : i32
      %dma_start3A_176 = tpu.memref_slice %arg9[%add3A_25, %dma_start3A_175] : memref<10240x128xf32, #tpu.memory_space<vmem_shared>> -> memref<128x128xf32, #tpu.memory_space<vmem_shared>>
      %dma_start3A_177 = arith.constant 0 : i32
      %dma_start3A_178 = tpu.memref_slice %arg9[%add3A_25, %dma_start3A_177] : memref<10240x128xf32, #tpu.memory_space<vmem_shared>> -> memref<128x128xf32, #tpu.memory_space<vmem_shared>>
      %dma_start3A_179 = arith.constant 0 : i32
      %dma_start3A_180 = arith.constant 0 : i32
      %dma_start3A_181 = tpu.memref_slice %arg8[%run_scoped3A_26, %dma_start3A_179, %dma_start3A_180] : memref<2x128x128xf32, #tpu.memory_space<vmem>> -> memref<1x128x128xf32, #tpu.memory_space<vmem>>
      %dma_start3A_182 = tpu.memref_squeeze %dma_start3A_181 : memref<1x128x128xf32, #tpu.memory_space<vmem>> -> memref<128x128xf32, #tpu.memory_space<vmem>>
      tpu.enqueue_dma source(%dma_start3A_182 : memref<128x128xf32, #tpu.memory_space<vmem>>) target(%dma_start3A_178 : memref<128x128xf32, #tpu.memory_space<vmem_shared>>) target_semaphore(%run_scoped3A_170 : memref<!tpu.dma_semaphore, #tpu.memory_space<semaphore_mem>>)
      %dma_wait3A_183 = arith.constant 0 : i32
      %dma_wait3A_184 = arith.constant 0 : i32
      %dma_wait3A_185 = tpu.memref_slice %arg8[%run_scoped3A_26, %dma_wait3A_183, %dma_wait3A_184] : memref<2x128x128xf32, #tpu.memory_space<vmem>> -> memref<1x128x128xf32, #tpu.memory_space<vmem>>
      %dma_wait3A_186 = tpu.memref_squeeze %dma_wait3A_185 : memref<1x128x128xf32, #tpu.memory_space<vmem>> -> memref<128x128xf32, #tpu.memory_space<vmem>>
      %dma_wait3A_187 = arith.constant 0 : i32
      %dma_wait3A_188 = tpu.memref_slice %arg9[%add3A_25, %dma_wait3A_187] : memref<10240x128xf32, #tpu.memory_space<vmem_shared>> -> memref<128x128xf32, #tpu.memory_space<vmem_shared>>
      %dma_wait3A_189 = arith.constant 0 : i32
      %dma_wait3A_190 = tpu.memref_slice %arg9[%add3A_25, %dma_wait3A_189] : memref<10240x128xf32, #tpu.memory_space<vmem_shared>> -> memref<128x128xf32, #tpu.memory_space<vmem_shared>>
      %dma_wait3A_191 = arith.constant 0 : i32
      %dma_wait3A_192 = arith.constant 0 : i32
      %dma_wait3A_193 = tpu.memref_slice %arg8[%run_scoped3A_26, %dma_wait3A_191, %dma_wait3A_192] : memref<2x128x128xf32, #tpu.memory_space<vmem>> -> memref<1x128x128xf32, #tpu.memory_space<vmem>>
      %dma_wait3A_194 = tpu.memref_squeeze %dma_wait3A_193 : memref<1x128x128xf32, #tpu.memory_space<vmem>> -> memref<128x128xf32, #tpu.memory_space<vmem>>
      tpu.wait_dma2 semaphore(%run_scoped3A_170 : memref<!tpu.dma_semaphore, #tpu.memory_space<semaphore_mem>>) src(%dma_wait3A_194 : memref<128x128xf32, #tpu.memory_space<vmem>>) dst(%dma_wait3A_190 : memref<128x128xf32, #tpu.memory_space<vmem_shared>>)
      tpu.yield
    }) : () -> ()
    %mul3A_27 = arith.constant 640 : i32
    %mul3A_28 = arith.muli %arg1, %mul3A_27 : i32
    %add3A_29 = arith.constant 512 : i32
    %add3A_30 = arith.addi %mul3A_28, %add3A_29 : i32
    %run_scoped3A_31 = arith.constant 0 : i32
    "tpu.region"() ({
      %run_scoped3A_170 = tpu.sem_alloc : memref<!tpu.dma_semaphore, #tpu.memory_space<semaphore_mem>>
      %dma_start3A_171 = arith.constant 0 : i32
      %dma_start3A_172 = arith.constant 0 : i32
      %dma_start3A_173 = tpu.memref_slice %arg8[%run_scoped3A_31, %dma_start3A_171, %dma_start3A_172] : memref<2x128x128xf32, #tpu.memory_space<vmem>> -> memref<1x128x128xf32, #tpu.memory_space<vmem>>
      %dma_start3A_174 = tpu.memref_squeeze %dma_start3A_173 : memref<1x128x128xf32, #tpu.memory_space<vmem>> -> memref<128x128xf32, #tpu.memory_space<vmem>>
      %dma_start3A_175 = arith.constant 0 : i32
      %dma_start3A_176 = tpu.memref_slice %arg9[%add3A_30, %dma_start3A_175] : memref<10240x128xf32, #tpu.memory_space<vmem_shared>> -> memref<128x128xf32, #tpu.memory_space<vmem_shared>>
      %dma_start3A_177 = arith.constant 0 : i32
      %dma_start3A_178 = tpu.memref_slice %arg9[%add3A_30, %dma_start3A_177] : memref<10240x128xf32, #tpu.memory_space<vmem_shared>> -> memref<128x128xf32, #tpu.memory_space<vmem_shared>>
      %dma_start3A_179 = arith.constant 0 : i32
      %dma_start3A_180 = arith.constant 0 : i32
      %dma_start3A_181 = tpu.memref_slice %arg8[%run_scoped3A_31, %dma_start3A_179, %dma_start3A_180] : memref<2x128x128xf32, #tpu.memory_space<vmem>> -> memref<1x128x128xf32, #tpu.memory_space<vmem>>
      %dma_start3A_182 = tpu.memref_squeeze %dma_start3A_181 : memref<1x128x128xf32, #tpu.memory_space<vmem>> -> memref<128x128xf32, #tpu.memory_space<vmem>>
      tpu.enqueue_dma source(%dma_start3A_182 : memref<128x128xf32, #tpu.memory_space<vmem>>) target(%dma_start3A_178 : memref<128x128xf32, #tpu.memory_space<vmem_shared>>) target_semaphore(%run_scoped3A_170 : memref<!tpu.dma_semaphore, #tpu.memory_space<semaphore_mem>>)
      %dma_wait3A_183 = arith.constant 0 : i32
      %dma_wait3A_184 = arith.constant 0 : i32
      %dma_wait3A_185 = tpu.memref_slice %arg8[%run_scoped3A_31, %dma_wait3A_183, %dma_wait3A_184] : memref<2x128x128xf32, #tpu.memory_space<vmem>> -> memref<1x128x128xf32, #tpu.memory_space<vmem>>
      %dma_wait3A_186 = tpu.memref_squeeze %dma_wait3A_185 : memref<1x128x128xf32, #tpu.memory_space<vmem>> -> memref<128x128xf32, #tpu.memory_space<vmem>>
      %dma_wait3A_187 = arith.constant 0 : i32
      %dma_wait3A_188 = tpu.memref_slice %arg9[%add3A_30, %dma_wait3A_187] : memref<10240x128xf32, #tpu.memory_space<vmem_shared>> -> memref<128x128xf32, #tpu.memory_space<vmem_shared>>
      %dma_wait3A_189 = arith.constant 0 : i32
      %dma_wait3A_190 = tpu.memref_slice %arg9[%add3A_30, %dma_wait3A_189] : memref<10240x128xf32, #tpu.memory_space<vmem_shared>> -> memref<128x128xf32, #tpu.memory_space<vmem_shared>>
      %dma_wait3A_191 = arith.constant 0 : i32
      %dma_wait3A_192 = arith.constant 0 : i32
      %dma_wait3A_193 = tpu.memref_slice %arg8[%run_scoped3A_31, %dma_wait3A_191, %dma_wait3A_192] : memref<2x128x128xf32, #tpu.memory_space<vmem>> -> memref<1x128x128xf32, #tpu.memory_space<vmem>>
      %dma_wait3A_194 = tpu.memref_squeeze %dma_wait3A_193 : memref<1x128x128xf32, #tpu.memory_space<vmem>> -> memref<128x128xf32, #tpu.memory_space<vmem>>
      tpu.wait_dma2 semaphore(%run_scoped3A_170 : memref<!tpu.dma_semaphore, #tpu.memory_space<semaphore_mem>>) src(%dma_wait3A_194 : memref<128x128xf32, #tpu.memory_space<vmem>>) dst(%dma_wait3A_190 : memref<128x128xf32, #tpu.memory_space<vmem_shared>>)
      tpu.yield
    }) : () -> ()
    %barrier3A = arith.constant 0 : index
    tpu.barrier barrier_id(%barrier3A)
    %dma_start3A = arith.constant 0 : i32
    %dma_start3A_32 = arith.constant 0 : i32
    %dma_start3A_33 = arith.constant 0 : i32
    %dma_start3A_34 = arith.constant 0 : i32
    %dma_start3A_35 = tpu.memref_slice %arg8[%dma_start3A_32, %dma_start3A_33, %dma_start3A_34] : memref<2x128x128xf32, #tpu.memory_space<vmem>> -> memref<1x128x128xf32, #tpu.memory_space<vmem>>
    %dma_start3A_36 = tpu.memref_squeeze %dma_start3A_35 : memref<1x128x128xf32, #tpu.memory_space<vmem>> -> memref<128x128xf32, #tpu.memory_space<vmem>>
    %dma_start3A_37 = arith.constant 0 : i32
    %dma_start3A_38 = tpu.memref_slice %arg6[%dma_start3A, %dma_start3A_37] : memref<80x128xi32, #tpu.memory_space<vmem>> -> memref<1x128xi32, #tpu.memory_space<vmem>>
    %dma_start3A_39 = tpu.memref_squeeze %dma_start3A_38 : memref<1x128xi32, #tpu.memory_space<vmem>> -> memref<128xi32, #tpu.memory_space<vmem>>
    %dma_start3A_40 = arith.constant 0 : i32
    %dma_start3A_41 = arith.constant 0 : i32
    %dma_start3A_42 = tpu.memref_slice %arg4[%dma_start3A_40, %dma_start3A_41] : memref<10240x128xf32, #tpu.memory_space<hbm>> -> memref<10240x128xf32, #tpu.memory_space<hbm>>
    tpu.enqueue_indirect_dma source(%dma_start3A_42 : memref<10240x128xf32, #tpu.memory_space<hbm>>) target(%dma_start3A_36 : memref<128x128xf32, #tpu.memory_space<vmem>>) offsets(%dma_start3A_39 : memref<128xi32, #tpu.memory_space<vmem>>) semaphore(%arg10 : memref<!tpu.dma_semaphore, #tpu.memory_space<semaphore_mem>>)
    %mul3A_43 = arith.constant 80 : i32
    %mul3A_44 = arith.muli %add3A, %mul3A_43 : i32
    %add3A_45 = arith.constant 0 : i32
    %add3A_46 = arith.addi %mul3A_44, %add3A_45 : i32
    %dma_start3A_47 = arith.constant 0 : i32
    %dma_start3A_48 = arith.constant 0 : i32
    %dma_start3A_49 = tpu.memref_slice %arg7[%dma_start3A_47, %dma_start3A_48] : memref<2x128xi32, #tpu.memory_space<vmem>> -> memref<1x128xi32, #tpu.memory_space<vmem>>
    %dma_start3A_50 = tpu.memref_squeeze %dma_start3A_49 : memref<1x128xi32, #tpu.memory_space<vmem>> -> memref<128xi32, #tpu.memory_space<vmem>>
    %dma_start3A_51 = arith.constant 0 : i32
    %dma_start3A_52 = tpu.memref_slice %arg3[%add3A_46, %dma_start3A_51] : memref<2560x128xi32, #tpu.memory_space<hbm>> -> memref<1x128xi32, #tpu.memory_space<hbm>>
    %dma_start3A_53 = tpu.memref_squeeze %dma_start3A_52 : memref<1x128xi32, #tpu.memory_space<hbm>> -> memref<128xi32, #tpu.memory_space<hbm>>
    %dma_start3A_54 = arith.constant 0 : i32
    %dma_start3A_55 = tpu.memref_slice %arg7[%dma_start3A_47, %dma_start3A_54] : memref<2x128xi32, #tpu.memory_space<vmem>> -> memref<1x128xi32, #tpu.memory_space<vmem>>
    %dma_start3A_56 = tpu.memref_squeeze %dma_start3A_55 : memref<1x128xi32, #tpu.memory_space<vmem>> -> memref<128xi32, #tpu.memory_space<vmem>>
    %dma_start3A_57 = arith.constant 0 : i32
    %dma_start3A_58 = tpu.memref_slice %arg3[%add3A_46, %dma_start3A_57] : memref<2560x128xi32, #tpu.memory_space<hbm>> -> memref<1x128xi32, #tpu.memory_space<hbm>>
    %dma_start3A_59 = tpu.memref_squeeze %dma_start3A_58 : memref<1x128xi32, #tpu.memory_space<hbm>> -> memref<128xi32, #tpu.memory_space<hbm>>
    tpu.enqueue_dma source(%dma_start3A_59 : memref<128xi32, #tpu.memory_space<hbm>>) target(%dma_start3A_56 : memref<128xi32, #tpu.memory_space<vmem>>) target_semaphore(%arg12 : memref<!tpu.dma_semaphore, #tpu.memory_space<semaphore_mem>>)
    %dma_start3A_60 = arith.constant 1 : i32
    %dma_start3A_61 = arith.constant 1 : i32
    %dma_start3A_62 = arith.constant 0 : i32
    %dma_start3A_63 = arith.constant 0 : i32
    %dma_start3A_64 = tpu.memref_slice %arg8[%dma_start3A_61, %dma_start3A_62, %dma_start3A_63] : memref<2x128x128xf32, #tpu.memory_space<vmem>> -> memref<1x128x128xf32, #tpu.memory_space<vmem>>
    %dma_start3A_65 = tpu.memref_squeeze %dma_start3A_64 : memref<1x128x128xf32, #tpu.memory_space<vmem>> -> memref<128x128xf32, #tpu.memory_space<vmem>>
    %dma_start3A_66 = arith.constant 0 : i32
    %dma_start3A_67 = tpu.memref_slice %arg6[%dma_start3A_60, %dma_start3A_66] : memref<80x128xi32, #tpu.memory_space<vmem>> -> memref<1x128xi32, #tpu.memory_space<vmem>>
    %dma_start3A_68 = tpu.memref_squeeze %dma_start3A_67 : memref<1x128xi32, #tpu.memory_space<vmem>> -> memref<128xi32, #tpu.memory_space<vmem>>
    %dma_start3A_69 = arith.constant 0 : i32
    %dma_start3A_70 = arith.constant 0 : i32
    %dma_start3A_71 = tpu.memref_slice %arg4[%dma_start3A_69, %dma_start3A_70] : memref<10240x128xf32, #tpu.memory_space<hbm>> -> memref<10240x128xf32, #tpu.memory_space<hbm>>
    tpu.enqueue_indirect_dma source(%dma_start3A_71 : memref<10240x128xf32, #tpu.memory_space<hbm>>) target(%dma_start3A_65 : memref<128x128xf32, #tpu.memory_space<vmem>>) offsets(%dma_start3A_68 : memref<128xi32, #tpu.memory_space<vmem>>) semaphore(%arg11 : memref<!tpu.dma_semaphore, #tpu.memory_space<semaphore_mem>>)
    %mul3A_72 = arith.constant 80 : i32
    %mul3A_73 = arith.muli %add3A, %mul3A_72 : i32
    %add3A_74 = arith.constant 1 : i32
    %add3A_75 = arith.addi %mul3A_73, %add3A_74 : i32
    %dma_start3A_76 = arith.constant 1 : i32
    %dma_start3A_77 = arith.constant 0 : i32
    %dma_start3A_78 = tpu.memref_slice %arg7[%dma_start3A_76, %dma_start3A_77] : memref<2x128xi32, #tpu.memory_space<vmem>> -> memref<1x128xi32, #tpu.memory_space<vmem>>
    %dma_start3A_79 = tpu.memref_squeeze %dma_start3A_78 : memref<1x128xi32, #tpu.memory_space<vmem>> -> memref<128xi32, #tpu.memory_space<vmem>>
    %dma_start3A_80 = arith.constant 0 : i32
    %dma_start3A_81 = tpu.memref_slice %arg3[%add3A_75, %dma_start3A_80] : memref<2560x128xi32, #tpu.memory_space<hbm>> -> memref<1x128xi32, #tpu.memory_space<hbm>>
    %dma_start3A_82 = tpu.memref_squeeze %dma_start3A_81 : memref<1x128xi32, #tpu.memory_space<hbm>> -> memref<128xi32, #tpu.memory_space<hbm>>
    %dma_start3A_83 = arith.constant 0 : i32
    %dma_start3A_84 = tpu.memref_slice %arg7[%dma_start3A_76, %dma_start3A_83] : memref<2x128xi32, #tpu.memory_space<vmem>> -> memref<1x128xi32, #tpu.memory_space<vmem>>
    %dma_start3A_85 = tpu.memref_squeeze %dma_start3A_84 : memref<1x128xi32, #tpu.memory_space<vmem>> -> memref<128xi32, #tpu.memory_space<vmem>>
    %dma_start3A_86 = arith.constant 0 : i32
    %dma_start3A_87 = tpu.memref_slice %arg3[%add3A_75, %dma_start3A_86] : memref<2560x128xi32, #tpu.memory_space<hbm>> -> memref<1x128xi32, #tpu.memory_space<hbm>>
    %dma_start3A_88 = tpu.memref_squeeze %dma_start3A_87 : memref<1x128xi32, #tpu.memory_space<hbm>> -> memref<128xi32, #tpu.memory_space<hbm>>
    tpu.enqueue_dma source(%dma_start3A_88 : memref<128xi32, #tpu.memory_space<hbm>>) target(%dma_start3A_85 : memref<128xi32, #tpu.memory_space<vmem>>) target_semaphore(%arg13 : memref<!tpu.dma_semaphore, #tpu.memory_space<semaphore_mem>>)
    %scan3A_89 = arith.constant 0 : i32
    %scan3A_90 = arith.constant 39 : i32
    %scan3A_91 = arith.addi %scan3A_89, %scan3A_90 : i32
    %scan3A_92 = arith.constant 1 : i32
    scf.for %scan3A_170 = %scan3A_89 to %scan3A_91 step %scan3A_92  : i32 {
      %mul3A_171 = arith.constant 2 : i32
      %mul3A_172 = arith.muli %scan3A_170, %mul3A_171 : i32
      %add3A_173 = arith.constant 0 : i32
      %add3A_174 = arith.addi %add3A_173, %mul3A_172 : i32
      %dma_wait3A_175 = arith.constant 0 : i32
      %dma_wait3A_176 = arith.constant 0 : i32
      %dma_wait3A_177 = arith.constant 0 : i32
      %dma_wait3A_178 = arith.constant 0 : i32
      %dma_wait3A_179 = tpu.memref_slice %arg8[%dma_wait3A_176, %dma_wait3A_177, %dma_wait3A_178] : memref<2x128x128xf32, #tpu.memory_space<vmem>> -> memref<1x128x128xf32, #tpu.memory_space<vmem>>
      %dma_wait3A_180 = tpu.memref_squeeze %dma_wait3A_179 : memref<1x128x128xf32, #tpu.memory_space<vmem>> -> memref<128x128xf32, #tpu.memory_space<vmem>>
      %dma_wait3A_181 = arith.constant 0 : i32
      %dma_wait3A_182 = tpu.memref_slice %arg6[%dma_wait3A_175, %dma_wait3A_181] : memref<80x128xi32, #tpu.memory_space<vmem>> -> memref<1x128xi32, #tpu.memory_space<vmem>>
      %dma_wait3A_183 = tpu.memref_squeeze %dma_wait3A_182 : memref<1x128xi32, #tpu.memory_space<vmem>> -> memref<128xi32, #tpu.memory_space<vmem>>
      %dma_wait3A_184 = arith.constant 0 : i32
      %dma_wait3A_185 = arith.constant 0 : i32
      %dma_wait3A_186 = tpu.memref_slice %arg4[%dma_wait3A_184, %dma_wait3A_185] : memref<10240x128xf32, #tpu.memory_space<hbm>> -> memref<10240x128xf32, #tpu.memory_space<hbm>>
      tpu.wait_indirect_dma semaphore(%arg10 : memref<!tpu.dma_semaphore, #tpu.memory_space<semaphore_mem>>) src(%dma_wait3A_186 : memref<10240x128xf32, #tpu.memory_space<hbm>>) dst(%dma_wait3A_180 : memref<128x128xf32, #tpu.memory_space<vmem>>)
      %dma_wait3A_187 = arith.constant 0 : i32
      %dma_wait3A_188 = arith.constant 0 : i32
      %dma_wait3A_189 = arith.constant 0 : i32
      %dma_wait3A_190 = tpu.memref_slice %arg7[%dma_wait3A_188, %dma_wait3A_189] : memref<2x128xi32, #tpu.memory_space<vmem>> -> memref<1x128xi32, #tpu.memory_space<vmem>>
      %dma_wait3A_191 = tpu.memref_squeeze %dma_wait3A_190 : memref<1x128xi32, #tpu.memory_space<vmem>> -> memref<128xi32, #tpu.memory_space<vmem>>
      %dma_wait3A_192 = arith.constant 0 : i32
      %dma_wait3A_193 = tpu.memref_slice %arg3[%dma_wait3A_187, %dma_wait3A_192] : memref<2560x128xi32, #tpu.memory_space<hbm>> -> memref<1x128xi32, #tpu.memory_space<hbm>>
      %dma_wait3A_194 = tpu.memref_squeeze %dma_wait3A_193 : memref<1x128xi32, #tpu.memory_space<hbm>> -> memref<128xi32, #tpu.memory_space<hbm>>
      %dma_wait3A_195 = arith.constant 0 : i32
      %dma_wait3A_196 = tpu.memref_slice %arg7[%dma_wait3A_188, %dma_wait3A_195] : memref<2x128xi32, #tpu.memory_space<vmem>> -> memref<1x128xi32, #tpu.memory_space<vmem>>
      %dma_wait3A_197 = tpu.memref_squeeze %dma_wait3A_196 : memref<1x128xi32, #tpu.memory_space<vmem>> -> memref<128xi32, #tpu.memory_space<vmem>>
      %dma_wait3A_198 = arith.constant 0 : i32
      %dma_wait3A_199 = tpu.memref_slice %arg3[%dma_wait3A_187, %dma_wait3A_198] : memref<2560x128xi32, #tpu.memory_space<hbm>> -> memref<1x128xi32, #tpu.memory_space<hbm>>
      %dma_wait3A_200 = tpu.memref_squeeze %dma_wait3A_199 : memref<1x128xi32, #tpu.memory_space<hbm>> -> memref<128xi32, #tpu.memory_space<hbm>>
      tpu.wait_dma2 semaphore(%arg12 : memref<!tpu.dma_semaphore, #tpu.memory_space<semaphore_mem>>) src(%dma_wait3A_200 : memref<128xi32, #tpu.memory_space<hbm>>) dst(%dma_wait3A_197 : memref<128xi32, #tpu.memory_space<vmem>>)
      %run_scoped3A_201 = arith.constant 0 : i32
      %run_scoped3A_202 = arith.constant 0 : i32
      "tpu.region"() ({
        %run_scoped3A_301 = tpu.sem_alloc : memref<!tpu.dma_semaphore, #tpu.memory_space<semaphore_mem>>
        %dma_start3A_302 = arith.constant 0 : i32
        %dma_start3A_303 = arith.constant 0 : i32
        %dma_start3A_304 = tpu.memref_slice %arg8[%run_scoped3A_201, %dma_start3A_302, %dma_start3A_303] : memref<2x128x128xf32, #tpu.memory_space<vmem>> -> memref<1x128x128xf32, #tpu.memory_space<vmem>>
        %dma_start3A_305 = tpu.memref_squeeze %dma_start3A_304 : memref<1x128x128xf32, #tpu.memory_space<vmem>> -> memref<128x128xf32, #tpu.memory_space<vmem>>
        %dma_start3A_306 = arith.constant 0 : i32
        %dma_start3A_307 = tpu.memref_slice %arg7[%run_scoped3A_202, %dma_start3A_306] : memref<2x128xi32, #tpu.memory_space<vmem>> -> memref<1x128xi32, #tpu.memory_space<vmem>>
        %dma_start3A_308 = tpu.memref_squeeze %dma_start3A_307 : memref<1x128xi32, #tpu.memory_space<vmem>> -> memref<128xi32, #tpu.memory_space<vmem>>
        %dma_start3A_309 = arith.constant 0 : i32
        %dma_start3A_310 = arith.constant 0 : i32
        %dma_start3A_311 = tpu.memref_slice %arg9[%dma_start3A_309, %dma_start3A_310] : memref<10240x128xf32, #tpu.memory_space<vmem_shared>> -> memref<10240x128xf32, #tpu.memory_space<vmem_shared>>
        tpu.enqueue_indirect_dma source(%dma_start3A_305 : memref<128x128xf32, #tpu.memory_space<vmem>>) target(%dma_start3A_311 : memref<10240x128xf32, #tpu.memory_space<vmem_shared>>) offsets(%dma_start3A_308 : memref<128xi32, #tpu.memory_space<vmem>>) semaphore(%run_scoped3A_301 : memref<!tpu.dma_semaphore, #tpu.memory_space<semaphore_mem>>) {add = true}
        %dma_wait3A_312 = arith.constant 0 : i32
        %dma_wait3A_313 = arith.constant 0 : i32
        %dma_wait3A_314 = tpu.memref_slice %arg8[%run_scoped3A_201, %dma_wait3A_312, %dma_wait3A_313] : memref<2x128x128xf32, #tpu.memory_space<vmem>> -> memref<1x128x128xf32, #tpu.memory_space<vmem>>
        %dma_wait3A_315 = tpu.memref_squeeze %dma_wait3A_314 : memref<1x128x128xf32, #tpu.memory_space<vmem>> -> memref<128x128xf32, #tpu.memory_space<vmem>>
        %dma_wait3A_316 = arith.constant 0 : i32
        %dma_wait3A_317 = tpu.memref_slice %arg7[%run_scoped3A_202, %dma_wait3A_316] : memref<2x128xi32, #tpu.memory_space<vmem>> -> memref<1x128xi32, #tpu.memory_space<vmem>>
        %dma_wait3A_318 = tpu.memref_squeeze %dma_wait3A_317 : memref<1x128xi32, #tpu.memory_space<vmem>> -> memref<128xi32, #tpu.memory_space<vmem>>
        %dma_wait3A_319 = arith.constant 0 : i32
        %dma_wait3A_320 = arith.constant 0 : i32
        %dma_wait3A_321 = tpu.memref_slice %arg9[%dma_wait3A_319, %dma_wait3A_320] : memref<10240x128xf32, #tpu.memory_space<vmem_shared>> -> memref<10240x128xf32, #tpu.memory_space<vmem_shared>>
        tpu.wait_indirect_dma semaphore(%run_scoped3A_301 : memref<!tpu.dma_semaphore, #tpu.memory_space<semaphore_mem>>) src(%dma_wait3A_315 : memref<128x128xf32, #tpu.memory_space<vmem>>) dst(%dma_wait3A_321 : memref<10240x128xf32, #tpu.memory_space<vmem_shared>>)
        tpu.yield
      }) : () -> ()
      %add3A_203 = arith.constant 2 : i32
      %add3A_204 = arith.addi %add3A_174, %add3A_203 : i32
      %add3A_205 = arith.constant 0 : i32
      %add3A_206 = arith.addi %add3A_204, %add3A_205 : i32
      %dma_start3A_207 = arith.constant 0 : i32
      %dma_start3A_208 = arith.constant 0 : i32
      %dma_start3A_209 = arith.constant 0 : i32
      %dma_start3A_210 = tpu.memref_slice %arg8[%dma_start3A_207, %dma_start3A_208, %dma_start3A_209] : memref<2x128x128xf32, #tpu.memory_space<vmem>> -> memref<1x128x128xf32, #tpu.memory_space<vmem>>
      %dma_start3A_211 = tpu.memref_squeeze %dma_start3A_210 : memref<1x128x128xf32, #tpu.memory_space<vmem>> -> memref<128x128xf32, #tpu.memory_space<vmem>>
      %dma_start3A_212 = arith.constant 0 : i32
      %dma_start3A_213 = tpu.memref_slice %arg6[%add3A_206, %dma_start3A_212] : memref<80x128xi32, #tpu.memory_space<vmem>> -> memref<1x128xi32, #tpu.memory_space<vmem>>
      %dma_start3A_214 = tpu.memref_squeeze %dma_start3A_213 : memref<1x128xi32, #tpu.memory_space<vmem>> -> memref<128xi32, #tpu.memory_space<vmem>>
      %dma_start3A_215 = arith.constant 0 : i32
      %dma_start3A_216 = arith.constant 0 : i32
      %dma_start3A_217 = tpu.memref_slice %arg4[%dma_start3A_215, %dma_start3A_216] : memref<10240x128xf32, #tpu.memory_space<hbm>> -> memref<10240x128xf32, #tpu.memory_space<hbm>>
      tpu.enqueue_indirect_dma source(%dma_start3A_217 : memref<10240x128xf32, #tpu.memory_space<hbm>>) target(%dma_start3A_211 : memref<128x128xf32, #tpu.memory_space<vmem>>) offsets(%dma_start3A_214 : memref<128xi32, #tpu.memory_space<vmem>>) semaphore(%arg10 : memref<!tpu.dma_semaphore, #tpu.memory_space<semaphore_mem>>)
      %mul3A_218 = arith.constant 80 : i32
      %mul3A_219 = arith.muli %add3A, %mul3A_218 : i32
      %add3A_220 = arith.addi %mul3A_219, %add3A_174 : i32
      %add3A_221 = arith.constant 2 : i32
      %add3A_222 = arith.addi %add3A_220, %add3A_221 : i32
      %add3A_223 = arith.constant 0 : i32
      %add3A_224 = arith.addi %add3A_222, %add3A_223 : i32
      %dma_start3A_225 = arith.constant 0 : i32
      %dma_start3A_226 = arith.constant 0 : i32
      %dma_start3A_227 = tpu.memref_slice %arg7[%dma_start3A_225, %dma_start3A_226] : memref<2x128xi32, #tpu.memory_space<vmem>> -> memref<1x128xi32, #tpu.memory_space<vmem>>
      %dma_start3A_228 = tpu.memref_squeeze %dma_start3A_227 : memref<1x128xi32, #tpu.memory_space<vmem>> -> memref<128xi32, #tpu.memory_space<vmem>>
      %dma_start3A_229 = arith.constant 0 : i32
      %dma_start3A_230 = tpu.memref_slice %arg3[%add3A_224, %dma_start3A_229] : memref<2560x128xi32, #tpu.memory_space<hbm>> -> memref<1x128xi32, #tpu.memory_space<hbm>>
      %dma_start3A_231 = tpu.memref_squeeze %dma_start3A_230 : memref<1x128xi32, #tpu.memory_space<hbm>> -> memref<128xi32, #tpu.memory_space<hbm>>
      %dma_start3A_232 = arith.constant 0 : i32
      %dma_start3A_233 = tpu.memref_slice %arg7[%dma_start3A_225, %dma_start3A_232] : memref<2x128xi32, #tpu.memory_space<vmem>> -> memref<1x128xi32, #tpu.memory_space<vmem>>
      %dma_start3A_234 = tpu.memref_squeeze %dma_start3A_233 : memref<1x128xi32, #tpu.memory_space<vmem>> -> memref<128xi32, #tpu.memory_space<vmem>>
      %dma_start3A_235 = arith.constant 0 : i32
      %dma_start3A_236 = tpu.memref_slice %arg3[%add3A_224, %dma_start3A_235] : memref<2560x128xi32, #tpu.memory_space<hbm>> -> memref<1x128xi32, #tpu.memory_space<hbm>>
      %dma_start3A_237 = tpu.memref_squeeze %dma_start3A_236 : memref<1x128xi32, #tpu.memory_space<hbm>> -> memref<128xi32, #tpu.memory_space<hbm>>
      tpu.enqueue_dma source(%dma_start3A_237 : memref<128xi32, #tpu.memory_space<hbm>>) target(%dma_start3A_234 : memref<128xi32, #tpu.memory_space<vmem>>) target_semaphore(%arg12 : memref<!tpu.dma_semaphore, #tpu.memory_space<semaphore_mem>>)
      %dma_wait3A_238 = arith.constant 1 : i32
      %dma_wait3A_239 = arith.constant 1 : i32
      %dma_wait3A_240 = arith.constant 0 : i32
      %dma_wait3A_241 = arith.constant 0 : i32
      %dma_wait3A_242 = tpu.memref_slice %arg8[%dma_wait3A_239, %dma_wait3A_240, %dma_wait3A_241] : memref<2x128x128xf32, #tpu.memory_space<vmem>> -> memref<1x128x128xf32, #tpu.memory_space<vmem>>
      %dma_wait3A_243 = tpu.memref_squeeze %dma_wait3A_242 : memref<1x128x128xf32, #tpu.memory_space<vmem>> -> memref<128x128xf32, #tpu.memory_space<vmem>>
      %dma_wait3A_244 = arith.constant 0 : i32
      %dma_wait3A_245 = tpu.memref_slice %arg6[%dma_wait3A_238, %dma_wait3A_244] : memref<80x128xi32, #tpu.memory_space<vmem>> -> memref<1x128xi32, #tpu.memory_space<vmem>>
      %dma_wait3A_246 = tpu.memref_squeeze %dma_wait3A_245 : memref<1x128xi32, #tpu.memory_space<vmem>> -> memref<128xi32, #tpu.memory_space<vmem>>
      %dma_wait3A_247 = arith.constant 0 : i32
      %dma_wait3A_248 = arith.constant 0 : i32
      %dma_wait3A_249 = tpu.memref_slice %arg4[%dma_wait3A_247, %dma_wait3A_248] : memref<10240x128xf32, #tpu.memory_space<hbm>> -> memref<10240x128xf32, #tpu.memory_space<hbm>>
      tpu.wait_indirect_dma semaphore(%arg11 : memref<!tpu.dma_semaphore, #tpu.memory_space<semaphore_mem>>) src(%dma_wait3A_249 : memref<10240x128xf32, #tpu.memory_space<hbm>>) dst(%dma_wait3A_243 : memref<128x128xf32, #tpu.memory_space<vmem>>)
      %dma_wait3A_250 = arith.constant 0 : i32
      %dma_wait3A_251 = arith.constant 1 : i32
      %dma_wait3A_252 = arith.constant 0 : i32
      %dma_wait3A_253 = tpu.memref_slice %arg7[%dma_wait3A_251, %dma_wait3A_252] : memref<2x128xi32, #tpu.memory_space<vmem>> -> memref<1x128xi32, #tpu.memory_space<vmem>>
      %dma_wait3A_254 = tpu.memref_squeeze %dma_wait3A_253 : memref<1x128xi32, #tpu.memory_space<vmem>> -> memref<128xi32, #tpu.memory_space<vmem>>
      %dma_wait3A_255 = arith.constant 0 : i32
      %dma_wait3A_256 = tpu.memref_slice %arg3[%dma_wait3A_250, %dma_wait3A_255] : memref<2560x128xi32, #tpu.memory_space<hbm>> -> memref<1x128xi32, #tpu.memory_space<hbm>>
      %dma_wait3A_257 = tpu.memref_squeeze %dma_wait3A_256 : memref<1x128xi32, #tpu.memory_space<hbm>> -> memref<128xi32, #tpu.memory_space<hbm>>
      %dma_wait3A_258 = arith.constant 0 : i32
      %dma_wait3A_259 = tpu.memref_slice %arg7[%dma_wait3A_251, %dma_wait3A_258] : memref<2x128xi32, #tpu.memory_space<vmem>> -> memref<1x128xi32, #tpu.memory_space<vmem>>
      %dma_wait3A_260 = tpu.memref_squeeze %dma_wait3A_259 : memref<1x128xi32, #tpu.memory_space<vmem>> -> memref<128xi32, #tpu.memory_space<vmem>>
      %dma_wait3A_261 = arith.constant 0 : i32
      %dma_wait3A_262 = tpu.memref_slice %arg3[%dma_wait3A_250, %dma_wait3A_261] : memref<2560x128xi32, #tpu.memory_space<hbm>> -> memref<1x128xi32, #tpu.memory_space<hbm>>
      %dma_wait3A_263 = tpu.memref_squeeze %dma_wait3A_262 : memref<1x128xi32, #tpu.memory_space<hbm>> -> memref<128xi32, #tpu.memory_space<hbm>>
      tpu.wait_dma2 semaphore(%arg13 : memref<!tpu.dma_semaphore, #tpu.memory_space<semaphore_mem>>) src(%dma_wait3A_263 : memref<128xi32, #tpu.memory_space<hbm>>) dst(%dma_wait3A_260 : memref<128xi32, #tpu.memory_space<vmem>>)
      %run_scoped3A_264 = arith.constant 1 : i32
      %run_scoped3A_265 = arith.constant 1 : i32
      "tpu.region"() ({
        %run_scoped3A_301 = tpu.sem_alloc : memref<!tpu.dma_semaphore, #tpu.memory_space<semaphore_mem>>
        %dma_start3A_302 = arith.constant 0 : i32
        %dma_start3A_303 = arith.constant 0 : i32
        %dma_start3A_304 = tpu.memref_slice %arg8[%run_scoped3A_264, %dma_start3A_302, %dma_start3A_303] : memref<2x128x128xf32, #tpu.memory_space<vmem>> -> memref<1x128x128xf32, #tpu.memory_space<vmem>>
        %dma_start3A_305 = tpu.memref_squeeze %dma_start3A_304 : memref<1x128x128xf32, #tpu.memory_space<vmem>> -> memref<128x128xf32, #tpu.memory_space<vmem>>
        %dma_start3A_306 = arith.constant 0 : i32
        %dma_start3A_307 = tpu.memref_slice %arg7[%run_scoped3A_265, %dma_start3A_306] : memref<2x128xi32, #tpu.memory_space<vmem>> -> memref<1x128xi32, #tpu.memory_space<vmem>>
        %dma_start3A_308 = tpu.memref_squeeze %dma_start3A_307 : memref<1x128xi32, #tpu.memory_space<vmem>> -> memref<128xi32, #tpu.memory_space<vmem>>
        %dma_start3A_309 = arith.constant 0 : i32
        %dma_start3A_310 = arith.constant 0 : i32
        %dma_start3A_311 = tpu.memref_slice %arg9[%dma_start3A_309, %dma_start3A_310] : memref<10240x128xf32, #tpu.memory_space<vmem_shared>> -> memref<10240x128xf32, #tpu.memory_space<vmem_shared>>
        tpu.enqueue_indirect_dma source(%dma_start3A_305 : memref<128x128xf32, #tpu.memory_space<vmem>>) target(%dma_start3A_311 : memref<10240x128xf32, #tpu.memory_space<vmem_shared>>) offsets(%dma_start3A_308 : memref<128xi32, #tpu.memory_space<vmem>>) semaphore(%run_scoped3A_301 : memref<!tpu.dma_semaphore, #tpu.memory_space<semaphore_mem>>) {add = true}
        %dma_wait3A_312 = arith.constant 0 : i32
        %dma_wait3A_313 = arith.constant 0 : i32
        %dma_wait3A_314 = tpu.memref_slice %arg8[%run_scoped3A_264, %dma_wait3A_312, %dma_wait3A_313] : memref<2x128x128xf32, #tpu.memory_space<vmem>> -> memref<1x128x128xf32, #tpu.memory_space<vmem>>
        %dma_wait3A_315 = tpu.memref_squeeze %dma_wait3A_314 : memref<1x128x128xf32, #tpu.memory_space<vmem>> -> memref<128x128xf32, #tpu.memory_space<vmem>>
        %dma_wait3A_316 = arith.constant 0 : i32
        %dma_wait3A_317 = tpu.memref_slice %arg7[%run_scoped3A_265, %dma_wait3A_316] : memref<2x128xi32, #tpu.memory_space<vmem>> -> memref<1x128xi32, #tpu.memory_space<vmem>>
        %dma_wait3A_318 = tpu.memref_squeeze %dma_wait3A_317 : memref<1x128xi32, #tpu.memory_space<vmem>> -> memref<128xi32, #tpu.memory_space<vmem>>
        %dma_wait3A_319 = arith.constant 0 : i32
        %dma_wait3A_320 = arith.constant 0 : i32
        %dma_wait3A_321 = tpu.memref_slice %arg9[%dma_wait3A_319, %dma_wait3A_320] : memref<10240x128xf32, #tpu.memory_space<vmem_shared>> -> memref<10240x128xf32, #tpu.memory_space<vmem_shared>>
        tpu.wait_indirect_dma semaphore(%run_scoped3A_301 : memref<!tpu.dma_semaphore, #tpu.memory_space<semaphore_mem>>) src(%dma_wait3A_315 : memref<128x128xf32, #tpu.memory_space<vmem>>) dst(%dma_wait3A_321 : memref<10240x128xf32, #tpu.memory_space<vmem_shared>>)
        tpu.yield
      }) : () -> ()
      %add3A_266 = arith.constant 2 : i32
      %add3A_267 = arith.addi %add3A_174, %add3A_266 : i32
      %add3A_268 = arith.constant 1 : i32
      %add3A_269 = arith.addi %add3A_267, %add3A_268 : i32
      %dma_start3A_270 = arith.constant 1 : i32
      %dma_start3A_271 = arith.constant 0 : i32
      %dma_start3A_272 = arith.constant 0 : i32
      %dma_start3A_273 = tpu.memref_slice %arg8[%dma_start3A_270, %dma_start3A_271, %dma_start3A_272] : memref<2x128x128xf32, #tpu.memory_space<vmem>> -> memref<1x128x128xf32, #tpu.memory_space<vmem>>
      %dma_start3A_274 = tpu.memref_squeeze %dma_start3A_273 : memref<1x128x128xf32, #tpu.memory_space<vmem>> -> memref<128x128xf32, #tpu.memory_space<vmem>>
      %dma_start3A_275 = arith.constant 0 : i32
      %dma_start3A_276 = tpu.memref_slice %arg6[%add3A_269, %dma_start3A_275] : memref<80x128xi32, #tpu.memory_space<vmem>> -> memref<1x128xi32, #tpu.memory_space<vmem>>
      %dma_start3A_277 = tpu.memref_squeeze %dma_start3A_276 : memref<1x128xi32, #tpu.memory_space<vmem>> -> memref<128xi32, #tpu.memory_space<vmem>>
      %dma_start3A_278 = arith.constant 0 : i32
      %dma_start3A_279 = arith.constant 0 : i32
      %dma_start3A_280 = tpu.memref_slice %arg4[%dma_start3A_278, %dma_start3A_279] : memref<10240x128xf32, #tpu.memory_space<hbm>> -> memref<10240x128xf32, #tpu.memory_space<hbm>>
      tpu.enqueue_indirect_dma source(%dma_start3A_280 : memref<10240x128xf32, #tpu.memory_space<hbm>>) target(%dma_start3A_274 : memref<128x128xf32, #tpu.memory_space<vmem>>) offsets(%dma_start3A_277 : memref<128xi32, #tpu.memory_space<vmem>>) semaphore(%arg11 : memref<!tpu.dma_semaphore, #tpu.memory_space<semaphore_mem>>)
      %mul3A_281 = arith.constant 80 : i32
      %mul3A_282 = arith.muli %add3A, %mul3A_281 : i32
      %add3A_283 = arith.addi %mul3A_282, %add3A_174 : i32
      %add3A_284 = arith.constant 2 : i32
      %add3A_285 = arith.addi %add3A_283, %add3A_284 : i32
      %add3A_286 = arith.constant 1 : i32
      %add3A_287 = arith.addi %add3A_285, %add3A_286 : i32
      %dma_start3A_288 = arith.constant 1 : i32
      %dma_start3A_289 = arith.constant 0 : i32
      %dma_start3A_290 = tpu.memref_slice %arg7[%dma_start3A_288, %dma_start3A_289] : memref<2x128xi32, #tpu.memory_space<vmem>> -> memref<1x128xi32, #tpu.memory_space<vmem>>
      %dma_start3A_291 = tpu.memref_squeeze %dma_start3A_290 : memref<1x128xi32, #tpu.memory_space<vmem>> -> memref<128xi32, #tpu.memory_space<vmem>>
      %dma_start3A_292 = arith.constant 0 : i32
      %dma_start3A_293 = tpu.memref_slice %arg3[%add3A_287, %dma_start3A_292] : memref<2560x128xi32, #tpu.memory_space<hbm>> -> memref<1x128xi32, #tpu.memory_space<hbm>>
      %dma_start3A_294 = tpu.memref_squeeze %dma_start3A_293 : memref<1x128xi32, #tpu.memory_space<hbm>> -> memref<128xi32, #tpu.memory_space<hbm>>
      %dma_start3A_295 = arith.constant 0 : i32
      %dma_start3A_296 = tpu.memref_slice %arg7[%dma_start3A_288, %dma_start3A_295] : memref<2x128xi32, #tpu.memory_space<vmem>> -> memref<1x128xi32, #tpu.memory_space<vmem>>
      %dma_start3A_297 = tpu.memref_squeeze %dma_start3A_296 : memref<1x128xi32, #tpu.memory_space<vmem>> -> memref<128xi32, #tpu.memory_space<vmem>>
      %dma_start3A_298 = arith.constant 0 : i32
      %dma_start3A_299 = tpu.memref_slice %arg3[%add3A_287, %dma_start3A_298] : memref<2560x128xi32, #tpu.memory_space<hbm>> -> memref<1x128xi32, #tpu.memory_space<hbm>>
      %dma_start3A_300 = tpu.memref_squeeze %dma_start3A_299 : memref<1x128xi32, #tpu.memory_space<hbm>> -> memref<128xi32, #tpu.memory_space<hbm>>
      tpu.enqueue_dma source(%dma_start3A_300 : memref<128xi32, #tpu.memory_space<hbm>>) target(%dma_start3A_297 : memref<128xi32, #tpu.memory_space<vmem>>) target_semaphore(%arg13 : memref<!tpu.dma_semaphore, #tpu.memory_space<semaphore_mem>>)
    }
    %scan3A_93 = arith.constant 39 : i32
    %dma_wait3A = arith.constant 0 : i32
    %dma_wait3A_94 = arith.constant 0 : i32
    %dma_wait3A_95 = arith.constant 0 : i32
    %dma_wait3A_96 = arith.constant 0 : i32
    %dma_wait3A_97 = tpu.memref_slice %arg8[%dma_wait3A_94, %dma_wait3A_95, %dma_wait3A_96] : memref<2x128x128xf32, #tpu.memory_space<vmem>> -> memref<1x128x128xf32, #tpu.memory_space<vmem>>
    %dma_wait3A_98 = tpu.memref_squeeze %dma_wait3A_97 : memref<1x128x128xf32, #tpu.memory_space<vmem>> -> memref<128x128xf32, #tpu.memory_space<vmem>>
    %dma_wait3A_99 = arith.constant 0 : i32
    %dma_wait3A_100 = tpu.memref_slice %arg6[%dma_wait3A, %dma_wait3A_99] : memref<80x128xi32, #tpu.memory_space<vmem>> -> memref<1x128xi32, #tpu.memory_space<vmem>>
    %dma_wait3A_101 = tpu.memref_squeeze %dma_wait3A_100 : memref<1x128xi32, #tpu.memory_space<vmem>> -> memref<128xi32, #tpu.memory_space<vmem>>
    %dma_wait3A_102 = arith.constant 0 : i32
    %dma_wait3A_103 = arith.constant 0 : i32
    %dma_wait3A_104 = tpu.memref_slice %arg4[%dma_wait3A_102, %dma_wait3A_103] : memref<10240x128xf32, #tpu.memory_space<hbm>> -> memref<10240x128xf32, #tpu.memory_space<hbm>>
    tpu.wait_indirect_dma semaphore(%arg10 : memref<!tpu.dma_semaphore, #tpu.memory_space<semaphore_mem>>) src(%dma_wait3A_104 : memref<10240x128xf32, #tpu.memory_space<hbm>>) dst(%dma_wait3A_98 : memref<128x128xf32, #tpu.memory_space<vmem>>)
    %dma_wait3A_105 = arith.constant 0 : i32
    %dma_wait3A_106 = arith.constant 0 : i32
    %dma_wait3A_107 = arith.constant 0 : i32
    %dma_wait3A_108 = tpu.memref_slice %arg7[%dma_wait3A_106, %dma_wait3A_107] : memref<2x128xi32, #tpu.memory_space<vmem>> -> memref<1x128xi32, #tpu.memory_space<vmem>>
    %dma_wait3A_109 = tpu.memref_squeeze %dma_wait3A_108 : memref<1x128xi32, #tpu.memory_space<vmem>> -> memref<128xi32, #tpu.memory_space<vmem>>
    %dma_wait3A_110 = arith.constant 0 : i32
    %dma_wait3A_111 = tpu.memref_slice %arg3[%dma_wait3A_105, %dma_wait3A_110] : memref<2560x128xi32, #tpu.memory_space<hbm>> -> memref<1x128xi32, #tpu.memory_space<hbm>>
    %dma_wait3A_112 = tpu.memref_squeeze %dma_wait3A_111 : memref<1x128xi32, #tpu.memory_space<hbm>> -> memref<128xi32, #tpu.memory_space<hbm>>
    %dma_wait3A_113 = arith.constant 0 : i32
    %dma_wait3A_114 = tpu.memref_slice %arg7[%dma_wait3A_106, %dma_wait3A_113] : memref<2x128xi32, #tpu.memory_space<vmem>> -> memref<1x128xi32, #tpu.memory_space<vmem>>
    %dma_wait3A_115 = tpu.memref_squeeze %dma_wait3A_114 : memref<1x128xi32, #tpu.memory_space<vmem>> -> memref<128xi32, #tpu.memory_space<vmem>>
    %dma_wait3A_116 = arith.constant 0 : i32
    %dma_wait3A_117 = tpu.memref_slice %arg3[%dma_wait3A_105, %dma_wait3A_116] : memref<2560x128xi32, #tpu.memory_space<hbm>> -> memref<1x128xi32, #tpu.memory_space<hbm>>
    %dma_wait3A_118 = tpu.memref_squeeze %dma_wait3A_117 : memref<1x128xi32, #tpu.memory_space<hbm>> -> memref<128xi32, #tpu.memory_space<hbm>>
    tpu.wait_dma2 semaphore(%arg12 : memref<!tpu.dma_semaphore, #tpu.memory_space<semaphore_mem>>) src(%dma_wait3A_118 : memref<128xi32, #tpu.memory_space<hbm>>) dst(%dma_wait3A_115 : memref<128xi32, #tpu.memory_space<vmem>>)
    %run_scoped3A_119 = arith.constant 0 : i32
    %run_scoped3A_120 = arith.constant 0 : i32
    "tpu.region"() ({
      %run_scoped3A_170 = tpu.sem_alloc : memref<!tpu.dma_semaphore, #tpu.memory_space<semaphore_mem>>
      %dma_start3A_171 = arith.constant 0 : i32
      %dma_start3A_172 = arith.constant 0 : i32
      %dma_start3A_173 = tpu.memref_slice %arg8[%run_scoped3A_119, %dma_start3A_171, %dma_start3A_172] : memref<2x128x128xf32, #tpu.memory_space<vmem>> -> memref<1x128x128xf32, #tpu.memory_space<vmem>>
      %dma_start3A_174 = tpu.memref_squeeze %dma_start3A_173 : memref<1x128x128xf32, #tpu.memory_space<vmem>> -> memref<128x128xf32, #tpu.memory_space<vmem>>
      %dma_start3A_175 = arith.constant 0 : i32
      %dma_start3A_176 = tpu.memref_slice %arg7[%run_scoped3A_120, %dma_start3A_175] : memref<2x128xi32, #tpu.memory_space<vmem>> -> memref<1x128xi32, #tpu.memory_space<vmem>>
      %dma_start3A_177 = tpu.memref_squeeze %dma_start3A_176 : memref<1x128xi32, #tpu.memory_space<vmem>> -> memref<128xi32, #tpu.memory_space<vmem>>
      %dma_start3A_178 = arith.constant 0 : i32
      %dma_start3A_179 = arith.constant 0 : i32
      %dma_start3A_180 = tpu.memref_slice %arg9[%dma_start3A_178, %dma_start3A_179] : memref<10240x128xf32, #tpu.memory_space<vmem_shared>> -> memref<10240x128xf32, #tpu.memory_space<vmem_shared>>
      tpu.enqueue_indirect_dma source(%dma_start3A_174 : memref<128x128xf32, #tpu.memory_space<vmem>>) target(%dma_start3A_180 : memref<10240x128xf32, #tpu.memory_space<vmem_shared>>) offsets(%dma_start3A_177 : memref<128xi32, #tpu.memory_space<vmem>>) semaphore(%run_scoped3A_170 : memref<!tpu.dma_semaphore, #tpu.memory_space<semaphore_mem>>) {add = true}
      %dma_wait3A_181 = arith.constant 0 : i32
      %dma_wait3A_182 = arith.constant 0 : i32
      %dma_wait3A_183 = tpu.memref_slice %arg8[%run_scoped3A_119, %dma_wait3A_181, %dma_wait3A_182] : memref<2x128x128xf32, #tpu.memory_space<vmem>> -> memref<1x128x128xf32, #tpu.memory_space<vmem>>
      %dma_wait3A_184 = tpu.memref_squeeze %dma_wait3A_183 : memref<1x128x128xf32, #tpu.memory_space<vmem>> -> memref<128x128xf32, #tpu.memory_space<vmem>>
      %dma_wait3A_185 = arith.constant 0 : i32
      %dma_wait3A_186 = tpu.memref_slice %arg7[%run_scoped3A_120, %dma_wait3A_185] : memref<2x128xi32, #tpu.memory_space<vmem>> -> memref<1x128xi32, #tpu.memory_space<vmem>>
      %dma_wait3A_187 = tpu.memref_squeeze %dma_wait3A_186 : memref<1x128xi32, #tpu.memory_space<vmem>> -> memref<128xi32, #tpu.memory_space<vmem>>
      %dma_wait3A_188 = arith.constant 0 : i32
      %dma_wait3A_189 = arith.constant 0 : i32
      %dma_wait3A_190 = tpu.memref_slice %arg9[%dma_wait3A_188, %dma_wait3A_189] : memref<10240x128xf32, #tpu.memory_space<vmem_shared>> -> memref<10240x128xf32, #tpu.memory_space<vmem_shared>>
      tpu.wait_indirect_dma semaphore(%run_scoped3A_170 : memref<!tpu.dma_semaphore, #tpu.memory_space<semaphore_mem>>) src(%dma_wait3A_184 : memref<128x128xf32, #tpu.memory_space<vmem>>) dst(%dma_wait3A_190 : memref<10240x128xf32, #tpu.memory_space<vmem_shared>>)
      tpu.yield
    }) : () -> ()
    %dma_wait3A_121 = arith.constant 1 : i32
    %dma_wait3A_122 = arith.constant 1 : i32
    %dma_wait3A_123 = arith.constant 0 : i32
    %dma_wait3A_124 = arith.constant 0 : i32
    %dma_wait3A_125 = tpu.memref_slice %arg8[%dma_wait3A_122, %dma_wait3A_123, %dma_wait3A_124] : memref<2x128x128xf32, #tpu.memory_space<vmem>> -> memref<1x128x128xf32, #tpu.memory_space<vmem>>
    %dma_wait3A_126 = tpu.memref_squeeze %dma_wait3A_125 : memref<1x128x128xf32, #tpu.memory_space<vmem>> -> memref<128x128xf32, #tpu.memory_space<vmem>>
    %dma_wait3A_127 = arith.constant 0 : i32
    %dma_wait3A_128 = tpu.memref_slice %arg6[%dma_wait3A_121, %dma_wait3A_127] : memref<80x128xi32, #tpu.memory_space<vmem>> -> memref<1x128xi32, #tpu.memory_space<vmem>>
    %dma_wait3A_129 = tpu.memref_squeeze %dma_wait3A_128 : memref<1x128xi32, #tpu.memory_space<vmem>> -> memref<128xi32, #tpu.memory_space<vmem>>
    %dma_wait3A_130 = arith.constant 0 : i32
    %dma_wait3A_131 = arith.constant 0 : i32
    %dma_wait3A_132 = tpu.memref_slice %arg4[%dma_wait3A_130, %dma_wait3A_131] : memref<10240x128xf32, #tpu.memory_space<hbm>> -> memref<10240x128xf32, #tpu.memory_space<hbm>>
    tpu.wait_indirect_dma semaphore(%arg11 : memref<!tpu.dma_semaphore, #tpu.memory_space<semaphore_mem>>) src(%dma_wait3A_132 : memref<10240x128xf32, #tpu.memory_space<hbm>>) dst(%dma_wait3A_126 : memref<128x128xf32, #tpu.memory_space<vmem>>)
    %dma_wait3A_133 = arith.constant 0 : i32
    %dma_wait3A_134 = arith.constant 1 : i32
    %dma_wait3A_135 = arith.constant 0 : i32
    %dma_wait3A_136 = tpu.memref_slice %arg7[%dma_wait3A_134, %dma_wait3A_135] : memref<2x128xi32, #tpu.memory_space<vmem>> -> memref<1x128xi32, #tpu.memory_space<vmem>>
    %dma_wait3A_137 = tpu.memref_squeeze %dma_wait3A_136 : memref<1x128xi32, #tpu.memory_space<vmem>> -> memref<128xi32, #tpu.memory_space<vmem>>
    %dma_wait3A_138 = arith.constant 0 : i32
    %dma_wait3A_139 = tpu.memref_slice %arg3[%dma_wait3A_133, %dma_wait3A_138] : memref<2560x128xi32, #tpu.memory_space<hbm>> -> memref<1x128xi32, #tpu.memory_space<hbm>>
    %dma_wait3A_140 = tpu.memref_squeeze %dma_wait3A_139 : memref<1x128xi32, #tpu.memory_space<hbm>> -> memref<128xi32, #tpu.memory_space<hbm>>
    %dma_wait3A_141 = arith.constant 0 : i32
    %dma_wait3A_142 = tpu.memref_slice %arg7[%dma_wait3A_134, %dma_wait3A_141] : memref<2x128xi32, #tpu.memory_space<vmem>> -> memref<1x128xi32, #tpu.memory_space<vmem>>
    %dma_wait3A_143 = tpu.memref_squeeze %dma_wait3A_142 : memref<1x128xi32, #tpu.memory_space<vmem>> -> memref<128xi32, #tpu.memory_space<vmem>>
    %dma_wait3A_144 = arith.constant 0 : i32
    %dma_wait3A_145 = tpu.memref_slice %arg3[%dma_wait3A_133, %dma_wait3A_144] : memref<2560x128xi32, #tpu.memory_space<hbm>> -> memref<1x128xi32, #tpu.memory_space<hbm>>
    %dma_wait3A_146 = tpu.memref_squeeze %dma_wait3A_145 : memref<1x128xi32, #tpu.memory_space<hbm>> -> memref<128xi32, #tpu.memory_space<hbm>>
    tpu.wait_dma2 semaphore(%arg13 : memref<!tpu.dma_semaphore, #tpu.memory_space<semaphore_mem>>) src(%dma_wait3A_146 : memref<128xi32, #tpu.memory_space<hbm>>) dst(%dma_wait3A_143 : memref<128xi32, #tpu.memory_space<vmem>>)
    %run_scoped3A_147 = arith.constant 1 : i32
    %run_scoped3A_148 = arith.constant 1 : i32
    "tpu.region"() ({
      %run_scoped3A_170 = tpu.sem_alloc : memref<!tpu.dma_semaphore, #tpu.memory_space<semaphore_mem>>
      %dma_start3A_171 = arith.constant 0 : i32
      %dma_start3A_172 = arith.constant 0 : i32
      %dma_start3A_173 = tpu.memref_slice %arg8[%run_scoped3A_147, %dma_start3A_171, %dma_start3A_172] : memref<2x128x128xf32, #tpu.memory_space<vmem>> -> memref<1x128x128xf32, #tpu.memory_space<vmem>>
      %dma_start3A_174 = tpu.memref_squeeze %dma_start3A_173 : memref<1x128x128xf32, #tpu.memory_space<vmem>> -> memref<128x128xf32, #tpu.memory_space<vmem>>
      %dma_start3A_175 = arith.constant 0 : i32
      %dma_start3A_176 = tpu.memref_slice %arg7[%run_scoped3A_148, %dma_start3A_175] : memref<2x128xi32, #tpu.memory_space<vmem>> -> memref<1x128xi32, #tpu.memory_space<vmem>>
      %dma_start3A_177 = tpu.memref_squeeze %dma_start3A_176 : memref<1x128xi32, #tpu.memory_space<vmem>> -> memref<128xi32, #tpu.memory_space<vmem>>
      %dma_start3A_178 = arith.constant 0 : i32
      %dma_start3A_179 = arith.constant 0 : i32
      %dma_start3A_180 = tpu.memref_slice %arg9[%dma_start3A_178, %dma_start3A_179] : memref<10240x128xf32, #tpu.memory_space<vmem_shared>> -> memref<10240x128xf32, #tpu.memory_space<vmem_shared>>
      tpu.enqueue_indirect_dma source(%dma_start3A_174 : memref<128x128xf32, #tpu.memory_space<vmem>>) target(%dma_start3A_180 : memref<10240x128xf32, #tpu.memory_space<vmem_shared>>) offsets(%dma_start3A_177 : memref<128xi32, #tpu.memory_space<vmem>>) semaphore(%run_scoped3A_170 : memref<!tpu.dma_semaphore, #tpu.memory_space<semaphore_mem>>) {add = true}
      %dma_wait3A_181 = arith.constant 0 : i32
      %dma_wait3A_182 = arith.constant 0 : i32
      %dma_wait3A_183 = tpu.memref_slice %arg8[%run_scoped3A_147, %dma_wait3A_181, %dma_wait3A_182] : memref<2x128x128xf32, #tpu.memory_space<vmem>> -> memref<1x128x128xf32, #tpu.memory_space<vmem>>
      %dma_wait3A_184 = tpu.memref_squeeze %dma_wait3A_183 : memref<1x128x128xf32, #tpu.memory_space<vmem>> -> memref<128x128xf32, #tpu.memory_space<vmem>>
      %dma_wait3A_185 = arith.constant 0 : i32
      %dma_wait3A_186 = tpu.memref_slice %arg7[%run_scoped3A_148, %dma_wait3A_185] : memref<2x128xi32, #tpu.memory_space<vmem>> -> memref<1x128xi32, #tpu.memory_space<vmem>>
      %dma_wait3A_187 = tpu.memref_squeeze %dma_wait3A_186 : memref<1x128xi32, #tpu.memory_space<vmem>> -> memref<128xi32, #tpu.memory_space<vmem>>
      %dma_wait3A_188 = arith.constant 0 : i32
      %dma_wait3A_189 = arith.constant 0 : i32
      %dma_wait3A_190 = tpu.memref_slice %arg9[%dma_wait3A_188, %dma_wait3A_189] : memref<10240x128xf32, #tpu.memory_space<vmem_shared>> -> memref<10240x128xf32, #tpu.memory_space<vmem_shared>>
      tpu.wait_indirect_dma semaphore(%run_scoped3A_170 : memref<!tpu.dma_semaphore, #tpu.memory_space<semaphore_mem>>) src(%dma_wait3A_184 : memref<128x128xf32, #tpu.memory_space<vmem>>) dst(%dma_wait3A_190 : memref<10240x128xf32, #tpu.memory_space<vmem_shared>>)
      tpu.yield
    }) : () -> ()
    %barrier3A_149 = arith.constant 0 : index
    tpu.barrier barrier_id(%barrier3A_149)
    %mul3A_150 = arith.constant 640 : i32
    %mul3A_151 = arith.muli %arg1, %mul3A_150 : i32
    %add3A_152 = arith.constant 0 : i32
    %add3A_153 = arith.addi %mul3A_151, %add3A_152 : i32
    "tpu.region"() ({
      %run_scoped3A_170 = tpu.sem_alloc : memref<!tpu.dma_semaphore, #tpu.memory_space<semaphore_mem>>
      %dma_start3A_171 = arith.constant 0 : i32
      %dma_start3A_172 = tpu.memref_slice %arg5[%arg0, %add3A_153, %dma_start3A_171] : memref<2x10240x128xf32, #tpu.memory_space<hbm>> -> memref<1x128x128xf32, #tpu.memory_space<hbm>>
      %dma_start3A_173 = tpu.memref_squeeze %dma_start3A_172 : memref<1x128x128xf32, #tpu.memory_space<hbm>> -> memref<128x128xf32, #tpu.memory_space<hbm>>
      %dma_start3A_174 = arith.constant 0 : i32
      %dma_start3A_175 = tpu.memref_slice %arg9[%add3A_153, %dma_start3A_174] : memref<10240x128xf32, #tpu.memory_space<vmem_shared>> -> memref<128x128xf32, #tpu.memory_space<vmem_shared>>
      tpu.enqueue_dma source(%dma_start3A_175 : memref<128x128xf32, #tpu.memory_space<vmem_shared>>) target(%dma_start3A_173 : memref<128x128xf32, #tpu.memory_space<hbm>>) target_semaphore(%run_scoped3A_170 : memref<!tpu.dma_semaphore, #tpu.memory_space<semaphore_mem>>)
      %dma_wait3A_176 = arith.constant 0 : i32
      %dma_wait3A_177 = tpu.memref_slice %arg5[%arg0, %add3A_153, %dma_wait3A_176] : memref<2x10240x128xf32, #tpu.memory_space<hbm>> -> memref<1x128x128xf32, #tpu.memory_space<hbm>>
      %dma_wait3A_178 = tpu.memref_squeeze %dma_wait3A_177 : memref<1x128x128xf32, #tpu.memory_space<hbm>> -> memref<128x128xf32, #tpu.memory_space<hbm>>
      %dma_wait3A_179 = arith.constant 0 : i32
      %dma_wait3A_180 = tpu.memref_slice %arg9[%add3A_153, %dma_wait3A_179] : memref<10240x128xf32, #tpu.memory_space<vmem_shared>> -> memref<128x128xf32, #tpu.memory_space<vmem_shared>>
      tpu.wait_dma2 semaphore(%run_scoped3A_170 : memref<!tpu.dma_semaphore, #tpu.memory_space<semaphore_mem>>) src(%dma_wait3A_180 : memref<128x128xf32, #tpu.memory_space<vmem_shared>>) dst(%dma_wait3A_178 : memref<128x128xf32, #tpu.memory_space<hbm>>)
      tpu.yield
    }) : () -> ()
    %mul3A_154 = arith.constant 640 : i32
    %mul3A_155 = arith.muli %arg1, %mul3A_154 : i32
    %add3A_156 = arith.constant 128 : i32
    %add3A_157 = arith.addi %mul3A_155, %add3A_156 : i32
    "tpu.region"() ({
      %run_scoped3A_170 = tpu.sem_alloc : memref<!tpu.dma_semaphore, #tpu.memory_space<semaphore_mem>>
      %dma_start3A_171 = arith.constant 0 : i32
      %dma_start3A_172 = tpu.memref_slice %arg5[%arg0, %add3A_157, %dma_start3A_171] : memref<2x10240x128xf32, #tpu.memory_space<hbm>> -> memref<1x128x128xf32, #tpu.memory_space<hbm>>
      %dma_start3A_173 = tpu.memref_squeeze %dma_start3A_172 : memref<1x128x128xf32, #tpu.memory_space<hbm>> -> memref<128x128xf32, #tpu.memory_space<hbm>>
      %dma_start3A_174 = arith.constant 0 : i32
      %dma_start3A_175 = tpu.memref_slice %arg9[%add3A_157, %dma_start3A_174] : memref<10240x128xf32, #tpu.memory_space<vmem_shared>> -> memref<128x128xf32, #tpu.memory_space<vmem_shared>>
      tpu.enqueue_dma source(%dma_start3A_175 : memref<128x128xf32, #tpu.memory_space<vmem_shared>>) target(%dma_start3A_173 : memref<128x128xf32, #tpu.memory_space<hbm>>) target_semaphore(%run_scoped3A_170 : memref<!tpu.dma_semaphore, #tpu.memory_space<semaphore_mem>>)
      %dma_wait3A_176 = arith.constant 0 : i32
      %dma_wait3A_177 = tpu.memref_slice %arg5[%arg0, %add3A_157, %dma_wait3A_176] : memref<2x10240x128xf32, #tpu.memory_space<hbm>> -> memref<1x128x128xf32, #tpu.memory_space<hbm>>
      %dma_wait3A_178 = tpu.memref_squeeze %dma_wait3A_177 : memref<1x128x128xf32, #tpu.memory_space<hbm>> -> memref<128x128xf32, #tpu.memory_space<hbm>>
      %dma_wait3A_179 = arith.constant 0 : i32
      %dma_wait3A_180 = tpu.memref_slice %arg9[%add3A_157, %dma_wait3A_179] : memref<10240x128xf32, #tpu.memory_space<vmem_shared>> -> memref<128x128xf32, #tpu.memory_space<vmem_shared>>
      tpu.wait_dma2 semaphore(%run_scoped3A_170 : memref<!tpu.dma_semaphore, #tpu.memory_space<semaphore_mem>>) src(%dma_wait3A_180 : memref<128x128xf32, #tpu.memory_space<vmem_shared>>) dst(%dma_wait3A_178 : memref<128x128xf32, #tpu.memory_space<hbm>>)
      tpu.yield
    }) : () -> ()
    %mul3A_158 = arith.constant 640 : i32
    %mul3A_159 = arith.muli %arg1, %mul3A_158 : i32
    %add3A_160 = arith.constant 256 : i32
    %add3A_161 = arith.addi %mul3A_159, %add3A_160 : i32
    "tpu.region"() ({
      %run_scoped3A_170 = tpu.sem_alloc : memref<!tpu.dma_semaphore, #tpu.memory_space<semaphore_mem>>
      %dma_start3A_171 = arith.constant 0 : i32
      %dma_start3A_172 = tpu.memref_slice %arg5[%arg0, %add3A_161, %dma_start3A_171] : memref<2x10240x128xf32, #tpu.memory_space<hbm>> -> memref<1x128x128xf32, #tpu.memory_space<hbm>>
      %dma_start3A_173 = tpu.memref_squeeze %dma_start3A_172 : memref<1x128x128xf32, #tpu.memory_space<hbm>> -> memref<128x128xf32, #tpu.memory_space<hbm>>
      %dma_start3A_174 = arith.constant 0 : i32
      %dma_start3A_175 = tpu.memref_slice %arg9[%add3A_161, %dma_start3A_174] : memref<10240x128xf32, #tpu.memory_space<vmem_shared>> -> memref<128x128xf32, #tpu.memory_space<vmem_shared>>
      tpu.enqueue_dma source(%dma_start3A_175 : memref<128x128xf32, #tpu.memory_space<vmem_shared>>) target(%dma_start3A_173 : memref<128x128xf32, #tpu.memory_space<hbm>>) target_semaphore(%run_scoped3A_170 : memref<!tpu.dma_semaphore, #tpu.memory_space<semaphore_mem>>)
      %dma_wait3A_176 = arith.constant 0 : i32
      %dma_wait3A_177 = tpu.memref_slice %arg5[%arg0, %add3A_161, %dma_wait3A_176] : memref<2x10240x128xf32, #tpu.memory_space<hbm>> -> memref<1x128x128xf32, #tpu.memory_space<hbm>>
      %dma_wait3A_178 = tpu.memref_squeeze %dma_wait3A_177 : memref<1x128x128xf32, #tpu.memory_space<hbm>> -> memref<128x128xf32, #tpu.memory_space<hbm>>
      %dma_wait3A_179 = arith.constant 0 : i32
      %dma_wait3A_180 = tpu.memref_slice %arg9[%add3A_161, %dma_wait3A_179] : memref<10240x128xf32, #tpu.memory_space<vmem_shared>> -> memref<128x128xf32, #tpu.memory_space<vmem_shared>>
      tpu.wait_dma2 semaphore(%run_scoped3A_170 : memref<!tpu.dma_semaphore, #tpu.memory_space<semaphore_mem>>) src(%dma_wait3A_180 : memref<128x128xf32, #tpu.memory_space<vmem_shared>>) dst(%dma_wait3A_178 : memref<128x128xf32, #tpu.memory_space<hbm>>)
      tpu.yield
    }) : () -> ()
    %mul3A_162 = arith.constant 640 : i32
    %mul3A_163 = arith.muli %arg1, %mul3A_162 : i32
    %add3A_164 = arith.constant 384 : i32
    %add3A_165 = arith.addi %mul3A_163, %add3A_164 : i32
    "tpu.region"() ({
      %run_scoped3A_170 = tpu.sem_alloc : memref<!tpu.dma_semaphore, #tpu.memory_space<semaphore_mem>>
      %dma_start3A_171 = arith.constant 0 : i32
      %dma_start3A_172 = tpu.memref_slice %arg5[%arg0, %add3A_165, %dma_start3A_171] : memref<2x10240x128xf32, #tpu.memory_space<hbm>> -> memref<1x128x128xf32, #tpu.memory_space<hbm>>
      %dma_start3A_173 = tpu.memref_squeeze %dma_start3A_172 : memref<1x128x128xf32, #tpu.memory_space<hbm>> -> memref<128x128xf32, #tpu.memory_space<hbm>>
      %dma_start3A_174 = arith.constant 0 : i32
      %dma_start3A_175 = tpu.memref_slice %arg9[%add3A_165, %dma_start3A_174] : memref<10240x128xf32, #tpu.memory_space<vmem_shared>> -> memref<128x128xf32, #tpu.memory_space<vmem_shared>>
      tpu.enqueue_dma source(%dma_start3A_175 : memref<128x128xf32, #tpu.memory_space<vmem_shared>>) target(%dma_start3A_173 : memref<128x128xf32, #tpu.memory_space<hbm>>) target_semaphore(%run_scoped3A_170 : memref<!tpu.dma_semaphore, #tpu.memory_space<semaphore_mem>>)
      %dma_wait3A_176 = arith.constant 0 : i32
      %dma_wait3A_177 = tpu.memref_slice %arg5[%arg0, %add3A_165, %dma_wait3A_176] : memref<2x10240x128xf32, #tpu.memory_space<hbm>> -> memref<1x128x128xf32, #tpu.memory_space<hbm>>
      %dma_wait3A_178 = tpu.memref_squeeze %dma_wait3A_177 : memref<1x128x128xf32, #tpu.memory_space<hbm>> -> memref<128x128xf32, #tpu.memory_space<hbm>>
      %dma_wait3A_179 = arith.constant 0 : i32
      %dma_wait3A_180 = tpu.memref_slice %arg9[%add3A_165, %dma_wait3A_179] : memref<10240x128xf32, #tpu.memory_space<vmem_shared>> -> memref<128x128xf32, #tpu.memory_space<vmem_shared>>
      tpu.wait_dma2 semaphore(%run_scoped3A_170 : memref<!tpu.dma_semaphore, #tpu.memory_space<semaphore_mem>>) src(%dma_wait3A_180 : memref<128x128xf32, #tpu.memory_space<vmem_shared>>) dst(%dma_wait3A_178 : memref<128x128xf32, #tpu.memory_space<hbm>>)
      tpu.yield
    }) : () -> ()
    %mul3A_166 = arith.constant 640 : i32
    %mul3A_167 = arith.muli %arg1, %mul3A_166 : i32
    %add3A_168 = arith.constant 512 : i32
    %add3A_169 = arith.addi %mul3A_167, %add3A_168 : i32
    "tpu.region"() ({
      %run_scoped3A_170 = tpu.sem_alloc : memref<!tpu.dma_semaphore, #tpu.memory_space<semaphore_mem>>
      %dma_start3A_171 = arith.constant 0 : i32
      %dma_start3A_172 = tpu.memref_slice %arg5[%arg0, %add3A_169, %dma_start3A_171] : memref<2x10240x128xf32, #tpu.memory_space<hbm>> -> memref<1x128x128xf32, #tpu.memory_space<hbm>>
      %dma_start3A_173 = tpu.memref_squeeze %dma_start3A_172 : memref<1x128x128xf32, #tpu.memory_space<hbm>> -> memref<128x128xf32, #tpu.memory_space<hbm>>
      %dma_start3A_174 = arith.constant 0 : i32
      %dma_start3A_175 = tpu.memref_slice %arg9[%add3A_169, %dma_start3A_174] : memref<10240x128xf32, #tpu.memory_space<vmem_shared>> -> memref<128x128xf32, #tpu.memory_space<vmem_shared>>
      tpu.enqueue_dma source(%dma_start3A_175 : memref<128x128xf32, #tpu.memory_space<vmem_shared>>) target(%dma_start3A_173 : memref<128x128xf32, #tpu.memory_space<hbm>>) target_semaphore(%run_scoped3A_170 : memref<!tpu.dma_semaphore, #tpu.memory_space<semaphore_mem>>)
      %dma_wait3A_176 = arith.constant 0 : i32
      %dma_wait3A_177 = tpu.memref_slice %arg5[%arg0, %add3A_169, %dma_wait3A_176] : memref<2x10240x128xf32, #tpu.memory_space<hbm>> -> memref<1x128x128xf32, #tpu.memory_space<hbm>>
      %dma_wait3A_178 = tpu.memref_squeeze %dma_wait3A_177 : memref<1x128x128xf32, #tpu.memory_space<hbm>> -> memref<128x128xf32, #tpu.memory_space<hbm>>
      %dma_wait3A_179 = arith.constant 0 : i32
      %dma_wait3A_180 = tpu.memref_slice %arg9[%add3A_169, %dma_wait3A_179] : memref<10240x128xf32, #tpu.memory_space<vmem_shared>> -> memref<128x128xf32, #tpu.memory_space<vmem_shared>>
      tpu.wait_dma2 semaphore(%run_scoped3A_170 : memref<!tpu.dma_semaphore, #tpu.memory_space<semaphore_mem>>) src(%dma_wait3A_180 : memref<128x128xf32, #tpu.memory_space<vmem_shared>>) dst(%dma_wait3A_178 : memref<128x128xf32, #tpu.memory_space<hbm>>)
      tpu.yield
    }) : () -> ()
    return
  }
}

#map = affine_map<(d0, d1) -> (0, 0)>
#map1 = affine_map<(d0, d1) -> (0, 0, 0)>
module attributes {stable_mosaic.version = 14 : i64} {
  func.func @_agg_kernel(%arg0: i32, %arg1: i32, %arg2: memref<2560x128xi32, #tpu.memory_space<hbm>>, %arg3: memref<2560x128xi32, #tpu.memory_space<hbm>>, %arg4: memref<10240x128xf32, #tpu.memory_space<hbm>>, %arg5: memref<2x10240x128xf32, #tpu.memory_space<hbm>>, %arg6: memref<80x128xi32, #tpu.memory_space<vmem>>, %arg7: memref<2x128xi32, #tpu.memory_space<vmem>>, %arg8: memref<2x128x128xf32, #tpu.memory_space<vmem>>, %arg9: memref<10240x128xf32, #tpu.memory_space<vmem_shared>>, %arg10: memref<!tpu.dma_semaphore, #tpu.memory_space<semaphore_mem>>, %arg11: memref<!tpu.dma_semaphore, #tpu.memory_space<semaphore_mem>>, %arg12: memref<!tpu.dma_semaphore, #tpu.memory_space<semaphore_mem>>, %arg13: memref<!tpu.dma_semaphore, #tpu.memory_space<semaphore_mem>>) attributes {dimension_semantics = [#tpu.dimension_semantics<core_parallel>, #tpu.dimension_semantics<subcore_parallel>], iteration_bounds = array<i64: 2, 16>, scalar_prefetch = 0 : i64, scratch_operands = 8 : i64, tpu.core_type = #tpu.core_type<sc_vector_subcore>, window_params = [{transform_indices = #map}, {transform_indices = #map}, {transform_indices = #map}, {transform_indices = #map1}]} {
    %mul3A = arith.constant 2 : i32
    %mul3A_0 = arith.muli %arg1, %mul3A : i32
    %add3A = arith.addi %mul3A_0, %arg0 : i32
    %mul3A_1 = arith.constant 80 : i32
    %mul3A_2 = arith.muli %add3A, %mul3A_1 : i32
    "tpu.region"() ({
      %run_scoped3A_170 = tpu.sem_alloc : memref<!tpu.dma_semaphore, #tpu.memory_space<semaphore_mem>>
      %dma_start3A_171 = arith.constant 0 : i32
      %dma_start3A_172 = tpu.memref_slice %arg2[%mul3A_2, %dma_start3A_171] : memref<2560x128xi32, #tpu.memory_space<hbm>> -> memref<80x128xi32, #tpu.memory_space<hbm>>
      %dma_start3A_173 = arith.constant 0 : i32
      %dma_start3A_174 = tpu.memref_slice %arg2[%mul3A_2, %dma_start3A_173] : memref<2560x128xi32, #tpu.memory_space<hbm>> -> memref<80x128xi32, #tpu.memory_space<hbm>>
      tpu.enqueue_dma source(%dma_start3A_174 : memref<80x128xi32, #tpu.memory_space<hbm>>) target(%arg6 : memref<80x128xi32, #tpu.memory_space<vmem>>) target_semaphore(%run_scoped3A_170 : memref<!tpu.dma_semaphore, #tpu.memory_space<semaphore_mem>>)
      %dma_wait3A_175 = arith.constant 0 : i32
      %dma_wait3A_176 = tpu.memref_slice %arg2[%mul3A_2, %dma_wait3A_175] : memref<2560x128xi32, #tpu.memory_space<hbm>> -> memref<80x128xi32, #tpu.memory_space<hbm>>
      %dma_wait3A_177 = arith.constant 0 : i32
      %dma_wait3A_178 = tpu.memref_slice %arg2[%mul3A_2, %dma_wait3A_177] : memref<2560x128xi32, #tpu.memory_space<hbm>> -> memref<80x128xi32, #tpu.memory_space<hbm>>
      tpu.wait_dma2 semaphore(%run_scoped3A_170 : memref<!tpu.dma_semaphore, #tpu.memory_space<semaphore_mem>>) src(%dma_wait3A_178 : memref<80x128xi32, #tpu.memory_space<hbm>>) dst(%arg6 : memref<80x128xi32, #tpu.memory_space<vmem>>)
      tpu.yield
    }) : () -> ()
    %broadcast_in_dim3A = arith.constant 0.000000e+00 : f32
    %broadcast_in_dim3A_3 = vector.broadcast %broadcast_in_dim3A : f32 to vector<16xf32>
    %scan3A = arith.constant 0 : i32
    %scan3A_4 = arith.constant 128 : i32
    %scan3A_5 = arith.addi %scan3A, %scan3A_4 : i32
    %scan3A_6 = arith.constant 1 : i32
    scf.for %scan3A_170 = %scan3A to %scan3A_5 step %scan3A_6  : i32 {
      %mul3A_171 = arith.constant 1 : i32
      %mul3A_172 = arith.muli %scan3A_170, %mul3A_171 : i32
      %add3A_173 = arith.constant 0 : i32
      %add3A_174 = arith.addi %add3A_173, %mul3A_172 : i32
      %swap3A = arith.constant 0 : i32
      %swap3A_175 = arith.index_cast %swap3A : i32 to index
      %swap3A_176 = arith.index_cast %add3A_174 : i32 to index
      %swap3A_177 = arith.constant 0 : index
      %swap3A_178 = tpu.vector_load %arg8[%swap3A_175, %swap3A_176, %swap3A_177] {strides = array<i32>} : memref<2x128x128xf32, #tpu.memory_space<vmem>>, vector<1x1x16xf32>,
      %swap3A_179 = vector.shape_cast %swap3A_178 : vector<1x1x16xf32> to vector<16xf32>
      %swap3A_180 = vector.shape_cast %broadcast_in_dim3A_3 : vector<16xf32> to vector<1x1x16xf32>
      tpu.vector_store %arg8[%swap3A_175, %swap3A_176, %swap3A_177], %swap3A_180 {strides = array<i32>} : memref<2x128x128xf32, #tpu.memory_space<vmem>>, vector<1x1x16xf32>,
      %swap3A_181 = arith.constant 0 : i32
      %swap3A_182 = arith.index_cast %swap3A_181 : i32 to index
      %swap3A_183 = arith.index_cast %add3A_174 : i32 to index
      %swap3A_184 = arith.constant 16 : index
      %swap3A_185 = tpu.vector_load %arg8[%swap3A_182, %swap3A_183, %swap3A_184] {strides = array<i32>} : memref<2x128x128xf32, #tpu.memory_space<vmem>>, vector<1x1x16xf32>,
      %swap3A_186 = vector.shape_cast %swap3A_185 : vector<1x1x16xf32> to vector<16xf32>
      %swap3A_187 = vector.shape_cast %broadcast_in_dim3A_3 : vector<16xf32> to vector<1x1x16xf32>
      tpu.vector_store %arg8[%swap3A_182, %swap3A_183, %swap3A_184], %swap3A_187 {strides = array<i32>} : memref<2x128x128xf32, #tpu.memory_space<vmem>>, vector<1x1x16xf32>,
      %swap3A_188 = arith.constant 0 : i32
      %swap3A_189 = arith.index_cast %swap3A_188 : i32 to index
      %swap3A_190 = arith.index_cast %add3A_174 : i32 to index
      %swap3A_191 = arith.constant 32 : index
      %swap3A_192 = tpu.vector_load %arg8[%swap3A_189, %swap3A_190, %swap3A_191] {strides = array<i32>} : memref<2x128x128xf32, #tpu.memory_space<vmem>>, vector<1x1x16xf32>,
      %swap3A_193 = vector.shape_cast %swap3A_192 : vector<1x1x16xf32> to vector<16xf32>
      %swap3A_194 = vector.shape_cast %broadcast_in_dim3A_3 : vector<16xf32> to vector<1x1x16xf32>
      tpu.vector_store %arg8[%swap3A_189, %swap3A_190, %swap3A_191], %swap3A_194 {strides = array<i32>} : memref<2x128x128xf32, #tpu.memory_space<vmem>>, vector<1x1x16xf32>,
      %swap3A_195 = arith.constant 0 : i32
      %swap3A_196 = arith.index_cast %swap3A_195 : i32 to index
      %swap3A_197 = arith.index_cast %add3A_174 : i32 to index
      %swap3A_198 = arith.constant 48 : index
      %swap3A_199 = tpu.vector_load %arg8[%swap3A_196, %swap3A_197, %swap3A_198] {strides = array<i32>} : memref<2x128x128xf32, #tpu.memory_space<vmem>>, vector<1x1x16xf32>,
      %swap3A_200 = vector.shape_cast %swap3A_199 : vector<1x1x16xf32> to vector<16xf32>
      %swap3A_201 = vector.shape_cast %broadcast_in_dim3A_3 : vector<16xf32> to vector<1x1x16xf32>
      tpu.vector_store %arg8[%swap3A_196, %swap3A_197, %swap3A_198], %swap3A_201 {strides = array<i32>} : memref<2x128x128xf32, #tpu.memory_space<vmem>>, vector<1x1x16xf32>,
      %swap3A_202 = arith.constant 0 : i32
      %swap3A_203 = arith.index_cast %swap3A_202 : i32 to index
      %swap3A_204 = arith.index_cast %add3A_174 : i32 to index
      %swap3A_205 = arith.constant 64 : index
      %swap3A_206 = tpu.vector_load %arg8[%swap3A_203, %swap3A_204, %swap3A_205] {strides = array<i32>} : memref<2x128x128xf32, #tpu.memory_space<vmem>>, vector<1x1x16xf32>,
      %swap3A_207 = vector.shape_cast %swap3A_206 : vector<1x1x16xf32> to vector<16xf32>
      %swap3A_208 = vector.shape_cast %broadcast_in_dim3A_3 : vector<16xf32> to vector<1x1x16xf32>
      tpu.vector_store %arg8[%swap3A_203, %swap3A_204, %swap3A_205], %swap3A_208 {strides = array<i32>} : memref<2x128x128xf32, #tpu.memory_space<vmem>>, vector<1x1x16xf32>,
      %swap3A_209 = arith.constant 0 : i32
      %swap3A_210 = arith.index_cast %swap3A_209 : i32 to index
      %swap3A_211 = arith.index_cast %add3A_174 : i32 to index
      %swap3A_212 = arith.constant 80 : index
      %swap3A_213 = tpu.vector_load %arg8[%swap3A_210, %swap3A_211, %swap3A_212] {strides = array<i32>} : memref<2x128x128xf32, #tpu.memory_space<vmem>>, vector<1x1x16xf32>,
      %swap3A_214 = vector.shape_cast %swap3A_213 : vector<1x1x16xf32> to vector<16xf32>
      %swap3A_215 = vector.shape_cast %broadcast_in_dim3A_3 : vector<16xf32> to vector<1x1x16xf32>
      tpu.vector_store %arg8[%swap3A_210, %swap3A_211, %swap3A_212], %swap3A_215 {strides = array<i32>} : memref<2x128x128xf32, #tpu.memory_space<vmem>>, vector<1x1x16xf32>,
      %swap3A_216 = arith.constant 0 : i32
      %swap3A_217 = arith.index_cast %swap3A_216 : i32 to index
      %swap3A_218 = arith.index_cast %add3A_174 : i32 to index
      %swap3A_219 = arith.constant 96 : index
      %swap3A_220 = tpu.vector_load %arg8[%swap3A_217, %swap3A_218, %swap3A_219] {strides = array<i32>} : memref<2x128x128xf32, #tpu.memory_space<vmem>>, vector<1x1x16xf32>,
      %swap3A_221 = vector.shape_cast %swap3A_220 : vector<1x1x16xf32> to vector<16xf32>
      %swap3A_222 = vector.shape_cast %broadcast_in_dim3A_3 : vector<16xf32> to vector<1x1x16xf32>
      tpu.vector_store %arg8[%swap3A_217, %swap3A_218, %swap3A_219], %swap3A_222 {strides = array<i32>} : memref<2x128x128xf32, #tpu.memory_space<vmem>>, vector<1x1x16xf32>,
      %swap3A_223 = arith.constant 0 : i32
      %swap3A_224 = arith.index_cast %swap3A_223 : i32 to index
      %swap3A_225 = arith.index_cast %add3A_174 : i32 to index
      %swap3A_226 = arith.constant 112 : index
      %swap3A_227 = tpu.vector_load %arg8[%swap3A_224, %swap3A_225, %swap3A_226] {strides = array<i32>} : memref<2x128x128xf32, #tpu.memory_space<vmem>>, vector<1x1x16xf32>,
      %swap3A_228 = vector.shape_cast %swap3A_227 : vector<1x1x16xf32> to vector<16xf32>
      %swap3A_229 = vector.shape_cast %broadcast_in_dim3A_3 : vector<16xf32> to vector<1x1x16xf32>
      tpu.vector_store %arg8[%swap3A_224, %swap3A_225, %swap3A_226], %swap3A_229 {strides = array<i32>} : memref<2x128x128xf32, #tpu.memory_space<vmem>>, vector<1x1x16xf32>,
    }
    %scan3A_7 = arith.constant 128 : i32
    %mul3A_8 = arith.constant 640 : i32
    %mul3A_9 = arith.muli %arg1, %mul3A_8 : i32
    %add3A_10 = arith.constant 0 : i32
    %add3A_11 = arith.addi %mul3A_9, %add3A_10 : i32
    %run_scoped3A = arith.constant 0 : i32
    "tpu.region"() ({
      %run_scoped3A_170 = tpu.sem_alloc : memref<!tpu.dma_semaphore, #tpu.memory_space<semaphore_mem>>
      %dma_start3A_171 = arith.constant 0 : i32
      %dma_start3A_172 = arith.constant 0 : i32
      %dma_start3A_173 = tpu.memref_slice %arg8[%run_scoped3A, %dma_start3A_171, %dma_start3A_172] : memref<2x128x128xf32, #tpu.memory_space<vmem>> -> memref<1x128x128xf32, #tpu.memory_space<vmem>>
      %dma_start3A_174 = tpu.memref_squeeze %dma_start3A_173 : memref<1x128x128xf32, #tpu.memory_space<vmem>> -> memref<128x128xf32, #tpu.memory_space<vmem>>
      %dma_start3A_175 = arith.constant 0 : i32
      %dma_start3A_176 = tpu.memref_slice %arg9[%add3A_11, %dma_start3A_175] : memref<10240x128xf32, #tpu.memory_space<vmem_shared>> -> memref<128x128xf32, #tpu.memory_space<vmem_shared>>
      %dma_start3A_177 = arith.constant 0 : i32
      %dma_start3A_178 = tpu.memref_slice %arg9[%add3A_11, %dma_start3A_177] : memref<10240x128xf32, #tpu.memory_space<vmem_shared>> -> memref<128x128xf32, #tpu.memory_space<vmem_shared>>
      %dma_start3A_179 = arith.constant 0 : i32
      %dma_start3A_180 = arith.constant 0 : i32
      %dma_start3A_181 = tpu.memref_slice %arg8[%run_scoped3A, %dma_start3A_179, %dma_start3A_180] : memref<2x128x128xf32, #tpu.memory_space<vmem>> -> memref<1x128x128xf32, #tpu.memory_space<vmem>>
      %dma_start3A_182 = tpu.memref_squeeze %dma_start3A_181 : memref<1x128x128xf32, #tpu.memory_space<vmem>> -> memref<128x128xf32, #tpu.memory_space<vmem>>
      tpu.enqueue_dma source(%dma_start3A_182 : memref<128x128xf32, #tpu.memory_space<vmem>>) target(%dma_start3A_178 : memref<128x128xf32, #tpu.memory_space<vmem_shared>>) target_semaphore(%run_scoped3A_170 : memref<!tpu.dma_semaphore, #tpu.memory_space<semaphore_mem>>)
      %dma_wait3A_183 = arith.constant 0 : i32
      %dma_wait3A_184 = arith.constant 0 : i32
      %dma_wait3A_185 = tpu.memref_slice %arg8[%run_scoped3A, %dma_wait3A_183, %dma_wait3A_184] : memref<2x128x128xf32, #tpu.memory_space<vmem>> -> memref<1x128x128xf32, #tpu.memory_space<vmem>>
      %dma_wait3A_186 = tpu.memref_squeeze %dma_wait3A_185 : memref<1x128x128xf32, #tpu.memory_space<vmem>> -> memref<128x128xf32, #tpu.memory_space<vmem>>
      %dma_wait3A_187 = arith.constant 0 : i32
      %dma_wait3A_188 = tpu.memref_slice %arg9[%add3A_11, %dma_wait3A_187] : memref<10240x128xf32, #tpu.memory_space<vmem_shared>> -> memref<128x128xf32, #tpu.memory_space<vmem_shared>>
      %dma_wait3A_189 = arith.constant 0 : i32
      %dma_wait3A_190 = tpu.memref_slice %arg9[%add3A_11, %dma_wait3A_189] : memref<10240x128xf32, #tpu.memory_space<vmem_shared>> -> memref<128x128xf32, #tpu.memory_space<vmem_shared>>
      %dma_wait3A_191 = arith.constant 0 : i32
      %dma_wait3A_192 = arith.constant 0 : i32
      %dma_wait3A_193 = tpu.memref_slice %arg8[%run_scoped3A, %dma_wait3A_191, %dma_wait3A_192] : memref<2x128x128xf32, #tpu.memory_space<vmem>> -> memref<1x128x128xf32, #tpu.memory_space<vmem>>
      %dma_wait3A_194 = tpu.memref_squeeze %dma_wait3A_193 : memref<1x128x128xf32, #tpu.memory_space<vmem>> -> memref<128x128xf32, #tpu.memory_space<vmem>>
      tpu.wait_dma2 semaphore(%run_scoped3A_170 : memref<!tpu.dma_semaphore, #tpu.memory_space<semaphore_mem>>) src(%dma_wait3A_194 : memref<128x128xf32, #tpu.memory_space<vmem>>) dst(%dma_wait3A_190 : memref<128x128xf32, #tpu.memory_space<vmem_shared>>)
      tpu.yield
    }) : () -> ()
    %mul3A_12 = arith.constant 640 : i32
    %mul3A_13 = arith.muli %arg1, %mul3A_12 : i32
    %add3A_14 = arith.constant 128 : i32
    %add3A_15 = arith.addi %mul3A_13, %add3A_14 : i32
    %run_scoped3A_16 = arith.constant 0 : i32
    "tpu.region"() ({
      %run_scoped3A_170 = tpu.sem_alloc : memref<!tpu.dma_semaphore, #tpu.memory_space<semaphore_mem>>
      %dma_start3A_171 = arith.constant 0 : i32
      %dma_start3A_172 = arith.constant 0 : i32
      %dma_start3A_173 = tpu.memref_slice %arg8[%run_scoped3A_16, %dma_start3A_171, %dma_start3A_172] : memref<2x128x128xf32, #tpu.memory_space<vmem>> -> memref<1x128x128xf32, #tpu.memory_space<vmem>>
      %dma_start3A_174 = tpu.memref_squeeze %dma_start3A_173 : memref<1x128x128xf32, #tpu.memory_space<vmem>> -> memref<128x128xf32, #tpu.memory_space<vmem>>
      %dma_start3A_175 = arith.constant 0 : i32
      %dma_start3A_176 = tpu.memref_slice %arg9[%add3A_15, %dma_start3A_175] : memref<10240x128xf32, #tpu.memory_space<vmem_shared>> -> memref<128x128xf32, #tpu.memory_space<vmem_shared>>
      %dma_start3A_177 = arith.constant 0 : i32
      %dma_start3A_178 = tpu.memref_slice %arg9[%add3A_15, %dma_start3A_177] : memref<10240x128xf32, #tpu.memory_space<vmem_shared>> -> memref<128x128xf32, #tpu.memory_space<vmem_shared>>
      %dma_start3A_179 = arith.constant 0 : i32
      %dma_start3A_180 = arith.constant 0 : i32
      %dma_start3A_181 = tpu.memref_slice %arg8[%run_scoped3A_16, %dma_start3A_179, %dma_start3A_180] : memref<2x128x128xf32, #tpu.memory_space<vmem>> -> memref<1x128x128xf32, #tpu.memory_space<vmem>>
      %dma_start3A_182 = tpu.memref_squeeze %dma_start3A_181 : memref<1x128x128xf32, #tpu.memory_space<vmem>> -> memref<128x128xf32, #tpu.memory_space<vmem>>
      tpu.enqueue_dma source(%dma_start3A_182 : memref<128x128xf32, #tpu.memory_space<vmem>>) target(%dma_start3A_178 : memref<128x128xf32, #tpu.memory_space<vmem_shared>>) target_semaphore(%run_scoped3A_170 : memref<!tpu.dma_semaphore, #tpu.memory_space<semaphore_mem>>)
      %dma_wait3A_183 = arith.constant 0 : i32
      %dma_wait3A_184 = arith.constant 0 : i32
      %dma_wait3A_185 = tpu.memref_slice %arg8[%run_scoped3A_16, %dma_wait3A_183, %dma_wait3A_184] : memref<2x128x128xf32, #tpu.memory_space<vmem>> -> memref<1x128x128xf32, #tpu.memory_space<vmem>>
      %dma_wait3A_186 = tpu.memref_squeeze %dma_wait3A_185 : memref<1x128x128xf32, #tpu.memory_space<vmem>> -> memref<128x128xf32, #tpu.memory_space<vmem>>
      %dma_wait3A_187 = arith.constant 0 : i32
      %dma_wait3A_188 = tpu.memref_slice %arg9[%add3A_15, %dma_wait3A_187] : memref<10240x128xf32, #tpu.memory_space<vmem_shared>> -> memref<128x128xf32, #tpu.memory_space<vmem_shared>>
      %dma_wait3A_189 = arith.constant 0 : i32
      %dma_wait3A_190 = tpu.memref_slice %arg9[%add3A_15, %dma_wait3A_189] : memref<10240x128xf32, #tpu.memory_space<vmem_shared>> -> memref<128x128xf32, #tpu.memory_space<vmem_shared>>
      %dma_wait3A_191 = arith.constant 0 : i32
      %dma_wait3A_192 = arith.constant 0 : i32
      %dma_wait3A_193 = tpu.memref_slice %arg8[%run_scoped3A_16, %dma_wait3A_191, %dma_wait3A_192] : memref<2x128x128xf32, #tpu.memory_space<vmem>> -> memref<1x128x128xf32, #tpu.memory_space<vmem>>
      %dma_wait3A_194 = tpu.memref_squeeze %dma_wait3A_193 : memref<1x128x128xf32, #tpu.memory_space<vmem>> -> memref<128x128xf32, #tpu.memory_space<vmem>>
      tpu.wait_dma2 semaphore(%run_scoped3A_170 : memref<!tpu.dma_semaphore, #tpu.memory_space<semaphore_mem>>) src(%dma_wait3A_194 : memref<128x128xf32, #tpu.memory_space<vmem>>) dst(%dma_wait3A_190 : memref<128x128xf32, #tpu.memory_space<vmem_shared>>)
      tpu.yield
    }) : () -> ()
    %mul3A_17 = arith.constant 640 : i32
    %mul3A_18 = arith.muli %arg1, %mul3A_17 : i32
    %add3A_19 = arith.constant 256 : i32
    %add3A_20 = arith.addi %mul3A_18, %add3A_19 : i32
    %run_scoped3A_21 = arith.constant 0 : i32
    "tpu.region"() ({
      %run_scoped3A_170 = tpu.sem_alloc : memref<!tpu.dma_semaphore, #tpu.memory_space<semaphore_mem>>
      %dma_start3A_171 = arith.constant 0 : i32
      %dma_start3A_172 = arith.constant 0 : i32
      %dma_start3A_173 = tpu.memref_slice %arg8[%run_scoped3A_21, %dma_start3A_171, %dma_start3A_172] : memref<2x128x128xf32, #tpu.memory_space<vmem>> -> memref<1x128x128xf32, #tpu.memory_space<vmem>>
      %dma_start3A_174 = tpu.memref_squeeze %dma_start3A_173 : memref<1x128x128xf32, #tpu.memory_space<vmem>> -> memref<128x128xf32, #tpu.memory_space<vmem>>
      %dma_start3A_175 = arith.constant 0 : i32
      %dma_start3A_176 = tpu.memref_slice %arg9[%add3A_20, %dma_start3A_175] : memref<10240x128xf32, #tpu.memory_space<vmem_shared>> -> memref<128x128xf32, #tpu.memory_space<vmem_shared>>
      %dma_start3A_177 = arith.constant 0 : i32
      %dma_start3A_178 = tpu.memref_slice %arg9[%add3A_20, %dma_start3A_177] : memref<10240x128xf32, #tpu.memory_space<vmem_shared>> -> memref<128x128xf32, #tpu.memory_space<vmem_shared>>
      %dma_start3A_179 = arith.constant 0 : i32
      %dma_start3A_180 = arith.constant 0 : i32
      %dma_start3A_181 = tpu.memref_slice %arg8[%run_scoped3A_21, %dma_start3A_179, %dma_start3A_180] : memref<2x128x128xf32, #tpu.memory_space<vmem>> -> memref<1x128x128xf32, #tpu.memory_space<vmem>>
      %dma_start3A_182 = tpu.memref_squeeze %dma_start3A_181 : memref<1x128x128xf32, #tpu.memory_space<vmem>> -> memref<128x128xf32, #tpu.memory_space<vmem>>
      tpu.enqueue_dma source(%dma_start3A_182 : memref<128x128xf32, #tpu.memory_space<vmem>>) target(%dma_start3A_178 : memref<128x128xf32, #tpu.memory_space<vmem_shared>>) target_semaphore(%run_scoped3A_170 : memref<!tpu.dma_semaphore, #tpu.memory_space<semaphore_mem>>)
      %dma_wait3A_183 = arith.constant 0 : i32
      %dma_wait3A_184 = arith.constant 0 : i32
      %dma_wait3A_185 = tpu.memref_slice %arg8[%run_scoped3A_21, %dma_wait3A_183, %dma_wait3A_184] : memref<2x128x128xf32, #tpu.memory_space<vmem>> -> memref<1x128x128xf32, #tpu.memory_space<vmem>>
      %dma_wait3A_186 = tpu.memref_squeeze %dma_wait3A_185 : memref<1x128x128xf32, #tpu.memory_space<vmem>> -> memref<128x128xf32, #tpu.memory_space<vmem>>
      %dma_wait3A_187 = arith.constant 0 : i32
      %dma_wait3A_188 = tpu.memref_slice %arg9[%add3A_20, %dma_wait3A_187] : memref<10240x128xf32, #tpu.memory_space<vmem_shared>> -> memref<128x128xf32, #tpu.memory_space<vmem_shared>>
      %dma_wait3A_189 = arith.constant 0 : i32
      %dma_wait3A_190 = tpu.memref_slice %arg9[%add3A_20, %dma_wait3A_189] : memref<10240x128xf32, #tpu.memory_space<vmem_shared>> -> memref<128x128xf32, #tpu.memory_space<vmem_shared>>
      %dma_wait3A_191 = arith.constant 0 : i32
      %dma_wait3A_192 = arith.constant 0 : i32
      %dma_wait3A_193 = tpu.memref_slice %arg8[%run_scoped3A_21, %dma_wait3A_191, %dma_wait3A_192] : memref<2x128x128xf32, #tpu.memory_space<vmem>> -> memref<1x128x128xf32, #tpu.memory_space<vmem>>
      %dma_wait3A_194 = tpu.memref_squeeze %dma_wait3A_193 : memref<1x128x128xf32, #tpu.memory_space<vmem>> -> memref<128x128xf32, #tpu.memory_space<vmem>>
      tpu.wait_dma2 semaphore(%run_scoped3A_170 : memref<!tpu.dma_semaphore, #tpu.memory_space<semaphore_mem>>) src(%dma_wait3A_194 : memref<128x128xf32, #tpu.memory_space<vmem>>) dst(%dma_wait3A_190 : memref<128x128xf32, #tpu.memory_space<vmem_shared>>)
      tpu.yield
    }) : () -> ()
    %mul3A_22 = arith.constant 640 : i32
    %mul3A_23 = arith.muli %arg1, %mul3A_22 : i32
    %add3A_24 = arith.constant 384 : i32
    %add3A_25 = arith.addi %mul3A_23, %add3A_24 : i32
    %run_scoped3A_26 = arith.constant 0 : i32
    "tpu.region"() ({
      %run_scoped3A_170 = tpu.sem_alloc : memref<!tpu.dma_semaphore, #tpu.memory_space<semaphore_mem>>
      %dma_start3A_171 = arith.constant 0 : i32
      %dma_start3A_172 = arith.constant 0 : i32
      %dma_start3A_173 = tpu.memref_slice %arg8[%run_scoped3A_26, %dma_start3A_171, %dma_start3A_172] : memref<2x128x128xf32, #tpu.memory_space<vmem>> -> memref<1x128x128xf32, #tpu.memory_space<vmem>>
      %dma_start3A_174 = tpu.memref_squeeze %dma_start3A_173 : memref<1x128x128xf32, #tpu.memory_space<vmem>> -> memref<128x128xf32, #tpu.memory_space<vmem>>
      %dma_start3A_175 = arith.constant 0 : i32
      %dma_start3A_176 = tpu.memref_slice %arg9[%add3A_25, %dma_start3A_175] : memref<10240x128xf32, #tpu.memory_space<vmem_shared>> -> memref<128x128xf32, #tpu.memory_space<vmem_shared>>
      %dma_start3A_177 = arith.constant 0 : i32
      %dma_start3A_178 = tpu.memref_slice %arg9[%add3A_25, %dma_start3A_177] : memref<10240x128xf32, #tpu.memory_space<vmem_shared>> -> memref<128x128xf32, #tpu.memory_space<vmem_shared>>
      %dma_start3A_179 = arith.constant 0 : i32
      %dma_start3A_180 = arith.constant 0 : i32
      %dma_start3A_181 = tpu.memref_slice %arg8[%run_scoped3A_26, %dma_start3A_179, %dma_start3A_180] : memref<2x128x128xf32, #tpu.memory_space<vmem>> -> memref<1x128x128xf32, #tpu.memory_space<vmem>>
      %dma_start3A_182 = tpu.memref_squeeze %dma_start3A_181 : memref<1x128x128xf32, #tpu.memory_space<vmem>> -> memref<128x128xf32, #tpu.memory_space<vmem>>
      tpu.enqueue_dma source(%dma_start3A_182 : memref<128x128xf32, #tpu.memory_space<vmem>>) target(%dma_start3A_178 : memref<128x128xf32, #tpu.memory_space<vmem_shared>>) target_semaphore(%run_scoped3A_170 : memref<!tpu.dma_semaphore, #tpu.memory_space<semaphore_mem>>)
      %dma_wait3A_183 = arith.constant 0 : i32
      %dma_wait3A_184 = arith.constant 0 : i32
      %dma_wait3A_185 = tpu.memref_slice %arg8[%run_scoped3A_26, %dma_wait3A_183, %dma_wait3A_184] : memref<2x128x128xf32, #tpu.memory_space<vmem>> -> memref<1x128x128xf32, #tpu.memory_space<vmem>>
      %dma_wait3A_186 = tpu.memref_squeeze %dma_wait3A_185 : memref<1x128x128xf32, #tpu.memory_space<vmem>> -> memref<128x128xf32, #tpu.memory_space<vmem>>
      %dma_wait3A_187 = arith.constant 0 : i32
      %dma_wait3A_188 = tpu.memref_slice %arg9[%add3A_25, %dma_wait3A_187] : memref<10240x128xf32, #tpu.memory_space<vmem_shared>> -> memref<128x128xf32, #tpu.memory_space<vmem_shared>>
      %dma_wait3A_189 = arith.constant 0 : i32
      %dma_wait3A_190 = tpu.memref_slice %arg9[%add3A_25, %dma_wait3A_189] : memref<10240x128xf32, #tpu.memory_space<vmem_shared>> -> memref<128x128xf32, #tpu.memory_space<vmem_shared>>
      %dma_wait3A_191 = arith.constant 0 : i32
      %dma_wait3A_192 = arith.constant 0 : i32
      %dma_wait3A_193 = tpu.memref_slice %arg8[%run_scoped3A_26, %dma_wait3A_191, %dma_wait3A_192] : memref<2x128x128xf32, #tpu.memory_space<vmem>> -> memref<1x128x128xf32, #tpu.memory_space<vmem>>
      %dma_wait3A_194 = tpu.memref_squeeze %dma_wait3A_193 : memref<1x128x128xf32, #tpu.memory_space<vmem>> -> memref<128x128xf32, #tpu.memory_space<vmem>>
      tpu.wait_dma2 semaphore(%run_scoped3A_170 : memref<!tpu.dma_semaphore, #tpu.memory_space<semaphore_mem>>) src(%dma_wait3A_194 : memref<128x128xf32, #tpu.memory_space<vmem>>) dst(%dma_wait3A_190 : memref<128x128xf32, #tpu.memory_space<vmem_shared>>)
      tpu.yield
    }) : () -> ()
    %mul3A_27 = arith.constant 640 : i32
    %mul3A_28 = arith.muli %arg1, %mul3A_27 : i32
    %add3A_29 = arith.constant 512 : i32
    %add3A_30 = arith.addi %mul3A_28, %add3A_29 : i32
    %run_scoped3A_31 = arith.constant 0 : i32
    "tpu.region"() ({
      %run_scoped3A_170 = tpu.sem_alloc : memref<!tpu.dma_semaphore, #tpu.memory_space<semaphore_mem>>
      %dma_start3A_171 = arith.constant 0 : i32
      %dma_start3A_172 = arith.constant 0 : i32
      %dma_start3A_173 = tpu.memref_slice %arg8[%run_scoped3A_31, %dma_start3A_171, %dma_start3A_172] : memref<2x128x128xf32, #tpu.memory_space<vmem>> -> memref<1x128x128xf32, #tpu.memory_space<vmem>>
      %dma_start3A_174 = tpu.memref_squeeze %dma_start3A_173 : memref<1x128x128xf32, #tpu.memory_space<vmem>> -> memref<128x128xf32, #tpu.memory_space<vmem>>
      %dma_start3A_175 = arith.constant 0 : i32
      %dma_start3A_176 = tpu.memref_slice %arg9[%add3A_30, %dma_start3A_175] : memref<10240x128xf32, #tpu.memory_space<vmem_shared>> -> memref<128x128xf32, #tpu.memory_space<vmem_shared>>
      %dma_start3A_177 = arith.constant 0 : i32
      %dma_start3A_178 = tpu.memref_slice %arg9[%add3A_30, %dma_start3A_177] : memref<10240x128xf32, #tpu.memory_space<vmem_shared>> -> memref<128x128xf32, #tpu.memory_space<vmem_shared>>
      %dma_start3A_179 = arith.constant 0 : i32
      %dma_start3A_180 = arith.constant 0 : i32
      %dma_start3A_181 = tpu.memref_slice %arg8[%run_scoped3A_31, %dma_start3A_179, %dma_start3A_180] : memref<2x128x128xf32, #tpu.memory_space<vmem>> -> memref<1x128x128xf32, #tpu.memory_space<vmem>>
      %dma_start3A_182 = tpu.memref_squeeze %dma_start3A_181 : memref<1x128x128xf32, #tpu.memory_space<vmem>> -> memref<128x128xf32, #tpu.memory_space<vmem>>
      tpu.enqueue_dma source(%dma_start3A_182 : memref<128x128xf32, #tpu.memory_space<vmem>>) target(%dma_start3A_178 : memref<128x128xf32, #tpu.memory_space<vmem_shared>>) target_semaphore(%run_scoped3A_170 : memref<!tpu.dma_semaphore, #tpu.memory_space<semaphore_mem>>)
      %dma_wait3A_183 = arith.constant 0 : i32
      %dma_wait3A_184 = arith.constant 0 : i32
      %dma_wait3A_185 = tpu.memref_slice %arg8[%run_scoped3A_31, %dma_wait3A_183, %dma_wait3A_184] : memref<2x128x128xf32, #tpu.memory_space<vmem>> -> memref<1x128x128xf32, #tpu.memory_space<vmem>>
      %dma_wait3A_186 = tpu.memref_squeeze %dma_wait3A_185 : memref<1x128x128xf32, #tpu.memory_space<vmem>> -> memref<128x128xf32, #tpu.memory_space<vmem>>
      %dma_wait3A_187 = arith.constant 0 : i32
      %dma_wait3A_188 = tpu.memref_slice %arg9[%add3A_30, %dma_wait3A_187] : memref<10240x128xf32, #tpu.memory_space<vmem_shared>> -> memref<128x128xf32, #tpu.memory_space<vmem_shared>>
      %dma_wait3A_189 = arith.constant 0 : i32
      %dma_wait3A_190 = tpu.memref_slice %arg9[%add3A_30, %dma_wait3A_189] : memref<10240x128xf32, #tpu.memory_space<vmem_shared>> -> memref<128x128xf32, #tpu.memory_space<vmem_shared>>
      %dma_wait3A_191 = arith.constant 0 : i32
      %dma_wait3A_192 = arith.constant 0 : i32
      %dma_wait3A_193 = tpu.memref_slice %arg8[%run_scoped3A_31, %dma_wait3A_191, %dma_wait3A_192] : memref<2x128x128xf32, #tpu.memory_space<vmem>> -> memref<1x128x128xf32, #tpu.memory_space<vmem>>
      %dma_wait3A_194 = tpu.memref_squeeze %dma_wait3A_193 : memref<1x128x128xf32, #tpu.memory_space<vmem>> -> memref<128x128xf32, #tpu.memory_space<vmem>>
      tpu.wait_dma2 semaphore(%run_scoped3A_170 : memref<!tpu.dma_semaphore, #tpu.memory_space<semaphore_mem>>) src(%dma_wait3A_194 : memref<128x128xf32, #tpu.memory_space<vmem>>) dst(%dma_wait3A_190 : memref<128x128xf32, #tpu.memory_space<vmem_shared>>)
      tpu.yield
    }) : () -> ()
    %barrier3A = arith.constant 0 : index
    tpu.barrier barrier_id(%barrier3A)
    %dma_start3A = arith.constant 0 : i32
    %dma_start3A_32 = arith.constant 0 : i32
    %dma_start3A_33 = arith.constant 0 : i32
    %dma_start3A_34 = arith.constant 0 : i32
    %dma_start3A_35 = tpu.memref_slice %arg8[%dma_start3A_32, %dma_start3A_33, %dma_start3A_34] : memref<2x128x128xf32, #tpu.memory_space<vmem>> -> memref<1x128x128xf32, #tpu.memory_space<vmem>>
    %dma_start3A_36 = tpu.memref_squeeze %dma_start3A_35 : memref<1x128x128xf32, #tpu.memory_space<vmem>> -> memref<128x128xf32, #tpu.memory_space<vmem>>
    %dma_start3A_37 = arith.constant 0 : i32
    %dma_start3A_38 = tpu.memref_slice %arg6[%dma_start3A, %dma_start3A_37] : memref<80x128xi32, #tpu.memory_space<vmem>> -> memref<1x128xi32, #tpu.memory_space<vmem>>
    %dma_start3A_39 = tpu.memref_squeeze %dma_start3A_38 : memref<1x128xi32, #tpu.memory_space<vmem>> -> memref<128xi32, #tpu.memory_space<vmem>>
    %dma_start3A_40 = arith.constant 0 : i32
    %dma_start3A_41 = arith.constant 0 : i32
    %dma_start3A_42 = tpu.memref_slice %arg4[%dma_start3A_40, %dma_start3A_41] : memref<10240x128xf32, #tpu.memory_space<hbm>> -> memref<10240x128xf32, #tpu.memory_space<hbm>>
    tpu.enqueue_indirect_dma source(%dma_start3A_42 : memref<10240x128xf32, #tpu.memory_space<hbm>>) target(%dma_start3A_36 : memref<128x128xf32, #tpu.memory_space<vmem>>) offsets(%dma_start3A_39 : memref<128xi32, #tpu.memory_space<vmem>>) semaphore(%arg10 : memref<!tpu.dma_semaphore, #tpu.memory_space<semaphore_mem>>)
    %mul3A_43 = arith.constant 80 : i32
    %mul3A_44 = arith.muli %add3A, %mul3A_43 : i32
    %add3A_45 = arith.constant 0 : i32
    %add3A_46 = arith.addi %mul3A_44, %add3A_45 : i32
    %dma_start3A_47 = arith.constant 0 : i32
    %dma_start3A_48 = arith.constant 0 : i32
    %dma_start3A_49 = tpu.memref_slice %arg7[%dma_start3A_47, %dma_start3A_48] : memref<2x128xi32, #tpu.memory_space<vmem>> -> memref<1x128xi32, #tpu.memory_space<vmem>>
    %dma_start3A_50 = tpu.memref_squeeze %dma_start3A_49 : memref<1x128xi32, #tpu.memory_space<vmem>> -> memref<128xi32, #tpu.memory_space<vmem>>
    %dma_start3A_51 = arith.constant 0 : i32
    %dma_start3A_52 = tpu.memref_slice %arg3[%add3A_46, %dma_start3A_51] : memref<2560x128xi32, #tpu.memory_space<hbm>> -> memref<1x128xi32, #tpu.memory_space<hbm>>
    %dma_start3A_53 = tpu.memref_squeeze %dma_start3A_52 : memref<1x128xi32, #tpu.memory_space<hbm>> -> memref<128xi32, #tpu.memory_space<hbm>>
    %dma_start3A_54 = arith.constant 0 : i32
    %dma_start3A_55 = tpu.memref_slice %arg7[%dma_start3A_47, %dma_start3A_54] : memref<2x128xi32, #tpu.memory_space<vmem>> -> memref<1x128xi32, #tpu.memory_space<vmem>>
    %dma_start3A_56 = tpu.memref_squeeze %dma_start3A_55 : memref<1x128xi32, #tpu.memory_space<vmem>> -> memref<128xi32, #tpu.memory_space<vmem>>
    %dma_start3A_57 = arith.constant 0 : i32
    %dma_start3A_58 = tpu.memref_slice %arg3[%add3A_46, %dma_start3A_57] : memref<2560x128xi32, #tpu.memory_space<hbm>> -> memref<1x128xi32, #tpu.memory_space<hbm>>
    %dma_start3A_59 = tpu.memref_squeeze %dma_start3A_58 : memref<1x128xi32, #tpu.memory_space<hbm>> -> memref<128xi32, #tpu.memory_space<hbm>>
    tpu.enqueue_dma source(%dma_start3A_59 : memref<128xi32, #tpu.memory_space<hbm>>) target(%dma_start3A_56 : memref<128xi32, #tpu.memory_space<vmem>>) target_semaphore(%arg12 : memref<!tpu.dma_semaphore, #tpu.memory_space<semaphore_mem>>)
    %dma_start3A_60 = arith.constant 1 : i32
    %dma_start3A_61 = arith.constant 1 : i32
    %dma_start3A_62 = arith.constant 0 : i32
    %dma_start3A_63 = arith.constant 0 : i32
    %dma_start3A_64 = tpu.memref_slice %arg8[%dma_start3A_61, %dma_start3A_62, %dma_start3A_63] : memref<2x128x128xf32, #tpu.memory_space<vmem>> -> memref<1x128x128xf32, #tpu.memory_space<vmem>>
    %dma_start3A_65 = tpu.memref_squeeze %dma_start3A_64 : memref<1x128x128xf32, #tpu.memory_space<vmem>> -> memref<128x128xf32, #tpu.memory_space<vmem>>
    %dma_start3A_66 = arith.constant 0 : i32
    %dma_start3A_67 = tpu.memref_slice %arg6[%dma_start3A_60, %dma_start3A_66] : memref<80x128xi32, #tpu.memory_space<vmem>> -> memref<1x128xi32, #tpu.memory_space<vmem>>
    %dma_start3A_68 = tpu.memref_squeeze %dma_start3A_67 : memref<1x128xi32, #tpu.memory_space<vmem>> -> memref<128xi32, #tpu.memory_space<vmem>>
    %dma_start3A_69 = arith.constant 0 : i32
    %dma_start3A_70 = arith.constant 0 : i32
    %dma_start3A_71 = tpu.memref_slice %arg4[%dma_start3A_69, %dma_start3A_70] : memref<10240x128xf32, #tpu.memory_space<hbm>> -> memref<10240x128xf32, #tpu.memory_space<hbm>>
    tpu.enqueue_indirect_dma source(%dma_start3A_71 : memref<10240x128xf32, #tpu.memory_space<hbm>>) target(%dma_start3A_65 : memref<128x128xf32, #tpu.memory_space<vmem>>) offsets(%dma_start3A_68 : memref<128xi32, #tpu.memory_space<vmem>>) semaphore(%arg11 : memref<!tpu.dma_semaphore, #tpu.memory_space<semaphore_mem>>)
    %mul3A_72 = arith.constant 80 : i32
    %mul3A_73 = arith.muli %add3A, %mul3A_72 : i32
    %add3A_74 = arith.constant 1 : i32
    %add3A_75 = arith.addi %mul3A_73, %add3A_74 : i32
    %dma_start3A_76 = arith.constant 1 : i32
    %dma_start3A_77 = arith.constant 0 : i32
    %dma_start3A_78 = tpu.memref_slice %arg7[%dma_start3A_76, %dma_start3A_77] : memref<2x128xi32, #tpu.memory_space<vmem>> -> memref<1x128xi32, #tpu.memory_space<vmem>>
    %dma_start3A_79 = tpu.memref_squeeze %dma_start3A_78 : memref<1x128xi32, #tpu.memory_space<vmem>> -> memref<128xi32, #tpu.memory_space<vmem>>
    %dma_start3A_80 = arith.constant 0 : i32
    %dma_start3A_81 = tpu.memref_slice %arg3[%add3A_75, %dma_start3A_80] : memref<2560x128xi32, #tpu.memory_space<hbm>> -> memref<1x128xi32, #tpu.memory_space<hbm>>
    %dma_start3A_82 = tpu.memref_squeeze %dma_start3A_81 : memref<1x128xi32, #tpu.memory_space<hbm>> -> memref<128xi32, #tpu.memory_space<hbm>>
    %dma_start3A_83 = arith.constant 0 : i32
    %dma_start3A_84 = tpu.memref_slice %arg7[%dma_start3A_76, %dma_start3A_83] : memref<2x128xi32, #tpu.memory_space<vmem>> -> memref<1x128xi32, #tpu.memory_space<vmem>>
    %dma_start3A_85 = tpu.memref_squeeze %dma_start3A_84 : memref<1x128xi32, #tpu.memory_space<vmem>> -> memref<128xi32, #tpu.memory_space<vmem>>
    %dma_start3A_86 = arith.constant 0 : i32
    %dma_start3A_87 = tpu.memref_slice %arg3[%add3A_75, %dma_start3A_86] : memref<2560x128xi32, #tpu.memory_space<hbm>> -> memref<1x128xi32, #tpu.memory_space<hbm>>
    %dma_start3A_88 = tpu.memref_squeeze %dma_start3A_87 : memref<1x128xi32, #tpu.memory_space<hbm>> -> memref<128xi32, #tpu.memory_space<hbm>>
    tpu.enqueue_dma source(%dma_start3A_88 : memref<128xi32, #tpu.memory_space<hbm>>) target(%dma_start3A_85 : memref<128xi32, #tpu.memory_space<vmem>>) target_semaphore(%arg13 : memref<!tpu.dma_semaphore, #tpu.memory_space<semaphore_mem>>)
    %scan3A_89 = arith.constant 0 : i32
    %scan3A_90 = arith.constant 39 : i32
    %scan3A_91 = arith.addi %scan3A_89, %scan3A_90 : i32
    %scan3A_92 = arith.constant 1 : i32
    scf.for %scan3A_170 = %scan3A_89 to %scan3A_91 step %scan3A_92  : i32 {
      %mul3A_171 = arith.constant 2 : i32
      %mul3A_172 = arith.muli %scan3A_170, %mul3A_171 : i32
      %add3A_173 = arith.constant 0 : i32
      %add3A_174 = arith.addi %add3A_173, %mul3A_172 : i32
      %dma_wait3A_175 = arith.constant 0 : i32
      %dma_wait3A_176 = arith.constant 0 : i32
      %dma_wait3A_177 = arith.constant 0 : i32
      %dma_wait3A_178 = arith.constant 0 : i32
      %dma_wait3A_179 = tpu.memref_slice %arg8[%dma_wait3A_176, %dma_wait3A_177, %dma_wait3A_178] : memref<2x128x128xf32, #tpu.memory_space<vmem>> -> memref<1x128x128xf32, #tpu.memory_space<vmem>>
      %dma_wait3A_180 = tpu.memref_squeeze %dma_wait3A_179 : memref<1x128x128xf32, #tpu.memory_space<vmem>> -> memref<128x128xf32, #tpu.memory_space<vmem>>
      %dma_wait3A_181 = arith.constant 0 : i32
      %dma_wait3A_182 = tpu.memref_slice %arg6[%dma_wait3A_175, %dma_wait3A_181] : memref<80x128xi32, #tpu.memory_space<vmem>> -> memref<1x128xi32, #tpu.memory_space<vmem>>
      %dma_wait3A_183 = tpu.memref_squeeze %dma_wait3A_182 : memref<1x128xi32, #tpu.memory_space<vmem>> -> memref<128xi32, #tpu.memory_space<vmem>>
      %dma_wait3A_184 = arith.constant 0 : i32
      %dma_wait3A_185 = arith.constant 0 : i32
      %dma_wait3A_186 = tpu.memref_slice %arg4[%dma_wait3A_184, %dma_wait3A_185] : memref<10240x128xf32, #tpu.memory_space<hbm>> -> memref<10240x128xf32, #tpu.memory_space<hbm>>
      tpu.wait_indirect_dma semaphore(%arg10 : memref<!tpu.dma_semaphore, #tpu.memory_space<semaphore_mem>>) src(%dma_wait3A_186 : memref<10240x128xf32, #tpu.memory_space<hbm>>) dst(%dma_wait3A_180 : memref<128x128xf32, #tpu.memory_space<vmem>>)
      %dma_wait3A_187 = arith.constant 0 : i32
      %dma_wait3A_188 = arith.constant 0 : i32
      %dma_wait3A_189 = arith.constant 0 : i32
      %dma_wait3A_190 = tpu.memref_slice %arg7[%dma_wait3A_188, %dma_wait3A_189] : memref<2x128xi32, #tpu.memory_space<vmem>> -> memref<1x128xi32, #tpu.memory_space<vmem>>
      %dma_wait3A_191 = tpu.memref_squeeze %dma_wait3A_190 : memref<1x128xi32, #tpu.memory_space<vmem>> -> memref<128xi32, #tpu.memory_space<vmem>>
      %dma_wait3A_192 = arith.constant 0 : i32
      %dma_wait3A_193 = tpu.memref_slice %arg3[%dma_wait3A_187, %dma_wait3A_192] : memref<2560x128xi32, #tpu.memory_space<hbm>> -> memref<1x128xi32, #tpu.memory_space<hbm>>
      %dma_wait3A_194 = tpu.memref_squeeze %dma_wait3A_193 : memref<1x128xi32, #tpu.memory_space<hbm>> -> memref<128xi32, #tpu.memory_space<hbm>>
      %dma_wait3A_195 = arith.constant 0 : i32
      %dma_wait3A_196 = tpu.memref_slice %arg7[%dma_wait3A_188, %dma_wait3A_195] : memref<2x128xi32, #tpu.memory_space<vmem>> -> memref<1x128xi32, #tpu.memory_space<vmem>>
      %dma_wait3A_197 = tpu.memref_squeeze %dma_wait3A_196 : memref<1x128xi32, #tpu.memory_space<vmem>> -> memref<128xi32, #tpu.memory_space<vmem>>
      %dma_wait3A_198 = arith.constant 0 : i32
      %dma_wait3A_199 = tpu.memref_slice %arg3[%dma_wait3A_187, %dma_wait3A_198] : memref<2560x128xi32, #tpu.memory_space<hbm>> -> memref<1x128xi32, #tpu.memory_space<hbm>>
      %dma_wait3A_200 = tpu.memref_squeeze %dma_wait3A_199 : memref<1x128xi32, #tpu.memory_space<hbm>> -> memref<128xi32, #tpu.memory_space<hbm>>
      tpu.wait_dma2 semaphore(%arg12 : memref<!tpu.dma_semaphore, #tpu.memory_space<semaphore_mem>>) src(%dma_wait3A_200 : memref<128xi32, #tpu.memory_space<hbm>>) dst(%dma_wait3A_197 : memref<128xi32, #tpu.memory_space<vmem>>)
      %run_scoped3A_201 = arith.constant 0 : i32
      %run_scoped3A_202 = arith.constant 0 : i32
      "tpu.region"() ({
        %run_scoped3A_301 = tpu.sem_alloc : memref<!tpu.dma_semaphore, #tpu.memory_space<semaphore_mem>>
        %dma_start3A_302 = arith.constant 0 : i32
        %dma_start3A_303 = arith.constant 0 : i32
        %dma_start3A_304 = tpu.memref_slice %arg8[%run_scoped3A_201, %dma_start3A_302, %dma_start3A_303] : memref<2x128x128xf32, #tpu.memory_space<vmem>> -> memref<1x128x128xf32, #tpu.memory_space<vmem>>
        %dma_start3A_305 = tpu.memref_squeeze %dma_start3A_304 : memref<1x128x128xf32, #tpu.memory_space<vmem>> -> memref<128x128xf32, #tpu.memory_space<vmem>>
        %dma_start3A_306 = arith.constant 0 : i32
        %dma_start3A_307 = tpu.memref_slice %arg7[%run_scoped3A_202, %dma_start3A_306] : memref<2x128xi32, #tpu.memory_space<vmem>> -> memref<1x128xi32, #tpu.memory_space<vmem>>
        %dma_start3A_308 = tpu.memref_squeeze %dma_start3A_307 : memref<1x128xi32, #tpu.memory_space<vmem>> -> memref<128xi32, #tpu.memory_space<vmem>>
        %dma_start3A_309 = arith.constant 0 : i32
        %dma_start3A_310 = arith.constant 0 : i32
        %dma_start3A_311 = tpu.memref_slice %arg9[%dma_start3A_309, %dma_start3A_310] : memref<10240x128xf32, #tpu.memory_space<vmem_shared>> -> memref<10240x128xf32, #tpu.memory_space<vmem_shared>>
        tpu.enqueue_indirect_dma source(%dma_start3A_305 : memref<128x128xf32, #tpu.memory_space<vmem>>) target(%dma_start3A_311 : memref<10240x128xf32, #tpu.memory_space<vmem_shared>>) offsets(%dma_start3A_308 : memref<128xi32, #tpu.memory_space<vmem>>) semaphore(%run_scoped3A_301 : memref<!tpu.dma_semaphore, #tpu.memory_space<semaphore_mem>>) {add = true}
        %dma_wait3A_312 = arith.constant 0 : i32
        %dma_wait3A_313 = arith.constant 0 : i32
        %dma_wait3A_314 = tpu.memref_slice %arg8[%run_scoped3A_201, %dma_wait3A_312, %dma_wait3A_313] : memref<2x128x128xf32, #tpu.memory_space<vmem>> -> memref<1x128x128xf32, #tpu.memory_space<vmem>>
        %dma_wait3A_315 = tpu.memref_squeeze %dma_wait3A_314 : memref<1x128x128xf32, #tpu.memory_space<vmem>> -> memref<128x128xf32, #tpu.memory_space<vmem>>
        %dma_wait3A_316 = arith.constant 0 : i32
        %dma_wait3A_317 = tpu.memref_slice %arg7[%run_scoped3A_202, %dma_wait3A_316] : memref<2x128xi32, #tpu.memory_space<vmem>> -> memref<1x128xi32, #tpu.memory_space<vmem>>
        %dma_wait3A_318 = tpu.memref_squeeze %dma_wait3A_317 : memref<1x128xi32, #tpu.memory_space<vmem>> -> memref<128xi32, #tpu.memory_space<vmem>>
        %dma_wait3A_319 = arith.constant 0 : i32
        %dma_wait3A_320 = arith.constant 0 : i32
        %dma_wait3A_321 = tpu.memref_slice %arg9[%dma_wait3A_319, %dma_wait3A_320] : memref<10240x128xf32, #tpu.memory_space<vmem_shared>> -> memref<10240x128xf32, #tpu.memory_space<vmem_shared>>
        tpu.wait_indirect_dma semaphore(%run_scoped3A_301 : memref<!tpu.dma_semaphore, #tpu.memory_space<semaphore_mem>>) src(%dma_wait3A_315 : memref<128x128xf32, #tpu.memory_space<vmem>>) dst(%dma_wait3A_321 : memref<10240x128xf32, #tpu.memory_space<vmem_shared>>)
        tpu.yield
      }) : () -> ()
      %add3A_203 = arith.constant 2 : i32
      %add3A_204 = arith.addi %add3A_174, %add3A_203 : i32
      %add3A_205 = arith.constant 0 : i32
      %add3A_206 = arith.addi %add3A_204, %add3A_205 : i32
      %dma_start3A_207 = arith.constant 0 : i32
      %dma_start3A_208 = arith.constant 0 : i32
      %dma_start3A_209 = arith.constant 0 : i32
      %dma_start3A_210 = tpu.memref_slice %arg8[%dma_start3A_207, %dma_start3A_208, %dma_start3A_209] : memref<2x128x128xf32, #tpu.memory_space<vmem>> -> memref<1x128x128xf32, #tpu.memory_space<vmem>>
      %dma_start3A_211 = tpu.memref_squeeze %dma_start3A_210 : memref<1x128x128xf32, #tpu.memory_space<vmem>> -> memref<128x128xf32, #tpu.memory_space<vmem>>
      %dma_start3A_212 = arith.constant 0 : i32
      %dma_start3A_213 = tpu.memref_slice %arg6[%add3A_206, %dma_start3A_212] : memref<80x128xi32, #tpu.memory_space<vmem>> -> memref<1x128xi32, #tpu.memory_space<vmem>>
      %dma_start3A_214 = tpu.memref_squeeze %dma_start3A_213 : memref<1x128xi32, #tpu.memory_space<vmem>> -> memref<128xi32, #tpu.memory_space<vmem>>
      %dma_start3A_215 = arith.constant 0 : i32
      %dma_start3A_216 = arith.constant 0 : i32
      %dma_start3A_217 = tpu.memref_slice %arg4[%dma_start3A_215, %dma_start3A_216] : memref<10240x128xf32, #tpu.memory_space<hbm>> -> memref<10240x128xf32, #tpu.memory_space<hbm>>
      tpu.enqueue_indirect_dma source(%dma_start3A_217 : memref<10240x128xf32, #tpu.memory_space<hbm>>) target(%dma_start3A_211 : memref<128x128xf32, #tpu.memory_space<vmem>>) offsets(%dma_start3A_214 : memref<128xi32, #tpu.memory_space<vmem>>) semaphore(%arg10 : memref<!tpu.dma_semaphore, #tpu.memory_space<semaphore_mem>>)
      %mul3A_218 = arith.constant 80 : i32
      %mul3A_219 = arith.muli %add3A, %mul3A_218 : i32
      %add3A_220 = arith.addi %mul3A_219, %add3A_174 : i32
      %add3A_221 = arith.constant 2 : i32
      %add3A_222 = arith.addi %add3A_220, %add3A_221 : i32
      %add3A_223 = arith.constant 0 : i32
      %add3A_224 = arith.addi %add3A_222, %add3A_223 : i32
      %dma_start3A_225 = arith.constant 0 : i32
      %dma_start3A_226 = arith.constant 0 : i32
      %dma_start3A_227 = tpu.memref_slice %arg7[%dma_start3A_225, %dma_start3A_226] : memref<2x128xi32, #tpu.memory_space<vmem>> -> memref<1x128xi32, #tpu.memory_space<vmem>>
      %dma_start3A_228 = tpu.memref_squeeze %dma_start3A_227 : memref<1x128xi32, #tpu.memory_space<vmem>> -> memref<128xi32, #tpu.memory_space<vmem>>
      %dma_start3A_229 = arith.constant 0 : i32
      %dma_start3A_230 = tpu.memref_slice %arg3[%add3A_224, %dma_start3A_229] : memref<2560x128xi32, #tpu.memory_space<hbm>> -> memref<1x128xi32, #tpu.memory_space<hbm>>
      %dma_start3A_231 = tpu.memref_squeeze %dma_start3A_230 : memref<1x128xi32, #tpu.memory_space<hbm>> -> memref<128xi32, #tpu.memory_space<hbm>>
      %dma_start3A_232 = arith.constant 0 : i32
      %dma_start3A_233 = tpu.memref_slice %arg7[%dma_start3A_225, %dma_start3A_232] : memref<2x128xi32, #tpu.memory_space<vmem>> -> memref<1x128xi32, #tpu.memory_space<vmem>>
      %dma_start3A_234 = tpu.memref_squeeze %dma_start3A_233 : memref<1x128xi32, #tpu.memory_space<vmem>> -> memref<128xi32, #tpu.memory_space<vmem>>
      %dma_start3A_235 = arith.constant 0 : i32
      %dma_start3A_236 = tpu.memref_slice %arg3[%add3A_224, %dma_start3A_235] : memref<2560x128xi32, #tpu.memory_space<hbm>> -> memref<1x128xi32, #tpu.memory_space<hbm>>
      %dma_start3A_237 = tpu.memref_squeeze %dma_start3A_236 : memref<1x128xi32, #tpu.memory_space<hbm>> -> memref<128xi32, #tpu.memory_space<hbm>>
      tpu.enqueue_dma source(%dma_start3A_237 : memref<128xi32, #tpu.memory_space<hbm>>) target(%dma_start3A_234 : memref<128xi32, #tpu.memory_space<vmem>>) target_semaphore(%arg12 : memref<!tpu.dma_semaphore, #tpu.memory_space<semaphore_mem>>)
      %dma_wait3A_238 = arith.constant 1 : i32
      %dma_wait3A_239 = arith.constant 1 : i32
      %dma_wait3A_240 = arith.constant 0 : i32
      %dma_wait3A_241 = arith.constant 0 : i32
      %dma_wait3A_242 = tpu.memref_slice %arg8[%dma_wait3A_239, %dma_wait3A_240, %dma_wait3A_241] : memref<2x128x128xf32, #tpu.memory_space<vmem>> -> memref<1x128x128xf32, #tpu.memory_space<vmem>>
      %dma_wait3A_243 = tpu.memref_squeeze %dma_wait3A_242 : memref<1x128x128xf32, #tpu.memory_space<vmem>> -> memref<128x128xf32, #tpu.memory_space<vmem>>
      %dma_wait3A_244 = arith.constant 0 : i32
      %dma_wait3A_245 = tpu.memref_slice %arg6[%dma_wait3A_238, %dma_wait3A_244] : memref<80x128xi32, #tpu.memory_space<vmem>> -> memref<1x128xi32, #tpu.memory_space<vmem>>
      %dma_wait3A_246 = tpu.memref_squeeze %dma_wait3A_245 : memref<1x128xi32, #tpu.memory_space<vmem>> -> memref<128xi32, #tpu.memory_space<vmem>>
      %dma_wait3A_247 = arith.constant 0 : i32
      %dma_wait3A_248 = arith.constant 0 : i32
      %dma_wait3A_249 = tpu.memref_slice %arg4[%dma_wait3A_247, %dma_wait3A_248] : memref<10240x128xf32, #tpu.memory_space<hbm>> -> memref<10240x128xf32, #tpu.memory_space<hbm>>
      tpu.wait_indirect_dma semaphore(%arg11 : memref<!tpu.dma_semaphore, #tpu.memory_space<semaphore_mem>>) src(%dma_wait3A_249 : memref<10240x128xf32, #tpu.memory_space<hbm>>) dst(%dma_wait3A_243 : memref<128x128xf32, #tpu.memory_space<vmem>>)
      %dma_wait3A_250 = arith.constant 0 : i32
      %dma_wait3A_251 = arith.constant 1 : i32
      %dma_wait3A_252 = arith.constant 0 : i32
      %dma_wait3A_253 = tpu.memref_slice %arg7[%dma_wait3A_251, %dma_wait3A_252] : memref<2x128xi32, #tpu.memory_space<vmem>> -> memref<1x128xi32, #tpu.memory_space<vmem>>
      %dma_wait3A_254 = tpu.memref_squeeze %dma_wait3A_253 : memref<1x128xi32, #tpu.memory_space<vmem>> -> memref<128xi32, #tpu.memory_space<vmem>>
      %dma_wait3A_255 = arith.constant 0 : i32
      %dma_wait3A_256 = tpu.memref_slice %arg3[%dma_wait3A_250, %dma_wait3A_255] : memref<2560x128xi32, #tpu.memory_space<hbm>> -> memref<1x128xi32, #tpu.memory_space<hbm>>
      %dma_wait3A_257 = tpu.memref_squeeze %dma_wait3A_256 : memref<1x128xi32, #tpu.memory_space<hbm>> -> memref<128xi32, #tpu.memory_space<hbm>>
      %dma_wait3A_258 = arith.constant 0 : i32
      %dma_wait3A_259 = tpu.memref_slice %arg7[%dma_wait3A_251, %dma_wait3A_258] : memref<2x128xi32, #tpu.memory_space<vmem>> -> memref<1x128xi32, #tpu.memory_space<vmem>>
      %dma_wait3A_260 = tpu.memref_squeeze %dma_wait3A_259 : memref<1x128xi32, #tpu.memory_space<vmem>> -> memref<128xi32, #tpu.memory_space<vmem>>
      %dma_wait3A_261 = arith.constant 0 : i32
      %dma_wait3A_262 = tpu.memref_slice %arg3[%dma_wait3A_250, %dma_wait3A_261] : memref<2560x128xi32, #tpu.memory_space<hbm>> -> memref<1x128xi32, #tpu.memory_space<hbm>>
      %dma_wait3A_263 = tpu.memref_squeeze %dma_wait3A_262 : memref<1x128xi32, #tpu.memory_space<hbm>> -> memref<128xi32, #tpu.memory_space<hbm>>
      tpu.wait_dma2 semaphore(%arg13 : memref<!tpu.dma_semaphore, #tpu.memory_space<semaphore_mem>>) src(%dma_wait3A_263 : memref<128xi32, #tpu.memory_space<hbm>>) dst(%dma_wait3A_260 : memref<128xi32, #tpu.memory_space<vmem>>)
      %run_scoped3A_264 = arith.constant 1 : i32
      %run_scoped3A_265 = arith.constant 1 : i32
      "tpu.region"() ({
        %run_scoped3A_301 = tpu.sem_alloc : memref<!tpu.dma_semaphore, #tpu.memory_space<semaphore_mem>>
        %dma_start3A_302 = arith.constant 0 : i32
        %dma_start3A_303 = arith.constant 0 : i32
        %dma_start3A_304 = tpu.memref_slice %arg8[%run_scoped3A_264, %dma_start3A_302, %dma_start3A_303] : memref<2x128x128xf32, #tpu.memory_space<vmem>> -> memref<1x128x128xf32, #tpu.memory_space<vmem>>
        %dma_start3A_305 = tpu.memref_squeeze %dma_start3A_304 : memref<1x128x128xf32, #tpu.memory_space<vmem>> -> memref<128x128xf32, #tpu.memory_space<vmem>>
        %dma_start3A_306 = arith.constant 0 : i32
        %dma_start3A_307 = tpu.memref_slice %arg7[%run_scoped3A_265, %dma_start3A_306] : memref<2x128xi32, #tpu.memory_space<vmem>> -> memref<1x128xi32, #tpu.memory_space<vmem>>
        %dma_start3A_308 = tpu.memref_squeeze %dma_start3A_307 : memref<1x128xi32, #tpu.memory_space<vmem>> -> memref<128xi32, #tpu.memory_space<vmem>>
        %dma_start3A_309 = arith.constant 0 : i32
        %dma_start3A_310 = arith.constant 0 : i32
        %dma_start3A_311 = tpu.memref_slice %arg9[%dma_start3A_309, %dma_start3A_310] : memref<10240x128xf32, #tpu.memory_space<vmem_shared>> -> memref<10240x128xf32, #tpu.memory_space<vmem_shared>>
        tpu.enqueue_indirect_dma source(%dma_start3A_305 : memref<128x128xf32, #tpu.memory_space<vmem>>) target(%dma_start3A_311 : memref<10240x128xf32, #tpu.memory_space<vmem_shared>>) offsets(%dma_start3A_308 : memref<128xi32, #tpu.memory_space<vmem>>) semaphore(%run_scoped3A_301 : memref<!tpu.dma_semaphore, #tpu.memory_space<semaphore_mem>>) {add = true}
        %dma_wait3A_312 = arith.constant 0 : i32
        %dma_wait3A_313 = arith.constant 0 : i32
        %dma_wait3A_314 = tpu.memref_slice %arg8[%run_scoped3A_264, %dma_wait3A_312, %dma_wait3A_313] : memref<2x128x128xf32, #tpu.memory_space<vmem>> -> memref<1x128x128xf32, #tpu.memory_space<vmem>>
        %dma_wait3A_315 = tpu.memref_squeeze %dma_wait3A_314 : memref<1x128x128xf32, #tpu.memory_space<vmem>> -> memref<128x128xf32, #tpu.memory_space<vmem>>
        %dma_wait3A_316 = arith.constant 0 : i32
        %dma_wait3A_317 = tpu.memref_slice %arg7[%run_scoped3A_265, %dma_wait3A_316] : memref<2x128xi32, #tpu.memory_space<vmem>> -> memref<1x128xi32, #tpu.memory_space<vmem>>
        %dma_wait3A_318 = tpu.memref_squeeze %dma_wait3A_317 : memref<1x128xi32, #tpu.memory_space<vmem>> -> memref<128xi32, #tpu.memory_space<vmem>>
        %dma_wait3A_319 = arith.constant 0 : i32
        %dma_wait3A_320 = arith.constant 0 : i32
        %dma_wait3A_321 = tpu.memref_slice %arg9[%dma_wait3A_319, %dma_wait3A_320] : memref<10240x128xf32, #tpu.memory_space<vmem_shared>> -> memref<10240x128xf32, #tpu.memory_space<vmem_shared>>
        tpu.wait_indirect_dma semaphore(%run_scoped3A_301 : memref<!tpu.dma_semaphore, #tpu.memory_space<semaphore_mem>>) src(%dma_wait3A_315 : memref<128x128xf32, #tpu.memory_space<vmem>>) dst(%dma_wait3A_321 : memref<10240x128xf32, #tpu.memory_space<vmem_shared>>)
        tpu.yield
      }) : () -> ()
      %add3A_266 = arith.constant 2 : i32
      %add3A_267 = arith.addi %add3A_174, %add3A_266 : i32
      %add3A_268 = arith.constant 1 : i32
      %add3A_269 = arith.addi %add3A_267, %add3A_268 : i32
      %dma_start3A_270 = arith.constant 1 : i32
      %dma_start3A_271 = arith.constant 0 : i32
      %dma_start3A_272 = arith.constant 0 : i32
      %dma_start3A_273 = tpu.memref_slice %arg8[%dma_start3A_270, %dma_start3A_271, %dma_start3A_272] : memref<2x128x128xf32, #tpu.memory_space<vmem>> -> memref<1x128x128xf32, #tpu.memory_space<vmem>>
      %dma_start3A_274 = tpu.memref_squeeze %dma_start3A_273 : memref<1x128x128xf32, #tpu.memory_space<vmem>> -> memref<128x128xf32, #tpu.memory_space<vmem>>
      %dma_start3A_275 = arith.constant 0 : i32
      %dma_start3A_276 = tpu.memref_slice %arg6[%add3A_269, %dma_start3A_275] : memref<80x128xi32, #tpu.memory_space<vmem>> -> memref<1x128xi32, #tpu.memory_space<vmem>>
      %dma_start3A_277 = tpu.memref_squeeze %dma_start3A_276 : memref<1x128xi32, #tpu.memory_space<vmem>> -> memref<128xi32, #tpu.memory_space<vmem>>
      %dma_start3A_278 = arith.constant 0 : i32
      %dma_start3A_279 = arith.constant 0 : i32
      %dma_start3A_280 = tpu.memref_slice %arg4[%dma_start3A_278, %dma_start3A_279] : memref<10240x128xf32, #tpu.memory_space<hbm>> -> memref<10240x128xf32, #tpu.memory_space<hbm>>
      tpu.enqueue_indirect_dma source(%dma_start3A_280 : memref<10240x128xf32, #tpu.memory_space<hbm>>) target(%dma_start3A_274 : memref<128x128xf32, #tpu.memory_space<vmem>>) offsets(%dma_start3A_277 : memref<128xi32, #tpu.memory_space<vmem>>) semaphore(%arg11 : memref<!tpu.dma_semaphore, #tpu.memory_space<semaphore_mem>>)
      %mul3A_281 = arith.constant 80 : i32
      %mul3A_282 = arith.muli %add3A, %mul3A_281 : i32
      %add3A_283 = arith.addi %mul3A_282, %add3A_174 : i32
      %add3A_284 = arith.constant 2 : i32
      %add3A_285 = arith.addi %add3A_283, %add3A_284 : i32
      %add3A_286 = arith.constant 1 : i32
      %add3A_287 = arith.addi %add3A_285, %add3A_286 : i32
      %dma_start3A_288 = arith.constant 1 : i32
      %dma_start3A_289 = arith.constant 0 : i32
      %dma_start3A_290 = tpu.memref_slice %arg7[%dma_start3A_288, %dma_start3A_289] : memref<2x128xi32, #tpu.memory_space<vmem>> -> memref<1x128xi32, #tpu.memory_space<vmem>>
      %dma_start3A_291 = tpu.memref_squeeze %dma_start3A_290 : memref<1x128xi32, #tpu.memory_space<vmem>> -> memref<128xi32, #tpu.memory_space<vmem>>
      %dma_start3A_292 = arith.constant 0 : i32
      %dma_start3A_293 = tpu.memref_slice %arg3[%add3A_287, %dma_start3A_292] : memref<2560x128xi32, #tpu.memory_space<hbm>> -> memref<1x128xi32, #tpu.memory_space<hbm>>
      %dma_start3A_294 = tpu.memref_squeeze %dma_start3A_293 : memref<1x128xi32, #tpu.memory_space<hbm>> -> memref<128xi32, #tpu.memory_space<hbm>>
      %dma_start3A_295 = arith.constant 0 : i32
      %dma_start3A_296 = tpu.memref_slice %arg7[%dma_start3A_288, %dma_start3A_295] : memref<2x128xi32, #tpu.memory_space<vmem>> -> memref<1x128xi32, #tpu.memory_space<vmem>>
      %dma_start3A_297 = tpu.memref_squeeze %dma_start3A_296 : memref<1x128xi32, #tpu.memory_space<vmem>> -> memref<128xi32, #tpu.memory_space<vmem>>
      %dma_start3A_298 = arith.constant 0 : i32
      %dma_start3A_299 = tpu.memref_slice %arg3[%add3A_287, %dma_start3A_298] : memref<2560x128xi32, #tpu.memory_space<hbm>> -> memref<1x128xi32, #tpu.memory_space<hbm>>
      %dma_start3A_300 = tpu.memref_squeeze %dma_start3A_299 : memref<1x128xi32, #tpu.memory_space<hbm>> -> memref<128xi32, #tpu.memory_space<hbm>>
      tpu.enqueue_dma source(%dma_start3A_300 : memref<128xi32, #tpu.memory_space<hbm>>) target(%dma_start3A_297 : memref<128xi32, #tpu.memory_space<vmem>>) target_semaphore(%arg13 : memref<!tpu.dma_semaphore, #tpu.memory_space<semaphore_mem>>)
    }
    %scan3A_93 = arith.constant 39 : i32
    %dma_wait3A = arith.constant 0 : i32
    %dma_wait3A_94 = arith.constant 0 : i32
    %dma_wait3A_95 = arith.constant 0 : i32
    %dma_wait3A_96 = arith.constant 0 : i32
    %dma_wait3A_97 = tpu.memref_slice %arg8[%dma_wait3A_94, %dma_wait3A_95, %dma_wait3A_96] : memref<2x128x128xf32, #tpu.memory_space<vmem>> -> memref<1x128x128xf32, #tpu.memory_space<vmem>>
    %dma_wait3A_98 = tpu.memref_squeeze %dma_wait3A_97 : memref<1x128x128xf32, #tpu.memory_space<vmem>> -> memref<128x128xf32, #tpu.memory_space<vmem>>
    %dma_wait3A_99 = arith.constant 0 : i32
    %dma_wait3A_100 = tpu.memref_slice %arg6[%dma_wait3A, %dma_wait3A_99] : memref<80x128xi32, #tpu.memory_space<vmem>> -> memref<1x128xi32, #tpu.memory_space<vmem>>
    %dma_wait3A_101 = tpu.memref_squeeze %dma_wait3A_100 : memref<1x128xi32, #tpu.memory_space<vmem>> -> memref<128xi32, #tpu.memory_space<vmem>>
    %dma_wait3A_102 = arith.constant 0 : i32
    %dma_wait3A_103 = arith.constant 0 : i32
    %dma_wait3A_104 = tpu.memref_slice %arg4[%dma_wait3A_102, %dma_wait3A_103] : memref<10240x128xf32, #tpu.memory_space<hbm>> -> memref<10240x128xf32, #tpu.memory_space<hbm>>
    tpu.wait_indirect_dma semaphore(%arg10 : memref<!tpu.dma_semaphore, #tpu.memory_space<semaphore_mem>>) src(%dma_wait3A_104 : memref<10240x128xf32, #tpu.memory_space<hbm>>) dst(%dma_wait3A_98 : memref<128x128xf32, #tpu.memory_space<vmem>>)
    %dma_wait3A_105 = arith.constant 0 : i32
    %dma_wait3A_106 = arith.constant 0 : i32
    %dma_wait3A_107 = arith.constant 0 : i32
    %dma_wait3A_108 = tpu.memref_slice %arg7[%dma_wait3A_106, %dma_wait3A_107] : memref<2x128xi32, #tpu.memory_space<vmem>> -> memref<1x128xi32, #tpu.memory_space<vmem>>
    %dma_wait3A_109 = tpu.memref_squeeze %dma_wait3A_108 : memref<1x128xi32, #tpu.memory_space<vmem>> -> memref<128xi32, #tpu.memory_space<vmem>>
    %dma_wait3A_110 = arith.constant 0 : i32
    %dma_wait3A_111 = tpu.memref_slice %arg3[%dma_wait3A_105, %dma_wait3A_110] : memref<2560x128xi32, #tpu.memory_space<hbm>> -> memref<1x128xi32, #tpu.memory_space<hbm>>
    %dma_wait3A_112 = tpu.memref_squeeze %dma_wait3A_111 : memref<1x128xi32, #tpu.memory_space<hbm>> -> memref<128xi32, #tpu.memory_space<hbm>>
    %dma_wait3A_113 = arith.constant 0 : i32
    %dma_wait3A_114 = tpu.memref_slice %arg7[%dma_wait3A_106, %dma_wait3A_113] : memref<2x128xi32, #tpu.memory_space<vmem>> -> memref<1x128xi32, #tpu.memory_space<vmem>>
    %dma_wait3A_115 = tpu.memref_squeeze %dma_wait3A_114 : memref<1x128xi32, #tpu.memory_space<vmem>> -> memref<128xi32, #tpu.memory_space<vmem>>
    %dma_wait3A_116 = arith.constant 0 : i32
    %dma_wait3A_117 = tpu.memref_slice %arg3[%dma_wait3A_105, %dma_wait3A_116] : memref<2560x128xi32, #tpu.memory_space<hbm>> -> memref<1x128xi32, #tpu.memory_space<hbm>>
    %dma_wait3A_118 = tpu.memref_squeeze %dma_wait3A_117 : memref<1x128xi32, #tpu.memory_space<hbm>> -> memref<128xi32, #tpu.memory_space<hbm>>
    tpu.wait_dma2 semaphore(%arg12 : memref<!tpu.dma_semaphore, #tpu.memory_space<semaphore_mem>>) src(%dma_wait3A_118 : memref<128xi32, #tpu.memory_space<hbm>>) dst(%dma_wait3A_115 : memref<128xi32, #tpu.memory_space<vmem>>)
    %run_scoped3A_119 = arith.constant 0 : i32
    %run_scoped3A_120 = arith.constant 0 : i32
    "tpu.region"() ({
      %run_scoped3A_170 = tpu.sem_alloc : memref<!tpu.dma_semaphore, #tpu.memory_space<semaphore_mem>>
      %dma_start3A_171 = arith.constant 0 : i32
      %dma_start3A_172 = arith.constant 0 : i32
      %dma_start3A_173 = tpu.memref_slice %arg8[%run_scoped3A_119, %dma_start3A_171, %dma_start3A_172] : memref<2x128x128xf32, #tpu.memory_space<vmem>> -> memref<1x128x128xf32, #tpu.memory_space<vmem>>
      %dma_start3A_174 = tpu.memref_squeeze %dma_start3A_173 : memref<1x128x128xf32, #tpu.memory_space<vmem>> -> memref<128x128xf32, #tpu.memory_space<vmem>>
      %dma_start3A_175 = arith.constant 0 : i32
      %dma_start3A_176 = tpu.memref_slice %arg7[%run_scoped3A_120, %dma_start3A_175] : memref<2x128xi32, #tpu.memory_space<vmem>> -> memref<1x128xi32, #tpu.memory_space<vmem>>
      %dma_start3A_177 = tpu.memref_squeeze %dma_start3A_176 : memref<1x128xi32, #tpu.memory_space<vmem>> -> memref<128xi32, #tpu.memory_space<vmem>>
      %dma_start3A_178 = arith.constant 0 : i32
      %dma_start3A_179 = arith.constant 0 : i32
      %dma_start3A_180 = tpu.memref_slice %arg9[%dma_start3A_178, %dma_start3A_179] : memref<10240x128xf32, #tpu.memory_space<vmem_shared>> -> memref<10240x128xf32, #tpu.memory_space<vmem_shared>>
      tpu.enqueue_indirect_dma source(%dma_start3A_174 : memref<128x128xf32, #tpu.memory_space<vmem>>) target(%dma_start3A_180 : memref<10240x128xf32, #tpu.memory_space<vmem_shared>>) offsets(%dma_start3A_177 : memref<128xi32, #tpu.memory_space<vmem>>) semaphore(%run_scoped3A_170 : memref<!tpu.dma_semaphore, #tpu.memory_space<semaphore_mem>>) {add = true}
      %dma_wait3A_181 = arith.constant 0 : i32
      %dma_wait3A_182 = arith.constant 0 : i32
      %dma_wait3A_183 = tpu.memref_slice %arg8[%run_scoped3A_119, %dma_wait3A_181, %dma_wait3A_182] : memref<2x128x128xf32, #tpu.memory_space<vmem>> -> memref<1x128x128xf32, #tpu.memory_space<vmem>>
      %dma_wait3A_184 = tpu.memref_squeeze %dma_wait3A_183 : memref<1x128x128xf32, #tpu.memory_space<vmem>> -> memref<128x128xf32, #tpu.memory_space<vmem>>
      %dma_wait3A_185 = arith.constant 0 : i32
      %dma_wait3A_186 = tpu.memref_slice %arg7[%run_scoped3A_120, %dma_wait3A_185] : memref<2x128xi32, #tpu.memory_space<vmem>> -> memref<1x128xi32, #tpu.memory_space<vmem>>
      %dma_wait3A_187 = tpu.memref_squeeze %dma_wait3A_186 : memref<1x128xi32, #tpu.memory_space<vmem>> -> memref<128xi32, #tpu.memory_space<vmem>>
      %dma_wait3A_188 = arith.constant 0 : i32
      %dma_wait3A_189 = arith.constant 0 : i32
      %dma_wait3A_190 = tpu.memref_slice %arg9[%dma_wait3A_188, %dma_wait3A_189] : memref<10240x128xf32, #tpu.memory_space<vmem_shared>> -> memref<10240x128xf32, #tpu.memory_space<vmem_shared>>
      tpu.wait_indirect_dma semaphore(%run_scoped3A_170 : memref<!tpu.dma_semaphore, #tpu.memory_space<semaphore_mem>>) src(%dma_wait3A_184 : memref<128x128xf32, #tpu.memory_space<vmem>>) dst(%dma_wait3A_190 : memref<10240x128xf32, #tpu.memory_space<vmem_shared>>)
      tpu.yield
    }) : () -> ()
    %dma_wait3A_121 = arith.constant 1 : i32
    %dma_wait3A_122 = arith.constant 1 : i32
    %dma_wait3A_123 = arith.constant 0 : i32
    %dma_wait3A_124 = arith.constant 0 : i32
    %dma_wait3A_125 = tpu.memref_slice %arg8[%dma_wait3A_122, %dma_wait3A_123, %dma_wait3A_124] : memref<2x128x128xf32, #tpu.memory_space<vmem>> -> memref<1x128x128xf32, #tpu.memory_space<vmem>>
    %dma_wait3A_126 = tpu.memref_squeeze %dma_wait3A_125 : memref<1x128x128xf32, #tpu.memory_space<vmem>> -> memref<128x128xf32, #tpu.memory_space<vmem>>
    %dma_wait3A_127 = arith.constant 0 : i32
    %dma_wait3A_128 = tpu.memref_slice %arg6[%dma_wait3A_121, %dma_wait3A_127] : memref<80x128xi32, #tpu.memory_space<vmem>> -> memref<1x128xi32, #tpu.memory_space<vmem>>
    %dma_wait3A_129 = tpu.memref_squeeze %dma_wait3A_128 : memref<1x128xi32, #tpu.memory_space<vmem>> -> memref<128xi32, #tpu.memory_space<vmem>>
    %dma_wait3A_130 = arith.constant 0 : i32
    %dma_wait3A_131 = arith.constant 0 : i32
    %dma_wait3A_132 = tpu.memref_slice %arg4[%dma_wait3A_130, %dma_wait3A_131] : memref<10240x128xf32, #tpu.memory_space<hbm>> -> memref<10240x128xf32, #tpu.memory_space<hbm>>
    tpu.wait_indirect_dma semaphore(%arg11 : memref<!tpu.dma_semaphore, #tpu.memory_space<semaphore_mem>>) src(%dma_wait3A_132 : memref<10240x128xf32, #tpu.memory_space<hbm>>) dst(%dma_wait3A_126 : memref<128x128xf32, #tpu.memory_space<vmem>>)
    %dma_wait3A_133 = arith.constant 0 : i32
    %dma_wait3A_134 = arith.constant 1 : i32
    %dma_wait3A_135 = arith.constant 0 : i32
    %dma_wait3A_136 = tpu.memref_slice %arg7[%dma_wait3A_134, %dma_wait3A_135] : memref<2x128xi32, #tpu.memory_space<vmem>> -> memref<1x128xi32, #tpu.memory_space<vmem>>
    %dma_wait3A_137 = tpu.memref_squeeze %dma_wait3A_136 : memref<1x128xi32, #tpu.memory_space<vmem>> -> memref<128xi32, #tpu.memory_space<vmem>>
    %dma_wait3A_138 = arith.constant 0 : i32
    %dma_wait3A_139 = tpu.memref_slice %arg3[%dma_wait3A_133, %dma_wait3A_138] : memref<2560x128xi32, #tpu.memory_space<hbm>> -> memref<1x128xi32, #tpu.memory_space<hbm>>
    %dma_wait3A_140 = tpu.memref_squeeze %dma_wait3A_139 : memref<1x128xi32, #tpu.memory_space<hbm>> -> memref<128xi32, #tpu.memory_space<hbm>>
    %dma_wait3A_141 = arith.constant 0 : i32
    %dma_wait3A_142 = tpu.memref_slice %arg7[%dma_wait3A_134, %dma_wait3A_141] : memref<2x128xi32, #tpu.memory_space<vmem>> -> memref<1x128xi32, #tpu.memory_space<vmem>>
    %dma_wait3A_143 = tpu.memref_squeeze %dma_wait3A_142 : memref<1x128xi32, #tpu.memory_space<vmem>> -> memref<128xi32, #tpu.memory_space<vmem>>
    %dma_wait3A_144 = arith.constant 0 : i32
    %dma_wait3A_145 = tpu.memref_slice %arg3[%dma_wait3A_133, %dma_wait3A_144] : memref<2560x128xi32, #tpu.memory_space<hbm>> -> memref<1x128xi32, #tpu.memory_space<hbm>>
    %dma_wait3A_146 = tpu.memref_squeeze %dma_wait3A_145 : memref<1x128xi32, #tpu.memory_space<hbm>> -> memref<128xi32, #tpu.memory_space<hbm>>
    tpu.wait_dma2 semaphore(%arg13 : memref<!tpu.dma_semaphore, #tpu.memory_space<semaphore_mem>>) src(%dma_wait3A_146 : memref<128xi32, #tpu.memory_space<hbm>>) dst(%dma_wait3A_143 : memref<128xi32, #tpu.memory_space<vmem>>)
    %run_scoped3A_147 = arith.constant 1 : i32
    %run_scoped3A_148 = arith.constant 1 : i32
    "tpu.region"() ({
      %run_scoped3A_170 = tpu.sem_alloc : memref<!tpu.dma_semaphore, #tpu.memory_space<semaphore_mem>>
      %dma_start3A_171 = arith.constant 0 : i32
      %dma_start3A_172 = arith.constant 0 : i32
      %dma_start3A_173 = tpu.memref_slice %arg8[%run_scoped3A_147, %dma_start3A_171, %dma_start3A_172] : memref<2x128x128xf32, #tpu.memory_space<vmem>> -> memref<1x128x128xf32, #tpu.memory_space<vmem>>
      %dma_start3A_174 = tpu.memref_squeeze %dma_start3A_173 : memref<1x128x128xf32, #tpu.memory_space<vmem>> -> memref<128x128xf32, #tpu.memory_space<vmem>>
      %dma_start3A_175 = arith.constant 0 : i32
      %dma_start3A_176 = tpu.memref_slice %arg7[%run_scoped3A_148, %dma_start3A_175] : memref<2x128xi32, #tpu.memory_space<vmem>> -> memref<1x128xi32, #tpu.memory_space<vmem>>
      %dma_start3A_177 = tpu.memref_squeeze %dma_start3A_176 : memref<1x128xi32, #tpu.memory_space<vmem>> -> memref<128xi32, #tpu.memory_space<vmem>>
      %dma_start3A_178 = arith.constant 0 : i32
      %dma_start3A_179 = arith.constant 0 : i32
      %dma_start3A_180 = tpu.memref_slice %arg9[%dma_start3A_178, %dma_start3A_179] : memref<10240x128xf32, #tpu.memory_space<vmem_shared>> -> memref<10240x128xf32, #tpu.memory_space<vmem_shared>>
      tpu.enqueue_indirect_dma source(%dma_start3A_174 : memref<128x128xf32, #tpu.memory_space<vmem>>) target(%dma_start3A_180 : memref<10240x128xf32, #tpu.memory_space<vmem_shared>>) offsets(%dma_start3A_177 : memref<128xi32, #tpu.memory_space<vmem>>) semaphore(%run_scoped3A_170 : memref<!tpu.dma_semaphore, #tpu.memory_space<semaphore_mem>>) {add = true}
      %dma_wait3A_181 = arith.constant 0 : i32
      %dma_wait3A_182 = arith.constant 0 : i32
      %dma_wait3A_183 = tpu.memref_slice %arg8[%run_scoped3A_147, %dma_wait3A_181, %dma_wait3A_182] : memref<2x128x128xf32, #tpu.memory_space<vmem>> -> memref<1x128x128xf32, #tpu.memory_space<vmem>>
      %dma_wait3A_184 = tpu.memref_squeeze %dma_wait3A_183 : memref<1x128x128xf32, #tpu.memory_space<vmem>> -> memref<128x128xf32, #tpu.memory_space<vmem>>
      %dma_wait3A_185 = arith.constant 0 : i32
      %dma_wait3A_186 = tpu.memref_slice %arg7[%run_scoped3A_148, %dma_wait3A_185] : memref<2x128xi32, #tpu.memory_space<vmem>> -> memref<1x128xi32, #tpu.memory_space<vmem>>
      %dma_wait3A_187 = tpu.memref_squeeze %dma_wait3A_186 : memref<1x128xi32, #tpu.memory_space<vmem>> -> memref<128xi32, #tpu.memory_space<vmem>>
      %dma_wait3A_188 = arith.constant 0 : i32
      %dma_wait3A_189 = arith.constant 0 : i32
      %dma_wait3A_190 = tpu.memref_slice %arg9[%dma_wait3A_188, %dma_wait3A_189] : memref<10240x128xf32, #tpu.memory_space<vmem_shared>> -> memref<10240x128xf32, #tpu.memory_space<vmem_shared>>
      tpu.wait_indirect_dma semaphore(%run_scoped3A_170 : memref<!tpu.dma_semaphore, #tpu.memory_space<semaphore_mem>>) src(%dma_wait3A_184 : memref<128x128xf32, #tpu.memory_space<vmem>>) dst(%dma_wait3A_190 : memref<10240x128xf32, #tpu.memory_space<vmem_shared>>)
      tpu.yield
    }) : () -> ()
    %barrier3A_149 = arith.constant 0 : index
    tpu.barrier barrier_id(%barrier3A_149)
    %mul3A_150 = arith.constant 640 : i32
    %mul3A_151 = arith.muli %arg1, %mul3A_150 : i32
    %add3A_152 = arith.constant 0 : i32
    %add3A_153 = arith.addi %mul3A_151, %add3A_152 : i32
    "tpu.region"() ({
      %run_scoped3A_170 = tpu.sem_alloc : memref<!tpu.dma_semaphore, #tpu.memory_space<semaphore_mem>>
      %dma_start3A_171 = arith.constant 0 : i32
      %dma_start3A_172 = tpu.memref_slice %arg5[%arg0, %add3A_153, %dma_start3A_171] : memref<2x10240x128xf32, #tpu.memory_space<hbm>> -> memref<1x128x128xf32, #tpu.memory_space<hbm>>
      %dma_start3A_173 = tpu.memref_squeeze %dma_start3A_172 : memref<1x128x128xf32, #tpu.memory_space<hbm>> -> memref<128x128xf32, #tpu.memory_space<hbm>>
      %dma_start3A_174 = arith.constant 0 : i32
      %dma_start3A_175 = tpu.memref_slice %arg9[%add3A_153, %dma_start3A_174] : memref<10240x128xf32, #tpu.memory_space<vmem_shared>> -> memref<128x128xf32, #tpu.memory_space<vmem_shared>>
      tpu.enqueue_dma source(%dma_start3A_175 : memref<128x128xf32, #tpu.memory_space<vmem_shared>>) target(%dma_start3A_173 : memref<128x128xf32, #tpu.memory_space<hbm>>) target_semaphore(%run_scoped3A_170 : memref<!tpu.dma_semaphore, #tpu.memory_space<semaphore_mem>>)
      %dma_wait3A_176 = arith.constant 0 : i32
      %dma_wait3A_177 = tpu.memref_slice %arg5[%arg0, %add3A_153, %dma_wait3A_176] : memref<2x10240x128xf32, #tpu.memory_space<hbm>> -> memref<1x128x128xf32, #tpu.memory_space<hbm>>
      %dma_wait3A_178 = tpu.memref_squeeze %dma_wait3A_177 : memref<1x128x128xf32, #tpu.memory_space<hbm>> -> memref<128x128xf32, #tpu.memory_space<hbm>>
      %dma_wait3A_179 = arith.constant 0 : i32
      %dma_wait3A_180 = tpu.memref_slice %arg9[%add3A_153, %dma_wait3A_179] : memref<10240x128xf32, #tpu.memory_space<vmem_shared>> -> memref<128x128xf32, #tpu.memory_space<vmem_shared>>
      tpu.wait_dma2 semaphore(%run_scoped3A_170 : memref<!tpu.dma_semaphore, #tpu.memory_space<semaphore_mem>>) src(%dma_wait3A_180 : memref<128x128xf32, #tpu.memory_space<vmem_shared>>) dst(%dma_wait3A_178 : memref<128x128xf32, #tpu.memory_space<hbm>>)
      tpu.yield
    }) : () -> ()
    %mul3A_154 = arith.constant 640 : i32
    %mul3A_155 = arith.muli %arg1, %mul3A_154 : i32
    %add3A_156 = arith.constant 128 : i32
    %add3A_157 = arith.addi %mul3A_155, %add3A_156 : i32
    "tpu.region"() ({
      %run_scoped3A_170 = tpu.sem_alloc : memref<!tpu.dma_semaphore, #tpu.memory_space<semaphore_mem>>
      %dma_start3A_171 = arith.constant 0 : i32
      %dma_start3A_172 = tpu.memref_slice %arg5[%arg0, %add3A_157, %dma_start3A_171] : memref<2x10240x128xf32, #tpu.memory_space<hbm>> -> memref<1x128x128xf32, #tpu.memory_space<hbm>>
      %dma_start3A_173 = tpu.memref_squeeze %dma_start3A_172 : memref<1x128x128xf32, #tpu.memory_space<hbm>> -> memref<128x128xf32, #tpu.memory_space<hbm>>
      %dma_start3A_174 = arith.constant 0 : i32
      %dma_start3A_175 = tpu.memref_slice %arg9[%add3A_157, %dma_start3A_174] : memref<10240x128xf32, #tpu.memory_space<vmem_shared>> -> memref<128x128xf32, #tpu.memory_space<vmem_shared>>
      tpu.enqueue_dma source(%dma_start3A_175 : memref<128x128xf32, #tpu.memory_space<vmem_shared>>) target(%dma_start3A_173 : memref<128x128xf32, #tpu.memory_space<hbm>>) target_semaphore(%run_scoped3A_170 : memref<!tpu.dma_semaphore, #tpu.memory_space<semaphore_mem>>)
      %dma_wait3A_176 = arith.constant 0 : i32
      %dma_wait3A_177 = tpu.memref_slice %arg5[%arg0, %add3A_157, %dma_wait3A_176] : memref<2x10240x128xf32, #tpu.memory_space<hbm>> -> memref<1x128x128xf32, #tpu.memory_space<hbm>>
      %dma_wait3A_178 = tpu.memref_squeeze %dma_wait3A_177 : memref<1x128x128xf32, #tpu.memory_space<hbm>> -> memref<128x128xf32, #tpu.memory_space<hbm>>
      %dma_wait3A_179 = arith.constant 0 : i32
      %dma_wait3A_180 = tpu.memref_slice %arg9[%add3A_157, %dma_wait3A_179] : memref<10240x128xf32, #tpu.memory_space<vmem_shared>> -> memref<128x128xf32, #tpu.memory_space<vmem_shared>>
      tpu.wait_dma2 semaphore(%run_scoped3A_170 : memref<!tpu.dma_semaphore, #tpu.memory_space<semaphore_mem>>) src(%dma_wait3A_180 : memref<128x128xf32, #tpu.memory_space<vmem_shared>>) dst(%dma_wait3A_178 : memref<128x128xf32, #tpu.memory_space<hbm>>)
      tpu.yield
    }) : () -> ()
    %mul3A_158 = arith.constant 640 : i32
    %mul3A_159 = arith.muli %arg1, %mul3A_158 : i32
    %add3A_160 = arith.constant 256 : i32
    %add3A_161 = arith.addi %mul3A_159, %add3A_160 : i32
    "tpu.region"() ({
      %run_scoped3A_170 = tpu.sem_alloc : memref<!tpu.dma_semaphore, #tpu.memory_space<semaphore_mem>>
      %dma_start3A_171 = arith.constant 0 : i32
      %dma_start3A_172 = tpu.memref_slice %arg5[%arg0, %add3A_161, %dma_start3A_171] : memref<2x10240x128xf32, #tpu.memory_space<hbm>> -> memref<1x128x128xf32, #tpu.memory_space<hbm>>
      %dma_start3A_173 = tpu.memref_squeeze %dma_start3A_172 : memref<1x128x128xf32, #tpu.memory_space<hbm>> -> memref<128x128xf32, #tpu.memory_space<hbm>>
      %dma_start3A_174 = arith.constant 0 : i32
      %dma_start3A_175 = tpu.memref_slice %arg9[%add3A_161, %dma_start3A_174] : memref<10240x128xf32, #tpu.memory_space<vmem_shared>> -> memref<128x128xf32, #tpu.memory_space<vmem_shared>>
      tpu.enqueue_dma source(%dma_start3A_175 : memref<128x128xf32, #tpu.memory_space<vmem_shared>>) target(%dma_start3A_173 : memref<128x128xf32, #tpu.memory_space<hbm>>) target_semaphore(%run_scoped3A_170 : memref<!tpu.dma_semaphore, #tpu.memory_space<semaphore_mem>>)
      %dma_wait3A_176 = arith.constant 0 : i32
      %dma_wait3A_177 = tpu.memref_slice %arg5[%arg0, %add3A_161, %dma_wait3A_176] : memref<2x10240x128xf32, #tpu.memory_space<hbm>> -> memref<1x128x128xf32, #tpu.memory_space<hbm>>
      %dma_wait3A_178 = tpu.memref_squeeze %dma_wait3A_177 : memref<1x128x128xf32, #tpu.memory_space<hbm>> -> memref<128x128xf32, #tpu.memory_space<hbm>>
      %dma_wait3A_179 = arith.constant 0 : i32
      %dma_wait3A_180 = tpu.memref_slice %arg9[%add3A_161, %dma_wait3A_179] : memref<10240x128xf32, #tpu.memory_space<vmem_shared>> -> memref<128x128xf32, #tpu.memory_space<vmem_shared>>
      tpu.wait_dma2 semaphore(%run_scoped3A_170 : memref<!tpu.dma_semaphore, #tpu.memory_space<semaphore_mem>>) src(%dma_wait3A_180 : memref<128x128xf32, #tpu.memory_space<vmem_shared>>) dst(%dma_wait3A_178 : memref<128x128xf32, #tpu.memory_space<hbm>>)
      tpu.yield
    }) : () -> ()
    %mul3A_162 = arith.constant 640 : i32
    %mul3A_163 = arith.muli %arg1, %mul3A_162 : i32
    %add3A_164 = arith.constant 384 : i32
    %add3A_165 = arith.addi %mul3A_163, %add3A_164 : i32
    "tpu.region"() ({
      %run_scoped3A_170 = tpu.sem_alloc : memref<!tpu.dma_semaphore, #tpu.memory_space<semaphore_mem>>
      %dma_start3A_171 = arith.constant 0 : i32
      %dma_start3A_172 = tpu.memref_slice %arg5[%arg0, %add3A_165, %dma_start3A_171] : memref<2x10240x128xf32, #tpu.memory_space<hbm>> -> memref<1x128x128xf32, #tpu.memory_space<hbm>>
      %dma_start3A_173 = tpu.memref_squeeze %dma_start3A_172 : memref<1x128x128xf32, #tpu.memory_space<hbm>> -> memref<128x128xf32, #tpu.memory_space<hbm>>
      %dma_start3A_174 = arith.constant 0 : i32
      %dma_start3A_175 = tpu.memref_slice %arg9[%add3A_165, %dma_start3A_174] : memref<10240x128xf32, #tpu.memory_space<vmem_shared>> -> memref<128x128xf32, #tpu.memory_space<vmem_shared>>
      tpu.enqueue_dma source(%dma_start3A_175 : memref<128x128xf32, #tpu.memory_space<vmem_shared>>) target(%dma_start3A_173 : memref<128x128xf32, #tpu.memory_space<hbm>>) target_semaphore(%run_scoped3A_170 : memref<!tpu.dma_semaphore, #tpu.memory_space<semaphore_mem>>)
      %dma_wait3A_176 = arith.constant 0 : i32
      %dma_wait3A_177 = tpu.memref_slice %arg5[%arg0, %add3A_165, %dma_wait3A_176] : memref<2x10240x128xf32, #tpu.memory_space<hbm>> -> memref<1x128x128xf32, #tpu.memory_space<hbm>>
      %dma_wait3A_178 = tpu.memref_squeeze %dma_wait3A_177 : memref<1x128x128xf32, #tpu.memory_space<hbm>> -> memref<128x128xf32, #tpu.memory_space<hbm>>
      %dma_wait3A_179 = arith.constant 0 : i32
      %dma_wait3A_180 = tpu.memref_slice %arg9[%add3A_165, %dma_wait3A_179] : memref<10240x128xf32, #tpu.memory_space<vmem_shared>> -> memref<128x128xf32, #tpu.memory_space<vmem_shared>>
      tpu.wait_dma2 semaphore(%run_scoped3A_170 : memref<!tpu.dma_semaphore, #tpu.memory_space<semaphore_mem>>) src(%dma_wait3A_180 : memref<128x128xf32, #tpu.memory_space<vmem_shared>>) dst(%dma_wait3A_178 : memref<128x128xf32, #tpu.memory_space<hbm>>)
      tpu.yield
    }) : () -> ()
    %mul3A_166 = arith.constant 640 : i32
    %mul3A_167 = arith.muli %arg1, %mul3A_166 : i32
    %add3A_168 = arith.constant 512 : i32
    %add3A_169 = arith.addi %mul3A_167, %add3A_168 : i32
    "tpu.region"() ({
      %run_scoped3A_170 = tpu.sem_alloc : memref<!tpu.dma_semaphore, #tpu.memory_space<semaphore_mem>>
      %dma_start3A_171 = arith.constant 0 : i32
      %dma_start3A_172 = tpu.memref_slice %arg5[%arg0, %add3A_169, %dma_start3A_171] : memref<2x10240x128xf32, #tpu.memory_space<hbm>> -> memref<1x128x128xf32, #tpu.memory_space<hbm>>
      %dma_start3A_173 = tpu.memref_squeeze %dma_start3A_172 : memref<1x128x128xf32, #tpu.memory_space<hbm>> -> memref<128x128xf32, #tpu.memory_space<hbm>>
      %dma_start3A_174 = arith.constant 0 : i32
      %dma_start3A_175 = tpu.memref_slice %arg9[%add3A_169, %dma_start3A_174] : memref<10240x128xf32, #tpu.memory_space<vmem_shared>> -> memref<128x128xf32, #tpu.memory_space<vmem_shared>>
      tpu.enqueue_dma source(%dma_start3A_175 : memref<128x128xf32, #tpu.memory_space<vmem_shared>>) target(%dma_start3A_173 : memref<128x128xf32, #tpu.memory_space<hbm>>) target_semaphore(%run_scoped3A_170 : memref<!tpu.dma_semaphore, #tpu.memory_space<semaphore_mem>>)
      %dma_wait3A_176 = arith.constant 0 : i32
      %dma_wait3A_177 = tpu.memref_slice %arg5[%arg0, %add3A_169, %dma_wait3A_176] : memref<2x10240x128xf32, #tpu.memory_space<hbm>> -> memref<1x128x128xf32, #tpu.memory_space<hbm>>
      %dma_wait3A_178 = tpu.memref_squeeze %dma_wait3A_177 : memref<1x128x128xf32, #tpu.memory_space<hbm>> -> memref<128x128xf32, #tpu.memory_space<hbm>>
      %dma_wait3A_179 = arith.constant 0 : i32
      %dma_wait3A_180 = tpu.memref_slice %arg9[%add3A_169, %dma_wait3A_179] : memref<10240x128xf32, #tpu.memory_space<vmem_shared>> -> memref<128x128xf32, #tpu.memory_space<vmem_shared>>
      tpu.wait_dma2 semaphore(%run_scoped3A_170 : memref<!tpu.dma_semaphore, #tpu.memory_space<semaphore_mem>>) src(%dma_wait3A_180 : memref<128x128xf32, #tpu.memory_space<vmem_shared>>) dst(%dma_wait3A_178 : memref<128x128xf32, #tpu.memory_space<hbm>>)
      tpu.yield
    }) : () -> ()
    return
  }
}

module attributes {stable_mosaic.version = 14 : i64} {
  func.func @_tc1_body(%arg0: i32, %arg1: memref<1024x128xf32, #tpu.memory_space<vmem>>, %arg2: memref<128x128xf32, #tpu.memory_space<vmem>>, %arg3: memref<2x1024x16xf32, #tpu.memory_space<vmem>>, %arg4: memref<1024x128xf32, #tpu.memory_space<vmem>>) attributes {dimension_semantics = [#tpu.dimension_semantics<arbitrary>], iteration_bounds = array<i64: 10>, scalar_prefetch = 0 : i64, scratch_operands = 0 : i64, tpu.core_type = #tpu.core_type<tc>, window_params = [{transform_indices = @transform_0, window_bounds = array<i64: 1024, 128>}, {pipeline_mode = #tpu.pipeline_mode<synchronous>, transform_indices = @transform_1, window_bounds = array<i64: 128, 128>}, {transform_indices = @transform_2, window_bounds = array<i64: 2, 1024, 16>}, {transform_indices = @transform_3, window_bounds = array<i64: 1024, 128>}]} {
    %get3A = arith.constant 0 : index
    %get3A_0 = arith.constant 0 : index
    %get3A_1 = arith.constant 0 : index
    %get3A_2 = vector.load %arg3[%get3A, %get3A_0, %get3A_1] : memref<2x1024x16xf32, #tpu.memory_space<vmem>>, vector<1x1024x1xf32>
    %get3A_3 = vector.shape_cast %get3A_2 : vector<1x1024x1xf32> to vector<1024x1xf32>
    %get3A_4 = arith.constant 1 : index
    %get3A_5 = arith.constant 0 : index
    %get3A_6 = arith.constant 0 : index
    %get3A_7 = vector.load %arg3[%get3A_4, %get3A_5, %get3A_6] : memref<2x1024x16xf32, #tpu.memory_space<vmem>>, vector<1x1024x1xf32>
    %get3A_8 = vector.shape_cast %get3A_7 : vector<1x1024x1xf32> to vector<1024x1xf32>
    %add3A = arith.addf %get3A_3, %get3A_8 : vector<1024x1xf32>
    %add3A_9 = arith.constant 1.000000e+00 : f32
    %add3A_10 = vector.broadcast %add3A_9 : f32 to vector<1024x1xf32>
    %add3A_11 = arith.addf %add3A, %add3A_10 : vector<1024x1xf32>
    %rsqrt3A = math.rsqrt %add3A_11 : vector<1024x1xf32>
    %get3A_12 = arith.constant 0 : index
    %get3A_13 = arith.constant 0 : index
    %get3A_14 = vector.load %arg1[%get3A_12, %get3A_13] : memref<1024x128xf32, #tpu.memory_space<vmem>>, vector<1024x128xf32>
    %get3A_15 = arith.constant 0 : index
    %get3A_16 = arith.constant 0 : index
    %get3A_17 = vector.load %arg2[%get3A_15, %get3A_16] : memref<128x128xf32, #tpu.memory_space<vmem>>, vector<128x128xf32>
    %dot_general3A = arith.constant dense<0.000000e+00> : vector<1024x128xf32>
    %dot_general3A_18 = tpu.matmul %get3A_14, %get3A_17, %dot_general3A {dimension_numbers = #tpu.dot_dimension_numbers<[1], [0], [0], [1], [0, 0, 1, 1], [], []>, transpose_lhs_hint = false} : vector<1024x128xf32>, vector<128x128xf32>, vector<1024x128xf32> -> vector<1024x128xf32>
    %mul3A = vector.broadcast %rsqrt3A : vector<1024x1xf32> to vector<1024x128xf32>
    %mul3A_19 = arith.mulf %dot_general3A_18, %mul3A : vector<1024x128xf32>
    %swap3A = arith.constant 0 : index
    %swap3A_20 = arith.constant 0 : index
    %swap3A_21 = vector.load %arg4[%swap3A, %swap3A_20] : memref<1024x128xf32, #tpu.memory_space<vmem>>, vector<1024x128xf32>
    tpu.vector_store %arg4[%swap3A, %swap3A_20], %mul3A_19 {strides = array<i32>} : memref<1024x128xf32, #tpu.memory_space<vmem>>, vector<1024x128xf32>,
    return
  }
  func.func @transform_0(%arg0: i32) -> (i32, i32) {
    %c0_i32 = arith.constant 0 : i32
    %c0_i32_0 = arith.constant 0 : i32
    return %arg0, %c0_i32 : i32, i32
  }
  func.func @transform_1(%arg0: i32) -> (i32, i32) {
    %c0_i32 = arith.constant 0 : i32
    %c0_i32_0 = arith.constant 0 : i32
    %c0_i32_1 = arith.constant 0 : i32
    return %c0_i32, %c0_i32_0 : i32, i32
  }
  func.func @transform_2(%arg0: i32) -> (i32, i32, i32) {
    %c0_i32 = arith.constant 0 : i32
    %c0_i32_0 = arith.constant 0 : i32
    %c0_i32_1 = arith.constant 0 : i32
    return %c0_i32, %arg0, %c0_i32_0 : i32, i32, i32
  }
  func.func @transform_3(%arg0: i32) -> (i32, i32) {
    %c0_i32 = arith.constant 0 : i32
    %c0_i32_0 = arith.constant 0 : i32
    return %arg0, %c0_i32 : i32, i32
  }
}

module attributes {stable_mosaic.version = 14 : i64} {
  func.func @_tc2_body(%arg0: i32, %arg1: memref<2x1024x128xf32, #tpu.memory_space<vmem>>, %arg2: memref<1024x128xf32, #tpu.memory_space<vmem>>, %arg3: memref<2x1024x16xf32, #tpu.memory_space<vmem>>, %arg4: memref<1x128xf32, #tpu.memory_space<vmem>>, %arg5: memref<128x128xf32, #tpu.memory_space<vmem>>, %arg6: memref<1024x128xf32, #tpu.memory_space<vmem>>) attributes {dimension_semantics = [#tpu.dimension_semantics<arbitrary>], iteration_bounds = array<i64: 10>, scalar_prefetch = 0 : i64, scratch_operands = 0 : i64, tpu.core_type = #tpu.core_type<tc>, window_params = [{transform_indices = @transform_0, window_bounds = array<i64: 2, 1024, 128>}, {transform_indices = @transform_1, window_bounds = array<i64: 1024, 128>}, {transform_indices = @transform_2, window_bounds = array<i64: 2, 1024, 16>}, {pipeline_mode = #tpu.pipeline_mode<synchronous>, transform_indices = @transform_3, window_bounds = array<i64: 1, 128>}, {pipeline_mode = #tpu.pipeline_mode<synchronous>, transform_indices = @transform_4, window_bounds = array<i64: 128, 128>}, {transform_indices = @transform_5, window_bounds = array<i64: 1024, 128>}]} {
    %get3A = arith.constant 0 : index
    %get3A_0 = arith.constant 0 : index
    %get3A_1 = arith.constant 0 : index
    %get3A_2 = vector.load %arg3[%get3A, %get3A_0, %get3A_1] : memref<2x1024x16xf32, #tpu.memory_space<vmem>>, vector<1x1024x1xf32>
    %get3A_3 = vector.shape_cast %get3A_2 : vector<1x1024x1xf32> to vector<1024x1xf32>
    %get3A_4 = arith.constant 1 : index
    %get3A_5 = arith.constant 0 : index
    %get3A_6 = arith.constant 0 : index
    %get3A_7 = vector.load %arg3[%get3A_4, %get3A_5, %get3A_6] : memref<2x1024x16xf32, #tpu.memory_space<vmem>>, vector<1x1024x1xf32>
    %get3A_8 = vector.shape_cast %get3A_7 : vector<1x1024x1xf32> to vector<1024x1xf32>
    %add3A = arith.addf %get3A_3, %get3A_8 : vector<1024x1xf32>
    %add3A_9 = arith.constant 1.000000e+00 : f32
    %add3A_10 = vector.broadcast %add3A_9 : f32 to vector<1024x1xf32>
    %add3A_11 = arith.addf %add3A, %add3A_10 : vector<1024x1xf32>
    %rsqrt3A = math.rsqrt %add3A_11 : vector<1024x1xf32>
    %get3A_12 = arith.constant 0 : index
    %get3A_13 = arith.constant 0 : index
    %get3A_14 = arith.constant 0 : index
    %get3A_15 = vector.load %arg1[%get3A_12, %get3A_13, %get3A_14] : memref<2x1024x128xf32, #tpu.memory_space<vmem>>, vector<1x1024x128xf32>
    %get3A_16 = vector.shape_cast %get3A_15 : vector<1x1024x128xf32> to vector<1024x128xf32>
    %get3A_17 = arith.constant 1 : index
    %get3A_18 = arith.constant 0 : index
    %get3A_19 = arith.constant 0 : index
    %get3A_20 = vector.load %arg1[%get3A_17, %get3A_18, %get3A_19] : memref<2x1024x128xf32, #tpu.memory_space<vmem>>, vector<1x1024x128xf32>
    %get3A_21 = vector.shape_cast %get3A_20 : vector<1x1024x128xf32> to vector<1024x128xf32>
    %add3A_22 = arith.addf %get3A_16, %get3A_21 : vector<1024x128xf32>
    %get3A_23 = arith.constant 0 : index
    %get3A_24 = arith.constant 0 : index
    %get3A_25 = vector.load %arg2[%get3A_23, %get3A_24] : memref<1024x128xf32, #tpu.memory_space<vmem>>, vector<1024x128xf32>
    %add3A_26 = arith.addf %add3A_22, %get3A_25 : vector<1024x128xf32>
    %mul3A = vector.broadcast %rsqrt3A : vector<1024x1xf32> to vector<1024x128xf32>
    %mul3A_27 = arith.mulf %mul3A, %add3A_26 : vector<1024x128xf32>
    %get3A_28 = arith.constant 0 : index
    %get3A_29 = arith.constant 0 : index
    %get3A_30 = vector.load %arg4[%get3A_28, %get3A_29] : memref<1x128xf32, #tpu.memory_space<vmem>>, vector<1x128xf32>
    %add3A_31 = vector.broadcast %get3A_30 : vector<1x128xf32> to vector<1024x128xf32>
    %add3A_32 = arith.addf %mul3A_27, %add3A_31 : vector<1024x128xf32>
    %max3A = arith.constant 0.000000e+00 : f32
    %max3A_33 = vector.broadcast %max3A : f32 to vector<1024x128xf32>
    %max3A_34 = arith.maximumf %add3A_32, %max3A_33 : vector<1024x128xf32>
    %get3A_35 = arith.constant 0 : index
    %get3A_36 = arith.constant 0 : index
    %get3A_37 = vector.load %arg5[%get3A_35, %get3A_36] : memref<128x128xf32, #tpu.memory_space<vmem>>, vector<128x128xf32>
    %dot_general3A = arith.constant dense<0.000000e+00> : vector<1024x128xf32>
    %dot_general3A_38 = tpu.matmul %max3A_34, %get3A_37, %dot_general3A {dimension_numbers = #tpu.dot_dimension_numbers<[1], [0], [0], [1], [0, 0, 1, 1], [], []>, transpose_lhs_hint = false} : vector<1024x128xf32>, vector<128x128xf32>, vector<1024x128xf32> -> vector<1024x128xf32>
    %mul3A_39 = vector.broadcast %rsqrt3A : vector<1024x1xf32> to vector<1024x128xf32>
    %mul3A_40 = arith.mulf %dot_general3A_38, %mul3A_39 : vector<1024x128xf32>
    %swap3A = arith.constant 0 : index
    %swap3A_41 = arith.constant 0 : index
    %swap3A_42 = vector.load %arg6[%swap3A, %swap3A_41] : memref<1024x128xf32, #tpu.memory_space<vmem>>, vector<1024x128xf32>
    tpu.vector_store %arg6[%swap3A, %swap3A_41], %mul3A_40 {strides = array<i32>} : memref<1024x128xf32, #tpu.memory_space<vmem>>, vector<1024x128xf32>,
    return
  }
  func.func @transform_0(%arg0: i32) -> (i32, i32, i32) {
    %c0_i32 = arith.constant 0 : i32
    %c0_i32_0 = arith.constant 0 : i32
    %c0_i32_1 = arith.constant 0 : i32
    return %c0_i32, %arg0, %c0_i32_0 : i32, i32, i32
  }
  func.func @transform_1(%arg0: i32) -> (i32, i32) {
    %c0_i32 = arith.constant 0 : i32
    %c0_i32_0 = arith.constant 0 : i32
    return %arg0, %c0_i32 : i32, i32
  }
  func.func @transform_2(%arg0: i32) -> (i32, i32, i32) {
    %c0_i32 = arith.constant 0 : i32
    %c0_i32_0 = arith.constant 0 : i32
    %c0_i32_1 = arith.constant 0 : i32
    return %c0_i32, %arg0, %c0_i32_0 : i32, i32, i32
  }
  func.func @transform_3(%arg0: i32) -> (i32, i32) {
    %c0_i32 = arith.constant 0 : i32
    %c0_i32_0 = arith.constant 0 : i32
    %c0_i32_1 = arith.constant 0 : i32
    return %c0_i32, %c0_i32_0 : i32, i32
  }
  func.func @transform_4(%arg0: i32) -> (i32, i32) {
    %c0_i32 = arith.constant 0 : i32
    %c0_i32_0 = arith.constant 0 : i32
    %c0_i32_1 = arith.constant 0 : i32
    return %c0_i32, %c0_i32_0 : i32, i32
  }
  func.func @transform_5(%arg0: i32) -> (i32, i32) {
    %c0_i32 = arith.constant 0 : i32
    %c0_i32_0 = arith.constant 0 : i32
    return %arg0, %c0_i32 : i32, i32
  }
}

module attributes {stable_mosaic.version = 14 : i64} {
  func.func @_tc3_body(%arg0: i32, %arg1: memref<2x1024x128xf32, #tpu.memory_space<vmem>>, %arg2: memref<1024x128xf32, #tpu.memory_space<vmem>>, %arg3: memref<2x1024x16xf32, #tpu.memory_space<vmem>>, %arg4: memref<1x128xf32, #tpu.memory_space<vmem>>, %arg5: memref<1024x128xf32, #tpu.memory_space<vmem>>) attributes {dimension_semantics = [#tpu.dimension_semantics<arbitrary>], iteration_bounds = array<i64: 10>, scalar_prefetch = 0 : i64, scratch_operands = 0 : i64, tpu.core_type = #tpu.core_type<tc>, window_params = [{transform_indices = @transform_0, window_bounds = array<i64: 2, 1024, 128>}, {transform_indices = @transform_1, window_bounds = array<i64: 1024, 128>}, {transform_indices = @transform_2, window_bounds = array<i64: 2, 1024, 16>}, {pipeline_mode = #tpu.pipeline_mode<synchronous>, transform_indices = @transform_3, window_bounds = array<i64: 1, 128>}, {transform_indices = @transform_4, window_bounds = array<i64: 1024, 128>}]} {
    %get3A = arith.constant 0 : index
    %get3A_0 = arith.constant 0 : index
    %get3A_1 = arith.constant 0 : index
    %get3A_2 = vector.load %arg3[%get3A, %get3A_0, %get3A_1] : memref<2x1024x16xf32, #tpu.memory_space<vmem>>, vector<1x1024x1xf32>
    %get3A_3 = vector.shape_cast %get3A_2 : vector<1x1024x1xf32> to vector<1024x1xf32>
    %get3A_4 = arith.constant 1 : index
    %get3A_5 = arith.constant 0 : index
    %get3A_6 = arith.constant 0 : index
    %get3A_7 = vector.load %arg3[%get3A_4, %get3A_5, %get3A_6] : memref<2x1024x16xf32, #tpu.memory_space<vmem>>, vector<1x1024x1xf32>
    %get3A_8 = vector.shape_cast %get3A_7 : vector<1x1024x1xf32> to vector<1024x1xf32>
    %add3A = arith.addf %get3A_3, %get3A_8 : vector<1024x1xf32>
    %add3A_9 = arith.constant 1.000000e+00 : f32
    %add3A_10 = vector.broadcast %add3A_9 : f32 to vector<1024x1xf32>
    %add3A_11 = arith.addf %add3A, %add3A_10 : vector<1024x1xf32>
    %rsqrt3A = math.rsqrt %add3A_11 : vector<1024x1xf32>
    %get3A_12 = arith.constant 0 : index
    %get3A_13 = arith.constant 0 : index
    %get3A_14 = arith.constant 0 : index
    %get3A_15 = vector.load %arg1[%get3A_12, %get3A_13, %get3A_14] : memref<2x1024x128xf32, #tpu.memory_space<vmem>>, vector<1x1024x128xf32>
    %get3A_16 = vector.shape_cast %get3A_15 : vector<1x1024x128xf32> to vector<1024x128xf32>
    %get3A_17 = arith.constant 1 : index
    %get3A_18 = arith.constant 0 : index
    %get3A_19 = arith.constant 0 : index
    %get3A_20 = vector.load %arg1[%get3A_17, %get3A_18, %get3A_19] : memref<2x1024x128xf32, #tpu.memory_space<vmem>>, vector<1x1024x128xf32>
    %get3A_21 = vector.shape_cast %get3A_20 : vector<1x1024x128xf32> to vector<1024x128xf32>
    %add3A_22 = arith.addf %get3A_16, %get3A_21 : vector<1024x128xf32>
    %get3A_23 = arith.constant 0 : index
    %get3A_24 = arith.constant 0 : index
    %get3A_25 = vector.load %arg2[%get3A_23, %get3A_24] : memref<1024x128xf32, #tpu.memory_space<vmem>>, vector<1024x128xf32>
    %add3A_26 = arith.addf %add3A_22, %get3A_25 : vector<1024x128xf32>
    %mul3A = vector.broadcast %rsqrt3A : vector<1024x1xf32> to vector<1024x128xf32>
    %mul3A_27 = arith.mulf %mul3A, %add3A_26 : vector<1024x128xf32>
    %get3A_28 = arith.constant 0 : index
    %get3A_29 = arith.constant 0 : index
    %get3A_30 = vector.load %arg4[%get3A_28, %get3A_29] : memref<1x128xf32, #tpu.memory_space<vmem>>, vector<1x128xf32>
    %add3A_31 = vector.broadcast %get3A_30 : vector<1x128xf32> to vector<1024x128xf32>
    %add3A_32 = arith.addf %mul3A_27, %add3A_31 : vector<1024x128xf32>
    %swap3A = arith.constant 0 : index
    %swap3A_33 = arith.constant 0 : index
    %swap3A_34 = vector.load %arg5[%swap3A, %swap3A_33] : memref<1024x128xf32, #tpu.memory_space<vmem>>, vector<1024x128xf32>
    tpu.vector_store %arg5[%swap3A, %swap3A_33], %add3A_32 {strides = array<i32>} : memref<1024x128xf32, #tpu.memory_space<vmem>>, vector<1024x128xf32>,
    return
  }
  func.func @transform_0(%arg0: i32) -> (i32, i32, i32) {
    %c0_i32 = arith.constant 0 : i32
    %c0_i32_0 = arith.constant 0 : i32
    %c0_i32_1 = arith.constant 0 : i32
    return %c0_i32, %arg0, %c0_i32_0 : i32, i32, i32
  }
  func.func @transform_1(%arg0: i32) -> (i32, i32) {
    %c0_i32 = arith.constant 0 : i32
    %c0_i32_0 = arith.constant 0 : i32
    return %arg0, %c0_i32 : i32, i32
  }
  func.func @transform_2(%arg0: i32) -> (i32, i32, i32) {
    %c0_i32 = arith.constant 0 : i32
    %c0_i32_0 = arith.constant 0 : i32
    %c0_i32_1 = arith.constant 0 : i32
    return %c0_i32, %arg0, %c0_i32_0 : i32, i32, i32
  }
  func.func @transform_3(%arg0: i32) -> (i32, i32) {
    %c0_i32 = arith.constant 0 : i32
    %c0_i32_0 = arith.constant 0 : i32
    %c0_i32_1 = arith.constant 0 : i32
    return %c0_i32, %c0_i32_0 : i32, i32
  }
  func.func @transform_4(%arg0: i32) -> (i32, i32) {
    %c0_i32 = arith.constant 0 : i32
    %c0_i32_0 = arith.constant 0 : i32
    return %arg0, %c0_i32 : i32, i32
  }
}

</mosaic_0001>

<sc_bundles>
// kernel: kernel.11.cloned.1.call-start
scs
__scs_entry_jumppad:
0x0: {  	(pc) =	sbr.rel $0x88, $3  }
0x1: {  	(tag) =	ssettag $0x0;
	lr =	simm.s32 $0x1  }
0x2: {  	[smem:$0x3F9B] =	sst lr;
	_ =	strace $0xD0000000  }
0x3: {  	_ = 	snop  }
0x4: {  	_ = 	snop  }
0x5: {  	_ = 	snop  }
0x6: {  	_ = 	snop  }
0x7: {  	_ = 	snop  }
__scs_overlays_trampoline_lowered:
0x8: {  	[smem:$0x3FAA] =	sst s0  }
0x9: {  	[smem:$0x3FAB] =	sst s1  }
0xa: {  	[smem:$0x3FAC] =	sst s2  }
0xb: {  	[smem:$0x3FAD] =	sst s3  }
0xc: {  	[smem:$0x3FAE] =	sst s4  }
0xd: {  	[smem:$0x3FAF] =	sst s5  }
0xe: {  	[smem:$0x3FB0] =	sst s6  }
0xf: {  	[smem:$0x3FB1] =	sst s7  }
0x10: {  	[smem:$0x3FB2] =	sst s8  }
0x11: {  	[smem:$0x3FB3] =	sst s9;
	s0 =	simm.s32 @!p0 $0x0  }
0x12: {  	s1 =	sld [smem:$0x3F99];
	s0 =	simm.s32 @p0 $0x1  }
0x13: {  	[smem:$0x3FB4] =	sst s0;
	s0 =	simm.s32 @!p1 $0x0  }
0x14: {  	s2 =	sld [smem:$0x3F98];
	s0 =	simm.s32 @p1 $0x1  }
0x15: {  	[smem:$0x3FB5] =	sst s0;
	s0 =	simm.s32 @!p2 $0x0  }
0x16: {  	s3 =	sld [smem:$0x3FDB];
	s0 =	simm.s32 @p2 $0x1  }
0x17: {  	s4 =	simm.s32 $0x1BF5;
	[smem:$0x3FB7] =	sst s0  }
0x18: {  	s0 =	sld [smem:$0x3F9A];
	_ =	swait.ge [sflag:s4], $0x0  }
0x19: {  	s7 =	sld [smem:$0x3F9B]  }
0x1a: {  	s8 =	sadd.s32 $0xFFFFE003, lr  }
0x1b: {  	s9 =	sadd.s32 $0xFFFFFEF7, lr;
	s5 =	simm.s32 $0xFFFFFFFF;
	p2 =	slt.u32 s8, $0xFFFFF086  }
0x1c: {  	p1 =	slt.u32 s9, $0xF7A;
	s5 =	simm.s32 @!p2 $0x0  }
0x1d: {  	s5 =	simm.s32 @p1 $0x1;
	p0 =	seq.s32 s7, s2  }
0x1e: {  	s7 =	smul.u32 @!p0 $0xF7A, s2;
	p2 =	seq.s32 @!p0 s5, $0x0  }
0x1f: {  	s9 =	smul.u32 $0xF7A, s1;
	s8 =	simm.s32 @!p0 $0x1BF5;
	p2 =	por !p2, p0  }
0x20: {  	[sflag:s8] =	ssyncset.s32 @!p0 $0xFFFFF086;
	s6 =	sadd.s32 @!p0 s3, s7;
	s7 =	simm.s32 @!p0 $0x108  }
0x21: {  	s3 =	sadd.s32 s3, s9;
	s6 =	sadd.s32 @!p0 $0x88, s6;
	s7 =	simm.s32 @p2 $0x1082  }
0x22: {  	[simem:s7], [sflag:s8] =	dma.local @!p0 [hbm:s6], $0xF7A  }
0x23: {  	s9 =	sor.u32 $0xD0000000, s2;
	s6 =	simm.s32 $0x108;
	_ =	swait.ge @!p0 [sflag:s8], $0x0  }
0x24: {  	s3 =	sadd.s32 $0x88, s3;
	s6 =	simm.s32 @!p1 $0x1082;
	[sflag:s4] =	ssyncset.s32 $0xFFFFF086  }
0x25: {  	[simem:s6], [sflag:s4] =	dma.local [hbm:s3], $0xF7A  }
0x26: {  	[smem:$0x3F9B] =	sst s1;
	(tag) =	ssettag s2;
	_ =	strace s9  }
0x27: {  	s1 =	sld [smem:$0x3FAB]  }
0x28: {  	s2 =	sld [smem:$0x3FAC]  }
0x29: {  	s4 =	sld [smem:$0x3FAE]  }
0x2a: {  	p0 =	seq.s32 s5, $0x0;
	s5 =	sld [smem:$0x3FAF]  }
0x2b: {  	s6 =	sld [smem:$0x3FB0]  }
0x2c: {  	s7 =	sld [smem:$0x3FB1]  }
0x2d: {  	s3 =	simm.s32 $0x108;
	s8 =	sld [smem:$0x3FB2]  }
0x2e: {  	s3 =	simm.s32 @!p0 $0x1082;
	s9 =	sld [smem:$0x3FB3]  }
0x2f: {  	lr =	sadd.s32 s0, s3;
	s0 =	sld [smem:$0x3FAA]  }
0x30: {  	s3 =	sld [smem:$0x3FAD]  }
0x31: {  	[smem:$0x3FB6] =	sst s10  }
0x32: {  	s10 =	sld [smem:$0x3FB4];
	_ =	sdelay $0x3  }
0x33: {  	p0 =	seq.s32 s10, $0x1;
	s10 =	sld [smem:$0x3FB6];
	_ =	sdelay $0x3  }
0x34: {  	[smem:$0x3FB6] =	sst s10  }
0x35: {  	s10 =	sld [smem:$0x3FB5];
	_ =	sdelay $0x3  }
0x36: {  	p1 =	seq.s32 s10, $0x1;
	s10 =	sld [smem:$0x3FB6];
	_ =	sdelay $0x3  }
0x37: {  	[smem:$0x3FB6] =	sst s10  }
0x38: {  	s10 =	sld [smem:$0x3FB7]  }
0x39: {  	_ = 	snop;
	(pc) =	sbr.ind lr, $3  }
0x3a: {  	_ = 	snop  }
0x3b: {  	_ = 	snop  }
0x3c: {  	p2 =	seq.s32 s10, $0x1;
	s10 =	sld [smem:$0x3FB6]  }
0x3d: {  	_ =	shalt  }
0x3e: {  	_ =	shalt  }
0x3f: {  	_ =	shalt  }
0x40: {  	_ =	shalt  }
0x41: {  	_ =	shalt  }
0x42: {  	_ =	shalt  }
0x43: {  	_ =	shalt  }
0x44: {  	_ =	shalt  }
0x45: {  	_ =	shalt  }
0x46: {  	_ =	shalt  }
0x47: {  	_ =	shalt  }
0x48: {  	_ =	shalt  }
0x49: {  	_ =	shalt  }
0x4a: {  	_ =	shalt  }
0x4b: {  	_ =	shalt  }
0x4c: {  	_ =	shalt  }
0x4d: {  	_ =	shalt  }
0x4e: {  	_ =	shalt  }
0x4f: {  	_ =	shalt  }
0x50: {  	_ =	shalt  }
0x51: {  	_ =	shalt  }
0x52: {  	_ =	shalt  }
0x53: {  	_ =	shalt  }
0x54: {  	_ =	shalt  }
0x55: {  	_ =	shalt  }
0x56: {  	_ =	shalt  }
0x57: {  	_ =	shalt  }
0x58: {  	_ =	shalt  }
0x59: {  	_ =	shalt  }
0x5a: {  	_ =	shalt  }
0x5b: {  	_ =	shalt  }
0x5c: {  	_ =	shalt  }
0x5d: {  	_ =	shalt  }
0x5e: {  	_ =	shalt  }
0x5f: {  	_ =	shalt  }
0x60: {  	_ =	shalt  }
0x61: {  	_ =	shalt  }
0x62: {  	_ =	shalt  }
0x63: {  	_ =	shalt  }
0x64: {  	_ =	shalt  }
0x65: {  	_ =	shalt  }
0x66: {  	_ =	shalt  }
0x67: {  	_ =	shalt  }
0x68: {  	_ =	shalt  }
0x69: {  	_ =	shalt  }
0x6a: {  	_ =	shalt  }
0x6b: {  	_ =	shalt  }
0x6c: {  	_ =	shalt  }
0x6d: {  	_ =	shalt  }
0x6e: {  	_ =	shalt  }
0x6f: {  	_ =	shalt  }
0x70: {  	_ =	shalt  }
0x71: {  	_ =	shalt  }
0x72: {  	_ =	shalt  }
0x73: {  	_ =	shalt  }
0x74: {  	_ =	shalt  }
0x75: {  	_ =	shalt  }
0x76: {  	_ =	shalt  }
0x77: {  	_ =	shalt  }
0x78: {  	_ =	shalt  }
0x79: {  	_ =	shalt  }
0x7a: {  	_ =	shalt  }
0x7b: {  	_ =	shalt  }
0x7c: {  	_ =	shalt  }
0x7d: {  	_ =	shalt  }
0x7e: {  	_ =	shalt  }
0x7f: {  	_ =	shalt  }
0x80: {  	_ =	shalt  }
0x81: {  	_ =	shalt  }
0x82: {  	_ =	shalt  }
0x83: {  	_ =	shalt  }
0x84: {  	_ =	shalt  }
0x85: {  	_ =	shalt  }
0x86: {  	_ =	shalt  }
0x87: {  	_ =	shalt  }
.Lfunc_end0:
.L_simem_size_0:
called_computation.1_lowered:
.L_overlay_start_0:
0x88: {  	s2 =	sld [smem:$0x3FD9]  }
0x89: {  	s3 =	sld [smem:$0x3FFE];
	_ =	sdelay $0x1  }
0x8a: {  	s1 =	srdreg.scid  }
0x8b: {  	s0 =	sand.u32 $0x1, s1  }
0x8c: {  	s17 =	sshll.u32 s0, $0xA;
	s2 =	sadd.s32 s3, s2  }
0x8d: {  	s2 =	sadd.s32 s2, s17  }
0x8e: {  	[smem:$0x3FC2] =	sst s2  }
0x8f: {  	_ = 	snop  }
0x90: {  	s2 =	sld [smem:$0x3FD0];
	(tm) =	ssettm $0x1  }
0x91: {  	s18 =	sld [smem:$0x3FFB];
	_ =	sdelay $0x3  }
0x92: {  	_ =	strace s18  }
0x93: {  	s3 =	sld [smem:$0x3FFC];
	_ =	sdelay $0x3  }
0x94: {  	_ =	strace s3  }
0x95: {  	s3 =	sld [smem:$0x3FFD];
	_ =	sdelay $0x3  }
0x96: {  	_ =	strace s3  }
0x97: {  	_ =	strace $0x8FFFFFFF  }
0x98: {  	s19 =	sld [smem:$0x3FDB];
	_ =	sdelay $0x1  }
0x99: {  	s4 =	simm.s32 $_scs_section_size  }
0x9a: {  	s5 =	simm.s32 $_size__tile_overlayer_lowered;
	s6 =	simm.s32 $_tile_overlayer_lowered  }
0x9b: {  	s22 =	simm.s32 $0x1BFF;
	s21 =	sshll.u32 s6, $0x1;
	s3 =	sadd.s32 s4, s19  }
0x9c: {  	s7 =	simm.s32 $0x0;
	s20 =	sshll.u32 s5, $0x1;
	s5 =	sadd.s32 s21, s3  }
0x9d: {  	[timem:s7], [sflag:s22] =	dma.local [hbm:s5], s20  }
0x9e: {  	_ =	swait.ge [sflag:s22], s20  }
0x9f: {  	s4 =	ssub.s32 $0x0, s20;
	[sflag:s22] =	ssyncset.done $0x0  }
0xa0: {  	[sflag:s22] =	ssyncadd.s32 s4;
	_ =	sdelay $0x1  }
0xa1: {  	s23 =	simm.s32 $0x1B8B  }
0xa2: {  	_ =	swait.ge [sflag:s23], $0x1  }
0xa3: {  	[sflag:s23] =	ssyncset.done $0x0  }
0xa4: {  	s25 =	simm.s32 $0x1B8E;
	s24 =	sld [smem:$0x3FFE];
	[sflag:s23] =	ssyncadd.s32 $0xFFFFFFFF  }
0xa5: {  	s26 =	simm.s32 $execute0_lowered;
	[smem:$0x3FD2] =	sst s25  }
0xa6: {  	s5 =	sshll.u32 s26, $0x1;
	_ =	strace $0x80000049;
	[dreg:$0x1] =	wrdreg $0xFFFFFFFF  }
0xa7: {  	s28 =	simm.s32 $_size_execute0_lowered;
	s3 =	sadd.s32 s3, s5;
	[dreg:$0x0] =	wrdreg $0x0  }
0xa8: {  	s5 =	sshll.u32 s28, $0x1;
	[dreg:$0x2] =	wrdreg s3  }
0xa9: {  	[dreg:$0x3] =	wrdreg s5  }
0xaa: {  	[dreg:$0x4] =	wrdreg $0xC0  }
0xab: {  	_ =	task [dreg:s7], $0x5FFFF  }
0xac: {  	[dreg:$0x1] =	wrdreg $0xFFFFFFFF  }
0xad: {  	[dreg:$0x0] =	wrdreg $0x60  }
0xae: {  	[dreg:$0x2] =	wrdreg s24  }
0xaf: {  	[dreg:$0x3] =	wrdreg s2  }
0xb0: {  	[dreg:$0x4] =	wrdreg $0xA9000  }
0xb1: {  	[dreg:$0x5] =	wrdreg $0x9  }
0xb2: {  	_ =	task.clear_ibuf [dreg:s7], $0x6FFFF;
	_ =	strace $0x90000049  }
0xb3: {  	s29 =	simm.s32 $0x9;
	_ =	strace $0x8000004B  }
0xb4: {  	_ =	swait.ge [sflag:s29], $0x1  }
0xb5: {  	[sflag:s29] =	ssyncadd.s32 $0xFFFFFFFF  }
0xb6: {  	_ =	strace $0x9000004B  }
0xb7: {  	_ =	sfence  }
0xb8: {  	s30 =	sld [smem:$0x0];
	_ =	sdelay $0x2  }
0xb9: {  	s31 =	sshll.u32 s1, $0xD;
	s1 =	sshrl.u32 s1, $0x2  }
0xba: {  	s3 =	sand.u32 $0x4000, s31;
	s1 =	sadd.s32 s1, s30  }
0xbb: {  	s0 =	sor.u32 s3, s0;
	s1 =	sshll.u32 s1, $0x11  }
0xbc: {  	s0 =	sor.u32 s1, s0  }
0xbd: {  	s0 =	sadd.s32 $0x8F2B, s0  }
0xbe: {  	[sflag:s0] =	ssyncadd.remote.s32 $0x1  }
0xbf: {  	_ =	sfence.sel $0xFFFF  }
0xc0: {  	[dreg:$0x0] =	wrdreg $0xFFFFFFFF;
	(pc) =	sbr.abs _section_cstart, $3  }
0xc1: {  	[dreg:$0x1] =	wrdreg $0xFFFFFFFF  }
0xc2: {  	_ =	task.clear_ibuf [dreg:s7], $0x2FFFF;
	_ =	strace $0x9FFFFFFF  }
0xc3: {  	(tm) =	ssettm $0x7FFFFFFF  }
tec
execute0_lowered:
.L_overlay_start_1:
0x0: {  	(tag) =	ssettag $0x1  }
0x1: {  	s0 =	rddreg [dreg:$0x0]  }
0x2: {  	s1 =	rddreg [dreg:$0x1]  }
0x3: {  	s3 =	srdreg.scid;
	s12 =	stileid.u32  }
0x4: {  	s2 =	rddreg [dreg:$0x2];
	s21 =	simm.s32 $0x2900;
	s22 =	simm.s32 $0x80  }
0x5: {  	s28 =	simm.s32 $0x3;
	s29 =	simm.s32 $0x2;
	s7 =	smul.u32 $0x50000, s12  }
0x6: {  	s30 =	simm.s32 $0x4;
	s31 =	simm.s32 $0x0;
	s13 =	smul.u32 $0x14000, s12  }
0x7: {  	s5 =	sand.u32 $0x1, s3;
	s4 =	sshll.u32 s12, $0x1;
	s25 =	smul.u32 $0xA00, s12  }
0x8: {  	s3 =	simm.s32 $0x0;
	s4 =	sor.u32 s5, s4;
	s17 =	smul.u32 $0x140000, s5  }
0x9: {  	[smem:$0x7FF] =	sst s3;
	s6 =	ssub.s32 $0x2, s5;
	s5 =	smul.u32 $0x500, s5  }
0xa: {  	s10 =	smul.u32 $0x500, s4;
	_ =	strace $0x8000004A;
	s9 =	sshrl.u32 s6, $0x1  }
0xb: {  	s4 =	sadd.s32 $0x5CA00, s0;
	s24 =	sshrl.u32 s7, $0x2;
	s14 =	sadd.s32 $0x4000, s13  }
0xc: {  	s15 =	sadd.s32 $0x8000, s13;
	s16 =	sadd.s32 $0xC000, s13;
	s19 =	sadd.s32 $0x10000, s13  }
0xd: {  	s26 =	sadd.s32 s25, s1;
	s25 =	simm.s32 $0x2880;
	s18 =	ssub.s32 s6, s9  }
0xe: {  	s6 =	sadd.s32 s24, s2;
	s7 =	sadd.s32 s14, s2;
	s9 =	sadd.s32 s16, s2  }
0xf: {  	s11 =	sadd.s32 s19, s2;
	s13 =	sadd.s32 s13, s17;
	s14 =	sadd.s32 s17, s14  }
0x10: {  	s16 =	sadd.s32 s17, s16;
	s24 =	simm.s32 $0x6900;
	s8 =	sadd.s32 s10, s0  }
0x11: {  	s0 =	sadd.s32 $0x84A00, s0;
	s10 =	sadd.s32 s1, s10;
	s13 =	sshrl.u32 s13, $0x3  }
0x12: {  	s14 =	sshrl.u32 s14, $0x3;
	s16 =	sshrl.u32 s16, $0x3;
	s18 =	smax.u32 s18, $0x1  }
0x13: {  	s23 =	sadd.s32 $0x2A00, s8;
	s8 =	sadd.s32 s15, s2;
	s20 =	sadd.s32 $0x10, s10  }
0x14: {  	s15 =	sadd.s32 s17, s15;
	s13 =	sadd.s32 s0, s13;
	s14 =	sadd.s32 s0, s14  }
0x15: {  	s17 =	sadd.s32 s17, s19;
	s16 =	sadd.s32 s0, s16;
	[dreg:$0x4] =	wrdreg s23  }
0x16: {  	s19 =	sadd.s32 s5, s26;
	s26 =	simm.s32 $0x1;
	[dreg:$0x5] =	wrdreg s20  }
0x17: {  	s15 =	sshrl.u32 s15, $0x3;
	s17 =	sshrl.u32 s17, $0x3;
	s20 =	simm.s32 $0x5  }
0x18: {  	v0 =	vimm.f32 $0.0e+00;
	s23 =	simm.s32 $0x2800;
	s15 =	sadd.s32 s0, s15;
	s17 =	sadd.s32 s0, s17  }
.LBB2_1:
0x19: {  	s0 =	rddreg [dreg:$0x4]  }
0x1a: {  	[tilespmem:s3], [sflag:$0x5] =	stream.linear.gather [hbm4b:s0+s3], $0x2800, $0x38;
	[tilespmem:$0x1E900] =	vst v63  }
0x1b: {  	_ =	swait.ge [sflag:s20], $0x2800  }
0x1c: {  	[sflag:s20] =	ssyncset.done $0x0  }
0x1d: {  	s1 =	simm.s32 $0x200;
	s0 =	simm.s32 $0x0;
	[sflag:s20] =	ssyncadd.s32 $0xFFFFD800  }
.LBB2_2:
0x1e: {  	p0 =	sne.s32 s1, $0xFE00;
	[tilespmem:s0+$0x2970] =	vst v0  }
0x1f: {  	[tilespmem:s0+$0x2900] =	vst v0  }
0x20: {  	[tilespmem:s0+$0x2910] =	vst v0  }
.Ltmp0:
0x21: {  	[tilespmem:s0+$0x2920] =	vst v0;
	(pc) =	sbr.rel @p0 .LBB2_2-.Ltmp0, $4  }
0x22: {  	[tilespmem:s0+$0x2930] =	vst v0  }
0x23: {  	[tilespmem:s0+$0x2940] =	vst v0  }
0x24: {  	[tilespmem:s0+$0x2950] =	vst v0  }
0x25: {  	[tilespmem:s0+$0x2960] =	vst v0;
	s0 =	sshra.s32 s1, $0x2;
	s1 =	sadd.s32 $0x200, s1  }
0x26: {  	[tilespmem:s0+$0x2970] =	vst v0  }
0x27: {  	[tilespmem:s0+$0x2900] =	vst v0  }
0x28: {  	[tilespmem:s0+$0x2910] =	vst v0  }
0x29: {  	[tilespmem:s0+$0x2920] =	vst v0  }
0x2a: {  	[tilespmem:s0+$0x2930] =	vst v0  }
0x2b: {  	[tilespmem:s0+$0x2940] =	vst v0  }
0x2c: {  	[tilespmem:s0+$0x2950] =	vst v0  }
0x2d: {  	[tilespmem:s0+$0x2960] =	vst v0  }
0x2e: {  	[spmem:s6] =	stream.linear.scatter [tilespmem:s21], [sflag:$0x5], $0x4000, $0x38;
	[tilespmem:$0x1E900] =	vst v63  }
0x2f: {  	_ =	swait.ge [sflag:s20], $0x4000  }
0x30: {  	[sflag:s20] =	ssyncset.done $0x0  }
0x31: {  	[sflag:s20] =	ssyncadd.s32 $0xFFFFC000  }
0x32: {  	[spmem:s7] =	stream.linear.scatter [tilespmem:s21], [sflag:$0x5], $0x4000, $0x38;
	[tilespmem:$0x1E900] =	vst v63  }
0x33: {  	_ =	swait.ge [sflag:s20], $0x4000  }
0x34: {  	[sflag:s20] =	ssyncset.done $0x0  }
0x35: {  	[sflag:s20] =	ssyncadd.s32 $0xFFFFC000  }
0x36: {  	[spmem:s8] =	stream.linear.scatter [tilespmem:s21], [sflag:$0x5], $0x4000, $0x38;
	[tilespmem:$0x1E900] =	vst v63  }
0x37: {  	_ =	swait.ge [sflag:s20], $0x4000  }
0x38: {  	[sflag:s20] =	ssyncset.done $0x0  }
0x39: {  	[sflag:s20] =	ssyncadd.s32 $0xFFFFC000  }
0x3a: {  	[spmem:s9] =	stream.linear.scatter [tilespmem:s21], [sflag:$0x5], $0x4000, $0x38;
	[tilespmem:$0x1E900] =	vst v63  }
0x3b: {  	_ =	swait.ge [sflag:s20], $0x4000  }
0x3c: {  	[sflag:s20] =	ssyncset.done $0x0  }
0x3d: {  	[sflag:s20] =	ssyncadd.s32 $0xFFFFC000  }
0x3e: {  	[spmem:s11] =	stream.linear.scatter [tilespmem:s21], [sflag:$0x5], $0x4000, $0x38;
	[tilespmem:$0x1E900] =	vst v63  }
0x3f: {  	_ =	swait.ge [sflag:s20], $0x4000  }
0x40: {  	[sflag:s20] =	ssyncset.done $0x0  }
0x41: {  	[sflag:s20] =	ssyncadd.s32 $0xFFFFC000  }
0x42: {  	s5 =	simm.s32 $0x0;
	[bflag:$0x0] =	sbarrier.arrive $0xFFFF  }
0x43: {  	[tilespmem:s21], [sflag:$0x1] =	stream.indirect.gather [hbm4b:s4+s22], $0x80, s5, s22, $0xb8;
	[tilespmem:$0x1E900] =	vst v63  }
0x44: {  	_ = 	snop  }
0x45: {  	[tilespmem:s23], [sflag:$0x3] =	stream.linear.gather [hbm4b:s10+s5], $0x80, $0x38;
	[tilespmem:$0x1E900] =	vst v63  }
0x46: {  	_ = 	snop  }
0x47: {  	[tilespmem:s24], [sflag:$0x2] =	stream.indirect.gather [hbm4b:s4+s22], $0x80, s22, s22, $0xb8;
	[tilespmem:$0x1E900] =	vst v63  }
0x48: {  	s1 =	rddreg [dreg:$0x5]  }
0x49: {  	[tilespmem:s25], [sflag:$0x4] =	stream.linear.gather [hbm4b:s1+s5], $0x80, $0x38;
	[tilespmem:$0x1E900] =	vst v63  }
0x4a: {  	_ =	swait.ge [sflag:s26], $0x4000  }
0x4b: {  	[sflag:s26] =	ssyncset.done $0x0  }
0x4c: {  	[sflag:s26] =	ssyncadd.s32 $0xFFFFC000  }
0x4d: {  	_ =	swait.ge [sflag:s28], $0x80  }
0x4e: {  	[sflag:s28] =	ssyncset.done $0x0  }
0x4f: {  	[sflag:s28] =	ssyncadd.s32 $0xFFFFFF80  }
0x50: {  	[spmem:s2] =	stream.indirect.scatter.add.f32 [tilespmem:s21], [sflag:$0x5], $0x80, s23, s22, $0xb8;
	[tilespmem:$0x1E900] =	vst v63  }
0x51: {  	_ =	swait.ge [sflag:s20], $0x4000  }
0x52: {  	[sflag:s20] =	ssyncset.done $0x0  }
0x53: {  	s12 =	simm.s32 $0x100;
	s5 =	sadd.s32 $0x0, s19;
	[sflag:s20] =	ssyncadd.s32 $0xFFFFC000  }
0x54: {  	[tilespmem:s21], [sflag:$0x1] =	stream.indirect.gather [hbm4b:s4+s22], $0x80, s12, s22, $0xb8;
	[tilespmem:$0x1E900] =	vst v63  }
0x55: {  	s1 =	sadd.s32 $0x20, s5  }
0x56: {  	[tilespmem:s23], [sflag:$0x3] =	stream.linear.gather [hbm4b:s1+s3], $0x80, $0x38;
	[tilespmem:$0x1E900] =	vst v63  }
0x57: {  	_ =	swait.ge [sflag:s29], $0x4000  }
0x58: {  	[sflag:s29] =	ssyncset.done $0x0  }
0x59: {  	[sflag:s29] =	ssyncadd.s32 $0xFFFFC000  }
0x5a: {  	_ =	swait.ge [sflag:s30], $0x80  }
0x5b: {  	[sflag:s30] =	ssyncset.done $0x0  }
0x5c: {  	[sflag:s30] =	ssyncadd.s32 $0xFFFFFF80  }
0x5d: {  	[spmem:s2] =	stream.indirect.scatter.add.f32 [tilespmem:s24], [sflag:$0x5], $0x80, s25, s22, $0xb8;
	[tilespmem:$0x1E900] =	vst v63  }
0x5e: {  	_ =	swait.ge [sflag:s20], $0x4000  }
0x5f: {  	s0 =	simm.s32 $0x280;
	s5 =	sadd.s32 $0x30, s5;
	[sflag:s20] =	ssyncset.done $0x0  }
0x60: {  	s12 =	simm.s32 $0x180;
	s1 =	simm.s32 $0x20;
	[sflag:s20] =	ssyncadd.s32 $0xFFFFC000  }
0x61: {  	[tilespmem:s24], [sflag:$0x2] =	stream.indirect.gather [hbm4b:s4+s22], $0x80, s12, s22, $0xb8;
	[tilespmem:$0x1E900] =	vst v63  }
.LBB2_4:
0x62: {  	[tilespmem:s25], [sflag:$0x4] =	stream.linear.gather [hbm4b:s5+s3], $0x80, $0x38;
	[tilespmem:$0x1E900] =	vst v63  }
0x63: {  	s5 =	smov.u32 s1  }
0x64: {  	p0 =	sne.s32 s1, $0x4C0;
	s1 =	sadd.s32 $0x20, s1;
	_ =	swait.ge [sflag:s26], $0x4000  }
0x65: {  	[sflag:s26] =	ssyncset.done $0x0  }
0x66: {  	[sflag:s26] =	ssyncadd.s32 $0xFFFFC000  }
0x67: {  	_ =	swait.ge [sflag:s28], $0x80  }
0x68: {  	[sflag:s28] =	ssyncset.done $0x0  }
0x69: {  	[sflag:s28] =	ssyncadd.s32 $0xFFFFFF80  }
0x6a: {  	[spmem:s2] =	stream.indirect.scatter.add.f32 [tilespmem:s21], [sflag:$0x5], $0x80, s23, s22, $0xb8;
	[tilespmem:$0x1E900] =	vst v63  }
0x6b: {  	_ =	swait.ge [sflag:s20], $0x4000  }
0x6c: {  	[sflag:s20] =	ssyncset.done $0x0  }
0x6d: {  	s12 =	sadd.s32 $0xFFFFFF80, s0;
	s5 =	sadd.s32 s5, s19;
	[sflag:s20] =	ssyncadd.s32 $0xFFFFC000  }
0x6e: {  	[tilespmem:s21], [sflag:$0x1] =	stream.indirect.gather [hbm4b:s4+s22], $0x80, s12, s22, $0xb8;
	[tilespmem:$0x1E900] =	vst v63  }
0x6f: {  	s12 =	sadd.s32 $0x20, s5  }
0x70: {  	[tilespmem:s23], [sflag:$0x3] =	stream.linear.gather [hbm4b:s12+s3], $0x80, $0x38;
	[tilespmem:$0x1E900] =	vst v63  }
0x71: {  	_ =	swait.ge [sflag:s29], $0x4000  }
0x72: {  	[sflag:s29] =	ssyncset.done $0x0  }
0x73: {  	[sflag:s29] =	ssyncadd.s32 $0xFFFFC000  }
0x74: {  	_ =	swait.ge [sflag:s30], $0x80  }
0x75: {  	[sflag:s30] =	ssyncset.done $0x0  }
0x76: {  	[sflag:s30] =	ssyncadd.s32 $0xFFFFFF80  }
0x77: {  	[spmem:s2] =	stream.indirect.scatter.add.f32 [tilespmem:s24], [sflag:$0x5], $0x80, s25, s22, $0xb8;
	[tilespmem:$0x1E900] =	vst v63  }
.Ltmp1:
0x78: {  	_ =	swait.ge [sflag:s20], $0x4000;
	(pc) =	sbr.rel @p0 .LBB2_4-.Ltmp1, $4  }
0x79: {  	[sflag:s20] =	ssyncset.done $0x0  }
0x7a: {  	[sflag:s20] =	ssyncadd.s32 $0xFFFFC000  }
0x7b: {  	[tilespmem:s24], [sflag:$0x2] =	stream.indirect.gather [hbm4b:s4+s22], $0x80, s0, s22, $0xb8;
	[tilespmem:$0x1E900] =	vst v63  }
0x7c: {  	s5 =	sadd.s32 $0x30, s5;
	s0 =	sadd.s32 $0x100, s0  }
0x7d: {  	[tilespmem:s25], [sflag:$0x4] =	stream.linear.gather [hbm4b:s5+s3], $0x80, $0x38;
	[tilespmem:$0x1E900] =	vst v63  }
0x7e: {  	_ =	swait.ge [sflag:s26], $0x4000  }
0x7f: {  	[sflag:s26] =	ssyncset.done $0x0  }
0x80: {  	[sflag:s26] =	ssyncadd.s32 $0xFFFFC000  }
0x81: {  	_ =	swait.ge [sflag:s28], $0x80  }
0x82: {  	[sflag:s28] =	ssyncset.done $0x0  }
0x83: {  	[sflag:s28] =	ssyncadd.s32 $0xFFFFFF80  }
0x84: {  	[spmem:s2] =	stream.indirect.scatter.add.f32 [tilespmem:s21], [sflag:$0x5], $0x80, s23, s22, $0xb8;
	[tilespmem:$0x1E900] =	vst v63  }
0x85: {  	_ =	swait.ge [sflag:s20], $0x4000  }
0x86: {  	[sflag:s20] =	ssyncset.done $0x0  }
0x87: {  	[sflag:s20] =	ssyncadd.s32 $0xFFFFC000  }
0x88: {  	_ =	swait.ge [sflag:s29], $0x4000  }
0x89: {  	[sflag:s29] =	ssyncset.done $0x0  }
0x8a: {  	[sflag:s29] =	ssyncadd.s32 $0xFFFFC000  }
0x8b: {  	_ =	swait.ge [sflag:s30], $0x80  }
0x8c: {  	[sflag:s30] =	ssyncset.done $0x0  }
0x8d: {  	[sflag:s30] =	ssyncadd.s32 $0xFFFFFF80  }
0x8e: {  	[spmem:s2] =	stream.indirect.scatter.add.f32 [tilespmem:s24], [sflag:$0x5], $0x80, s25, s22, $0xb8;
	[tilespmem:$0x1E900] =	vst v63  }
0x8f: {  	_ =	swait.ge [sflag:s20], $0x4000  }
0x90: {  	s0 =	stileid.u32;
	[sflag:s20] =	ssyncset.done $0x0  }
0x91: {  	s0 =	sshll.u32 s0, $0x6;
	[sflag:s20] =	ssyncadd.s32 $0xFFFFC000  }
0x92: {  	s1 =	sshrl.u32 s6, $0x3;
	s0 =	sor.u32 $0x1C05, s0;
	[bflag:$0x0] =	sbarrier.arrive $0xFFFF  }
0x93: {  	[hbm:s13], [sflag:s0] =	dma.local [spmem:s1], $0x800  }
0x94: {  	_ =	swait.ge [sflag:s20], $0x800  }
0x95: {  	[sflag:s20] =	ssyncset.done $0x0  }
0x96: {  	s5 =	sshrl.u32 s7, $0x3;
	[sflag:s20] =	ssyncadd.s32 $0xFFFFF800  }
0x97: {  	[hbm:s14], [sflag:s0] =	dma.local [spmem:s5], $0x800  }
0x98: {  	_ =	swait.ge [sflag:s20], $0x800  }
0x99: {  	[sflag:s20] =	ssyncset.done $0x0  }
0x9a: {  	s12 =	sshrl.u32 s8, $0x3;
	[sflag:s20] =	ssyncadd.s32 $0xFFFFF800  }
0x9b: {  	[hbm:s15], [sflag:s0] =	dma.local [spmem:s12], $0x800  }
0x9c: {  	_ =	swait.ge [sflag:s20], $0x800  }
0x9d: {  	[sflag:s20] =	ssyncset.done $0x0  }
0x9e: {  	s5 =	sshrl.u32 s9, $0x3;
	[sflag:s20] =	ssyncadd.s32 $0xFFFFF800  }
0x9f: {  	[hbm:s16], [sflag:s0] =	dma.local [spmem:s5], $0x800  }
0xa0: {  	s31 =	sadd.s32 $0x1, s31;
	_ =	swait.ge [sflag:s20], $0x800  }
0xa1: {  	p0 =	sne.s32 s31, s18;
	[sflag:s20] =	ssyncset.done $0x0  }
.Ltmp2:
0xa2: {  	s12 =	sshrl.u32 s11, $0x3;
	[sflag:s20] =	ssyncadd.s32 $0xFFFFF800;
	(pc) =	sbr.rel @p0 .LBB2_1-.Ltmp2, $4  }
0xa3: {  	[hbm:s17], [sflag:s0] =	dma.local [spmem:s12], $0x800  }
0xa4: {  	_ =	swait.ge [sflag:s20], $0x800  }
0xa5: {  	[sflag:s20] =	ssyncset.done $0x0  }
0xa6: {  	[sflag:s20] =	ssyncadd.s32 $0xFFFFF800  }
0xa7: {  	_ =	sfence.sel $0x180000  }
0xa8: {  	[bflag:$0x0] =	sbarrier.arrive $0xFFFF  }
0xa9: {  	_ =	strace $0x9000004A  }
0xaa: {  	s0 =	stileid.u32;
	[bflag:$0x2] =	sbarrier.arrive $0xFFFF  }
0xab: {  	p0 =	sne.s32 s0, $0x0;
	s0 =	rddreg [dreg:$0x3]  }
0xac: {  	s0 =	sadd.s32 @!p0 $0x100000, s0  }
0xad: {  	[sflag:s0] =	ssyncadd.tile.s32 @!p0 $0x1;
	_ =	shalt  }
.Lfunc_end2:
_tile_overlayer_lowered:
.L_overlay_start_2:
0xae: {  	(tag) =	ssettag $0x2  }
0xaf: {  	s0 =	rddreg [dreg:$0x0];
	s2 =	stileid.u32  }
0xb0: {  	s1 =	rddreg [dreg:$0x1];
	p0 =	sne.s32 s2, $0x0  }
0xb1: {  	s3 =	rddreg [dreg:$0x2];
	[bflag:$0x3] =	sbarrier.arrive $0xFFFF;
	s2 =	simm.s32 @!p0 $0x1C05  }
0xb2: {  	[timem:s3], [sflag:s2] =	dma.local @!p0 [hbm:s0], s1  }
0xb3: {  	s0 =	simm.s32 @!p0 $0x5  }
0xb4: {  	_ =	swait.ge @!p0 [sflag:s0], s1  }
0xb5: {  	s1 =	ssub.s32 @!p0 $0x0, s1;
	[sflag:s0] =	ssyncset.done @!p0 $0x0  }
0xb6: {  	[sflag:s0] =	ssyncadd.s32 @!p0 s1  }
0xb7: {  	[bflag:$0x3] =	sbarrier.arrive $0xFFFF  }
0xb8: {  	_ =	shalt  }

// kernel: kernel.14.cloned.1.call-start
scs
__scs_entry_jumppad:
0x0: {  	(pc) =	sbr.rel $0x88, $3  }
0x1: {  	(tag) =	ssettag $0x0;
	lr =	simm.s32 $0x1  }
0x2: {  	[smem:$0x3F9B] =	sst lr;
	_ =	strace $0xD0000000  }
0x3: {  	_ = 	snop  }
0x4: {  	_ = 	snop  }
0x5: {  	_ = 	snop  }
0x6: {  	_ = 	snop  }
0x7: {  	_ = 	snop  }
__scs_overlays_trampoline_lowered:
0x8: {  	[smem:$0x3FAA] =	sst s0  }
0x9: {  	[smem:$0x3FAB] =	sst s1  }
0xa: {  	[smem:$0x3FAC] =	sst s2  }
0xb: {  	[smem:$0x3FAD] =	sst s3  }
0xc: {  	[smem:$0x3FAE] =	sst s4  }
0xd: {  	[smem:$0x3FAF] =	sst s5  }
0xe: {  	[smem:$0x3FB0] =	sst s6  }
0xf: {  	[smem:$0x3FB1] =	sst s7  }
0x10: {  	[smem:$0x3FB2] =	sst s8  }
0x11: {  	[smem:$0x3FB3] =	sst s9;
	s0 =	simm.s32 @!p0 $0x0  }
0x12: {  	s1 =	sld [smem:$0x3F99];
	s0 =	simm.s32 @p0 $0x1  }
0x13: {  	[smem:$0x3FB4] =	sst s0;
	s0 =	simm.s32 @!p1 $0x0  }
0x14: {  	s2 =	sld [smem:$0x3F98];
	s0 =	simm.s32 @p1 $0x1  }
0x15: {  	[smem:$0x3FB5] =	sst s0;
	s0 =	simm.s32 @!p2 $0x0  }
0x16: {  	s3 =	sld [smem:$0x3FDB];
	s0 =	simm.s32 @p2 $0x1  }
0x17: {  	s4 =	simm.s32 $0x1BF5;
	[smem:$0x3FB7] =	sst s0  }
0x18: {  	s0 =	sld [smem:$0x3F9A];
	_ =	swait.ge [sflag:s4], $0x0  }
0x19: {  	s7 =	sld [smem:$0x3F9B]  }
0x1a: {  	s8 =	sadd.s32 $0xFFFFE003, lr  }
0x1b: {  	s9 =	sadd.s32 $0xFFFFFEF7, lr;
	s5 =	simm.s32 $0xFFFFFFFF;
	p2 =	slt.u32 s8, $0xFFFFF086  }
0x1c: {  	p1 =	slt.u32 s9, $0xF7A;
	s5 =	simm.s32 @!p2 $0x0  }
0x1d: {  	s5 =	simm.s32 @p1 $0x1;
	p0 =	seq.s32 s7, s2  }
0x1e: {  	s7 =	smul.u32 @!p0 $0xF7A, s2;
	p2 =	seq.s32 @!p0 s5, $0x0  }
0x1f: {  	s9 =	smul.u32 $0xF7A, s1;
	s8 =	simm.s32 @!p0 $0x1BF5;
	p2 =	por !p2, p0  }
0x20: {  	[sflag:s8] =	ssyncset.s32 @!p0 $0xFFFFF086;
	s6 =	sadd.s32 @!p0 s3, s7;
	s7 =	simm.s32 @!p0 $0x108  }
0x21: {  	s3 =	sadd.s32 s3, s9;
	s6 =	sadd.s32 @!p0 $0x88, s6;
	s7 =	simm.s32 @p2 $0x1082  }
0x22: {  	[simem:s7], [sflag:s8] =	dma.local @!p0 [hbm:s6], $0xF7A  }
0x23: {  	s9 =	sor.u32 $0xD0000000, s2;
	s6 =	simm.s32 $0x108;
	_ =	swait.ge @!p0 [sflag:s8], $0x0  }
0x24: {  	s3 =	sadd.s32 $0x88, s3;
	s6 =	simm.s32 @!p1 $0x1082;
	[sflag:s4] =	ssyncset.s32 $0xFFFFF086  }
0x25: {  	[simem:s6], [sflag:s4] =	dma.local [hbm:s3], $0xF7A  }
0x26: {  	[smem:$0x3F9B] =	sst s1;
	(tag) =	ssettag s2;
	_ =	strace s9  }
0x27: {  	s1 =	sld [smem:$0x3FAB]  }
0x28: {  	s2 =	sld [smem:$0x3FAC]  }
0x29: {  	s4 =	sld [smem:$0x3FAE]  }
0x2a: {  	p0 =	seq.s32 s5, $0x0;
	s5 =	sld [smem:$0x3FAF]  }
0x2b: {  	s6 =	sld [smem:$0x3FB0]  }
0x2c: {  	s7 =	sld [smem:$0x3FB1]  }
0x2d: {  	s3 =	simm.s32 $0x108;
	s8 =	sld [smem:$0x3FB2]  }
0x2e: {  	s3 =	simm.s32 @!p0 $0x1082;
	s9 =	sld [smem:$0x3FB3]  }
0x2f: {  	lr =	sadd.s32 s0, s3;
	s0 =	sld [smem:$0x3FAA]  }
0x30: {  	s3 =	sld [smem:$0x3FAD]  }
0x31: {  	[smem:$0x3FB6] =	sst s10  }
0x32: {  	s10 =	sld [smem:$0x3FB4];
	_ =	sdelay $0x3  }
0x33: {  	p0 =	seq.s32 s10, $0x1;
	s10 =	sld [smem:$0x3FB6];
	_ =	sdelay $0x3  }
0x34: {  	[smem:$0x3FB6] =	sst s10  }
0x35: {  	s10 =	sld [smem:$0x3FB5];
	_ =	sdelay $0x3  }
0x36: {  	p1 =	seq.s32 s10, $0x1;
	s10 =	sld [smem:$0x3FB6];
	_ =	sdelay $0x3  }
0x37: {  	[smem:$0x3FB6] =	sst s10  }
0x38: {  	s10 =	sld [smem:$0x3FB7]  }
0x39: {  	_ = 	snop;
	(pc) =	sbr.ind lr, $3  }
0x3a: {  	_ = 	snop  }
0x3b: {  	_ = 	snop  }
0x3c: {  	p2 =	seq.s32 s10, $0x1;
	s10 =	sld [smem:$0x3FB6]  }
0x3d: {  	_ =	shalt  }
0x3e: {  	_ =	shalt  }
0x3f: {  	_ =	shalt  }
0x40: {  	_ =	shalt  }
0x41: {  	_ =	shalt  }
0x42: {  	_ =	shalt  }
0x43: {  	_ =	shalt  }
0x44: {  	_ =	shalt  }
0x45: {  	_ =	shalt  }
0x46: {  	_ =	shalt  }
0x47: {  	_ =	shalt  }
0x48: {  	_ =	shalt  }
0x49: {  	_ =	shalt  }
0x4a: {  	_ =	shalt  }
0x4b: {  	_ =	shalt  }
0x4c: {  	_ =	shalt  }
0x4d: {  	_ =	shalt  }
0x4e: {  	_ =	shalt  }
0x4f: {  	_ =	shalt  }
0x50: {  	_ =	shalt  }
0x51: {  	_ =	shalt  }
0x52: {  	_ =	shalt  }
0x53: {  	_ =	shalt  }
0x54: {  	_ =	shalt  }
0x55: {  	_ =	shalt  }
0x56: {  	_ =	shalt  }
0x57: {  	_ =	shalt  }
0x58: {  	_ =	shalt  }
0x59: {  	_ =	shalt  }
0x5a: {  	_ =	shalt  }
0x5b: {  	_ =	shalt  }
0x5c: {  	_ =	shalt  }
0x5d: {  	_ =	shalt  }
0x5e: {  	_ =	shalt  }
0x5f: {  	_ =	shalt  }
0x60: {  	_ =	shalt  }
0x61: {  	_ =	shalt  }
0x62: {  	_ =	shalt  }
0x63: {  	_ =	shalt  }
0x64: {  	_ =	shalt  }
0x65: {  	_ =	shalt  }
0x66: {  	_ =	shalt  }
0x67: {  	_ =	shalt  }
0x68: {  	_ =	shalt  }
0x69: {  	_ =	shalt  }
0x6a: {  	_ =	shalt  }
0x6b: {  	_ =	shalt  }
0x6c: {  	_ =	shalt  }
0x6d: {  	_ =	shalt  }
0x6e: {  	_ =	shalt  }
0x6f: {  	_ =	shalt  }
0x70: {  	_ =	shalt  }
0x71: {  	_ =	shalt  }
0x72: {  	_ =	shalt  }
0x73: {  	_ =	shalt  }
0x74: {  	_ =	shalt  }
0x75: {  	_ =	shalt  }
0x76: {  	_ =	shalt  }
0x77: {  	_ =	shalt  }
0x78: {  	_ =	shalt  }
0x79: {  	_ =	shalt  }
0x7a: {  	_ =	shalt  }
0x7b: {  	_ =	shalt  }
0x7c: {  	_ =	shalt  }
0x7d: {  	_ =	shalt  }
0x7e: {  	_ =	shalt  }
0x7f: {  	_ =	shalt  }
0x80: {  	_ =	shalt  }
0x81: {  	_ =	shalt  }
0x82: {  	_ =	shalt  }
0x83: {  	_ =	shalt  }
0x84: {  	_ =	shalt  }
0x85: {  	_ =	shalt  }
0x86: {  	_ =	shalt  }
0x87: {  	_ =	shalt  }
.Lfunc_end0:
.L_simem_size_0:
called_computation.2_lowered:
.L_overlay_start_0:
0x88: {  	s2 =	sld [smem:$0x3FD9]  }
0x89: {  	s3 =	sld [smem:$0x3FFE];
	_ =	sdelay $0x1  }
0x8a: {  	s1 =	srdreg.scid  }
0x8b: {  	s0 =	sand.u32 $0x1, s1  }
0x8c: {  	s17 =	sshll.u32 s0, $0xA;
	s2 =	sadd.s32 s3, s2  }
0x8d: {  	s2 =	sadd.s32 s2, s17  }
0x8e: {  	[smem:$0x3FC2] =	sst s2  }
0x8f: {  	_ = 	snop  }
0x90: {  	s2 =	sld [smem:$0x3FD0];
	(tm) =	ssettm $0x1  }
0x91: {  	s18 =	sld [smem:$0x3FFB];
	_ =	sdelay $0x3  }
0x92: {  	_ =	strace s18  }
0x93: {  	s3 =	sld [smem:$0x3FFC];
	_ =	sdelay $0x3  }
0x94: {  	_ =	strace s3  }
0x95: {  	s3 =	sld [smem:$0x3FFD];
	_ =	sdelay $0x3  }
0x96: {  	_ =	strace s3  }
0x97: {  	_ =	strace $0x8FFFFFFF  }
0x98: {  	s19 =	sld [smem:$0x3FDB];
	_ =	sdelay $0x1  }
0x99: {  	s4 =	simm.s32 $_scs_section_size  }
0x9a: {  	s5 =	simm.s32 $_size__tile_overlayer_lowered;
	s6 =	simm.s32 $_tile_overlayer_lowered  }
0x9b: {  	s22 =	simm.s32 $0x1BFF;
	s21 =	sshll.u32 s6, $0x1;
	s3 =	sadd.s32 s4, s19  }
0x9c: {  	s7 =	simm.s32 $0x0;
	s20 =	sshll.u32 s5, $0x1;
	s5 =	sadd.s32 s21, s3  }
0x9d: {  	[timem:s7], [sflag:s22] =	dma.local [hbm:s5], s20  }
0x9e: {  	_ =	swait.ge [sflag:s22], s20  }
0x9f: {  	s4 =	ssub.s32 $0x0, s20;
	[sflag:s22] =	ssyncset.done $0x0  }
0xa0: {  	[sflag:s22] =	ssyncadd.s32 s4;
	_ =	sdelay $0x1  }
0xa1: {  	s23 =	simm.s32 $0x1B8B  }
0xa2: {  	_ =	swait.ge [sflag:s23], $0x1  }
0xa3: {  	[sflag:s23] =	ssyncset.done $0x0  }
0xa4: {  	s25 =	simm.s32 $0x1B8E;
	s24 =	sld [smem:$0x3FFE];
	[sflag:s23] =	ssyncadd.s32 $0xFFFFFFFF  }
0xa5: {  	s26 =	simm.s32 $execute0_lowered;
	[smem:$0x3FD2] =	sst s25  }
0xa6: {  	s5 =	sshll.u32 s26, $0x1;
	_ =	strace $0x8000004C;
	[dreg:$0x1] =	wrdreg $0xFFFFFFFF  }
0xa7: {  	s28 =	simm.s32 $_size_execute0_lowered;
	s3 =	sadd.s32 s3, s5;
	[dreg:$0x0] =	wrdreg $0x0  }
0xa8: {  	s5 =	sshll.u32 s28, $0x1;
	[dreg:$0x2] =	wrdreg s3  }
0xa9: {  	[dreg:$0x3] =	wrdreg s5  }
0xaa: {  	[dreg:$0x4] =	wrdreg $0xC0  }
0xab: {  	_ =	task [dreg:s7], $0x5FFFF  }
0xac: {  	[dreg:$0x1] =	wrdreg $0xFFFFFFFF  }
0xad: {  	[dreg:$0x0] =	wrdreg $0x60  }
0xae: {  	[dreg:$0x2] =	wrdreg s24  }
0xaf: {  	[dreg:$0x3] =	wrdreg s2  }
0xb0: {  	[dreg:$0x4] =	wrdreg $0xA9000  }
0xb1: {  	[dreg:$0x5] =	wrdreg $0x9  }
0xb2: {  	_ =	task.clear_ibuf [dreg:s7], $0x6FFFF;
	_ =	strace $0x9000004C  }
0xb3: {  	s29 =	simm.s32 $0x9;
	_ =	strace $0x8000004E  }
0xb4: {  	_ =	swait.ge [sflag:s29], $0x1  }
0xb5: {  	[sflag:s29] =	ssyncadd.s32 $0xFFFFFFFF  }
0xb6: {  	_ =	strace $0x9000004E  }
0xb7: {  	_ =	sfence  }
0xb8: {  	s30 =	sld [smem:$0x0];
	_ =	sdelay $0x2  }
0xb9: {  	s31 =	sshll.u32 s1, $0xD;
	s1 =	sshrl.u32 s1, $0x2  }
0xba: {  	s3 =	sand.u32 $0x4000, s31;
	s1 =	sadd.s32 s1, s30  }
0xbb: {  	s0 =	sor.u32 s3, s0;
	s1 =	sshll.u32 s1, $0x11  }
0xbc: {  	s0 =	sor.u32 s1, s0  }
0xbd: {  	s0 =	sadd.s32 $0x8F2B, s0  }
0xbe: {  	[sflag:s0] =	ssyncadd.remote.s32 $0x1  }
0xbf: {  	_ =	sfence.sel $0xFFFF  }
0xc0: {  	[dreg:$0x0] =	wrdreg $0xFFFFFFFF;
	(pc) =	sbr.abs _section_cstart, $3  }
0xc1: {  	[dreg:$0x1] =	wrdreg $0xFFFFFFFF  }
0xc2: {  	_ =	task.clear_ibuf [dreg:s7], $0x2FFFF;
	_ =	strace $0x9FFFFFFF  }
0xc3: {  	(tm) =	ssettm $0x7FFFFFFF  }
tec
execute0_lowered:
.L_overlay_start_1:
0x0: {  	(tag) =	ssettag $0x1  }
0x1: {  	s0 =	rddreg [dreg:$0x0]  }
0x2: {  	s1 =	rddreg [dreg:$0x1]  }
0x3: {  	s3 =	srdreg.scid;
	s12 =	stileid.u32  }
0x4: {  	s2 =	rddreg [dreg:$0x2];
	s21 =	simm.s32 $0x2900;
	s22 =	simm.s32 $0x80  }
0x5: {  	s28 =	simm.s32 $0x3;
	s29 =	simm.s32 $0x2;
	s7 =	smul.u32 $0x50000, s12  }
0x6: {  	s30 =	simm.s32 $0x4;
	s31 =	simm.s32 $0x0;
	s13 =	smul.u32 $0x14000, s12  }
0x7: {  	s5 =	sand.u32 $0x1, s3;
	s4 =	sshll.u32 s12, $0x1;
	s25 =	smul.u32 $0xA00, s12  }
0x8: {  	s3 =	simm.s32 $0x0;
	s4 =	sor.u32 s5, s4;
	s17 =	smul.u32 $0x140000, s5  }
0x9: {  	[smem:$0x7FF] =	sst s3;
	s6 =	ssub.s32 $0x2, s5;
	s5 =	smul.u32 $0x500, s5  }
0xa: {  	s10 =	smul.u32 $0x500, s4;
	_ =	strace $0x8000004D;
	s9 =	sshrl.u32 s6, $0x1  }
0xb: {  	s4 =	sadd.s32 $0x5CA00, s0;
	s24 =	sshrl.u32 s7, $0x2;
	s14 =	sadd.s32 $0x4000, s13  }
0xc: {  	s15 =	sadd.s32 $0x8000, s13;
	s16 =	sadd.s32 $0xC000, s13;
	s19 =	sadd.s32 $0x10000, s13  }
0xd: {  	s26 =	sadd.s32 s25, s1;
	s25 =	simm.s32 $0x2880;
	s18 =	ssub.s32 s6, s9  }
0xe: {  	s6 =	sadd.s32 s24, s2;
	s7 =	sadd.s32 s14, s2;
	s9 =	sadd.s32 s16, s2  }
0xf: {  	s11 =	sadd.s32 s19, s2;
	s13 =	sadd.s32 s13, s17;
	s14 =	sadd.s32 s17, s14  }
0x10: {  	s16 =	sadd.s32 s17, s16;
	s24 =	simm.s32 $0x6900;
	s8 =	sadd.s32 s10, s0  }
0x11: {  	s0 =	sadd.s32 $0x84A00, s0;
	s10 =	sadd.s32 s1, s10;
	s13 =	sshrl.u32 s13, $0x3  }
0x12: {  	s14 =	sshrl.u32 s14, $0x3;
	s16 =	sshrl.u32 s16, $0x3;
	s18 =	smax.u32 s18, $0x1  }
0x13: {  	s23 =	sadd.s32 $0x2A00, s8;
	s8 =	sadd.s32 s15, s2;
	s20 =	sadd.s32 $0x10, s10  }
0x14: {  	s15 =	sadd.s32 s17, s15;
	s13 =	sadd.s32 s0, s13;
	s14 =	sadd.s32 s0, s14  }
0x15: {  	s17 =	sadd.s32 s17, s19;
	s16 =	sadd.s32 s0, s16;
	[dreg:$0x4] =	wrdreg s23  }
0x16: {  	s19 =	sadd.s32 s5, s26;
	s26 =	simm.s32 $0x1;
	[dreg:$0x5] =	wrdreg s20  }
0x17: {  	s15 =	sshrl.u32 s15, $0x3;
	s17 =	sshrl.u32 s17, $0x3;
	s20 =	simm.s32 $0x5  }
0x18: {  	v0 =	vimm.f32 $0.0e+00;
	s23 =	simm.s32 $0x2800;
	s15 =	sadd.s32 s0, s15;
	s17 =	sadd.s32 s0, s17  }
.LBB2_1:
0x19: {  	s0 =	rddreg [dreg:$0x4]  }
0x1a: {  	[tilespmem:s3], [sflag:$0x5] =	stream.linear.gather [hbm4b:s0+s3], $0x2800, $0x38;
	[tilespmem:$0x1E900] =	vst v63  }
0x1b: {  	_ =	swait.ge [sflag:s20], $0x2800  }
0x1c: {  	[sflag:s20] =	ssyncset.done $0x0  }
0x1d: {  	s1 =	simm.s32 $0x200;
	s0 =	simm.s32 $0x0;
	[sflag:s20] =	ssyncadd.s32 $0xFFFFD800  }
.LBB2_2:
0x1e: {  	p0 =	sne.s32 s1, $0xFE00;
	[tilespmem:s0+$0x2970] =	vst v0  }
0x1f: {  	[tilespmem:s0+$0x2900] =	vst v0  }
0x20: {  	[tilespmem:s0+$0x2910] =	vst v0  }
.Ltmp0:
0x21: {  	[tilespmem:s0+$0x2920] =	vst v0;
	(pc) =	sbr.rel @p0 .LBB2_2-.Ltmp0, $4  }
0x22: {  	[tilespmem:s0+$0x2930] =	vst v0  }
0x23: {  	[tilespmem:s0+$0x2940] =	vst v0  }
0x24: {  	[tilespmem:s0+$0x2950] =	vst v0  }
0x25: {  	[tilespmem:s0+$0x2960] =	vst v0;
	s0 =	sshra.s32 s1, $0x2;
	s1 =	sadd.s32 $0x200, s1  }
0x26: {  	[tilespmem:s0+$0x2970] =	vst v0  }
0x27: {  	[tilespmem:s0+$0x2900] =	vst v0  }
0x28: {  	[tilespmem:s0+$0x2910] =	vst v0  }
0x29: {  	[tilespmem:s0+$0x2920] =	vst v0  }
0x2a: {  	[tilespmem:s0+$0x2930] =	vst v0  }
0x2b: {  	[tilespmem:s0+$0x2940] =	vst v0  }
0x2c: {  	[tilespmem:s0+$0x2950] =	vst v0  }
0x2d: {  	[tilespmem:s0+$0x2960] =	vst v0  }
0x2e: {  	[spmem:s6] =	stream.linear.scatter [tilespmem:s21], [sflag:$0x5], $0x4000, $0x38;
	[tilespmem:$0x1E900] =	vst v63  }
0x2f: {  	_ =	swait.ge [sflag:s20], $0x4000  }
0x30: {  	[sflag:s20] =	ssyncset.done $0x0  }
0x31: {  	[sflag:s20] =	ssyncadd.s32 $0xFFFFC000  }
0x32: {  	[spmem:s7] =	stream.linear.scatter [tilespmem:s21], [sflag:$0x5], $0x4000, $0x38;
	[tilespmem:$0x1E900] =	vst v63  }
0x33: {  	_ =	swait.ge [sflag:s20], $0x4000  }
0x34: {  	[sflag:s20] =	ssyncset.done $0x0  }
0x35: {  	[sflag:s20] =	ssyncadd.s32 $0xFFFFC000  }
0x36: {  	[spmem:s8] =	stream.linear.scatter [tilespmem:s21], [sflag:$0x5], $0x4000, $0x38;
	[tilespmem:$0x1E900] =	vst v63  }
0x37: {  	_ =	swait.ge [sflag:s20], $0x4000  }
0x38: {  	[sflag:s20] =	ssyncset.done $0x0  }
0x39: {  	[sflag:s20] =	ssyncadd.s32 $0xFFFFC000  }
0x3a: {  	[spmem:s9] =	stream.linear.scatter [tilespmem:s21], [sflag:$0x5], $0x4000, $0x38;
	[tilespmem:$0x1E900] =	vst v63  }
0x3b: {  	_ =	swait.ge [sflag:s20], $0x4000  }
0x3c: {  	[sflag:s20] =	ssyncset.done $0x0  }
0x3d: {  	[sflag:s20] =	ssyncadd.s32 $0xFFFFC000  }
0x3e: {  	[spmem:s11] =	stream.linear.scatter [tilespmem:s21], [sflag:$0x5], $0x4000, $0x38;
	[tilespmem:$0x1E900] =	vst v63  }
0x3f: {  	_ =	swait.ge [sflag:s20], $0x4000  }
0x40: {  	[sflag:s20] =	ssyncset.done $0x0  }
0x41: {  	[sflag:s20] =	ssyncadd.s32 $0xFFFFC000  }
0x42: {  	s5 =	simm.s32 $0x0;
	[bflag:$0x0] =	sbarrier.arrive $0xFFFF  }
0x43: {  	[tilespmem:s21], [sflag:$0x1] =	stream.indirect.gather [hbm4b:s4+s22], $0x80, s5, s22, $0xb8;
	[tilespmem:$0x1E900] =	vst v63  }
0x44: {  	_ = 	snop  }
0x45: {  	[tilespmem:s23], [sflag:$0x3] =	stream.linear.gather [hbm4b:s10+s5], $0x80, $0x38;
	[tilespmem:$0x1E900] =	vst v63  }
0x46: {  	_ = 	snop  }
0x47: {  	[tilespmem:s24], [sflag:$0x2] =	stream.indirect.gather [hbm4b:s4+s22], $0x80, s22, s22, $0xb8;
	[tilespmem:$0x1E900] =	vst v63  }
0x48: {  	s1 =	rddreg [dreg:$0x5]  }
0x49: {  	[tilespmem:s25], [sflag:$0x4] =	stream.linear.gather [hbm4b:s1+s5], $0x80, $0x38;
	[tilespmem:$0x1E900] =	vst v63  }
0x4a: {  	_ =	swait.ge [sflag:s26], $0x4000  }
0x4b: {  	[sflag:s26] =	ssyncset.done $0x0  }
0x4c: {  	[sflag:s26] =	ssyncadd.s32 $0xFFFFC000  }
0x4d: {  	_ =	swait.ge [sflag:s28], $0x80  }
0x4e: {  	[sflag:s28] =	ssyncset.done $0x0  }
0x4f: {  	[sflag:s28] =	ssyncadd.s32 $0xFFFFFF80  }
0x50: {  	[spmem:s2] =	stream.indirect.scatter.add.f32 [tilespmem:s21], [sflag:$0x5], $0x80, s23, s22, $0xb8;
	[tilespmem:$0x1E900] =	vst v63  }
0x51: {  	_ =	swait.ge [sflag:s20], $0x4000  }
0x52: {  	[sflag:s20] =	ssyncset.done $0x0  }
0x53: {  	s12 =	simm.s32 $0x100;
	s5 =	sadd.s32 $0x0, s19;
	[sflag:s20] =	ssyncadd.s32 $0xFFFFC000  }
0x54: {  	[tilespmem:s21], [sflag:$0x1] =	stream.indirect.gather [hbm4b:s4+s22], $0x80, s12, s22, $0xb8;
	[tilespmem:$0x1E900] =	vst v63  }
0x55: {  	s1 =	sadd.s32 $0x20, s5  }
0x56: {  	[tilespmem:s23], [sflag:$0x3] =	stream.linear.gather [hbm4b:s1+s3], $0x80, $0x38;
	[tilespmem:$0x1E900] =	vst v63  }
0x57: {  	_ =	swait.ge [sflag:s29], $0x4000  }
0x58: {  	[sflag:s29] =	ssyncset.done $0x0  }
0x59: {  	[sflag:s29] =	ssyncadd.s32 $0xFFFFC000  }
0x5a: {  	_ =	swait.ge [sflag:s30], $0x80  }
0x5b: {  	[sflag:s30] =	ssyncset.done $0x0  }
0x5c: {  	[sflag:s30] =	ssyncadd.s32 $0xFFFFFF80  }
0x5d: {  	[spmem:s2] =	stream.indirect.scatter.add.f32 [tilespmem:s24], [sflag:$0x5], $0x80, s25, s22, $0xb8;
	[tilespmem:$0x1E900] =	vst v63  }
0x5e: {  	_ =	swait.ge [sflag:s20], $0x4000  }
0x5f: {  	s0 =	simm.s32 $0x280;
	s5 =	sadd.s32 $0x30, s5;
	[sflag:s20] =	ssyncset.done $0x0  }
0x60: {  	s12 =	simm.s32 $0x180;
	s1 =	simm.s32 $0x20;
	[sflag:s20] =	ssyncadd.s32 $0xFFFFC000  }
0x61: {  	[tilespmem:s24], [sflag:$0x2] =	stream.indirect.gather [hbm4b:s4+s22], $0x80, s12, s22, $0xb8;
	[tilespmem:$0x1E900] =	vst v63  }
.LBB2_4:
0x62: {  	[tilespmem:s25], [sflag:$0x4] =	stream.linear.gather [hbm4b:s5+s3], $0x80, $0x38;
	[tilespmem:$0x1E900] =	vst v63  }
0x63: {  	s5 =	smov.u32 s1  }
0x64: {  	p0 =	sne.s32 s1, $0x4C0;
	s1 =	sadd.s32 $0x20, s1;
	_ =	swait.ge [sflag:s26], $0x4000  }
0x65: {  	[sflag:s26] =	ssyncset.done $0x0  }
0x66: {  	[sflag:s26] =	ssyncadd.s32 $0xFFFFC000  }
0x67: {  	_ =	swait.ge [sflag:s28], $0x80  }
0x68: {  	[sflag:s28] =	ssyncset.done $0x0  }
0x69: {  	[sflag:s28] =	ssyncadd.s32 $0xFFFFFF80  }
0x6a: {  	[spmem:s2] =	stream.indirect.scatter.add.f32 [tilespmem:s21], [sflag:$0x5], $0x80, s23, s22, $0xb8;
	[tilespmem:$0x1E900] =	vst v63  }
0x6b: {  	_ =	swait.ge [sflag:s20], $0x4000  }
0x6c: {  	[sflag:s20] =	ssyncset.done $0x0  }
0x6d: {  	s12 =	sadd.s32 $0xFFFFFF80, s0;
	s5 =	sadd.s32 s5, s19;
	[sflag:s20] =	ssyncadd.s32 $0xFFFFC000  }
0x6e: {  	[tilespmem:s21], [sflag:$0x1] =	stream.indirect.gather [hbm4b:s4+s22], $0x80, s12, s22, $0xb8;
	[tilespmem:$0x1E900] =	vst v63  }
0x6f: {  	s12 =	sadd.s32 $0x20, s5  }
0x70: {  	[tilespmem:s23], [sflag:$0x3] =	stream.linear.gather [hbm4b:s12+s3], $0x80, $0x38;
	[tilespmem:$0x1E900] =	vst v63  }
0x71: {  	_ =	swait.ge [sflag:s29], $0x4000  }
0x72: {  	[sflag:s29] =	ssyncset.done $0x0  }
0x73: {  	[sflag:s29] =	ssyncadd.s32 $0xFFFFC000  }
0x74: {  	_ =	swait.ge [sflag:s30], $0x80  }
0x75: {  	[sflag:s30] =	ssyncset.done $0x0  }
0x76: {  	[sflag:s30] =	ssyncadd.s32 $0xFFFFFF80  }
0x77: {  	[spmem:s2] =	stream.indirect.scatter.add.f32 [tilespmem:s24], [sflag:$0x5], $0x80, s25, s22, $0xb8;
	[tilespmem:$0x1E900] =	vst v63  }
.Ltmp1:
0x78: {  	_ =	swait.ge [sflag:s20], $0x4000;
	(pc) =	sbr.rel @p0 .LBB2_4-.Ltmp1, $4  }
0x79: {  	[sflag:s20] =	ssyncset.done $0x0  }
0x7a: {  	[sflag:s20] =	ssyncadd.s32 $0xFFFFC000  }
0x7b: {  	[tilespmem:s24], [sflag:$0x2] =	stream.indirect.gather [hbm4b:s4+s22], $0x80, s0, s22, $0xb8;
	[tilespmem:$0x1E900] =	vst v63  }
0x7c: {  	s5 =	sadd.s32 $0x30, s5;
	s0 =	sadd.s32 $0x100, s0  }
0x7d: {  	[tilespmem:s25], [sflag:$0x4] =	stream.linear.gather [hbm4b:s5+s3], $0x80, $0x38;
	[tilespmem:$0x1E900] =	vst v63  }
0x7e: {  	_ =	swait.ge [sflag:s26], $0x4000  }
0x7f: {  	[sflag:s26] =	ssyncset.done $0x0  }
0x80: {  	[sflag:s26] =	ssyncadd.s32 $0xFFFFC000  }
0x81: {  	_ =	swait.ge [sflag:s28], $0x80  }
0x82: {  	[sflag:s28] =	ssyncset.done $0x0  }
0x83: {  	[sflag:s28] =	ssyncadd.s32 $0xFFFFFF80  }
0x84: {  	[spmem:s2] =	stream.indirect.scatter.add.f32 [tilespmem:s21], [sflag:$0x5], $0x80, s23, s22, $0xb8;
	[tilespmem:$0x1E900] =	vst v63  }
0x85: {  	_ =	swait.ge [sflag:s20], $0x4000  }
0x86: {  	[sflag:s20] =	ssyncset.done $0x0  }
0x87: {  	[sflag:s20] =	ssyncadd.s32 $0xFFFFC000  }
0x88: {  	_ =	swait.ge [sflag:s29], $0x4000  }
0x89: {  	[sflag:s29] =	ssyncset.done $0x0  }
0x8a: {  	[sflag:s29] =	ssyncadd.s32 $0xFFFFC000  }
0x8b: {  	_ =	swait.ge [sflag:s30], $0x80  }
0x8c: {  	[sflag:s30] =	ssyncset.done $0x0  }
0x8d: {  	[sflag:s30] =	ssyncadd.s32 $0xFFFFFF80  }
0x8e: {  	[spmem:s2] =	stream.indirect.scatter.add.f32 [tilespmem:s24], [sflag:$0x5], $0x80, s25, s22, $0xb8;
	[tilespmem:$0x1E900] =	vst v63  }
0x8f: {  	_ =	swait.ge [sflag:s20], $0x4000  }
0x90: {  	s0 =	stileid.u32;
	[sflag:s20] =	ssyncset.done $0x0  }
0x91: {  	s0 =	sshll.u32 s0, $0x6;
	[sflag:s20] =	ssyncadd.s32 $0xFFFFC000  }
0x92: {  	s1 =	sshrl.u32 s6, $0x3;
	s0 =	sor.u32 $0x1C05, s0;
	[bflag:$0x0] =	sbarrier.arrive $0xFFFF  }
0x93: {  	[hbm:s13], [sflag:s0] =	dma.local [spmem:s1], $0x800  }
0x94: {  	_ =	swait.ge [sflag:s20], $0x800  }
0x95: {  	[sflag:s20] =	ssyncset.done $0x0  }
0x96: {  	s5 =	sshrl.u32 s7, $0x3;
	[sflag:s20] =	ssyncadd.s32 $0xFFFFF800  }
0x97: {  	[hbm:s14], [sflag:s0] =	dma.local [spmem:s5], $0x800  }
0x98: {  	_ =	swait.ge [sflag:s20], $0x800  }
0x99: {  	[sflag:s20] =	ssyncset.done $0x0  }
0x9a: {  	s12 =	sshrl.u32 s8, $0x3;
	[sflag:s20] =	ssyncadd.s32 $0xFFFFF800  }
0x9b: {  	[hbm:s15], [sflag:s0] =	dma.local [spmem:s12], $0x800  }
0x9c: {  	_ =	swait.ge [sflag:s20], $0x800  }
0x9d: {  	[sflag:s20] =	ssyncset.done $0x0  }
0x9e: {  	s5 =	sshrl.u32 s9, $0x3;
	[sflag:s20] =	ssyncadd.s32 $0xFFFFF800  }
0x9f: {  	[hbm:s16], [sflag:s0] =	dma.local [spmem:s5], $0x800  }
0xa0: {  	s31 =	sadd.s32 $0x1, s31;
	_ =	swait.ge [sflag:s20], $0x800  }
0xa1: {  	p0 =	sne.s32 s31, s18;
	[sflag:s20] =	ssyncset.done $0x0  }
.Ltmp2:
0xa2: {  	s12 =	sshrl.u32 s11, $0x3;
	[sflag:s20] =	ssyncadd.s32 $0xFFFFF800;
	(pc) =	sbr.rel @p0 .LBB2_1-.Ltmp2, $4  }
0xa3: {  	[hbm:s17], [sflag:s0] =	dma.local [spmem:s12], $0x800  }
0xa4: {  	_ =	swait.ge [sflag:s20], $0x800  }
0xa5: {  	[sflag:s20] =	ssyncset.done $0x0  }
0xa6: {  	[sflag:s20] =	ssyncadd.s32 $0xFFFFF800  }
0xa7: {  	_ =	sfence.sel $0x180000  }
0xa8: {  	[bflag:$0x0] =	sbarrier.arrive $0xFFFF  }
0xa9: {  	_ =	strace $0x9000004D  }
0xaa: {  	s0 =	stileid.u32;
	[bflag:$0x2] =	sbarrier.arrive $0xFFFF  }
0xab: {  	p0 =	sne.s32 s0, $0x0;
	s0 =	rddreg [dreg:$0x3]  }
0xac: {  	s0 =	sadd.s32 @!p0 $0x100000, s0  }
0xad: {  	[sflag:s0] =	ssyncadd.tile.s32 @!p0 $0x1;
	_ =	shalt  }
.Lfunc_end2:
_tile_overlayer_lowered:
.L_overlay_start_2:
0xae: {  	(tag) =	ssettag $0x2  }
0xaf: {  	s0 =	rddreg [dreg:$0x0];
	s2 =	stileid.u32  }
0xb0: {  	s1 =	rddreg [dreg:$0x1];
	p0 =	sne.s32 s2, $0x0  }
0xb1: {  	s3 =	rddreg [dreg:$0x2];
	[bflag:$0x3] =	sbarrier.arrive $0xFFFF;
	s2 =	simm.s32 @!p0 $0x1C05  }
0xb2: {  	[timem:s3], [sflag:s2] =	dma.local @!p0 [hbm:s0], s1  }
0xb3: {  	s0 =	simm.s32 @!p0 $0x5  }
0xb4: {  	_ =	swait.ge @!p0 [sflag:s0], s1  }
0xb5: {  	s1 =	ssub.s32 @!p0 $0x0, s1;
	[sflag:s0] =	ssyncset.done @!p0 $0x0  }
0xb6: {  	[sflag:s0] =	ssyncadd.s32 @!p0 s1  }
0xb7: {  	[bflag:$0x3] =	sbarrier.arrive $0xFFFF  }
0xb8: {  	_ =	shalt  }

// kernel: kernel.8.cloned.1.call-start
scs
__scs_entry_jumppad:
0x0: {  	(pc) =	sbr.rel $0x88, $3  }
0x1: {  	(tag) =	ssettag $0x0;
	lr =	simm.s32 $0x1  }
0x2: {  	[smem:$0x3F9B] =	sst lr;
	_ =	strace $0xD0000000  }
0x3: {  	_ = 	snop  }
0x4: {  	_ = 	snop  }
0x5: {  	_ = 	snop  }
0x6: {  	_ = 	snop  }
0x7: {  	_ = 	snop  }
__scs_overlays_trampoline_lowered:
0x8: {  	[smem:$0x3FAA] =	sst s0  }
0x9: {  	[smem:$0x3FAB] =	sst s1  }
0xa: {  	[smem:$0x3FAC] =	sst s2  }
0xb: {  	[smem:$0x3FAD] =	sst s3  }
0xc: {  	[smem:$0x3FAE] =	sst s4  }
0xd: {  	[smem:$0x3FAF] =	sst s5  }
0xe: {  	[smem:$0x3FB0] =	sst s6  }
0xf: {  	[smem:$0x3FB1] =	sst s7  }
0x10: {  	[smem:$0x3FB2] =	sst s8  }
0x11: {  	[smem:$0x3FB3] =	sst s9;
	s0 =	simm.s32 @!p0 $0x0  }
0x12: {  	s1 =	sld [smem:$0x3F99];
	s0 =	simm.s32 @p0 $0x1  }
0x13: {  	[smem:$0x3FB4] =	sst s0;
	s0 =	simm.s32 @!p1 $0x0  }
0x14: {  	s2 =	sld [smem:$0x3F98];
	s0 =	simm.s32 @p1 $0x1  }
0x15: {  	[smem:$0x3FB5] =	sst s0;
	s0 =	simm.s32 @!p2 $0x0  }
0x16: {  	s3 =	sld [smem:$0x3FDB];
	s0 =	simm.s32 @p2 $0x1  }
0x17: {  	s4 =	simm.s32 $0x1BF5;
	[smem:$0x3FB7] =	sst s0  }
0x18: {  	s0 =	sld [smem:$0x3F9A];
	_ =	swait.ge [sflag:s4], $0x0  }
0x19: {  	s7 =	sld [smem:$0x3F9B]  }
0x1a: {  	s8 =	sadd.s32 $0xFFFFE003, lr  }
0x1b: {  	s9 =	sadd.s32 $0xFFFFFEF7, lr;
	s5 =	simm.s32 $0xFFFFFFFF;
	p2 =	slt.u32 s8, $0xFFFFF086  }
0x1c: {  	p1 =	slt.u32 s9, $0xF7A;
	s5 =	simm.s32 @!p2 $0x0  }
0x1d: {  	s5 =	simm.s32 @p1 $0x1;
	p0 =	seq.s32 s7, s2  }
0x1e: {  	s7 =	smul.u32 @!p0 $0xF7A, s2;
	p2 =	seq.s32 @!p0 s5, $0x0  }
0x1f: {  	s9 =	smul.u32 $0xF7A, s1;
	s8 =	simm.s32 @!p0 $0x1BF5;
	p2 =	por !p2, p0  }
0x20: {  	[sflag:s8] =	ssyncset.s32 @!p0 $0xFFFFF086;
	s6 =	sadd.s32 @!p0 s3, s7;
	s7 =	simm.s32 @!p0 $0x108  }
0x21: {  	s3 =	sadd.s32 s3, s9;
	s6 =	sadd.s32 @!p0 $0x88, s6;
	s7 =	simm.s32 @p2 $0x1082  }
0x22: {  	[simem:s7], [sflag:s8] =	dma.local @!p0 [hbm:s6], $0xF7A  }
0x23: {  	s9 =	sor.u32 $0xD0000000, s2;
	s6 =	simm.s32 $0x108;
	_ =	swait.ge @!p0 [sflag:s8], $0x0  }
0x24: {  	s3 =	sadd.s32 $0x88, s3;
	s6 =	simm.s32 @!p1 $0x1082;
	[sflag:s4] =	ssyncset.s32 $0xFFFFF086  }
0x25: {  	[simem:s6], [sflag:s4] =	dma.local [hbm:s3], $0xF7A  }
0x26: {  	[smem:$0x3F9B] =	sst s1;
	(tag) =	ssettag s2;
	_ =	strace s9  }
0x27: {  	s1 =	sld [smem:$0x3FAB]  }
0x28: {  	s2 =	sld [smem:$0x3FAC]  }
0x29: {  	s4 =	sld [smem:$0x3FAE]  }
0x2a: {  	p0 =	seq.s32 s5, $0x0;
	s5 =	sld [smem:$0x3FAF]  }
0x2b: {  	s6 =	sld [smem:$0x3FB0]  }
0x2c: {  	s7 =	sld [smem:$0x3FB1]  }
0x2d: {  	s3 =	simm.s32 $0x108;
	s8 =	sld [smem:$0x3FB2]  }
0x2e: {  	s3 =	simm.s32 @!p0 $0x1082;
	s9 =	sld [smem:$0x3FB3]  }
0x2f: {  	lr =	sadd.s32 s0, s3;
	s0 =	sld [smem:$0x3FAA]  }
0x30: {  	s3 =	sld [smem:$0x3FAD]  }
0x31: {  	[smem:$0x3FB6] =	sst s10  }
0x32: {  	s10 =	sld [smem:$0x3FB4];
	_ =	sdelay $0x3  }
0x33: {  	p0 =	seq.s32 s10, $0x1;
	s10 =	sld [smem:$0x3FB6];
	_ =	sdelay $0x3  }
0x34: {  	[smem:$0x3FB6] =	sst s10  }
0x35: {  	s10 =	sld [smem:$0x3FB5];
	_ =	sdelay $0x3  }
0x36: {  	p1 =	seq.s32 s10, $0x1;
	s10 =	sld [smem:$0x3FB6];
	_ =	sdelay $0x3  }
0x37: {  	[smem:$0x3FB6] =	sst s10  }
0x38: {  	s10 =	sld [smem:$0x3FB7]  }
0x39: {  	_ = 	snop;
	(pc) =	sbr.ind lr, $3  }
0x3a: {  	_ = 	snop  }
0x3b: {  	_ = 	snop  }
0x3c: {  	p2 =	seq.s32 s10, $0x1;
	s10 =	sld [smem:$0x3FB6]  }
0x3d: {  	_ =	shalt  }
0x3e: {  	_ =	shalt  }
0x3f: {  	_ =	shalt  }
0x40: {  	_ =	shalt  }
0x41: {  	_ =	shalt  }
0x42: {  	_ =	shalt  }
0x43: {  	_ =	shalt  }
0x44: {  	_ =	shalt  }
0x45: {  	_ =	shalt  }
0x46: {  	_ =	shalt  }
0x47: {  	_ =	shalt  }
0x48: {  	_ =	shalt  }
0x49: {  	_ =	shalt  }
0x4a: {  	_ =	shalt  }
0x4b: {  	_ =	shalt  }
0x4c: {  	_ =	shalt  }
0x4d: {  	_ =	shalt  }
0x4e: {  	_ =	shalt  }
0x4f: {  	_ =	shalt  }
0x50: {  	_ =	shalt  }
0x51: {  	_ =	shalt  }
0x52: {  	_ =	shalt  }
0x53: {  	_ =	shalt  }
0x54: {  	_ =	shalt  }
0x55: {  	_ =	shalt  }
0x56: {  	_ =	shalt  }
0x57: {  	_ =	shalt  }
0x58: {  	_ =	shalt  }
0x59: {  	_ =	shalt  }
0x5a: {  	_ =	shalt  }
0x5b: {  	_ =	shalt  }
0x5c: {  	_ =	shalt  }
0x5d: {  	_ =	shalt  }
0x5e: {  	_ =	shalt  }
0x5f: {  	_ =	shalt  }
0x60: {  	_ =	shalt  }
0x61: {  	_ =	shalt  }
0x62: {  	_ =	shalt  }
0x63: {  	_ =	shalt  }
0x64: {  	_ =	shalt  }
0x65: {  	_ =	shalt  }
0x66: {  	_ =	shalt  }
0x67: {  	_ =	shalt  }
0x68: {  	_ =	shalt  }
0x69: {  	_ =	shalt  }
0x6a: {  	_ =	shalt  }
0x6b: {  	_ =	shalt  }
0x6c: {  	_ =	shalt  }
0x6d: {  	_ =	shalt  }
0x6e: {  	_ =	shalt  }
0x6f: {  	_ =	shalt  }
0x70: {  	_ =	shalt  }
0x71: {  	_ =	shalt  }
0x72: {  	_ =	shalt  }
0x73: {  	_ =	shalt  }
0x74: {  	_ =	shalt  }
0x75: {  	_ =	shalt  }
0x76: {  	_ =	shalt  }
0x77: {  	_ =	shalt  }
0x78: {  	_ =	shalt  }
0x79: {  	_ =	shalt  }
0x7a: {  	_ =	shalt  }
0x7b: {  	_ =	shalt  }
0x7c: {  	_ =	shalt  }
0x7d: {  	_ =	shalt  }
0x7e: {  	_ =	shalt  }
0x7f: {  	_ =	shalt  }
0x80: {  	_ =	shalt  }
0x81: {  	_ =	shalt  }
0x82: {  	_ =	shalt  }
0x83: {  	_ =	shalt  }
0x84: {  	_ =	shalt  }
0x85: {  	_ =	shalt  }
0x86: {  	_ =	shalt  }
0x87: {  	_ =	shalt  }
.Lfunc_end0:
.L_simem_size_0:
called_computation_lowered:
.L_overlay_start_0:
0x88: {  	s2 =	sld [smem:$0x3FD9]  }
0x89: {  	s3 =	sld [smem:$0x3FFE];
	_ =	sdelay $0x1  }
0x8a: {  	s1 =	srdreg.scid  }
0x8b: {  	s0 =	sand.u32 $0x1, s1  }
0x8c: {  	s17 =	sshll.u32 s0, $0xA;
	s2 =	sadd.s32 s3, s2  }
0x8d: {  	s2 =	sadd.s32 s2, s17  }
0x8e: {  	[smem:$0x3FC2] =	sst s2  }
0x8f: {  	_ = 	snop  }
0x90: {  	s2 =	sld [smem:$0x3FD0];
	(tm) =	ssettm $0x1  }
0x91: {  	s18 =	sld [smem:$0x3FFB];
	_ =	sdelay $0x3  }
0x92: {  	_ =	strace s18  }
0x93: {  	s3 =	sld [smem:$0x3FFC];
	_ =	sdelay $0x3  }
0x94: {  	_ =	strace s3  }
0x95: {  	s3 =	sld [smem:$0x3FFD];
	_ =	sdelay $0x3  }
0x96: {  	_ =	strace s3  }
0x97: {  	_ =	strace $0x8FFFFFFF  }
0x98: {  	s19 =	sld [smem:$0x3FDB];
	_ =	sdelay $0x1  }
0x99: {  	s4 =	simm.s32 $_scs_section_size  }
0x9a: {  	s5 =	simm.s32 $_size__tile_overlayer_lowered;
	s6 =	simm.s32 $_tile_overlayer_lowered  }
0x9b: {  	s22 =	simm.s32 $0x1BFF;
	s21 =	sshll.u32 s6, $0x1;
	s3 =	sadd.s32 s4, s19  }
0x9c: {  	s7 =	simm.s32 $0x0;
	s20 =	sshll.u32 s5, $0x1;
	s5 =	sadd.s32 s21, s3  }
0x9d: {  	[timem:s7], [sflag:s22] =	dma.local [hbm:s5], s20  }
0x9e: {  	_ =	swait.ge [sflag:s22], s20  }
0x9f: {  	s4 =	ssub.s32 $0x0, s20;
	[sflag:s22] =	ssyncset.done $0x0  }
0xa0: {  	[sflag:s22] =	ssyncadd.s32 s4;
	_ =	sdelay $0x1  }
0xa1: {  	s23 =	simm.s32 $0x1B8B  }
0xa2: {  	_ =	swait.ge [sflag:s23], $0x1  }
0xa3: {  	[sflag:s23] =	ssyncset.done $0x0  }
0xa4: {  	s25 =	simm.s32 $0x1B8E;
	s24 =	sld [smem:$0x3FFE];
	[sflag:s23] =	ssyncadd.s32 $0xFFFFFFFF  }
0xa5: {  	s26 =	simm.s32 $execute0_lowered;
	[smem:$0x3FD2] =	sst s25  }
0xa6: {  	s5 =	sshll.u32 s26, $0x1;
	_ =	strace $0x80000046;
	[dreg:$0x1] =	wrdreg $0xFFFFFFFF  }
0xa7: {  	s28 =	simm.s32 $_size_execute0_lowered;
	s3 =	sadd.s32 s3, s5;
	[dreg:$0x0] =	wrdreg $0x0  }
0xa8: {  	s5 =	sshll.u32 s28, $0x1;
	[dreg:$0x2] =	wrdreg s3  }
0xa9: {  	[dreg:$0x3] =	wrdreg s5  }
0xaa: {  	[dreg:$0x4] =	wrdreg $0xC0  }
0xab: {  	_ =	task [dreg:s7], $0x5FFFF  }
0xac: {  	[dreg:$0x1] =	wrdreg $0xFFFFFFFF  }
0xad: {  	[dreg:$0x0] =	wrdreg $0x60  }
0xae: {  	[dreg:$0x2] =	wrdreg s2  }
0xaf: {  	[dreg:$0x3] =	wrdreg s24  }
0xb0: {  	[dreg:$0x4] =	wrdreg $0x195000  }
0xb1: {  	[dreg:$0x5] =	wrdreg $0x9  }
0xb2: {  	_ =	task.clear_ibuf [dreg:s7], $0x6FFFF;
	_ =	strace $0x90000046  }
0xb3: {  	s29 =	simm.s32 $0x9;
	_ =	strace $0x80000048  }
0xb4: {  	_ =	swait.ge [sflag:s29], $0x1  }
0xb5: {  	[sflag:s29] =	ssyncadd.s32 $0xFFFFFFFF  }
0xb6: {  	_ =	strace $0x90000048  }
0xb7: {  	_ =	sfence  }
0xb8: {  	s30 =	sld [smem:$0x0];
	_ =	sdelay $0x2  }
0xb9: {  	s31 =	sshll.u32 s1, $0xD;
	s1 =	sshrl.u32 s1, $0x2  }
0xba: {  	s3 =	sand.u32 $0x4000, s31;
	s1 =	sadd.s32 s1, s30  }
0xbb: {  	s0 =	sor.u32 s3, s0;
	s1 =	sshll.u32 s1, $0x11  }
0xbc: {  	s0 =	sor.u32 s1, s0  }
0xbd: {  	s0 =	sadd.s32 $0x8F2B, s0  }
0xbe: {  	[sflag:s0] =	ssyncadd.remote.s32 $0x1  }
0xbf: {  	_ =	sfence.sel $0xFFFF  }
0xc0: {  	[dreg:$0x0] =	wrdreg $0xFFFFFFFF;
	(pc) =	sbr.abs _section_cstart, $3  }
0xc1: {  	[dreg:$0x1] =	wrdreg $0xFFFFFFFF  }
0xc2: {  	_ =	task.clear_ibuf [dreg:s7], $0x2FFFF;
	_ =	strace $0x9FFFFFFF  }
0xc3: {  	(tm) =	ssettm $0x7FFFFFFF  }
tec
execute0_lowered:
.L_overlay_start_1:
0x0: {  	(tag) =	ssettag $0x1  }
0x1: {  	s0 =	rddreg [dreg:$0x0]  }
0x2: {  	s1 =	srdreg.scid;
	s3 =	rddreg [dreg:$0x1]  }
0x3: {  	s8 =	stileid.u32;
	s5 =	rddreg [dreg:$0x2];
	s2 =	simm.s32 $0x0  }
0x4: {  	s28 =	simm.s32 $0x5280;
	s30 =	simm.s32 $0x0;
	s6 =	smul.u32 $0x14000, s8  }
0x5: {  	s1 =	sand.u32 $0x1, s1;
	[smem:$0x7FF] =	sst s2;
	s26 =	smul.u32 $0x5000, s8  }
0x6: {  	s24 =	sshrl.u32 s8, $0x3;
	s7 =	sshll.u32 s8, $0x1;
	s4 =	smul.u32 $0x140000, s1  }
0x7: {  	s29 =	sshll.u32 s8, $0x7;
	_ =	strace $0x80000047;
	s23 =	ssub.s32 $0x2, s1  }
0x8: {  	s1 =	sor.u32 s1, s7;
	s25 =	sshrl.u32 s23, $0x1;
	s4 =	sadd.s32 s6, s4  }
0x9: {  	s1 =	smul.u32 $0x500, s1;
	s31 =	sshrl.u32 s26, $0x2;
	s4 =	sshrl.u32 s4, $0x3  }
0xa: {  	s26 =	simm.s32 $0x400;
	s21 =	sadd.s32 s4, s3;
	s4 =	smul.u32 $0x50000, s24  }
0xb: {  	s22 =	ssub.s32 s23, s25;
	s6 =	sand.u32 $0x380, s29;
	s23 =	simm.s32 $0x1  }
0xc: {  	s25 =	simm.s32 $0x80;
	s22 =	smax.u32 s22, $0x1;
	s4 =	sshrl.u32 s4, $0x2  }
0xd: {  	s3 =	sadd.s32 s0, s1;
	s24 =	simm.s32 $0x2800;
	s4 =	sadd.s32 s4, s5  }
0xe: {  	s21 =	sadd.s32 $0xCA00, s21;
	s5 =	sadd.s32 s31, s5;
	s4 =	sadd.s32 s6, s4  }
0xf: {  	s6 =	sadd.s32 $0x80, s5;
	s7 =	sadd.s32 $0x100, s5;
	s8 =	sadd.s32 $0x180, s5  }
0x10: {  	s9 =	sadd.s32 $0x200, s5;
	s10 =	sadd.s32 $0x280, s5;
	s11 =	sadd.s32 $0x300, s5  }
0x11: {  	s12 =	sadd.s32 $0x380, s5;
	s13 =	sadd.s32 $0x14000, s5;
	s14 =	sadd.s32 $0x14080, s5  }
0x12: {  	s15 =	sadd.s32 $0x14100, s5;
	s16 =	sadd.s32 $0x14180, s5;
	s17 =	sadd.s32 $0x14200, s5  }
0x13: {  	v0 =	vimm.f32 $0.0e+00;
	v1 =	vimm.f32 $1.000000000e+00;
	s18 =	sadd.s32 $0x14280, s5;
	s19 =	sadd.s32 $0x14300, s5;
	s20 =	sadd.s32 $0x14380, s5  }
.LBB2_1:
0x14: {  	[tilespmem:s2], [sflag:$0x1] =	stream.linear.gather [hbm4b:s3+s2], $0x2800, $0x38;
	[tilespmem:$0x1BD00] =	vst v63  }
0x15: {  	_ =	swait.ge [sflag:s23], $0x2800  }
0x16: {  	[sflag:s23] =	ssyncset.done $0x0  }
0x17: {  	s0 =	simm.s32 $0x0;
	[sflag:s23] =	ssyncadd.s32 $0xFFFFD800  }
.LBB2_2:
0x18: {  	p0 =	sne.s32 s0, $0x9FC0  }
.Ltmp0:
0x19: {  	_ = 	snop;
	(pc) =	sbr.rel @p0 .LBB2_2-.Ltmp0, $3  }
0x1a: {  	_ =	sdelay $0x1  }
0x1b: {  	s1 =	sshra.s32 s0, $0x2  }
0x1c: {  	s0 =	sadd.s32 $0x40, s0;
	[tilespmem:s1+$0x2800] =	vst v0  }
0x1d: {  	s1 =	simm.s32 $0x0  }
.LBB2_4:
0x1e: {  	s0 =	sshra.s32 s1, $0x2  }
0x1f: {  	v2 =	vld [tilespmem:s0+$0x0];
	_ =	sdelay $0x7  }
0x20: {  	[tilespmem:v2+s24+$0x0] =	vst.idx.add.f32.msk $0xffff, v1  }
0x21: {  	v2 =	vld [tilespmem:s0+$0x10];
	_ =	sdelay $0x7  }
0x22: {  	[tilespmem:v2+s24+$0x0] =	vst.idx.add.f32.msk $0xffff, v1  }
0x23: {  	v2 =	vld [tilespmem:s0+$0x20];
	_ =	sdelay $0x7  }
0x24: {  	[tilespmem:v2+s24+$0x0] =	vst.idx.add.f32.msk $0xffff, v1  }
0x25: {  	v2 =	vld [tilespmem:s0+$0x30];
	_ =	sdelay $0x7  }
0x26: {  	[tilespmem:v2+s24+$0x0] =	vst.idx.add.f32.msk $0xffff, v1  }
0x27: {  	v2 =	vld [tilespmem:s0+$0x40];
	_ =	sdelay $0x7  }
0x28: {  	[tilespmem:v2+s24+$0x0] =	vst.idx.add.f32.msk $0xffff, v1  }
0x29: {  	v2 =	vld [tilespmem:s0+$0x50];
	_ =	sdelay $0x7  }
0x2a: {  	[tilespmem:v2+s24+$0x0] =	vst.idx.add.f32.msk $0xffff, v1  }
0x2b: {  	v2 =	vld [tilespmem:s0+$0x60];
	_ =	sdelay $0x7  }
0x2c: {  	[tilespmem:v2+s24+$0x0] =	vst.idx.add.f32.msk $0xffff, v1  }
0x2d: {  	v2 =	vld [tilespmem:s0+$0x70];
	_ =	sdelay $0x2  }
0x2e: {  	p0 =	sne.s32 s1, $0x9E00  }
.Ltmp1:
0x2f: {  	_ = 	snop;
	(pc) =	sbr.rel @p0 .LBB2_4-.Ltmp1, $2  }
0x30: {  	_ =	sdelay $0x2  }
0x31: {  	s1 =	sadd.s32 $0x200, s1;
	[tilespmem:v2+s24+$0x0] =	vst.idx.add.f32.msk $0xffff, v1  }
0x32: {  	[spmem:s4] =	stream.strided.scatter [tilespmem:s24], [sflag:$0x1], $0x2800, s26, s25, $0x38;
	[tilespmem:$0x1BD00] =	vst v63  }
0x33: {  	_ =	swait.ge [sflag:s23], $0x2800  }
0x34: {  	[sflag:s23] =	ssyncset.done $0x0  }
0x35: {  	[sflag:s23] =	ssyncadd.s32 $0xFFFFD800  }
0x36: {  	[bflag:$0x0] =	sbarrier.arrive $0xFFFF  }
0x37: {  	[tilespmem:$0x5000] =	vst v0  }
0x38: {  	[tilespmem:$0x5010] =	vst v0  }
0x39: {  	[tilespmem:$0x5020] =	vst v0  }
0x3a: {  	[tilespmem:$0x5030] =	vst v0  }
0x3b: {  	[tilespmem:$0x5040] =	vst v0  }
0x3c: {  	[tilespmem:$0x5050] =	vst v0  }
0x3d: {  	[tilespmem:$0x5060] =	vst v0  }
0x3e: {  	[tilespmem:$0x5070] =	vst v0  }
0x3f: {  	[tilespmem:$0x5080] =	vst v0  }
0x40: {  	[tilespmem:$0x5090] =	vst v0  }
0x41: {  	[tilespmem:$0x50A0] =	vst v0  }
0x42: {  	[tilespmem:$0x50B0] =	vst v0  }
0x43: {  	[tilespmem:$0x50C0] =	vst v0  }
0x44: {  	[tilespmem:$0x50D0] =	vst v0  }
0x45: {  	[tilespmem:$0x50E0] =	vst v0  }
0x46: {  	[tilespmem:$0x50F0] =	vst v0  }
0x47: {  	[tilespmem:$0x5100] =	vst v0  }
0x48: {  	[tilespmem:$0x5110] =	vst v0  }
0x49: {  	[tilespmem:$0x5120] =	vst v0  }
0x4a: {  	[tilespmem:$0x5130] =	vst v0  }
0x4b: {  	[tilespmem:$0x5140] =	vst v0  }
0x4c: {  	[tilespmem:$0x5150] =	vst v0  }
0x4d: {  	[tilespmem:$0x5160] =	vst v0  }
0x4e: {  	[tilespmem:$0x5170] =	vst v0  }
0x4f: {  	[tilespmem:$0x5180] =	vst v0  }
0x50: {  	[tilespmem:$0x5190] =	vst v0  }
0x51: {  	[tilespmem:$0x51A0] =	vst v0  }
0x52: {  	[tilespmem:$0x51B0] =	vst v0  }
0x53: {  	[tilespmem:$0x51C0] =	vst v0  }
0x54: {  	[tilespmem:$0x51D0] =	vst v0  }
0x55: {  	[tilespmem:$0x51E0] =	vst v0  }
0x56: {  	[tilespmem:$0x51F0] =	vst v0  }
0x57: {  	[tilespmem:$0x5200] =	vst v0  }
0x58: {  	[tilespmem:$0x5210] =	vst v0  }
0x59: {  	[tilespmem:$0x5220] =	vst v0  }
0x5a: {  	[tilespmem:$0x5230] =	vst v0  }
0x5b: {  	[tilespmem:$0x5240] =	vst v0  }
0x5c: {  	[tilespmem:$0x5250] =	vst v0  }
0x5d: {  	[tilespmem:$0x5260] =	vst v0  }
0x5e: {  	[tilespmem:$0x5270] =	vst v0  }
0x5f: {  	[tilespmem:s28], [sflag:$0x1] =	stream.strided.gather [spmem:s5], $0x280, s26, s25, $0x38;
	[tilespmem:$0x1BD00] =	vst v63  }
0x60: {  	_ =	swait.ge [sflag:s23], $0x280  }
0x61: {  	[sflag:s23] =	ssyncset.done $0x0  }
0x62: {  	s1 =	simm.s32 $0x0;
	[sflag:s23] =	ssyncadd.s32 $0xFFFFFD80  }
0x63: {  	s31 =	simm.s32 $0x40;
	v2 =	vld [tilespmem:s1+$0x5280]  }
.LBB2_6:
0x64: {  	p0 =	sne.s32 s31, $0x9C0;
	v3 =	vld [tilespmem:s1+$0x5000];
	_ =	sdelay $0x2  }
.Ltmp2:
0x65: {  	(pc) =	sbr.rel @p0 .LBB2_6-.Ltmp2, $4  }
0x66: {  	_ = 	snop  }
0x67: {  	v3 =	vadd.f32 v2, v3  }
0x68: {  	s0 =	sshra.s32 s31, $0x2  }
0x69: {  	s31 =	sadd.s32 $0x40, s31;
	v2 =	vld [tilespmem:s0+$0x5280];
	[tilespmem:s1+$0x5000] =	vst v3;
	s1 =	smov.u32 s0  }
0x6a: {  	v3 =	vld [tilespmem:s1+$0x5000];
	_ =	sdelay $0x4  }
0x6b: {  	v2 =	vadd.f32 v2, v3;
	_ =	sdelay $0x1  }
0x6c: {  	[tilespmem:s1+$0x5000] =	vst v2  }
0x6d: {  	[tilespmem:s28], [sflag:$0x1] =	stream.strided.gather [spmem:s6], $0x280, s26, s25, $0x38;
	[tilespmem:$0x1BD00] =	vst v63  }
0x6e: {  	_ =	swait.ge [sflag:s23], $0x280  }
0x6f: {  	[sflag:s23] =	ssyncset.done $0x0  }
0x70: {  	s1 =	simm.s32 $0x0;
	[sflag:s23] =	ssyncadd.s32 $0xFFFFFD80  }
0x71: {  	s31 =	simm.s32 $0x40;
	v2 =	vld [tilespmem:s1+$0x5280]  }
.LBB2_8:
0x72: {  	p0 =	sne.s32 s31, $0x9C0;
	v3 =	vld [tilespmem:s1+$0x5000];
	_ =	sdelay $0x2  }
.Ltmp3:
0x73: {  	(pc) =	sbr.rel @p0 .LBB2_8-.Ltmp3, $4  }
0x74: {  	_ = 	snop  }
0x75: {  	v3 =	vadd.f32 v2, v3  }
0x76: {  	s0 =	sshra.s32 s31, $0x2  }
0x77: {  	s31 =	sadd.s32 $0x40, s31;
	v2 =	vld [tilespmem:s0+$0x5280];
	[tilespmem:s1+$0x5000] =	vst v3;
	s1 =	smov.u32 s0  }
0x78: {  	v3 =	vld [tilespmem:s1+$0x5000];
	_ =	sdelay $0x4  }
0x79: {  	v2 =	vadd.f32 v2, v3;
	_ =	sdelay $0x1  }
0x7a: {  	[tilespmem:s1+$0x5000] =	vst v2  }
0x7b: {  	[tilespmem:s28], [sflag:$0x1] =	stream.strided.gather [spmem:s7], $0x280, s26, s25, $0x38;
	[tilespmem:$0x1BD00] =	vst v63  }
0x7c: {  	_ =	swait.ge [sflag:s23], $0x280  }
0x7d: {  	[sflag:s23] =	ssyncset.done $0x0  }
0x7e: {  	s1 =	simm.s32 $0x0;
	[sflag:s23] =	ssyncadd.s32 $0xFFFFFD80  }
0x7f: {  	s31 =	simm.s32 $0x40;
	v2 =	vld [tilespmem:s1+$0x5280]  }
.LBB2_10:
0x80: {  	p0 =	sne.s32 s31, $0x9C0;
	v3 =	vld [tilespmem:s1+$0x5000];
	_ =	sdelay $0x2  }
.Ltmp4:
0x81: {  	(pc) =	sbr.rel @p0 .LBB2_10-.Ltmp4, $4  }
0x82: {  	_ = 	snop  }
0x83: {  	v3 =	vadd.f32 v2, v3  }
0x84: {  	s0 =	sshra.s32 s31, $0x2  }
0x85: {  	s31 =	sadd.s32 $0x40, s31;
	v2 =	vld [tilespmem:s0+$0x5280];
	[tilespmem:s1+$0x5000] =	vst v3;
	s1 =	smov.u32 s0  }
0x86: {  	v3 =	vld [tilespmem:s1+$0x5000];
	_ =	sdelay $0x4  }
0x87: {  	v2 =	vadd.f32 v2, v3;
	_ =	sdelay $0x1  }
0x88: {  	[tilespmem:s1+$0x5000] =	vst v2  }
0x89: {  	[tilespmem:s28], [sflag:$0x1] =	stream.strided.gather [spmem:s8], $0x280, s26, s25, $0x38;
	[tilespmem:$0x1BD00] =	vst v63  }
0x8a: {  	_ =	swait.ge [sflag:s23], $0x280  }
0x8b: {  	[sflag:s23] =	ssyncset.done $0x0  }
0x8c: {  	s1 =	simm.s32 $0x0;
	[sflag:s23] =	ssyncadd.s32 $0xFFFFFD80  }
0x8d: {  	s31 =	simm.s32 $0x40;
	v2 =	vld [tilespmem:s1+$0x5280]  }
.LBB2_12:
0x8e: {  	p0 =	sne.s32 s31, $0x9C0;
	v3 =	vld [tilespmem:s1+$0x5000];
	_ =	sdelay $0x2  }
.Ltmp5:
0x8f: {  	(pc) =	sbr.rel @p0 .LBB2_12-.Ltmp5, $4  }
0x90: {  	_ = 	snop  }
0x91: {  	v3 =	vadd.f32 v2, v3  }
0x92: {  	s0 =	sshra.s32 s31, $0x2  }
0x93: {  	s31 =	sadd.s32 $0x40, s31;
	v2 =	vld [tilespmem:s0+$0x5280];
	[tilespmem:s1+$0x5000] =	vst v3;
	s1 =	smov.u32 s0  }
0x94: {  	v3 =	vld [tilespmem:s1+$0x5000];
	_ =	sdelay $0x4  }
0x95: {  	v2 =	vadd.f32 v2, v3;
	_ =	sdelay $0x1  }
0x96: {  	[tilespmem:s1+$0x5000] =	vst v2  }
0x97: {  	[tilespmem:s28], [sflag:$0x1] =	stream.strided.gather [spmem:s9], $0x280, s26, s25, $0x38;
	[tilespmem:$0x1BD00] =	vst v63  }
0x98: {  	_ =	swait.ge [sflag:s23], $0x280  }
0x99: {  	[sflag:s23] =	ssyncset.done $0x0  }
0x9a: {  	s1 =	simm.s32 $0x0;
	[sflag:s23] =	ssyncadd.s32 $0xFFFFFD80  }
0x9b: {  	s31 =	simm.s32 $0x40;
	v2 =	vld [tilespmem:s1+$0x5280]  }
.LBB2_14:
0x9c: {  	p0 =	sne.s32 s31, $0x9C0;
	v3 =	vld [tilespmem:s1+$0x5000];
	_ =	sdelay $0x2  }
.Ltmp6:
0x9d: {  	(pc) =	sbr.rel @p0 .LBB2_14-.Ltmp6, $4  }
0x9e: {  	_ = 	snop  }
0x9f: {  	v3 =	vadd.f32 v2, v3  }
0xa0: {  	s0 =	sshra.s32 s31, $0x2  }
0xa1: {  	s31 =	sadd.s32 $0x40, s31;
	v2 =	vld [tilespmem:s0+$0x5280];
	[tilespmem:s1+$0x5000] =	vst v3;
	s1 =	smov.u32 s0  }
0xa2: {  	v3 =	vld [tilespmem:s1+$0x5000];
	_ =	sdelay $0x4  }
0xa3: {  	v2 =	vadd.f32 v2, v3;
	_ =	sdelay $0x1  }
0xa4: {  	[tilespmem:s1+$0x5000] =	vst v2  }
0xa5: {  	[tilespmem:s28], [sflag:$0x1] =	stream.strided.gather [spmem:s10], $0x280, s26, s25, $0x38;
	[tilespmem:$0x1BD00] =	vst v63  }
0xa6: {  	_ =	swait.ge [sflag:s23], $0x280  }
0xa7: {  	[sflag:s23] =	ssyncset.done $0x0  }
0xa8: {  	s1 =	simm.s32 $0x0;
	[sflag:s23] =	ssyncadd.s32 $0xFFFFFD80  }
0xa9: {  	s31 =	simm.s32 $0x40;
	v2 =	vld [tilespmem:s1+$0x5280]  }
.LBB2_16:
0xaa: {  	p0 =	sne.s32 s31, $0x9C0;
	v3 =	vld [tilespmem:s1+$0x5000];
	_ =	sdelay $0x2  }
.Ltmp7:
0xab: {  	(pc) =	sbr.rel @p0 .LBB2_16-.Ltmp7, $4  }
0xac: {  	_ = 	snop  }
0xad: {  	v3 =	vadd.f32 v2, v3  }
0xae: {  	s0 =	sshra.s32 s31, $0x2  }
0xaf: {  	s31 =	sadd.s32 $0x40, s31;
	v2 =	vld [tilespmem:s0+$0x5280];
	[tilespmem:s1+$0x5000] =	vst v3;
	s1 =	smov.u32 s0  }
0xb0: {  	v3 =	vld [tilespmem:s1+$0x5000];
	_ =	sdelay $0x4  }
0xb1: {  	v2 =	vadd.f32 v2, v3;
	_ =	sdelay $0x1  }
0xb2: {  	[tilespmem:s1+$0x5000] =	vst v2  }
0xb3: {  	[tilespmem:s28], [sflag:$0x1] =	stream.strided.gather [spmem:s11], $0x280, s26, s25, $0x38;
	[tilespmem:$0x1BD00] =	vst v63  }
0xb4: {  	_ =	swait.ge [sflag:s23], $0x280  }
0xb5: {  	[sflag:s23] =	ssyncset.done $0x0  }
0xb6: {  	s1 =	simm.s32 $0x0;
	[sflag:s23] =	ssyncadd.s32 $0xFFFFFD80  }
0xb7: {  	s31 =	simm.s32 $0x40;
	v2 =	vld [tilespmem:s1+$0x5280]  }
.LBB2_18:
0xb8: {  	p0 =	sne.s32 s31, $0x9C0;
	v3 =	vld [tilespmem:s1+$0x5000];
	_ =	sdelay $0x2  }
.Ltmp8:
0xb9: {  	(pc) =	sbr.rel @p0 .LBB2_18-.Ltmp8, $4  }
0xba: {  	_ = 	snop  }
0xbb: {  	v3 =	vadd.f32 v2, v3  }
0xbc: {  	s0 =	sshra.s32 s31, $0x2  }
0xbd: {  	s31 =	sadd.s32 $0x40, s31;
	v2 =	vld [tilespmem:s0+$0x5280];
	[tilespmem:s1+$0x5000] =	vst v3;
	s1 =	smov.u32 s0  }
0xbe: {  	v3 =	vld [tilespmem:s1+$0x5000];
	_ =	sdelay $0x4  }
0xbf: {  	v2 =	vadd.f32 v2, v3;
	_ =	sdelay $0x1  }
0xc0: {  	[tilespmem:s1+$0x5000] =	vst v2  }
0xc1: {  	[tilespmem:s28], [sflag:$0x1] =	stream.strided.gather [spmem:s12], $0x280, s26, s25, $0x38;
	[tilespmem:$0x1BD00] =	vst v63  }
0xc2: {  	_ =	swait.ge [sflag:s23], $0x280  }
0xc3: {  	[sflag:s23] =	ssyncset.done $0x0  }
0xc4: {  	s1 =	simm.s32 $0x0;
	[sflag:s23] =	ssyncadd.s32 $0xFFFFFD80  }
0xc5: {  	s31 =	simm.s32 $0x40;
	v2 =	vld [tilespmem:s1+$0x5280]  }
.LBB2_20:
0xc6: {  	p0 =	sne.s32 s31, $0x9C0;
	v3 =	vld [tilespmem:s1+$0x5000];
	_ =	sdelay $0x2  }
.Ltmp9:
0xc7: {  	(pc) =	sbr.rel @p0 .LBB2_20-.Ltmp9, $4  }
0xc8: {  	_ = 	snop  }
0xc9: {  	v3 =	vadd.f32 v2, v3  }
0xca: {  	s0 =	sshra.s32 s31, $0x2  }
0xcb: {  	s31 =	sadd.s32 $0x40, s31;
	v2 =	vld [tilespmem:s0+$0x5280];
	[tilespmem:s1+$0x5000] =	vst v3;
	s1 =	smov.u32 s0  }
0xcc: {  	v3 =	vld [tilespmem:s1+$0x5000];
	_ =	sdelay $0x4  }
0xcd: {  	v2 =	vadd.f32 v2, v3;
	_ =	sdelay $0x1  }
0xce: {  	[tilespmem:s1+$0x5000] =	vst v2  }
0xcf: {  	[tilespmem:s28], [sflag:$0x1] =	stream.strided.gather [spmem:s13], $0x280, s26, s25, $0x38;
	[tilespmem:$0x1BD00] =	vst v63  }
0xd0: {  	_ =	swait.ge [sflag:s23], $0x280  }
0xd1: {  	[sflag:s23] =	ssyncset.done $0x0  }
0xd2: {  	s1 =	simm.s32 $0x0;
	[sflag:s23] =	ssyncadd.s32 $0xFFFFFD80  }
0xd3: {  	s31 =	simm.s32 $0x40;
	v2 =	vld [tilespmem:s1+$0x5280]  }
.LBB2_22:
0xd4: {  	p0 =	sne.s32 s31, $0x9C0;
	v3 =	vld [tilespmem:s1+$0x5000];
	_ =	sdelay $0x2  }
.Ltmp10:
0xd5: {  	(pc) =	sbr.rel @p0 .LBB2_22-.Ltmp10, $4  }
0xd6: {  	_ = 	snop  }
0xd7: {  	v3 =	vadd.f32 v2, v3  }
0xd8: {  	s0 =	sshra.s32 s31, $0x2  }
0xd9: {  	s31 =	sadd.s32 $0x40, s31;
	v2 =	vld [tilespmem:s0+$0x5280];
	[tilespmem:s1+$0x5000] =	vst v3;
	s1 =	smov.u32 s0  }
0xda: {  	v3 =	vld [tilespmem:s1+$0x5000];
	_ =	sdelay $0x4  }
0xdb: {  	v2 =	vadd.f32 v2, v3;
	_ =	sdelay $0x1  }
0xdc: {  	[tilespmem:s1+$0x5000] =	vst v2  }
0xdd: {  	[tilespmem:s28], [sflag:$0x1] =	stream.strided.gather [spmem:s14], $0x280, s26, s25, $0x38;
	[tilespmem:$0x1BD00] =	vst v63  }
0xde: {  	_ =	swait.ge [sflag:s23], $0x280  }
0xdf: {  	[sflag:s23] =	ssyncset.done $0x0  }
0xe0: {  	s1 =	simm.s32 $0x0;
	[sflag:s23] =	ssyncadd.s32 $0xFFFFFD80  }
0xe1: {  	s31 =	simm.s32 $0x40;
	v2 =	vld [tilespmem:s1+$0x5280]  }
.LBB2_24:
0xe2: {  	p0 =	sne.s32 s31, $0x9C0;
	v3 =	vld [tilespmem:s1+$0x5000];
	_ =	sdelay $0x2  }
.Ltmp11:
0xe3: {  	(pc) =	sbr.rel @p0 .LBB2_24-.Ltmp11, $4  }
0xe4: {  	_ = 	snop  }
0xe5: {  	v3 =	vadd.f32 v2, v3  }
0xe6: {  	s0 =	sshra.s32 s31, $0x2  }
0xe7: {  	s31 =	sadd.s32 $0x40, s31;
	v2 =	vld [tilespmem:s0+$0x5280];
	[tilespmem:s1+$0x5000] =	vst v3;
	s1 =	smov.u32 s0  }
0xe8: {  	v3 =	vld [tilespmem:s1+$0x5000];
	_ =	sdelay $0x4  }
0xe9: {  	v2 =	vadd.f32 v2, v3;
	_ =	sdelay $0x1  }
0xea: {  	[tilespmem:s1+$0x5000] =	vst v2  }
0xeb: {  	[tilespmem:s28], [sflag:$0x1] =	stream.strided.gather [spmem:s15], $0x280, s26, s25, $0x38;
	[tilespmem:$0x1BD00] =	vst v63  }
0xec: {  	_ =	swait.ge [sflag:s23], $0x280  }
0xed: {  	[sflag:s23] =	ssyncset.done $0x0  }
0xee: {  	s1 =	simm.s32 $0x0;
	[sflag:s23] =	ssyncadd.s32 $0xFFFFFD80  }
0xef: {  	s31 =	simm.s32 $0x40;
	v2 =	vld [tilespmem:s1+$0x5280]  }
.LBB2_26:
0xf0: {  	p0 =	sne.s32 s31, $0x9C0;
	v3 =	vld [tilespmem:s1+$0x5000];
	_ =	sdelay $0x2  }
.Ltmp12:
0xf1: {  	(pc) =	sbr.rel @p0 .LBB2_26-.Ltmp12, $4  }
0xf2: {  	_ = 	snop  }
0xf3: {  	v3 =	vadd.f32 v2, v3  }
0xf4: {  	s0 =	sshra.s32 s31, $0x2  }
0xf5: {  	s31 =	sadd.s32 $0x40, s31;
	v2 =	vld [tilespmem:s0+$0x5280];
	[tilespmem:s1+$0x5000] =	vst v3;
	s1 =	smov.u32 s0  }
0xf6: {  	v3 =	vld [tilespmem:s1+$0x5000];
	_ =	sdelay $0x4  }
0xf7: {  	v2 =	vadd.f32 v2, v3;
	_ =	sdelay $0x1  }
0xf8: {  	[tilespmem:s1+$0x5000] =	vst v2  }
0xf9: {  	[tilespmem:s28], [sflag:$0x1] =	stream.strided.gather [spmem:s16], $0x280, s26, s25, $0x38;
	[tilespmem:$0x1BD00] =	vst v63  }
0xfa: {  	_ =	swait.ge [sflag:s23], $0x280  }
0xfb: {  	[sflag:s23] =	ssyncset.done $0x0  }
0xfc: {  	s1 =	simm.s32 $0x0;
	[sflag:s23] =	ssyncadd.s32 $0xFFFFFD80  }
0xfd: {  	s31 =	simm.s32 $0x40;
	v2 =	vld [tilespmem:s1+$0x5280]  }
.LBB2_28:
0xfe: {  	p0 =	sne.s32 s31, $0x9C0;
	v3 =	vld [tilespmem:s1+$0x5000];
	_ =	sdelay $0x2  }
.Ltmp13:
0xff: {  	(pc) =	sbr.rel @p0 .LBB2_28-.Ltmp13, $4  }
0x100: {  	_ = 	snop  }
0x101: {  	v3 =	vadd.f32 v2, v3  }
0x102: {  	s0 =	sshra.s32 s31, $0x2  }
0x103: {  	s31 =	sadd.s32 $0x40, s31;
	v2 =	vld [tilespmem:s0+$0x5280];
	[tilespmem:s1+$0x5000] =	vst v3;
	s1 =	smov.u32 s0  }
0x104: {  	v3 =	vld [tilespmem:s1+$0x5000];
	_ =	sdelay $0x4  }
0x105: {  	v2 =	vadd.f32 v2, v3;
	_ =	sdelay $0x1  }
0x106: {  	[tilespmem:s1+$0x5000] =	vst v2  }
0x107: {  	[tilespmem:s28], [sflag:$0x1] =	stream.strided.gather [spmem:s17], $0x280, s26, s25, $0x38;
	[tilespmem:$0x1BD00] =	vst v63  }
0x108: {  	_ =	swait.ge [sflag:s23], $0x280  }
0x109: {  	[sflag:s23] =	ssyncset.done $0x0  }
0x10a: {  	s1 =	simm.s32 $0x0;
	[sflag:s23] =	ssyncadd.s32 $0xFFFFFD80  }
0x10b: {  	s31 =	simm.s32 $0x40;
	v2 =	vld [tilespmem:s1+$0x5280]  }
.LBB2_30:
0x10c: {  	p0 =	sne.s32 s31, $0x9C0;
	v3 =	vld [tilespmem:s1+$0x5000];
	_ =	sdelay $0x2  }
.Ltmp14:
0x10d: {  	(pc) =	sbr.rel @p0 .LBB2_30-.Ltmp14, $4  }
0x10e: {  	_ = 	snop  }
0x10f: {  	v3 =	vadd.f32 v2, v3  }
0x110: {  	s0 =	sshra.s32 s31, $0x2  }
0x111: {  	s31 =	sadd.s32 $0x40, s31;
	v2 =	vld [tilespmem:s0+$0x5280];
	[tilespmem:s1+$0x5000] =	vst v3;
	s1 =	smov.u32 s0  }
0x112: {  	v3 =	vld [tilespmem:s1+$0x5000];
	_ =	sdelay $0x4  }
0x113: {  	v2 =	vadd.f32 v2, v3;
	_ =	sdelay $0x1  }
0x114: {  	[tilespmem:s1+$0x5000] =	vst v2  }
0x115: {  	[tilespmem:s28], [sflag:$0x1] =	stream.strided.gather [spmem:s18], $0x280, s26, s25, $0x38;
	[tilespmem:$0x1BD00] =	vst v63  }
0x116: {  	_ =	swait.ge [sflag:s23], $0x280  }
0x117: {  	[sflag:s23] =	ssyncset.done $0x0  }
0x118: {  	s1 =	simm.s32 $0x0;
	[sflag:s23] =	ssyncadd.s32 $0xFFFFFD80  }
0x119: {  	s31 =	simm.s32 $0x40;
	v2 =	vld [tilespmem:s1+$0x5280]  }
.LBB2_32:
0x11a: {  	p0 =	sne.s32 s31, $0x9C0;
	v3 =	vld [tilespmem:s1+$0x5000];
	_ =	sdelay $0x2  }
.Ltmp15:
0x11b: {  	(pc) =	sbr.rel @p0 .LBB2_32-.Ltmp15, $4  }
0x11c: {  	_ = 	snop  }
0x11d: {  	v3 =	vadd.f32 v2, v3  }
0x11e: {  	s0 =	sshra.s32 s31, $0x2  }
0x11f: {  	s31 =	sadd.s32 $0x40, s31;
	v2 =	vld [tilespmem:s0+$0x5280];
	[tilespmem:s1+$0x5000] =	vst v3;
	s1 =	smov.u32 s0  }
0x120: {  	v3 =	vld [tilespmem:s1+$0x5000];
	_ =	sdelay $0x4  }
0x121: {  	v2 =	vadd.f32 v2, v3;
	_ =	sdelay $0x1  }
0x122: {  	[tilespmem:s1+$0x5000] =	vst v2  }
0x123: {  	[tilespmem:s28], [sflag:$0x1] =	stream.strided.gather [spmem:s19], $0x280, s26, s25, $0x38;
	[tilespmem:$0x1BD00] =	vst v63  }
0x124: {  	_ =	swait.ge [sflag:s23], $0x280  }
0x125: {  	[sflag:s23] =	ssyncset.done $0x0  }
0x126: {  	s1 =	simm.s32 $0x0;
	[sflag:s23] =	ssyncadd.s32 $0xFFFFFD80  }
0x127: {  	s31 =	simm.s32 $0x40;
	v2 =	vld [tilespmem:s1+$0x5280]  }
.LBB2_34:
0x128: {  	p0 =	sne.s32 s31, $0x9C0;
	v3 =	vld [tilespmem:s1+$0x5000];
	_ =	sdelay $0x2  }
.Ltmp16:
0x129: {  	(pc) =	sbr.rel @p0 .LBB2_34-.Ltmp16, $4  }
0x12a: {  	_ = 	snop  }
0x12b: {  	v3 =	vadd.f32 v2, v3  }
0x12c: {  	s0 =	sshra.s32 s31, $0x2  }
0x12d: {  	s31 =	sadd.s32 $0x40, s31;
	v2 =	vld [tilespmem:s0+$0x5280];
	[tilespmem:s1+$0x5000] =	vst v3;
	s1 =	smov.u32 s0  }
0x12e: {  	v3 =	vld [tilespmem:s1+$0x5000];
	_ =	sdelay $0x4  }
0x12f: {  	v2 =	vadd.f32 v2, v3;
	_ =	sdelay $0x1  }
0x130: {  	[tilespmem:s1+$0x5000] =	vst v2  }
0x131: {  	[tilespmem:s28], [sflag:$0x1] =	stream.strided.gather [spmem:s20], $0x280, s26, s25, $0x38;
	[tilespmem:$0x1BD00] =	vst v63  }
0x132: {  	_ =	swait.ge [sflag:s23], $0x280  }
0x133: {  	[sflag:s23] =	ssyncset.done $0x0  }
0x134: {  	s1 =	simm.s32 $0x0;
	[sflag:s23] =	ssyncadd.s32 $0xFFFFFD80  }
0x135: {  	s0 =	simm.s32 $0x40;
	s31 =	simm.s32 $0x0;
	v2 =	vld [tilespmem:s1+$0x5280]  }
.LBB2_36:
0x136: {  	p0 =	sne.s32 s0, $0x9C0;
	v3 =	vld [tilespmem:s31+$0x5000];
	_ =	sdelay $0x2  }
.Ltmp17:
0x137: {  	(pc) =	sbr.rel @p0 .LBB2_36-.Ltmp17, $4  }
0x138: {  	_ = 	snop  }
0x139: {  	v3 =	vadd.f32 v2, v3  }
0x13a: {  	s29 =	sshra.s32 s0, $0x2  }
0x13b: {  	s0 =	sadd.s32 $0x40, s0;
	v2 =	vld [tilespmem:s29+$0x5280];
	[tilespmem:s31+$0x5000] =	vst v3;
	s31 =	smov.u32 s29  }
0x13c: {  	v3 =	vld [tilespmem:s31+$0x5000];
	_ =	sdelay $0x4  }
0x13d: {  	v2 =	vadd.f32 v2, v3;
	_ =	sdelay $0x1  }
0x13e: {  	[tilespmem:s31+$0x5000] =	vst v2  }
0x13f: {  	v2 =	vld [tilespmem:s1+$0x5000];
	_ =	sdelay $0x4  }
0x140: {  	v3 =	vbroadcast v2, $0x0  }
0x141: {  	s31 =	simm.s32 $0x5900;
	v4 =	vbroadcast v2, $0x1  }
0x142: {  	v5 =	vbroadcast v2, $0x2;
	[tilespmem:s31+$0xFFFFFC00] =	vst v3  }
0x143: {  	v56 =	vbroadcast v2, $0x4;
	[tilespmem:s31+$0xFFFFFC80] =	vst v4  }
0x144: {  	v57 =	vbroadcast v2, $0x5;
	[tilespmem:s31+$0xFFFFFD00] =	vst v5  }
0x145: {  	v58 =	vbroadcast v2, $0x7;
	[tilespmem:s31+$0xFFFFFE00] =	vst v56  }
0x146: {  	v59 =	vbroadcast v2, $0x8;
	[tilespmem:s31+$0xFFFFFE80] =	vst v57  }
0x147: {  	v60 =	vbroadcast v2, $0xA;
	[tilespmem:s31+$0xFFFFFF80] =	vst v58  }
0x148: {  	v3 =	vbroadcast v2, $0x3;
	[tilespmem:s31+$0x0] =	vst v59  }
0x149: {  	v61 =	vbroadcast v2, $0xB;
	[tilespmem:s31+$0x100] =	vst v60  }
0x14a: {  	[tilespmem:s31+$0xFFFFFD80] =	vst v3;
	v3 =	vbroadcast v2, $0x6  }
0x14b: {  	v62 =	vbroadcast v2, $0xD;
	[tilespmem:s31+$0x180] =	vst v61  }
0x14c: {  	[tilespmem:s31+$0xFFFFFF00] =	vst v3;
	v3 =	vbroadcast v2, $0x9  }
0x14d: {  	v63 =	vbroadcast v2, $0xE;
	[tilespmem:s31+$0x280] =	vst v62  }
0x14e: {  	[tilespmem:s31+$0x80] =	vst v3;
	v3 =	vbroadcast v2, $0xC  }
0x14f: {  	[tilespmem:s31+$0x300] =	vst v63;
	v2 =	vbroadcast v2, $0xF  }
0x150: {  	[tilespmem:s31+$0x200] =	vst v3  }
0x151: {  	s0 =	simm.s32 $0x10;
	s1 =	simm.s32 $0x80;
	[tilespmem:s31+$0x380] =	vst v2  }
.LBB2_38:
0x152: {  	p0 =	sne.s32 s1, $0x9C0;
	v2 =	vld [tilespmem:s0+$0x5000];
	_ =	sdelay $0x4  }
0x153: {  	v3 =	vbroadcast v2, $0x0;
	v4 =	vbroadcast v2, $0x1  }
0x154: {  	s31 =	sadd.s32 $0x800, s31;
	v5 =	vbroadcast v2, $0x2;
	v6 =	vbroadcast v2, $0x3  }
0x155: {  	v7 =	vbroadcast v2, $0x5;
	[tilespmem:s31+$0xFFFFFC00] =	vst v3;
	v3 =	vbroadcast v2, $0x4  }
0x156: {  	v8 =	vbroadcast v2, $0x7;
	[tilespmem:s31+$0xFFFFFC80] =	vst v4;
	v4 =	vbroadcast v2, $0x6  }
0x157: {  	v9 =	vbroadcast v2, $0x9;
	[tilespmem:s31+$0xFFFFFD00] =	vst v5;
	v5 =	vbroadcast v2, $0x8  }
0x158: {  	v10 =	vbroadcast v2, $0xB;
	[tilespmem:s31+$0xFFFFFD80] =	vst v6;
	v6 =	vbroadcast v2, $0xA  }
0x159: {  	v11 =	vbroadcast v2, $0xD;
	[tilespmem:s31+$0xFFFFFE00] =	vst v3;
	v3 =	vbroadcast v2, $0xC  }
0x15a: {  	[tilespmem:s31+$0xFFFFFE80] =	vst v7;
	v7 =	vbroadcast v2, $0xE;
	v2 =	vbroadcast v2, $0xF  }
0x15b: {  	[tilespmem:s31+$0xFFFFFF00] =	vst v4  }
0x15c: {  	[tilespmem:s31+$0xFFFFFF80] =	vst v8  }
0x15d: {  	[tilespmem:s31+$0x0] =	vst v5  }
0x15e: {  	[tilespmem:s31+$0x80] =	vst v9  }
0x15f: {  	[tilespmem:s31+$0x100] =	vst v6  }
.Ltmp18:
0x160: {  	[tilespmem:s31+$0x180] =	vst v10;
	(pc) =	sbr.rel @p0 .LBB2_38-.Ltmp18, $4  }
0x161: {  	[tilespmem:s31+$0x200] =	vst v3  }
0x162: {  	[tilespmem:s31+$0x280] =	vst v11  }
0x163: {  	[tilespmem:s31+$0x300] =	vst v7  }
0x164: {  	s0 =	sshra.s32 s1, $0x2;
	s1 =	sadd.s32 $0x40, s1;
	[tilespmem:s31+$0x380] =	vst v2  }
0x165: {  	v2 =	vld [tilespmem:s0+$0x5000];
	_ =	sdelay $0x4  }
0x166: {  	v3 =	vbroadcast v2, $0x0  }
0x167: {  	s29 =	sadd.s32 $0x800, s31;
	v4 =	vbroadcast v2, $0x1  }
0x168: {  	v5 =	vbroadcast v2, $0x2;
	[tilespmem:s29+$0xFFFFFC00] =	vst v3  }
0x169: {  	v56 =	vbroadcast v2, $0x4;
	[tilespmem:s29+$0xFFFFFC80] =	vst v4  }
0x16a: {  	v57 =	vbroadcast v2, $0x5;
	[tilespmem:s29+$0xFFFFFD00] =	vst v5  }
0x16b: {  	v58 =	vbroadcast v2, $0x7;
	[tilespmem:s29+$0xFFFFFE00] =	vst v56  }
0x16c: {  	v59 =	vbroadcast v2, $0x8;
	[tilespmem:s29+$0xFFFFFE80] =	vst v57  }
0x16d: {  	v60 =	vbroadcast v2, $0xA;
	[tilespmem:s29+$0xFFFFFF80] =	vst v58  }
0x16e: {  	v3 =	vbroadcast v2, $0x3;
	[tilespmem:s29+$0x0] =	vst v59  }
0x16f: {  	v61 =	vbroadcast v2, $0xB;
	[tilespmem:s29+$0x100] =	vst v60  }
0x170: {  	[tilespmem:s29+$0xFFFFFD80] =	vst v3;
	v3 =	vbroadcast v2, $0x6  }
0x171: {  	v62 =	vbroadcast v2, $0xD;
	[tilespmem:s29+$0x180] =	vst v61  }
0x172: {  	[tilespmem:s29+$0xFFFFFF00] =	vst v3;
	v3 =	vbroadcast v2, $0x9  }
0x173: {  	v63 =	vbroadcast v2, $0xE;
	[tilespmem:s29+$0x280] =	vst v62  }
0x174: {  	[tilespmem:s29+$0x80] =	vst v3;
	v3 =	vbroadcast v2, $0xC  }
0x175: {  	s30 =	sadd.s32 $0x1, s30;
	[tilespmem:s29+$0x300] =	vst v63;
	v2 =	vbroadcast v2, $0xF  }
0x176: {  	p0 =	sne.s32 s30, s22;
	[tilespmem:s29+$0x200] =	vst v3  }
.Ltmp19:
0x177: {  	s31 =	simm.s32 $0x5500;
	[tilespmem:s29+$0x380] =	vst v2;
	(pc) =	sbr.rel @p0 .LBB2_1-.Ltmp19, $4  }
0x178: {  	[hbm4b:s21+s2] =	stream.linear.scatter [tilespmem:s31], [sflag:$0x1], $0x14000, $0x38;
	[tilespmem:$0x1BD00] =	vst v63  }
0x179: {  	_ =	swait.ge [sflag:s23], $0x14000  }
0x17a: {  	[sflag:s23] =	ssyncset.done $0x0  }
0x17b: {  	[sflag:s23] =	ssyncadd.s32 $0xFFFEC000  }
0x17c: {  	_ =	sfence.sel $0x180000  }
0x17d: {  	[bflag:$0x0] =	sbarrier.arrive $0xFFFF  }
0x17e: {  	_ =	strace $0x90000047  }
0x17f: {  	s0 =	stileid.u32;
	[bflag:$0x2] =	sbarrier.arrive $0xFFFF  }
0x180: {  	p0 =	sne.s32 s0, $0x0;
	s0 =	rddreg [dreg:$0x3]  }
0x181: {  	s0 =	sadd.s32 @!p0 $0x100000, s0  }
0x182: {  	[sflag:s0] =	ssyncadd.tile.s32 @!p0 $0x1;
	_ =	shalt  }
.Lfunc_end2:
_tile_overlayer_lowered:
.L_overlay_start_2:
0x183: {  	(tag) =	ssettag $0x2  }
0x184: {  	s0 =	rddreg [dreg:$0x0];
	s2 =	stileid.u32  }
0x185: {  	s1 =	rddreg [dreg:$0x1];
	p0 =	sne.s32 s2, $0x0  }
0x186: {  	s3 =	rddreg [dreg:$0x2];
	[bflag:$0x3] =	sbarrier.arrive $0xFFFF;
	s2 =	simm.s32 @!p0 $0x1C01  }
0x187: {  	[timem:s3], [sflag:s2] =	dma.local @!p0 [hbm:s0], s1  }
0x188: {  	s0 =	simm.s32 @!p0 $0x1  }
0x189: {  	_ =	swait.ge @!p0 [sflag:s0], s1  }
0x18a: {  	s1 =	ssub.s32 @!p0 $0x0, s1;
	[sflag:s0] =	ssyncset.done @!p0 $0x0  }
0x18b: {  	[sflag:s0] =	ssyncadd.s32 @!p0 s1  }
0x18c: {  	[bflag:$0x3] =	sbarrier.arrive $0xFFFF  }
0x18d: {  	_ =	shalt  }

</sc_bundles>
